<compile_context>
chip_gen: v7x
topology: tpu7x:2x2x1
jax: 0.10.2.dev20260603
libtpu: 0.0.44.dev20260713+nightly
codegen_flags: <defaults>
</compile_context>

<pallas_src>
import functools

import jax
import jax.numpy as jnp
from jax import lax
from jax.experimental import pallas as pl
from jax.experimental.pallas import tpu as pltpu
from jax.experimental.pallas import tpu_sc as plsc

B = 16384
LSEQ = 200
D = 64
V = 1000000
LABELS = 1000
LANES = 16
NCOL = D // LANES

NC = 2
NS = 16
NW = NC * NS

C = 100
CPS = LSEQ // C
SEG_W = B // NW
CH_W = SEG_W * CPS
GBLK = 256
NBLK = CH_W // GBLK
RING = 8
GRPS = GBLK // RING
assert GBLK % RING == 0 and RING % CPS == 0


def _accum_chunk(buf, accs):
    def rbody(r, accs):
        out = list(accs)
        for rr in range(10):
            row = r * 10 + rr
            for cc in range(NCOL):
                out[cc] = out[cc] + buf[row, pl.ds(16 * cc, LANES)]
        return tuple(out)
    return lax.fori_loop(0, C // 10, rbody, accs)


def _sc_pool(x2d, table):
    mesh = plsc.VectorSubcoreMesh(
        core_axis_name="c", subcore_axis_name="s", num_cores=NC,
        num_subcores=NS)

    @functools.partial(
        pl.kernel,
        out_type=jax.ShapeDtypeStruct((B, D), jnp.float32),
        mesh=mesh,
        compiler_params=pltpu.CompilerParams(use_tc_tiling_on_sc=False),
        scratch_types=[
            pltpu.VMEM((GBLK, C), jnp.int32),
            [pltpu.VMEM((C, D), jnp.float32) for _ in range(RING)],
            pltpu.VMEM((SEG_W, D), jnp.float32),
            [pltpu.SemaphoreType.DMA for _ in range(RING)],
        ],
    )
    def k(x_hbm, tab_hbm, out_hbm, idx_v, bufs, acc_v, sems):
        cid = lax.axis_index("c")
        sid = lax.axis_index("s")
        wid = sid * NC + cid
        chunk_base = wid * CH_W
        seg_base = wid * SEG_W
        scale = jnp.full((LANES,), 1.0 / LSEQ, jnp.float32)
        zero = jnp.zeros((LANES,), jnp.float32)

        def start(j, t):
            pltpu.async_copy(tab_hbm.at[idx_v.at[j]], bufs[t], sems[t])

        def wait(j, t):
            pltpu.make_async_copy(
                tab_hbm.at[idx_v.at[j]], bufs[t], sems[t]).wait()

        def block_body(blk, _):
            pltpu.sync_copy(
                x_hbm.at[pl.ds(chunk_base + blk * GBLK, GBLK)], idx_v)
            for t in range(RING):
                start(t, t)

            seg0 = blk * (GBLK // CPS)

            def drain(g, issue_next):
                accs = None
                for t in range(RING):
                    j = g * RING + t
                    wait(j, t)
                    if t % CPS == 0:
                        accs = _accum_chunk(bufs[t], (zero,) * NCOL)
                    else:
                        accs = _accum_chunk(bufs[t], accs)
                        seg = seg0 + g * (RING // CPS) + t // CPS
                        for cc in range(NCOL):
                            acc_v[seg, pl.ds(16 * cc, LANES)] = (
                                accs[cc] * scale)
                    if issue_next:
                        start(j + RING, t)

            def grp_body(g, _):
                drain(g, True)
                return 0

            lax.fori_loop(0, GRPS - 1, grp_body, 0)
            drain(GRPS - 1, False)
            return 0

        lax.fori_loop(0, NBLK, block_body, 0)
        pltpu.sync_copy(acc_v, out_hbm.at[pl.ds(seg_base, SEG_W)])

    return k(x2d, table)


def _tc_head(pooled, W, b2d):
    TB = 1024

    def mm(w_ref, p_ref, b_ref, o_ref):
        acc = lax.dot_general(
            w_ref[...], p_ref[...], (((1,), (1,)), ((), ())),
            preferred_element_type=jnp.float32)
        o_ref[...] = acc + b_ref[...]

    return pl.pallas_call(
        mm,
        grid=(B // TB,),
        in_specs=[
            pl.BlockSpec((LABELS, D), lambda i: (0, 0)),
            pl.BlockSpec((TB, D), lambda i: (i, 0)),
            pl.BlockSpec((LABELS, 1), lambda i: (0, 0)),
        ],
        out_specs=pl.BlockSpec((LABELS, TB), lambda i: (0, i)),
        out_shape=jax.ShapeDtypeStruct((LABELS, B), jnp.float32),
    )(W, pooled, b2d)


def kernel(x, table, W, b):
    x2d = x.reshape(B * LSEQ // C, C)
    pooled = _sc_pool(x2d, table)
    return _tc_head(pooled, W, b.reshape(LABELS, 1)).T

# --- scband reference (transcript-rebuilt; emitter-appended) ---
"""Pipeline reference for scband-fast-text-model-46866683134657 (READ-ONLY COPY).

The authoritative reference and input builder live on the scoring server;
editing this copy changes nothing except your own understanding.
"""

import jax, jax.numpy as jnp
import numpy as np

VOCAB = 1000000
EMBED = 64
MAXLEN = 200
LABELS = 1000
BATCH = 16384

def setup_inputs(seed: int = 0) -> dict:
    key = jax.random.key(seed)
    k1, k2, k3, k4 = jax.random.split(key, 4)
    x = jax.random.randint(k1, (BATCH, MAXLEN), 0, VOCAB, dtype=jnp.int64 if jax.config.jax_enable_x64 else jnp.int32).astype(jnp.int32)
    table = jax.random.normal(k2, (VOCAB, EMBED), dtype=jnp.float32)
    W = jax.random.normal(k3, (LABELS, EMBED), dtype=jnp.float32) * (1.0 / np.sqrt(EMBED))
    b = jax.random.normal(k4, (LABELS,), dtype=jnp.float32) * 0.01
    return {"x": x, "table": table, "W": W, "b": b}

def reference(x, table, W, b):
    # embedding lookup: [B, L] -> [B, L, D]
    emb = jnp.take(table, x, axis=0)
    # AvgPool1d(kernel_size=max_length, stride=1) over permuted [B, D, L] -> mean over sequence dim
    pooled = jnp.mean(emb, axis=1)  # [B, D]
    # linear: logits = pooled @ W.T + b
    logits = pooled @ W.T + b
    return logits

if __name__ == "__main__":
    import jax
    _d = setup_inputs()
    print(jax.jit(kernel)(*tuple(_d.values())))

</pallas_src>

<mosaic_0001>
#map = affine_map<(d0, d1) -> (0, 0)>
module attributes {stable_mosaic.version = 14 : i64} {
  func.func @k(%arg0: i32, %arg1: i32, %arg2: memref<32768x100xi32, #tpu.memory_space<hbm>>, %arg3: memref<1000000x64xf32, #tpu.memory_space<hbm>>, %arg4: memref<16384x64xf32, #tpu.memory_space<hbm>>, %arg5: memref<256x100xi32, #tpu.memory_space<vmem>>, %arg6: memref<100x64xf32, #tpu.memory_space<vmem>>, %arg7: memref<100x64xf32, #tpu.memory_space<vmem>>, %arg8: memref<100x64xf32, #tpu.memory_space<vmem>>, %arg9: memref<100x64xf32, #tpu.memory_space<vmem>>, %arg10: memref<100x64xf32, #tpu.memory_space<vmem>>, %arg11: memref<100x64xf32, #tpu.memory_space<vmem>>, %arg12: memref<100x64xf32, #tpu.memory_space<vmem>>, %arg13: memref<100x64xf32, #tpu.memory_space<vmem>>, %arg14: memref<512x64xf32, #tpu.memory_space<vmem>>, %arg15: memref<!tpu.dma_semaphore, #tpu.memory_space<semaphore_mem>>, %arg16: memref<!tpu.dma_semaphore, #tpu.memory_space<semaphore_mem>>, %arg17: memref<!tpu.dma_semaphore, #tpu.memory_space<semaphore_mem>>, %arg18: memref<!tpu.dma_semaphore, #tpu.memory_space<semaphore_mem>>, %arg19: memref<!tpu.dma_semaphore, #tpu.memory_space<semaphore_mem>>, %arg20: memref<!tpu.dma_semaphore, #tpu.memory_space<semaphore_mem>>, %arg21: memref<!tpu.dma_semaphore, #tpu.memory_space<semaphore_mem>>, %arg22: memref<!tpu.dma_semaphore, #tpu.memory_space<semaphore_mem>>) attributes {dimension_semantics = [#tpu.dimension_semantics<core_parallel>, #tpu.dimension_semantics<subcore_parallel>], iteration_bounds = array<i64: 2, 16>, scalar_prefetch = 0 : i64, scratch_operands = 18 : i64, tpu.core_type = #tpu.core_type<sc_vector_subcore>, window_params = [{transform_indices = #map}, {transform_indices = #map}, {transform_indices = #map}]} {
    %mul3A = arith.constant 2 : i32
    %mul3A_0 = arith.muli %arg1, %mul3A : i32
    %add3A = arith.addi %mul3A_0, %arg0 : i32
    %mul3A_1 = arith.constant 1024 : i32
    %mul3A_2 = arith.muli %add3A, %mul3A_1 : i32
    %mul3A_3 = arith.constant 512 : i32
    %mul3A_4 = arith.muli %add3A, %mul3A_3 : i32
    %broadcast_in_dim3A = arith.constant 5.000000e-03 : f32
    %broadcast_in_dim3A_5 = vector.broadcast %broadcast_in_dim3A : f32 to vector<16xf32>
    %broadcast_in_dim3A_6 = arith.constant 0.000000e+00 : f32
    %broadcast_in_dim3A_7 = vector.broadcast %broadcast_in_dim3A_6 : f32 to vector<16xf32>
    %scan3A = arith.constant 0 : i32
    %scan3A_8 = arith.constant 0 : i32
    %scan3A_9 = arith.constant 4 : i32
    %scan3A_10 = arith.addi %scan3A_8, %scan3A_9 : i32
    %scan3A_11 = arith.constant 1 : i32
    %scan3A_12 = scf.for %scan3A_14 = %scan3A_8 to %scan3A_10 step %scan3A_11 iter_args(%scan3A_15 = %scan3A) -> (i32)  : i32 {
      %mul3A_16 = arith.constant 256 : i32
      %mul3A_17 = arith.muli %scan3A_14, %mul3A_16 : i32
      %add3A_18 = arith.addi %mul3A_2, %mul3A_17 : i32
      "tpu.region"() ({
        %run_scoped3A = tpu.sem_alloc : memref<!tpu.dma_semaphore, #tpu.memory_space<semaphore_mem>>
        %dma_start3A_298 = arith.constant 0 : i32
        %dma_start3A_299 = tpu.memref_slice %arg2[%add3A_18, %dma_start3A_298] : memref<32768x100xi32, #tpu.memory_space<hbm>> -> memref<256x100xi32, #tpu.memory_space<hbm>>
        %dma_start3A_300 = arith.constant 0 : i32
        %dma_start3A_301 = tpu.memref_slice %arg2[%add3A_18, %dma_start3A_300] : memref<32768x100xi32, #tpu.memory_space<hbm>> -> memref<256x100xi32, #tpu.memory_space<hbm>>
        tpu.enqueue_dma source(%dma_start3A_301 : memref<256x100xi32, #tpu.memory_space<hbm>>) target(%arg5 : memref<256x100xi32, #tpu.memory_space<vmem>>) target_semaphore(%run_scoped3A : memref<!tpu.dma_semaphore, #tpu.memory_space<semaphore_mem>>)
        %dma_wait3A_302 = arith.constant 0 : i32
        %dma_wait3A_303 = tpu.memref_slice %arg2[%add3A_18, %dma_wait3A_302] : memref<32768x100xi32, #tpu.memory_space<hbm>> -> memref<256x100xi32, #tpu.memory_space<hbm>>
        %dma_wait3A_304 = arith.constant 0 : i32
        %dma_wait3A_305 = tpu.memref_slice %arg2[%add3A_18, %dma_wait3A_304] : memref<32768x100xi32, #tpu.memory_space<hbm>> -> memref<256x100xi32, #tpu.memory_space<hbm>>
        tpu.wait_dma2 semaphore(%run_scoped3A : memref<!tpu.dma_semaphore, #tpu.memory_space<semaphore_mem>>) src(%dma_wait3A_305 : memref<256x100xi32, #tpu.memory_space<hbm>>) dst(%arg5 : memref<256x100xi32, #tpu.memory_space<vmem>>)
        tpu.yield
      }) : () -> ()
      %dma_start3A = arith.constant 0 : i32
      %dma_start3A_19 = arith.constant 0 : i32
      %dma_start3A_20 = tpu.memref_slice %arg5[%dma_start3A, %dma_start3A_19] : memref<256x100xi32, #tpu.memory_space<vmem>> -> memref<1x100xi32, #tpu.memory_space<vmem>>
      %dma_start3A_21 = tpu.memref_squeeze %dma_start3A_20 : memref<1x100xi32, #tpu.memory_space<vmem>> -> memref<100xi32, #tpu.memory_space<vmem>>
      %dma_start3A_22 = arith.constant 0 : i32
      %dma_start3A_23 = arith.constant 0 : i32
      %dma_start3A_24 = tpu.memref_slice %arg3[%dma_start3A_22, %dma_start3A_23] : memref<1000000x64xf32, #tpu.memory_space<hbm>> -> memref<1000000x64xf32, #tpu.memory_space<hbm>>
      tpu.enqueue_indirect_dma source(%dma_start3A_24 : memref<1000000x64xf32, #tpu.memory_space<hbm>>) target(%arg6 : memref<100x64xf32, #tpu.memory_space<vmem>>) offsets(%dma_start3A_21 : memref<100xi32, #tpu.memory_space<vmem>>) semaphore(%arg15 : memref<!tpu.dma_semaphore, #tpu.memory_space<semaphore_mem>>)
      %dma_start3A_25 = arith.constant 1 : i32
      %dma_start3A_26 = arith.constant 0 : i32
      %dma_start3A_27 = tpu.memref_slice %arg5[%dma_start3A_25, %dma_start3A_26] : memref<256x100xi32, #tpu.memory_space<vmem>> -> memref<1x100xi32, #tpu.memory_space<vmem>>
      %dma_start3A_28 = tpu.memref_squeeze %dma_start3A_27 : memref<1x100xi32, #tpu.memory_space<vmem>> -> memref<100xi32, #tpu.memory_space<vmem>>
      %dma_start3A_29 = arith.constant 0 : i32
      %dma_start3A_30 = arith.constant 0 : i32
      %dma_start3A_31 = tpu.memref_slice %arg3[%dma_start3A_29, %dma_start3A_30] : memref<1000000x64xf32, #tpu.memory_space<hbm>> -> memref<1000000x64xf32, #tpu.memory_space<hbm>>
      tpu.enqueue_indirect_dma source(%dma_start3A_31 : memref<1000000x64xf32, #tpu.memory_space<hbm>>) target(%arg7 : memref<100x64xf32, #tpu.memory_space<vmem>>) offsets(%dma_start3A_28 : memref<100xi32, #tpu.memory_space<vmem>>) semaphore(%arg16 : memref<!tpu.dma_semaphore, #tpu.memory_space<semaphore_mem>>)
      %dma_start3A_32 = arith.constant 2 : i32
      %dma_start3A_33 = arith.constant 0 : i32
      %dma_start3A_34 = tpu.memref_slice %arg5[%dma_start3A_32, %dma_start3A_33] : memref<256x100xi32, #tpu.memory_space<vmem>> -> memref<1x100xi32, #tpu.memory_space<vmem>>
      %dma_start3A_35 = tpu.memref_squeeze %dma_start3A_34 : memref<1x100xi32, #tpu.memory_space<vmem>> -> memref<100xi32, #tpu.memory_space<vmem>>
      %dma_start3A_36 = arith.constant 0 : i32
      %dma_start3A_37 = arith.constant 0 : i32
      %dma_start3A_38 = tpu.memref_slice %arg3[%dma_start3A_36, %dma_start3A_37] : memref<1000000x64xf32, #tpu.memory_space<hbm>> -> memref<1000000x64xf32, #tpu.memory_space<hbm>>
      tpu.enqueue_indirect_dma source(%dma_start3A_38 : memref<1000000x64xf32, #tpu.memory_space<hbm>>) target(%arg8 : memref<100x64xf32, #tpu.memory_space<vmem>>) offsets(%dma_start3A_35 : memref<100xi32, #tpu.memory_space<vmem>>) semaphore(%arg17 : memref<!tpu.dma_semaphore, #tpu.memory_space<semaphore_mem>>)
      %dma_start3A_39 = arith.constant 3 : i32
      %dma_start3A_40 = arith.constant 0 : i32
      %dma_start3A_41 = tpu.memref_slice %arg5[%dma_start3A_39, %dma_start3A_40] : memref<256x100xi32, #tpu.memory_space<vmem>> -> memref<1x100xi32, #tpu.memory_space<vmem>>
      %dma_start3A_42 = tpu.memref_squeeze %dma_start3A_41 : memref<1x100xi32, #tpu.memory_space<vmem>> -> memref<100xi32, #tpu.memory_space<vmem>>
      %dma_start3A_43 = arith.constant 0 : i32
      %dma_start3A_44 = arith.constant 0 : i32
      %dma_start3A_45 = tpu.memref_slice %arg3[%dma_start3A_43, %dma_start3A_44] : memref<1000000x64xf32, #tpu.memory_space<hbm>> -> memref<1000000x64xf32, #tpu.memory_space<hbm>>
      tpu.enqueue_indirect_dma source(%dma_start3A_45 : memref<1000000x64xf32, #tpu.memory_space<hbm>>) target(%arg9 : memref<100x64xf32, #tpu.memory_space<vmem>>) offsets(%dma_start3A_42 : memref<100xi32, #tpu.memory_space<vmem>>) semaphore(%arg18 : memref<!tpu.dma_semaphore, #tpu.memory_space<semaphore_mem>>)
      %dma_start3A_46 = arith.constant 4 : i32
      %dma_start3A_47 = arith.constant 0 : i32
      %dma_start3A_48 = tpu.memref_slice %arg5[%dma_start3A_46, %dma_start3A_47] : memref<256x100xi32, #tpu.memory_space<vmem>> -> memref<1x100xi32, #tpu.memory_space<vmem>>
      %dma_start3A_49 = tpu.memref_squeeze %dma_start3A_48 : memref<1x100xi32, #tpu.memory_space<vmem>> -> memref<100xi32, #tpu.memory_space<vmem>>
      %dma_start3A_50 = arith.constant 0 : i32
      %dma_start3A_51 = arith.constant 0 : i32
      %dma_start3A_52 = tpu.memref_slice %arg3[%dma_start3A_50, %dma_start3A_51] : memref<1000000x64xf32, #tpu.memory_space<hbm>> -> memref<1000000x64xf32, #tpu.memory_space<hbm>>
      tpu.enqueue_indirect_dma source(%dma_start3A_52 : memref<1000000x64xf32, #tpu.memory_space<hbm>>) target(%arg10 : memref<100x64xf32, #tpu.memory_space<vmem>>) offsets(%dma_start3A_49 : memref<100xi32, #tpu.memory_space<vmem>>) semaphore(%arg19 : memref<!tpu.dma_semaphore, #tpu.memory_space<semaphore_mem>>)
      %dma_start3A_53 = arith.constant 5 : i32
      %dma_start3A_54 = arith.constant 0 : i32
      %dma_start3A_55 = tpu.memref_slice %arg5[%dma_start3A_53, %dma_start3A_54] : memref<256x100xi32, #tpu.memory_space<vmem>> -> memref<1x100xi32, #tpu.memory_space<vmem>>
      %dma_start3A_56 = tpu.memref_squeeze %dma_start3A_55 : memref<1x100xi32, #tpu.memory_space<vmem>> -> memref<100xi32, #tpu.memory_space<vmem>>
      %dma_start3A_57 = arith.constant 0 : i32
      %dma_start3A_58 = arith.constant 0 : i32
      %dma_start3A_59 = tpu.memref_slice %arg3[%dma_start3A_57, %dma_start3A_58] : memref<1000000x64xf32, #tpu.memory_space<hbm>> -> memref<1000000x64xf32, #tpu.memory_space<hbm>>
      tpu.enqueue_indirect_dma source(%dma_start3A_59 : memref<1000000x64xf32, #tpu.memory_space<hbm>>) target(%arg11 : memref<100x64xf32, #tpu.memory_space<vmem>>) offsets(%dma_start3A_56 : memref<100xi32, #tpu.memory_space<vmem>>) semaphore(%arg20 : memref<!tpu.dma_semaphore, #tpu.memory_space<semaphore_mem>>)
      %dma_start3A_60 = arith.constant 6 : i32
      %dma_start3A_61 = arith.constant 0 : i32
      %dma_start3A_62 = tpu.memref_slice %arg5[%dma_start3A_60, %dma_start3A_61] : memref<256x100xi32, #tpu.memory_space<vmem>> -> memref<1x100xi32, #tpu.memory_space<vmem>>
      %dma_start3A_63 = tpu.memref_squeeze %dma_start3A_62 : memref<1x100xi32, #tpu.memory_space<vmem>> -> memref<100xi32, #tpu.memory_space<vmem>>
      %dma_start3A_64 = arith.constant 0 : i32
      %dma_start3A_65 = arith.constant 0 : i32
      %dma_start3A_66 = tpu.memref_slice %arg3[%dma_start3A_64, %dma_start3A_65] : memref<1000000x64xf32, #tpu.memory_space<hbm>> -> memref<1000000x64xf32, #tpu.memory_space<hbm>>
      tpu.enqueue_indirect_dma source(%dma_start3A_66 : memref<1000000x64xf32, #tpu.memory_space<hbm>>) target(%arg12 : memref<100x64xf32, #tpu.memory_space<vmem>>) offsets(%dma_start3A_63 : memref<100xi32, #tpu.memory_space<vmem>>) semaphore(%arg21 : memref<!tpu.dma_semaphore, #tpu.memory_space<semaphore_mem>>)
      %dma_start3A_67 = arith.constant 7 : i32
      %dma_start3A_68 = arith.constant 0 : i32
      %dma_start3A_69 = tpu.memref_slice %arg5[%dma_start3A_67, %dma_start3A_68] : memref<256x100xi32, #tpu.memory_space<vmem>> -> memref<1x100xi32, #tpu.memory_space<vmem>>
      %dma_start3A_70 = tpu.memref_squeeze %dma_start3A_69 : memref<1x100xi32, #tpu.memory_space<vmem>> -> memref<100xi32, #tpu.memory_space<vmem>>
      %dma_start3A_71 = arith.constant 0 : i32
      %dma_start3A_72 = arith.constant 0 : i32
      %dma_start3A_73 = tpu.memref_slice %arg3[%dma_start3A_71, %dma_start3A_72] : memref<1000000x64xf32, #tpu.memory_space<hbm>> -> memref<1000000x64xf32, #tpu.memory_space<hbm>>
      tpu.enqueue_indirect_dma source(%dma_start3A_73 : memref<1000000x64xf32, #tpu.memory_space<hbm>>) target(%arg13 : memref<100x64xf32, #tpu.memory_space<vmem>>) offsets(%dma_start3A_70 : memref<100xi32, #tpu.memory_space<vmem>>) semaphore(%arg22 : memref<!tpu.dma_semaphore, #tpu.memory_space<semaphore_mem>>)
      %mul3A_74 = arith.constant 128 : i32
      %mul3A_75 = arith.muli %scan3A_14, %mul3A_74 : i32
      %scan3A_76 = arith.constant 0 : i32
      %scan3A_77 = arith.constant 0 : i32
      %scan3A_78 = arith.constant 31 : i32
      %scan3A_79 = arith.addi %scan3A_77, %scan3A_78 : i32
      %scan3A_80 = arith.constant 1 : i32
      %scan3A_81 = scf.for %scan3A_298 = %scan3A_77 to %scan3A_79 step %scan3A_80 iter_args(%scan3A_299 = %scan3A_76) -> (i32)  : i32 {
        %mul3A_300 = arith.constant 8 : i32
        %mul3A_301 = arith.muli %scan3A_298, %mul3A_300 : i32
        %add3A_302 = arith.constant 0 : i32
        %add3A_303 = arith.addi %mul3A_301, %add3A_302 : i32
        %dma_wait3A_304 = arith.constant 0 : i32
        %dma_wait3A_305 = tpu.memref_slice %arg5[%add3A_303, %dma_wait3A_304] : memref<256x100xi32, #tpu.memory_space<vmem>> -> memref<1x100xi32, #tpu.memory_space<vmem>>
        %dma_wait3A_306 = tpu.memref_squeeze %dma_wait3A_305 : memref<1x100xi32, #tpu.memory_space<vmem>> -> memref<100xi32, #tpu.memory_space<vmem>>
        %dma_wait3A_307 = arith.constant 0 : i32
        %dma_wait3A_308 = arith.constant 0 : i32
        %dma_wait3A_309 = tpu.memref_slice %arg3[%dma_wait3A_307, %dma_wait3A_308] : memref<1000000x64xf32, #tpu.memory_space<hbm>> -> memref<1000000x64xf32, #tpu.memory_space<hbm>>
        tpu.wait_indirect_dma semaphore(%arg15 : memref<!tpu.dma_semaphore, #tpu.memory_space<semaphore_mem>>) src(%dma_wait3A_309 : memref<1000000x64xf32, #tpu.memory_space<hbm>>) dst(%arg6 : memref<100x64xf32, #tpu.memory_space<vmem>>)
        %scan3A_310 = arith.constant 0 : i32
        %scan3A_311 = arith.constant 10 : i32
        %scan3A_312 = arith.addi %scan3A_310, %scan3A_311 : i32
        %scan3A_313 = arith.constant 1 : i32
        %scan3A_314:4 = scf.for %scan3A_609 = %scan3A_310 to %scan3A_312 step %scan3A_313 iter_args(%scan3A_610 = %broadcast_in_dim3A_7, %scan3A_611 = %broadcast_in_dim3A_7, %scan3A_612 = %broadcast_in_dim3A_7, %scan3A_613 = %broadcast_in_dim3A_7) -> (vector<16xf32>, vector<16xf32>, vector<16xf32>, vector<16xf32>)  : i32 {
          %mul3A_614 = arith.constant 10 : i32
          %mul3A_615 = arith.muli %scan3A_609, %mul3A_614 : i32
          %add3A_616 = arith.constant 0 : i32
          %add3A_617 = arith.addi %mul3A_615, %add3A_616 : i32
          %get3A = arith.index_cast %add3A_617 : i32 to index
          %get3A_618 = arith.constant 0 : index
          %get3A_619 = tpu.vector_load %arg6[%get3A, %get3A_618] {strides = array<i32>} : memref<100x64xf32, #tpu.memory_space<vmem>>, vector<1x16xf32>,
          %get3A_620 = vector.shape_cast %get3A_619 : vector<1x16xf32> to vector<16xf32>
          %add3A_621 = arith.addf %scan3A_610, %get3A_620 : vector<16xf32>
          %get3A_622 = arith.index_cast %add3A_617 : i32 to index
          %get3A_623 = arith.constant 16 : index
          %get3A_624 = tpu.vector_load %arg6[%get3A_622, %get3A_623] {strides = array<i32>} : memref<100x64xf32, #tpu.memory_space<vmem>>, vector<1x16xf32>,
          %get3A_625 = vector.shape_cast %get3A_624 : vector<1x16xf32> to vector<16xf32>
          %add3A_626 = arith.addf %scan3A_611, %get3A_625 : vector<16xf32>
          %get3A_627 = arith.index_cast %add3A_617 : i32 to index
          %get3A_628 = arith.constant 32 : index
          %get3A_629 = tpu.vector_load %arg6[%get3A_627, %get3A_628] {strides = array<i32>} : memref<100x64xf32, #tpu.memory_space<vmem>>, vector<1x16xf32>,
          %get3A_630 = vector.shape_cast %get3A_629 : vector<1x16xf32> to vector<16xf32>
          %add3A_631 = arith.addf %scan3A_612, %get3A_630 : vector<16xf32>
          %get3A_632 = arith.index_cast %add3A_617 : i32 to index
          %get3A_633 = arith.constant 48 : index
          %get3A_634 = tpu.vector_load %arg6[%get3A_632, %get3A_633] {strides = array<i32>} : memref<100x64xf32, #tpu.memory_space<vmem>>, vector<1x16xf32>,
          %get3A_635 = vector.shape_cast %get3A_634 : vector<1x16xf32> to vector<16xf32>
          %add3A_636 = arith.addf %scan3A_613, %get3A_635 : vector<16xf32>
          %mul3A_637 = arith.constant 10 : i32
          %mul3A_638 = arith.muli %scan3A_609, %mul3A_637 : i32
          %add3A_639 = arith.constant 1 : i32
          %add3A_640 = arith.addi %mul3A_638, %add3A_639 : i32
          %get3A_641 = arith.index_cast %add3A_640 : i32 to index
          %get3A_642 = arith.constant 0 : index
          %get3A_643 = tpu.vector_load %arg6[%get3A_641, %get3A_642] {strides = array<i32>} : memref<100x64xf32, #tpu.memory_space<vmem>>, vector<1x16xf32>,
          %get3A_644 = vector.shape_cast %get3A_643 : vector<1x16xf32> to vector<16xf32>
          %add3A_645 = arith.addf %add3A_621, %get3A_644 : vector<16xf32>
          %get3A_646 = arith.index_cast %add3A_640 : i32 to index
          %get3A_647 = arith.constant 16 : index
          %get3A_648 = tpu.vector_load %arg6[%get3A_646, %get3A_647] {strides = array<i32>} : memref<100x64xf32, #tpu.memory_space<vmem>>, vector<1x16xf32>,
          %get3A_649 = vector.shape_cast %get3A_648 : vector<1x16xf32> to vector<16xf32>
          %add3A_650 = arith.addf %add3A_626, %get3A_649 : vector<16xf32>
          %get3A_651 = arith.index_cast %add3A_640 : i32 to index
          %get3A_652 = arith.constant 32 : index
          %get3A_653 = tpu.vector_load %arg6[%get3A_651, %get3A_652] {strides = array<i32>} : memref<100x64xf32, #tpu.memory_space<vmem>>, vector<1x16xf32>,
          %get3A_654 = vector.shape_cast %get3A_653 : vector<1x16xf32> to vector<16xf32>
          %add3A_655 = arith.addf %add3A_631, %get3A_654 : vector<16xf32>
          %get3A_656 = arith.index_cast %add3A_640 : i32 to index
          %get3A_657 = arith.constant 48 : index
          %get3A_658 = tpu.vector_load %arg6[%get3A_656, %get3A_657] {strides = array<i32>} : memref<100x64xf32, #tpu.memory_space<vmem>>, vector<1x16xf32>,
          %get3A_659 = vector.shape_cast %get3A_658 : vector<1x16xf32> to vector<16xf32>
          %add3A_660 = arith.addf %add3A_636, %get3A_659 : vector<16xf32>
          %mul3A_661 = arith.constant 10 : i32
          %mul3A_662 = arith.muli %scan3A_609, %mul3A_661 : i32
          %add3A_663 = arith.constant 2 : i32
          %add3A_664 = arith.addi %mul3A_662, %add3A_663 : i32
          %get3A_665 = arith.index_cast %add3A_664 : i32 to index
          %get3A_666 = arith.constant 0 : index
          %get3A_667 = tpu.vector_load %arg6[%get3A_665, %get3A_666] {strides = array<i32>} : memref<100x64xf32, #tpu.memory_space<vmem>>, vector<1x16xf32>,
          %get3A_668 = vector.shape_cast %get3A_667 : vector<1x16xf32> to vector<16xf32>
          %add3A_669 = arith.addf %add3A_645, %get3A_668 : vector<16xf32>
          %get3A_670 = arith.index_cast %add3A_664 : i32 to index
          %get3A_671 = arith.constant 16 : index
          %get3A_672 = tpu.vector_load %arg6[%get3A_670, %get3A_671] {strides = array<i32>} : memref<100x64xf32, #tpu.memory_space<vmem>>, vector<1x16xf32>,
          %get3A_673 = vector.shape_cast %get3A_672 : vector<1x16xf32> to vector<16xf32>
          %add3A_674 = arith.addf %add3A_650, %get3A_673 : vector<16xf32>
          %get3A_675 = arith.index_cast %add3A_664 : i32 to index
          %get3A_676 = arith.constant 32 : index
          %get3A_677 = tpu.vector_load %arg6[%get3A_675, %get3A_676] {strides = array<i32>} : memref<100x64xf32, #tpu.memory_space<vmem>>, vector<1x16xf32>,
          %get3A_678 = vector.shape_cast %get3A_677 : vector<1x16xf32> to vector<16xf32>
          %add3A_679 = arith.addf %add3A_655, %get3A_678 : vector<16xf32>
          %get3A_680 = arith.index_cast %add3A_664 : i32 to index
          %get3A_681 = arith.constant 48 : index
          %get3A_682 = tpu.vector_load %arg6[%get3A_680, %get3A_681] {strides = array<i32>} : memref<100x64xf32, #tpu.memory_space<vmem>>, vector<1x16xf32>,
          %get3A_683 = vector.shape_cast %get3A_682 : vector<1x16xf32> to vector<16xf32>
          %add3A_684 = arith.addf %add3A_660, %get3A_683 : vector<16xf32>
          %mul3A_685 = arith.constant 10 : i32
          %mul3A_686 = arith.muli %scan3A_609, %mul3A_685 : i32
          %add3A_687 = arith.constant 3 : i32
          %add3A_688 = arith.addi %mul3A_686, %add3A_687 : i32
          %get3A_689 = arith.index_cast %add3A_688 : i32 to index
          %get3A_690 = arith.constant 0 : index
          %get3A_691 = tpu.vector_load %arg6[%get3A_689, %get3A_690] {strides = array<i32>} : memref<100x64xf32, #tpu.memory_space<vmem>>, vector<1x16xf32>,
          %get3A_692 = vector.shape_cast %get3A_691 : vector<1x16xf32> to vector<16xf32>
          %add3A_693 = arith.addf %add3A_669, %get3A_692 : vector<16xf32>
          %get3A_694 = arith.index_cast %add3A_688 : i32 to index
          %get3A_695 = arith.constant 16 : index
          %get3A_696 = tpu.vector_load %arg6[%get3A_694, %get3A_695] {strides = array<i32>} : memref<100x64xf32, #tpu.memory_space<vmem>>, vector<1x16xf32>,
          %get3A_697 = vector.shape_cast %get3A_696 : vector<1x16xf32> to vector<16xf32>
          %add3A_698 = arith.addf %add3A_674, %get3A_697 : vector<16xf32>
          %get3A_699 = arith.index_cast %add3A_688 : i32 to index
          %get3A_700 = arith.constant 32 : index
          %get3A_701 = tpu.vector_load %arg6[%get3A_699, %get3A_700] {strides = array<i32>} : memref<100x64xf32, #tpu.memory_space<vmem>>, vector<1x16xf32>,
          %get3A_702 = vector.shape_cast %get3A_701 : vector<1x16xf32> to vector<16xf32>
          %add3A_703 = arith.addf %add3A_679, %get3A_702 : vector<16xf32>
          %get3A_704 = arith.index_cast %add3A_688 : i32 to index
          %get3A_705 = arith.constant 48 : index
          %get3A_706 = tpu.vector_load %arg6[%get3A_704, %get3A_705] {strides = array<i32>} : memref<100x64xf32, #tpu.memory_space<vmem>>, vector<1x16xf32>,
          %get3A_707 = vector.shape_cast %get3A_706 : vector<1x16xf32> to vector<16xf32>
          %add3A_708 = arith.addf %add3A_684, %get3A_707 : vector<16xf32>
          %mul3A_709 = arith.constant 10 : i32
          %mul3A_710 = arith.muli %scan3A_609, %mul3A_709 : i32
          %add3A_711 = arith.constant 4 : i32
          %add3A_712 = arith.addi %mul3A_710, %add3A_711 : i32
          %get3A_713 = arith.index_cast %add3A_712 : i32 to index
          %get3A_714 = arith.constant 0 : index
          %get3A_715 = tpu.vector_load %arg6[%get3A_713, %get3A_714] {strides = array<i32>} : memref<100x64xf32, #tpu.memory_space<vmem>>, vector<1x16xf32>,
          %get3A_716 = vector.shape_cast %get3A_715 : vector<1x16xf32> to vector<16xf32>
          %add3A_717 = arith.addf %add3A_693, %get3A_716 : vector<16xf32>
          %get3A_718 = arith.index_cast %add3A_712 : i32 to index
          %get3A_719 = arith.constant 16 : index
          %get3A_720 = tpu.vector_load %arg6[%get3A_718, %get3A_719] {strides = array<i32>} : memref<100x64xf32, #tpu.memory_space<vmem>>, vector<1x16xf32>,
          %get3A_721 = vector.shape_cast %get3A_720 : vector<1x16xf32> to vector<16xf32>
          %add3A_722 = arith.addf %add3A_698, %get3A_721 : vector<16xf32>
          %get3A_723 = arith.index_cast %add3A_712 : i32 to index
          %get3A_724 = arith.constant 32 : index
          %get3A_725 = tpu.vector_load %arg6[%get3A_723, %get3A_724] {strides = array<i32>} : memref<100x64xf32, #tpu.memory_space<vmem>>, vector<1x16xf32>,
          %get3A_726 = vector.shape_cast %get3A_725 : vector<1x16xf32> to vector<16xf32>
          %add3A_727 = arith.addf %add3A_703, %get3A_726 : vector<16xf32>
          %get3A_728 = arith.index_cast %add3A_712 : i32 to index
          %get3A_729 = arith.constant 48 : index
          %get3A_730 = tpu.vector_load %arg6[%get3A_728, %get3A_729] {strides = array<i32>} : memref<100x64xf32, #tpu.memory_space<vmem>>, vector<1x16xf32>,
          %get3A_731 = vector.shape_cast %get3A_730 : vector<1x16xf32> to vector<16xf32>
          %add3A_732 = arith.addf %add3A_708, %get3A_731 : vector<16xf32>
          %mul3A_733 = arith.constant 10 : i32
          %mul3A_734 = arith.muli %scan3A_609, %mul3A_733 : i32
          %add3A_735 = arith.constant 5 : i32
          %add3A_736 = arith.addi %mul3A_734, %add3A_735 : i32
          %get3A_737 = arith.index_cast %add3A_736 : i32 to index
          %get3A_738 = arith.constant 0 : index
          %get3A_739 = tpu.vector_load %arg6[%get3A_737, %get3A_738] {strides = array<i32>} : memref<100x64xf32, #tpu.memory_space<vmem>>, vector<1x16xf32>,
          %get3A_740 = vector.shape_cast %get3A_739 : vector<1x16xf32> to vector<16xf32>
          %add3A_741 = arith.addf %add3A_717, %get3A_740 : vector<16xf32>
          %get3A_742 = arith.index_cast %add3A_736 : i32 to index
          %get3A_743 = arith.constant 16 : index
          %get3A_744 = tpu.vector_load %arg6[%get3A_742, %get3A_743] {strides = array<i32>} : memref<100x64xf32, #tpu.memory_space<vmem>>, vector<1x16xf32>,
          %get3A_745 = vector.shape_cast %get3A_744 : vector<1x16xf32> to vector<16xf32>
          %add3A_746 = arith.addf %add3A_722, %get3A_745 : vector<16xf32>
          %get3A_747 = arith.index_cast %add3A_736 : i32 to index
          %get3A_748 = arith.constant 32 : index
          %get3A_749 = tpu.vector_load %arg6[%get3A_747, %get3A_748] {strides = array<i32>} : memref<100x64xf32, #tpu.memory_space<vmem>>, vector<1x16xf32>,
          %get3A_750 = vector.shape_cast %get3A_749 : vector<1x16xf32> to vector<16xf32>
          %add3A_751 = arith.addf %add3A_727, %get3A_750 : vector<16xf32>
          %get3A_752 = arith.index_cast %add3A_736 : i32 to index
          %get3A_753 = arith.constant 48 : index
          %get3A_754 = tpu.vector_load %arg6[%get3A_752, %get3A_753] {strides = array<i32>} : memref<100x64xf32, #tpu.memory_space<vmem>>, vector<1x16xf32>,
          %get3A_755 = vector.shape_cast %get3A_754 : vector<1x16xf32> to vector<16xf32>
          %add3A_756 = arith.addf %add3A_732, %get3A_755 : vector<16xf32>
          %mul3A_757 = arith.constant 10 : i32
          %mul3A_758 = arith.muli %scan3A_609, %mul3A_757 : i32
          %add3A_759 = arith.constant 6 : i32
          %add3A_760 = arith.addi %mul3A_758, %add3A_759 : i32
          %get3A_761 = arith.index_cast %add3A_760 : i32 to index
          %get3A_762 = arith.constant 0 : index
          %get3A_763 = tpu.vector_load %arg6[%get3A_761, %get3A_762] {strides = array<i32>} : memref<100x64xf32, #tpu.memory_space<vmem>>, vector<1x16xf32>,
          %get3A_764 = vector.shape_cast %get3A_763 : vector<1x16xf32> to vector<16xf32>
          %add3A_765 = arith.addf %add3A_741, %get3A_764 : vector<16xf32>
          %get3A_766 = arith.index_cast %add3A_760 : i32 to index
          %get3A_767 = arith.constant 16 : index
          %get3A_768 = tpu.vector_load %arg6[%get3A_766, %get3A_767] {strides = array<i32>} : memref<100x64xf32, #tpu.memory_space<vmem>>, vector<1x16xf32>,
          %get3A_769 = vector.shape_cast %get3A_768 : vector<1x16xf32> to vector<16xf32>
          %add3A_770 = arith.addf %add3A_746, %get3A_769 : vector<16xf32>
          %get3A_771 = arith.index_cast %add3A_760 : i32 to index
          %get3A_772 = arith.constant 32 : index
          %get3A_773 = tpu.vector_load %arg6[%get3A_771, %get3A_772] {strides = array<i32>} : memref<100x64xf32, #tpu.memory_space<vmem>>, vector<1x16xf32>,
          %get3A_774 = vector.shape_cast %get3A_773 : vector<1x16xf32> to vector<16xf32>
          %add3A_775 = arith.addf %add3A_751, %get3A_774 : vector<16xf32>
          %get3A_776 = arith.index_cast %add3A_760 : i32 to index
          %get3A_777 = arith.constant 48 : index
          %get3A_778 = tpu.vector_load %arg6[%get3A_776, %get3A_777] {strides = array<i32>} : memref<100x64xf32, #tpu.memory_space<vmem>>, vector<1x16xf32>,
          %get3A_779 = vector.shape_cast %get3A_778 : vector<1x16xf32> to vector<16xf32>
          %add3A_780 = arith.addf %add3A_756, %get3A_779 : vector<16xf32>
          %mul3A_781 = arith.constant 10 : i32
          %mul3A_782 = arith.muli %scan3A_609, %mul3A_781 : i32
          %add3A_783 = arith.constant 7 : i32
          %add3A_784 = arith.addi %mul3A_782, %add3A_783 : i32
          %get3A_785 = arith.index_cast %add3A_784 : i32 to index
          %get3A_786 = arith.constant 0 : index
          %get3A_787 = tpu.vector_load %arg6[%get3A_785, %get3A_786] {strides = array<i32>} : memref<100x64xf32, #tpu.memory_space<vmem>>, vector<1x16xf32>,
          %get3A_788 = vector.shape_cast %get3A_787 : vector<1x16xf32> to vector<16xf32>
          %add3A_789 = arith.addf %add3A_765, %get3A_788 : vector<16xf32>
          %get3A_790 = arith.index_cast %add3A_784 : i32 to index
          %get3A_791 = arith.constant 16 : index
          %get3A_792 = tpu.vector_load %arg6[%get3A_790, %get3A_791] {strides = array<i32>} : memref<100x64xf32, #tpu.memory_space<vmem>>, vector<1x16xf32>,
          %get3A_793 = vector.shape_cast %get3A_792 : vector<1x16xf32> to vector<16xf32>
          %add3A_794 = arith.addf %add3A_770, %get3A_793 : vector<16xf32>
          %get3A_795 = arith.index_cast %add3A_784 : i32 to index
          %get3A_796 = arith.constant 32 : index
          %get3A_797 = tpu.vector_load %arg6[%get3A_795, %get3A_796] {strides = array<i32>} : memref<100x64xf32, #tpu.memory_space<vmem>>, vector<1x16xf32>,
          %get3A_798 = vector.shape_cast %get3A_797 : vector<1x16xf32> to vector<16xf32>
          %add3A_799 = arith.addf %add3A_775, %get3A_798 : vector<16xf32>
          %get3A_800 = arith.index_cast %add3A_784 : i32 to index
          %get3A_801 = arith.constant 48 : index
          %get3A_802 = tpu.vector_load %arg6[%get3A_800, %get3A_801] {strides = array<i32>} : memref<100x64xf32, #tpu.memory_space<vmem>>, vector<1x16xf32>,
          %get3A_803 = vector.shape_cast %get3A_802 : vector<1x16xf32> to vector<16xf32>
          %add3A_804 = arith.addf %add3A_780, %get3A_803 : vector<16xf32>
          %mul3A_805 = arith.constant 10 : i32
          %mul3A_806 = arith.muli %scan3A_609, %mul3A_805 : i32
          %add3A_807 = arith.constant 8 : i32
          %add3A_808 = arith.addi %mul3A_806, %add3A_807 : i32
          %get3A_809 = arith.index_cast %add3A_808 : i32 to index
          %get3A_810 = arith.constant 0 : index
          %get3A_811 = tpu.vector_load %arg6[%get3A_809, %get3A_810] {strides = array<i32>} : memref<100x64xf32, #tpu.memory_space<vmem>>, vector<1x16xf32>,
          %get3A_812 = vector.shape_cast %get3A_811 : vector<1x16xf32> to vector<16xf32>
          %add3A_813 = arith.addf %add3A_789, %get3A_812 : vector<16xf32>
          %get3A_814 = arith.index_cast %add3A_808 : i32 to index
          %get3A_815 = arith.constant 16 : index
          %get3A_816 = tpu.vector_load %arg6[%get3A_814, %get3A_815] {strides = array<i32>} : memref<100x64xf32, #tpu.memory_space<vmem>>, vector<1x16xf32>,
          %get3A_817 = vector.shape_cast %get3A_816 : vector<1x16xf32> to vector<16xf32>
          %add3A_818 = arith.addf %add3A_794, %get3A_817 : vector<16xf32>
          %get3A_819 = arith.index_cast %add3A_808 : i32 to index
          %get3A_820 = arith.constant 32 : index
          %get3A_821 = tpu.vector_load %arg6[%get3A_819, %get3A_820] {strides = array<i32>} : memref<100x64xf32, #tpu.memory_space<vmem>>, vector<1x16xf32>,
          %get3A_822 = vector.shape_cast %get3A_821 : vector<1x16xf32> to vector<16xf32>
          %add3A_823 = arith.addf %add3A_799, %get3A_822 : vector<16xf32>
          %get3A_824 = arith.index_cast %add3A_808 : i32 to index
          %get3A_825 = arith.constant 48 : index
          %get3A_826 = tpu.vector_load %arg6[%get3A_824, %get3A_825] {strides = array<i32>} : memref<100x64xf32, #tpu.memory_space<vmem>>, vector<1x16xf32>,
          %get3A_827 = vector.shape_cast %get3A_826 : vector<1x16xf32> to vector<16xf32>
          %add3A_828 = arith.addf %add3A_804, %get3A_827 : vector<16xf32>
          %mul3A_829 = arith.constant 10 : i32
          %mul3A_830 = arith.muli %scan3A_609, %mul3A_829 : i32
          %add3A_831 = arith.constant 9 : i32
          %add3A_832 = arith.addi %mul3A_830, %add3A_831 : i32
          %get3A_833 = arith.index_cast %add3A_832 : i32 to index
          %get3A_834 = arith.constant 0 : index
          %get3A_835 = tpu.vector_load %arg6[%get3A_833, %get3A_834] {strides = array<i32>} : memref<100x64xf32, #tpu.memory_space<vmem>>, vector<1x16xf32>,
          %get3A_836 = vector.shape_cast %get3A_835 : vector<1x16xf32> to vector<16xf32>
          %add3A_837 = arith.addf %add3A_813, %get3A_836 : vector<16xf32>
          %get3A_838 = arith.index_cast %add3A_832 : i32 to index
          %get3A_839 = arith.constant 16 : index
          %get3A_840 = tpu.vector_load %arg6[%get3A_838, %get3A_839] {strides = array<i32>} : memref<100x64xf32, #tpu.memory_space<vmem>>, vector<1x16xf32>,
          %get3A_841 = vector.shape_cast %get3A_840 : vector<1x16xf32> to vector<16xf32>
          %add3A_842 = arith.addf %add3A_818, %get3A_841 : vector<16xf32>
          %get3A_843 = arith.index_cast %add3A_832 : i32 to index
          %get3A_844 = arith.constant 32 : index
          %get3A_845 = tpu.vector_load %arg6[%get3A_843, %get3A_844] {strides = array<i32>} : memref<100x64xf32, #tpu.memory_space<vmem>>, vector<1x16xf32>,
          %get3A_846 = vector.shape_cast %get3A_845 : vector<1x16xf32> to vector<16xf32>
          %add3A_847 = arith.addf %add3A_823, %get3A_846 : vector<16xf32>
          %get3A_848 = arith.index_cast %add3A_832 : i32 to index
          %get3A_849 = arith.constant 48 : index
          %get3A_850 = tpu.vector_load %arg6[%get3A_848, %get3A_849] {strides = array<i32>} : memref<100x64xf32, #tpu.memory_space<vmem>>, vector<1x16xf32>,
          %get3A_851 = vector.shape_cast %get3A_850 : vector<1x16xf32> to vector<16xf32>
          %add3A_852 = arith.addf %add3A_828, %get3A_851 : vector<16xf32>
          scf.yield %add3A_837, %add3A_842, %add3A_847, %add3A_852 : vector<16xf32>, vector<16xf32>, vector<16xf32>, vector<16xf32>
        }
        %scan3A_315 = arith.constant 10 : i32
        %add3A_316 = arith.constant 8 : i32
        %add3A_317 = arith.addi %add3A_303, %add3A_316 : i32
        %dma_start3A_318 = arith.constant 0 : i32
        %dma_start3A_319 = tpu.memref_slice %arg5[%add3A_317, %dma_start3A_318] : memref<256x100xi32, #tpu.memory_space<vmem>> -> memref<1x100xi32, #tpu.memory_space<vmem>>
        %dma_start3A_320 = tpu.memref_squeeze %dma_start3A_319 : memref<1x100xi32, #tpu.memory_space<vmem>> -> memref<100xi32, #tpu.memory_space<vmem>>
        %dma_start3A_321 = arith.constant 0 : i32
        %dma_start3A_322 = arith.constant 0 : i32
        %dma_start3A_323 = tpu.memref_slice %arg3[%dma_start3A_321, %dma_start3A_322] : memref<1000000x64xf32, #tpu.memory_space<hbm>> -> memref<1000000x64xf32, #tpu.memory_space<hbm>>
        tpu.enqueue_indirect_dma source(%dma_start3A_323 : memref<1000000x64xf32, #tpu.memory_space<hbm>>) target(%arg6 : memref<100x64xf32, #tpu.memory_space<vmem>>) offsets(%dma_start3A_320 : memref<100xi32, #tpu.memory_space<vmem>>) semaphore(%arg15 : memref<!tpu.dma_semaphore, #tpu.memory_space<semaphore_mem>>)
        %mul3A_324 = arith.constant 8 : i32
        %mul3A_325 = arith.muli %scan3A_298, %mul3A_324 : i32
        %add3A_326 = arith.constant 1 : i32
        %add3A_327 = arith.addi %mul3A_325, %add3A_326 : i32
        %dma_wait3A_328 = arith.constant 0 : i32
        %dma_wait3A_329 = tpu.memref_slice %arg5[%add3A_327, %dma_wait3A_328] : memref<256x100xi32, #tpu.memory_space<vmem>> -> memref<1x100xi32, #tpu.memory_space<vmem>>
        %dma_wait3A_330 = tpu.memref_squeeze %dma_wait3A_329 : memref<1x100xi32, #tpu.memory_space<vmem>> -> memref<100xi32, #tpu.memory_space<vmem>>
        %dma_wait3A_331 = arith.constant 0 : i32
        %dma_wait3A_332 = arith.constant 0 : i32
        %dma_wait3A_333 = tpu.memref_slice %arg3[%dma_wait3A_331, %dma_wait3A_332] : memref<1000000x64xf32, #tpu.memory_space<hbm>> -> memref<1000000x64xf32, #tpu.memory_space<hbm>>
        tpu.wait_indirect_dma semaphore(%arg16 : memref<!tpu.dma_semaphore, #tpu.memory_space<semaphore_mem>>) src(%dma_wait3A_333 : memref<1000000x64xf32, #tpu.memory_space<hbm>>) dst(%arg7 : memref<100x64xf32, #tpu.memory_space<vmem>>)
        %scan3A_334 = arith.constant 0 : i32
        %scan3A_335 = arith.constant 10 : i32
        %scan3A_336 = arith.addi %scan3A_334, %scan3A_335 : i32
        %scan3A_337 = arith.constant 1 : i32
        %scan3A_338:4 = scf.for %scan3A_609 = %scan3A_334 to %scan3A_336 step %scan3A_337 iter_args(%scan3A_610 = %scan3A_314#0, %scan3A_611 = %scan3A_314#1, %scan3A_612 = %scan3A_314#2, %scan3A_613 = %scan3A_314#3) -> (vector<16xf32>, vector<16xf32>, vector<16xf32>, vector<16xf32>)  : i32 {
          %mul3A_614 = arith.constant 10 : i32
          %mul3A_615 = arith.muli %scan3A_609, %mul3A_614 : i32
          %add3A_616 = arith.constant 0 : i32
          %add3A_617 = arith.addi %mul3A_615, %add3A_616 : i32
          %get3A = arith.index_cast %add3A_617 : i32 to index
          %get3A_618 = arith.constant 0 : index
          %get3A_619 = tpu.vector_load %arg7[%get3A, %get3A_618] {strides = array<i32>} : memref<100x64xf32, #tpu.memory_space<vmem>>, vector<1x16xf32>,
          %get3A_620 = vector.shape_cast %get3A_619 : vector<1x16xf32> to vector<16xf32>
          %add3A_621 = arith.addf %scan3A_610, %get3A_620 : vector<16xf32>
          %get3A_622 = arith.index_cast %add3A_617 : i32 to index
          %get3A_623 = arith.constant 16 : index
          %get3A_624 = tpu.vector_load %arg7[%get3A_622, %get3A_623] {strides = array<i32>} : memref<100x64xf32, #tpu.memory_space<vmem>>, vector<1x16xf32>,
          %get3A_625 = vector.shape_cast %get3A_624 : vector<1x16xf32> to vector<16xf32>
          %add3A_626 = arith.addf %scan3A_611, %get3A_625 : vector<16xf32>
          %get3A_627 = arith.index_cast %add3A_617 : i32 to index
          %get3A_628 = arith.constant 32 : index
          %get3A_629 = tpu.vector_load %arg7[%get3A_627, %get3A_628] {strides = array<i32>} : memref<100x64xf32, #tpu.memory_space<vmem>>, vector<1x16xf32>,
          %get3A_630 = vector.shape_cast %get3A_629 : vector<1x16xf32> to vector<16xf32>
          %add3A_631 = arith.addf %scan3A_612, %get3A_630 : vector<16xf32>
          %get3A_632 = arith.index_cast %add3A_617 : i32 to index
          %get3A_633 = arith.constant 48 : index
          %get3A_634 = tpu.vector_load %arg7[%get3A_632, %get3A_633] {strides = array<i32>} : memref<100x64xf32, #tpu.memory_space<vmem>>, vector<1x16xf32>,
          %get3A_635 = vector.shape_cast %get3A_634 : vector<1x16xf32> to vector<16xf32>
          %add3A_636 = arith.addf %scan3A_613, %get3A_635 : vector<16xf32>
          %mul3A_637 = arith.constant 10 : i32
          %mul3A_638 = arith.muli %scan3A_609, %mul3A_637 : i32
          %add3A_639 = arith.constant 1 : i32
          %add3A_640 = arith.addi %mul3A_638, %add3A_639 : i32
          %get3A_641 = arith.index_cast %add3A_640 : i32 to index
          %get3A_642 = arith.constant 0 : index
          %get3A_643 = tpu.vector_load %arg7[%get3A_641, %get3A_642] {strides = array<i32>} : memref<100x64xf32, #tpu.memory_space<vmem>>, vector<1x16xf32>,
          %get3A_644 = vector.shape_cast %get3A_643 : vector<1x16xf32> to vector<16xf32>
          %add3A_645 = arith.addf %add3A_621, %get3A_644 : vector<16xf32>
          %get3A_646 = arith.index_cast %add3A_640 : i32 to index
          %get3A_647 = arith.constant 16 : index
          %get3A_648 = tpu.vector_load %arg7[%get3A_646, %get3A_647] {strides = array<i32>} : memref<100x64xf32, #tpu.memory_space<vmem>>, vector<1x16xf32>,
          %get3A_649 = vector.shape_cast %get3A_648 : vector<1x16xf32> to vector<16xf32>
          %add3A_650 = arith.addf %add3A_626, %get3A_649 : vector<16xf32>
          %get3A_651 = arith.index_cast %add3A_640 : i32 to index
          %get3A_652 = arith.constant 32 : index
          %get3A_653 = tpu.vector_load %arg7[%get3A_651, %get3A_652] {strides = array<i32>} : memref<100x64xf32, #tpu.memory_space<vmem>>, vector<1x16xf32>,
          %get3A_654 = vector.shape_cast %get3A_653 : vector<1x16xf32> to vector<16xf32>
          %add3A_655 = arith.addf %add3A_631, %get3A_654 : vector<16xf32>
          %get3A_656 = arith.index_cast %add3A_640 : i32 to index
          %get3A_657 = arith.constant 48 : index
          %get3A_658 = tpu.vector_load %arg7[%get3A_656, %get3A_657] {strides = array<i32>} : memref<100x64xf32, #tpu.memory_space<vmem>>, vector<1x16xf32>,
          %get3A_659 = vector.shape_cast %get3A_658 : vector<1x16xf32> to vector<16xf32>
          %add3A_660 = arith.addf %add3A_636, %get3A_659 : vector<16xf32>
          %mul3A_661 = arith.constant 10 : i32
          %mul3A_662 = arith.muli %scan3A_609, %mul3A_661 : i32
          %add3A_663 = arith.constant 2 : i32
          %add3A_664 = arith.addi %mul3A_662, %add3A_663 : i32
          %get3A_665 = arith.index_cast %add3A_664 : i32 to index
          %get3A_666 = arith.constant 0 : index
          %get3A_667 = tpu.vector_load %arg7[%get3A_665, %get3A_666] {strides = array<i32>} : memref<100x64xf32, #tpu.memory_space<vmem>>, vector<1x16xf32>,
          %get3A_668 = vector.shape_cast %get3A_667 : vector<1x16xf32> to vector<16xf32>
          %add3A_669 = arith.addf %add3A_645, %get3A_668 : vector<16xf32>
          %get3A_670 = arith.index_cast %add3A_664 : i32 to index
          %get3A_671 = arith.constant 16 : index
          %get3A_672 = tpu.vector_load %arg7[%get3A_670, %get3A_671] {strides = array<i32>} : memref<100x64xf32, #tpu.memory_space<vmem>>, vector<1x16xf32>,
          %get3A_673 = vector.shape_cast %get3A_672 : vector<1x16xf32> to vector<16xf32>
          %add3A_674 = arith.addf %add3A_650, %get3A_673 : vector<16xf32>
          %get3A_675 = arith.index_cast %add3A_664 : i32 to index
          %get3A_676 = arith.constant 32 : index
          %get3A_677 = tpu.vector_load %arg7[%get3A_675, %get3A_676] {strides = array<i32>} : memref<100x64xf32, #tpu.memory_space<vmem>>, vector<1x16xf32>,
          %get3A_678 = vector.shape_cast %get3A_677 : vector<1x16xf32> to vector<16xf32>
          %add3A_679 = arith.addf %add3A_655, %get3A_678 : vector<16xf32>
          %get3A_680 = arith.index_cast %add3A_664 : i32 to index
          %get3A_681 = arith.constant 48 : index
          %get3A_682 = tpu.vector_load %arg7[%get3A_680, %get3A_681] {strides = array<i32>} : memref<100x64xf32, #tpu.memory_space<vmem>>, vector<1x16xf32>,
          %get3A_683 = vector.shape_cast %get3A_682 : vector<1x16xf32> to vector<16xf32>
          %add3A_684 = arith.addf %add3A_660, %get3A_683 : vector<16xf32>
          %mul3A_685 = arith.constant 10 : i32
          %mul3A_686 = arith.muli %scan3A_609, %mul3A_685 : i32
          %add3A_687 = arith.constant 3 : i32
          %add3A_688 = arith.addi %mul3A_686, %add3A_687 : i32
          %get3A_689 = arith.index_cast %add3A_688 : i32 to index
          %get3A_690 = arith.constant 0 : index
          %get3A_691 = tpu.vector_load %arg7[%get3A_689, %get3A_690] {strides = array<i32>} : memref<100x64xf32, #tpu.memory_space<vmem>>, vector<1x16xf32>,
          %get3A_692 = vector.shape_cast %get3A_691 : vector<1x16xf32> to vector<16xf32>
          %add3A_693 = arith.addf %add3A_669, %get3A_692 : vector<16xf32>
          %get3A_694 = arith.index_cast %add3A_688 : i32 to index
          %get3A_695 = arith.constant 16 : index
          %get3A_696 = tpu.vector_load %arg7[%get3A_694, %get3A_695] {strides = array<i32>} : memref<100x64xf32, #tpu.memory_space<vmem>>, vector<1x16xf32>,
          %get3A_697 = vector.shape_cast %get3A_696 : vector<1x16xf32> to vector<16xf32>
          %add3A_698 = arith.addf %add3A_674, %get3A_697 : vector<16xf32>
          %get3A_699 = arith.index_cast %add3A_688 : i32 to index
          %get3A_700 = arith.constant 32 : index
          %get3A_701 = tpu.vector_load %arg7[%get3A_699, %get3A_700] {strides = array<i32>} : memref<100x64xf32, #tpu.memory_space<vmem>>, vector<1x16xf32>,
          %get3A_702 = vector.shape_cast %get3A_701 : vector<1x16xf32> to vector<16xf32>
          %add3A_703 = arith.addf %add3A_679, %get3A_702 : vector<16xf32>
          %get3A_704 = arith.index_cast %add3A_688 : i32 to index
          %get3A_705 = arith.constant 48 : index
          %get3A_706 = tpu.vector_load %arg7[%get3A_704, %get3A_705] {strides = array<i32>} : memref<100x64xf32, #tpu.memory_space<vmem>>, vector<1x16xf32>,
          %get3A_707 = vector.shape_cast %get3A_706 : vector<1x16xf32> to vector<16xf32>
          %add3A_708 = arith.addf %add3A_684, %get3A_707 : vector<16xf32>
          %mul3A_709 = arith.constant 10 : i32
          %mul3A_710 = arith.muli %scan3A_609, %mul3A_709 : i32
          %add3A_711 = arith.constant 4 : i32
          %add3A_712 = arith.addi %mul3A_710, %add3A_711 : i32
          %get3A_713 = arith.index_cast %add3A_712 : i32 to index
          %get3A_714 = arith.constant 0 : index
          %get3A_715 = tpu.vector_load %arg7[%get3A_713, %get3A_714] {strides = array<i32>} : memref<100x64xf32, #tpu.memory_space<vmem>>, vector<1x16xf32>,
          %get3A_716 = vector.shape_cast %get3A_715 : vector<1x16xf32> to vector<16xf32>
          %add3A_717 = arith.addf %add3A_693, %get3A_716 : vector<16xf32>
          %get3A_718 = arith.index_cast %add3A_712 : i32 to index
          %get3A_719 = arith.constant 16 : index
          %get3A_720 = tpu.vector_load %arg7[%get3A_718, %get3A_719] {strides = array<i32>} : memref<100x64xf32, #tpu.memory_space<vmem>>, vector<1x16xf32>,
          %get3A_721 = vector.shape_cast %get3A_720 : vector<1x16xf32> to vector<16xf32>
          %add3A_722 = arith.addf %add3A_698, %get3A_721 : vector<16xf32>
          %get3A_723 = arith.index_cast %add3A_712 : i32 to index
          %get3A_724 = arith.constant 32 : index
          %get3A_725 = tpu.vector_load %arg7[%get3A_723, %get3A_724] {strides = array<i32>} : memref<100x64xf32, #tpu.memory_space<vmem>>, vector<1x16xf32>,
          %get3A_726 = vector.shape_cast %get3A_725 : vector<1x16xf32> to vector<16xf32>
          %add3A_727 = arith.addf %add3A_703, %get3A_726 : vector<16xf32>
          %get3A_728 = arith.index_cast %add3A_712 : i32 to index
          %get3A_729 = arith.constant 48 : index
          %get3A_730 = tpu.vector_load %arg7[%get3A_728, %get3A_729] {strides = array<i32>} : memref<100x64xf32, #tpu.memory_space<vmem>>, vector<1x16xf32>,
          %get3A_731 = vector.shape_cast %get3A_730 : vector<1x16xf32> to vector<16xf32>
          %add3A_732 = arith.addf %add3A_708, %get3A_731 : vector<16xf32>
          %mul3A_733 = arith.constant 10 : i32
          %mul3A_734 = arith.muli %scan3A_609, %mul3A_733 : i32
          %add3A_735 = arith.constant 5 : i32
          %add3A_736 = arith.addi %mul3A_734, %add3A_735 : i32
          %get3A_737 = arith.index_cast %add3A_736 : i32 to index
          %get3A_738 = arith.constant 0 : index
          %get3A_739 = tpu.vector_load %arg7[%get3A_737, %get3A_738] {strides = array<i32>} : memref<100x64xf32, #tpu.memory_space<vmem>>, vector<1x16xf32>,
          %get3A_740 = vector.shape_cast %get3A_739 : vector<1x16xf32> to vector<16xf32>
          %add3A_741 = arith.addf %add3A_717, %get3A_740 : vector<16xf32>
          %get3A_742 = arith.index_cast %add3A_736 : i32 to index
          %get3A_743 = arith.constant 16 : index
          %get3A_744 = tpu.vector_load %arg7[%get3A_742, %get3A_743] {strides = array<i32>} : memref<100x64xf32, #tpu.memory_space<vmem>>, vector<1x16xf32>,
          %get3A_745 = vector.shape_cast %get3A_744 : vector<1x16xf32> to vector<16xf32>
          %add3A_746 = arith.addf %add3A_722, %get3A_745 : vector<16xf32>
          %get3A_747 = arith.index_cast %add3A_736 : i32 to index
          %get3A_748 = arith.constant 32 : index
          %get3A_749 = tpu.vector_load %arg7[%get3A_747, %get3A_748] {strides = array<i32>} : memref<100x64xf32, #tpu.memory_space<vmem>>, vector<1x16xf32>,
          %get3A_750 = vector.shape_cast %get3A_749 : vector<1x16xf32> to vector<16xf32>
          %add3A_751 = arith.addf %add3A_727, %get3A_750 : vector<16xf32>
          %get3A_752 = arith.index_cast %add3A_736 : i32 to index
          %get3A_753 = arith.constant 48 : index
          %get3A_754 = tpu.vector_load %arg7[%get3A_752, %get3A_753] {strides = array<i32>} : memref<100x64xf32, #tpu.memory_space<vmem>>, vector<1x16xf32>,
          %get3A_755 = vector.shape_cast %get3A_754 : vector<1x16xf32> to vector<16xf32>
          %add3A_756 = arith.addf %add3A_732, %get3A_755 : vector<16xf32>
          %mul3A_757 = arith.constant 10 : i32
          %mul3A_758 = arith.muli %scan3A_609, %mul3A_757 : i32
          %add3A_759 = arith.constant 6 : i32
          %add3A_760 = arith.addi %mul3A_758, %add3A_759 : i32
          %get3A_761 = arith.index_cast %add3A_760 : i32 to index
          %get3A_762 = arith.constant 0 : index
          %get3A_763 = tpu.vector_load %arg7[%get3A_761, %get3A_762] {strides = array<i32>} : memref<100x64xf32, #tpu.memory_space<vmem>>, vector<1x16xf32>,
          %get3A_764 = vector.shape_cast %get3A_763 : vector<1x16xf32> to vector<16xf32>
          %add3A_765 = arith.addf %add3A_741, %get3A_764 : vector<16xf32>
          %get3A_766 = arith.index_cast %add3A_760 : i32 to index
          %get3A_767 = arith.constant 16 : index
          %get3A_768 = tpu.vector_load %arg7[%get3A_766, %get3A_767] {strides = array<i32>} : memref<100x64xf32, #tpu.memory_space<vmem>>, vector<1x16xf32>,
          %get3A_769 = vector.shape_cast %get3A_768 : vector<1x16xf32> to vector<16xf32>
          %add3A_770 = arith.addf %add3A_746, %get3A_769 : vector<16xf32>
          %get3A_771 = arith.index_cast %add3A_760 : i32 to index
          %get3A_772 = arith.constant 32 : index
          %get3A_773 = tpu.vector_load %arg7[%get3A_771, %get3A_772] {strides = array<i32>} : memref<100x64xf32, #tpu.memory_space<vmem>>, vector<1x16xf32>,
          %get3A_774 = vector.shape_cast %get3A_773 : vector<1x16xf32> to vector<16xf32>
          %add3A_775 = arith.addf %add3A_751, %get3A_774 : vector<16xf32>
          %get3A_776 = arith.index_cast %add3A_760 : i32 to index
          %get3A_777 = arith.constant 48 : index
          %get3A_778 = tpu.vector_load %arg7[%get3A_776, %get3A_777] {strides = array<i32>} : memref<100x64xf32, #tpu.memory_space<vmem>>, vector<1x16xf32>,
          %get3A_779 = vector.shape_cast %get3A_778 : vector<1x16xf32> to vector<16xf32>
          %add3A_780 = arith.addf %add3A_756, %get3A_779 : vector<16xf32>
          %mul3A_781 = arith.constant 10 : i32
          %mul3A_782 = arith.muli %scan3A_609, %mul3A_781 : i32
          %add3A_783 = arith.constant 7 : i32
          %add3A_784 = arith.addi %mul3A_782, %add3A_783 : i32
          %get3A_785 = arith.index_cast %add3A_784 : i32 to index
          %get3A_786 = arith.constant 0 : index
          %get3A_787 = tpu.vector_load %arg7[%get3A_785, %get3A_786] {strides = array<i32>} : memref<100x64xf32, #tpu.memory_space<vmem>>, vector<1x16xf32>,
          %get3A_788 = vector.shape_cast %get3A_787 : vector<1x16xf32> to vector<16xf32>
          %add3A_789 = arith.addf %add3A_765, %get3A_788 : vector<16xf32>
          %get3A_790 = arith.index_cast %add3A_784 : i32 to index
          %get3A_791 = arith.constant 16 : index
          %get3A_792 = tpu.vector_load %arg7[%get3A_790, %get3A_791] {strides = array<i32>} : memref<100x64xf32, #tpu.memory_space<vmem>>, vector<1x16xf32>,
          %get3A_793 = vector.shape_cast %get3A_792 : vector<1x16xf32> to vector<16xf32>
          %add3A_794 = arith.addf %add3A_770, %get3A_793 : vector<16xf32>
          %get3A_795 = arith.index_cast %add3A_784 : i32 to index
          %get3A_796 = arith.constant 32 : index
          %get3A_797 = tpu.vector_load %arg7[%get3A_795, %get3A_796] {strides = array<i32>} : memref<100x64xf32, #tpu.memory_space<vmem>>, vector<1x16xf32>,
          %get3A_798 = vector.shape_cast %get3A_797 : vector<1x16xf32> to vector<16xf32>
          %add3A_799 = arith.addf %add3A_775, %get3A_798 : vector<16xf32>
          %get3A_800 = arith.index_cast %add3A_784 : i32 to index
          %get3A_801 = arith.constant 48 : index
          %get3A_802 = tpu.vector_load %arg7[%get3A_800, %get3A_801] {strides = array<i32>} : memref<100x64xf32, #tpu.memory_space<vmem>>, vector<1x16xf32>,
          %get3A_803 = vector.shape_cast %get3A_802 : vector<1x16xf32> to vector<16xf32>
          %add3A_804 = arith.addf %add3A_780, %get3A_803 : vector<16xf32>
          %mul3A_805 = arith.constant 10 : i32
          %mul3A_806 = arith.muli %scan3A_609, %mul3A_805 : i32
          %add3A_807 = arith.constant 8 : i32
          %add3A_808 = arith.addi %mul3A_806, %add3A_807 : i32
          %get3A_809 = arith.index_cast %add3A_808 : i32 to index
          %get3A_810 = arith.constant 0 : index
          %get3A_811 = tpu.vector_load %arg7[%get3A_809, %get3A_810] {strides = array<i32>} : memref<100x64xf32, #tpu.memory_space<vmem>>, vector<1x16xf32>,
          %get3A_812 = vector.shape_cast %get3A_811 : vector<1x16xf32> to vector<16xf32>
          %add3A_813 = arith.addf %add3A_789, %get3A_812 : vector<16xf32>
          %get3A_814 = arith.index_cast %add3A_808 : i32 to index
          %get3A_815 = arith.constant 16 : index
          %get3A_816 = tpu.vector_load %arg7[%get3A_814, %get3A_815] {strides = array<i32>} : memref<100x64xf32, #tpu.memory_space<vmem>>, vector<1x16xf32>,
          %get3A_817 = vector.shape_cast %get3A_816 : vector<1x16xf32> to vector<16xf32>
          %add3A_818 = arith.addf %add3A_794, %get3A_817 : vector<16xf32>
          %get3A_819 = arith.index_cast %add3A_808 : i32 to index
          %get3A_820 = arith.constant 32 : index
          %get3A_821 = tpu.vector_load %arg7[%get3A_819, %get3A_820] {strides = array<i32>} : memref<100x64xf32, #tpu.memory_space<vmem>>, vector<1x16xf32>,
          %get3A_822 = vector.shape_cast %get3A_821 : vector<1x16xf32> to vector<16xf32>
          %add3A_823 = arith.addf %add3A_799, %get3A_822 : vector<16xf32>
          %get3A_824 = arith.index_cast %add3A_808 : i32 to index
          %get3A_825 = arith.constant 48 : index
          %get3A_826 = tpu.vector_load %arg7[%get3A_824, %get3A_825] {strides = array<i32>} : memref<100x64xf32, #tpu.memory_space<vmem>>, vector<1x16xf32>,
          %get3A_827 = vector.shape_cast %get3A_826 : vector<1x16xf32> to vector<16xf32>
          %add3A_828 = arith.addf %add3A_804, %get3A_827 : vector<16xf32>
          %mul3A_829 = arith.constant 10 : i32
          %mul3A_830 = arith.muli %scan3A_609, %mul3A_829 : i32
          %add3A_831 = arith.constant 9 : i32
          %add3A_832 = arith.addi %mul3A_830, %add3A_831 : i32
          %get3A_833 = arith.index_cast %add3A_832 : i32 to index
          %get3A_834 = arith.constant 0 : index
          %get3A_835 = tpu.vector_load %arg7[%get3A_833, %get3A_834] {strides = array<i32>} : memref<100x64xf32, #tpu.memory_space<vmem>>, vector<1x16xf32>,
          %get3A_836 = vector.shape_cast %get3A_835 : vector<1x16xf32> to vector<16xf32>
          %add3A_837 = arith.addf %add3A_813, %get3A_836 : vector<16xf32>
          %get3A_838 = arith.index_cast %add3A_832 : i32 to index
          %get3A_839 = arith.constant 16 : index
          %get3A_840 = tpu.vector_load %arg7[%get3A_838, %get3A_839] {strides = array<i32>} : memref<100x64xf32, #tpu.memory_space<vmem>>, vector<1x16xf32>,
          %get3A_841 = vector.shape_cast %get3A_840 : vector<1x16xf32> to vector<16xf32>
          %add3A_842 = arith.addf %add3A_818, %get3A_841 : vector<16xf32>
          %get3A_843 = arith.index_cast %add3A_832 : i32 to index
          %get3A_844 = arith.constant 32 : index
          %get3A_845 = tpu.vector_load %arg7[%get3A_843, %get3A_844] {strides = array<i32>} : memref<100x64xf32, #tpu.memory_space<vmem>>, vector<1x16xf32>,
          %get3A_846 = vector.shape_cast %get3A_845 : vector<1x16xf32> to vector<16xf32>
          %add3A_847 = arith.addf %add3A_823, %get3A_846 : vector<16xf32>
          %get3A_848 = arith.index_cast %add3A_832 : i32 to index
          %get3A_849 = arith.constant 48 : index
          %get3A_850 = tpu.vector_load %arg7[%get3A_848, %get3A_849] {strides = array<i32>} : memref<100x64xf32, #tpu.memory_space<vmem>>, vector<1x16xf32>,
          %get3A_851 = vector.shape_cast %get3A_850 : vector<1x16xf32> to vector<16xf32>
          %add3A_852 = arith.addf %add3A_828, %get3A_851 : vector<16xf32>
          scf.yield %add3A_837, %add3A_842, %add3A_847, %add3A_852 : vector<16xf32>, vector<16xf32>, vector<16xf32>, vector<16xf32>
        }
        %scan3A_339 = arith.constant 10 : i32
        %mul3A_340 = arith.constant 4 : i32
        %mul3A_341 = arith.muli %scan3A_298, %mul3A_340 : i32
        %add3A_342 = arith.addi %mul3A_75, %mul3A_341 : i32
        %add3A_343 = arith.constant 0 : i32
        %add3A_344 = arith.addi %add3A_342, %add3A_343 : i32
        %mul3A_345 = arith.mulf %scan3A_338#0, %broadcast_in_dim3A_5 : vector<16xf32>
        %swap3A_346 = arith.index_cast %add3A_344 : i32 to index
        %swap3A_347 = arith.constant 0 : index
        %swap3A_348 = tpu.vector_load %arg14[%swap3A_346, %swap3A_347] {strides = array<i32>} : memref<512x64xf32, #tpu.memory_space<vmem>>, vector<1x16xf32>,
        %swap3A_349 = vector.shape_cast %swap3A_348 : vector<1x16xf32> to vector<16xf32>
        %swap3A_350 = vector.shape_cast %mul3A_345 : vector<16xf32> to vector<1x16xf32>
        tpu.vector_store %arg14[%swap3A_346, %swap3A_347], %swap3A_350 {strides = array<i32>} : memref<512x64xf32, #tpu.memory_space<vmem>>, vector<1x16xf32>,
        %mul3A_351 = arith.mulf %scan3A_338#1, %broadcast_in_dim3A_5 : vector<16xf32>
        %swap3A_352 = arith.index_cast %add3A_344 : i32 to index
        %swap3A_353 = arith.constant 16 : index
        %swap3A_354 = tpu.vector_load %arg14[%swap3A_352, %swap3A_353] {strides = array<i32>} : memref<512x64xf32, #tpu.memory_space<vmem>>, vector<1x16xf32>,
        %swap3A_355 = vector.shape_cast %swap3A_354 : vector<1x16xf32> to vector<16xf32>
        %swap3A_356 = vector.shape_cast %mul3A_351 : vector<16xf32> to vector<1x16xf32>
        tpu.vector_store %arg14[%swap3A_352, %swap3A_353], %swap3A_356 {strides = array<i32>} : memref<512x64xf32, #tpu.memory_space<vmem>>, vector<1x16xf32>,
        %mul3A_357 = arith.mulf %scan3A_338#2, %broadcast_in_dim3A_5 : vector<16xf32>
        %swap3A_358 = arith.index_cast %add3A_344 : i32 to index
        %swap3A_359 = arith.constant 32 : index
        %swap3A_360 = tpu.vector_load %arg14[%swap3A_358, %swap3A_359] {strides = array<i32>} : memref<512x64xf32, #tpu.memory_space<vmem>>, vector<1x16xf32>,
        %swap3A_361 = vector.shape_cast %swap3A_360 : vector<1x16xf32> to vector<16xf32>
        %swap3A_362 = vector.shape_cast %mul3A_357 : vector<16xf32> to vector<1x16xf32>
        tpu.vector_store %arg14[%swap3A_358, %swap3A_359], %swap3A_362 {strides = array<i32>} : memref<512x64xf32, #tpu.memory_space<vmem>>, vector<1x16xf32>,
        %mul3A_363 = arith.mulf %scan3A_338#3, %broadcast_in_dim3A_5 : vector<16xf32>
        %swap3A_364 = arith.index_cast %add3A_344 : i32 to index
        %swap3A_365 = arith.constant 48 : index
        %swap3A_366 = tpu.vector_load %arg14[%swap3A_364, %swap3A_365] {strides = array<i32>} : memref<512x64xf32, #tpu.memory_space<vmem>>, vector<1x16xf32>,
        %swap3A_367 = vector.shape_cast %swap3A_366 : vector<1x16xf32> to vector<16xf32>
        %swap3A_368 = vector.shape_cast %mul3A_363 : vector<16xf32> to vector<1x16xf32>
        tpu.vector_store %arg14[%swap3A_364, %swap3A_365], %swap3A_368 {strides = array<i32>} : memref<512x64xf32, #tpu.memory_space<vmem>>, vector<1x16xf32>,
        %add3A_369 = arith.constant 8 : i32
        %add3A_370 = arith.addi %add3A_327, %add3A_369 : i32
        %dma_start3A_371 = arith.constant 0 : i32
        %dma_start3A_372 = tpu.memref_slice %arg5[%add3A_370, %dma_start3A_371] : memref<256x100xi32, #tpu.memory_space<vmem>> -> memref<1x100xi32, #tpu.memory_space<vmem>>
        %dma_start3A_373 = tpu.memref_squeeze %dma_start3A_372 : memref<1x100xi32, #tpu.memory_space<vmem>> -> memref<100xi32, #tpu.memory_space<vmem>>
        %dma_start3A_374 = arith.constant 0 : i32
        %dma_start3A_375 = arith.constant 0 : i32
        %dma_start3A_376 = tpu.memref_slice %arg3[%dma_start3A_374, %dma_start3A_375] : memref<1000000x64xf32, #tpu.memory_space<hbm>> -> memref<1000000x64xf32, #tpu.memory_space<hbm>>
        tpu.enqueue_indirect_dma source(%dma_start3A_376 : memref<1000000x64xf32, #tpu.memory_space<hbm>>) target(%arg7 : memref<100x64xf32, #tpu.memory_space<vmem>>) offsets(%dma_start3A_373 : memref<100xi32, #tpu.memory_space<vmem>>) semaphore(%arg16 : memref<!tpu.dma_semaphore, #tpu.memory_space<semaphore_mem>>)
        %mul3A_377 = arith.constant 8 : i32
        %mul3A_378 = arith.muli %scan3A_298, %mul3A_377 : i32
        %add3A_379 = arith.constant 2 : i32
        %add3A_380 = arith.addi %mul3A_378, %add3A_379 : i32
        %dma_wait3A_381 = arith.constant 0 : i32
        %dma_wait3A_382 = tpu.memref_slice %arg5[%add3A_380, %dma_wait3A_381] : memref<256x100xi32, #tpu.memory_space<vmem>> -> memref<1x100xi32, #tpu.memory_space<vmem>>
        %dma_wait3A_383 = tpu.memref_squeeze %dma_wait3A_382 : memref<1x100xi32, #tpu.memory_space<vmem>> -> memref<100xi32, #tpu.memory_space<vmem>>
        %dma_wait3A_384 = arith.constant 0 : i32
        %dma_wait3A_385 = arith.constant 0 : i32
        %dma_wait3A_386 = tpu.memref_slice %arg3[%dma_wait3A_384, %dma_wait3A_385] : memref<1000000x64xf32, #tpu.memory_space<hbm>> -> memref<1000000x64xf32, #tpu.memory_space<hbm>>
        tpu.wait_indirect_dma semaphore(%arg17 : memref<!tpu.dma_semaphore, #tpu.memory_space<semaphore_mem>>) src(%dma_wait3A_386 : memref<1000000x64xf32, #tpu.memory_space<hbm>>) dst(%arg8 : memref<100x64xf32, #tpu.memory_space<vmem>>)
        %scan3A_387 = arith.constant 0 : i32
        %scan3A_388 = arith.constant 10 : i32
        %scan3A_389 = arith.addi %scan3A_387, %scan3A_388 : i32
        %scan3A_390 = arith.constant 1 : i32
        %scan3A_391:4 = scf.for %scan3A_609 = %scan3A_387 to %scan3A_389 step %scan3A_390 iter_args(%scan3A_610 = %broadcast_in_dim3A_7, %scan3A_611 = %broadcast_in_dim3A_7, %scan3A_612 = %broadcast_in_dim3A_7, %scan3A_613 = %broadcast_in_dim3A_7) -> (vector<16xf32>, vector<16xf32>, vector<16xf32>, vector<16xf32>)  : i32 {
          %mul3A_614 = arith.constant 10 : i32
          %mul3A_615 = arith.muli %scan3A_609, %mul3A_614 : i32
          %add3A_616 = arith.constant 0 : i32
          %add3A_617 = arith.addi %mul3A_615, %add3A_616 : i32
          %get3A = arith.index_cast %add3A_617 : i32 to index
          %get3A_618 = arith.constant 0 : index
          %get3A_619 = tpu.vector_load %arg8[%get3A, %get3A_618] {strides = array<i32>} : memref<100x64xf32, #tpu.memory_space<vmem>>, vector<1x16xf32>,
          %get3A_620 = vector.shape_cast %get3A_619 : vector<1x16xf32> to vector<16xf32>
          %add3A_621 = arith.addf %scan3A_610, %get3A_620 : vector<16xf32>
          %get3A_622 = arith.index_cast %add3A_617 : i32 to index
          %get3A_623 = arith.constant 16 : index
          %get3A_624 = tpu.vector_load %arg8[%get3A_622, %get3A_623] {strides = array<i32>} : memref<100x64xf32, #tpu.memory_space<vmem>>, vector<1x16xf32>,
          %get3A_625 = vector.shape_cast %get3A_624 : vector<1x16xf32> to vector<16xf32>
          %add3A_626 = arith.addf %scan3A_611, %get3A_625 : vector<16xf32>
          %get3A_627 = arith.index_cast %add3A_617 : i32 to index
          %get3A_628 = arith.constant 32 : index
          %get3A_629 = tpu.vector_load %arg8[%get3A_627, %get3A_628] {strides = array<i32>} : memref<100x64xf32, #tpu.memory_space<vmem>>, vector<1x16xf32>,
          %get3A_630 = vector.shape_cast %get3A_629 : vector<1x16xf32> to vector<16xf32>
          %add3A_631 = arith.addf %scan3A_612, %get3A_630 : vector<16xf32>
          %get3A_632 = arith.index_cast %add3A_617 : i32 to index
          %get3A_633 = arith.constant 48 : index
          %get3A_634 = tpu.vector_load %arg8[%get3A_632, %get3A_633] {strides = array<i32>} : memref<100x64xf32, #tpu.memory_space<vmem>>, vector<1x16xf32>,
          %get3A_635 = vector.shape_cast %get3A_634 : vector<1x16xf32> to vector<16xf32>
          %add3A_636 = arith.addf %scan3A_613, %get3A_635 : vector<16xf32>
          %mul3A_637 = arith.constant 10 : i32
          %mul3A_638 = arith.muli %scan3A_609, %mul3A_637 : i32
          %add3A_639 = arith.constant 1 : i32
          %add3A_640 = arith.addi %mul3A_638, %add3A_639 : i32
          %get3A_641 = arith.index_cast %add3A_640 : i32 to index
          %get3A_642 = arith.constant 0 : index
          %get3A_643 = tpu.vector_load %arg8[%get3A_641, %get3A_642] {strides = array<i32>} : memref<100x64xf32, #tpu.memory_space<vmem>>, vector<1x16xf32>,
          %get3A_644 = vector.shape_cast %get3A_643 : vector<1x16xf32> to vector<16xf32>
          %add3A_645 = arith.addf %add3A_621, %get3A_644 : vector<16xf32>
          %get3A_646 = arith.index_cast %add3A_640 : i32 to index
          %get3A_647 = arith.constant 16 : index
          %get3A_648 = tpu.vector_load %arg8[%get3A_646, %get3A_647] {strides = array<i32>} : memref<100x64xf32, #tpu.memory_space<vmem>>, vector<1x16xf32>,
          %get3A_649 = vector.shape_cast %get3A_648 : vector<1x16xf32> to vector<16xf32>
          %add3A_650 = arith.addf %add3A_626, %get3A_649 : vector<16xf32>
          %get3A_651 = arith.index_cast %add3A_640 : i32 to index
          %get3A_652 = arith.constant 32 : index
          %get3A_653 = tpu.vector_load %arg8[%get3A_651, %get3A_652] {strides = array<i32>} : memref<100x64xf32, #tpu.memory_space<vmem>>, vector<1x16xf32>,
          %get3A_654 = vector.shape_cast %get3A_653 : vector<1x16xf32> to vector<16xf32>
          %add3A_655 = arith.addf %add3A_631, %get3A_654 : vector<16xf32>
          %get3A_656 = arith.index_cast %add3A_640 : i32 to index
          %get3A_657 = arith.constant 48 : index
          %get3A_658 = tpu.vector_load %arg8[%get3A_656, %get3A_657] {strides = array<i32>} : memref<100x64xf32, #tpu.memory_space<vmem>>, vector<1x16xf32>,
          %get3A_659 = vector.shape_cast %get3A_658 : vector<1x16xf32> to vector<16xf32>
          %add3A_660 = arith.addf %add3A_636, %get3A_659 : vector<16xf32>
          %mul3A_661 = arith.constant 10 : i32
          %mul3A_662 = arith.muli %scan3A_609, %mul3A_661 : i32
          %add3A_663 = arith.constant 2 : i32
          %add3A_664 = arith.addi %mul3A_662, %add3A_663 : i32
          %get3A_665 = arith.index_cast %add3A_664 : i32 to index
          %get3A_666 = arith.constant 0 : index
          %get3A_667 = tpu.vector_load %arg8[%get3A_665, %get3A_666] {strides = array<i32>} : memref<100x64xf32, #tpu.memory_space<vmem>>, vector<1x16xf32>,
          %get3A_668 = vector.shape_cast %get3A_667 : vector<1x16xf32> to vector<16xf32>
          %add3A_669 = arith.addf %add3A_645, %get3A_668 : vector<16xf32>
          %get3A_670 = arith.index_cast %add3A_664 : i32 to index
          %get3A_671 = arith.constant 16 : index
          %get3A_672 = tpu.vector_load %arg8[%get3A_670, %get3A_671] {strides = array<i32>} : memref<100x64xf32, #tpu.memory_space<vmem>>, vector<1x16xf32>,
          %get3A_673 = vector.shape_cast %get3A_672 : vector<1x16xf32> to vector<16xf32>
          %add3A_674 = arith.addf %add3A_650, %get3A_673 : vector<16xf32>
          %get3A_675 = arith.index_cast %add3A_664 : i32 to index
          %get3A_676 = arith.constant 32 : index
          %get3A_677 = tpu.vector_load %arg8[%get3A_675, %get3A_676] {strides = array<i32>} : memref<100x64xf32, #tpu.memory_space<vmem>>, vector<1x16xf32>,
          %get3A_678 = vector.shape_cast %get3A_677 : vector<1x16xf32> to vector<16xf32>
          %add3A_679 = arith.addf %add3A_655, %get3A_678 : vector<16xf32>
          %get3A_680 = arith.index_cast %add3A_664 : i32 to index
          %get3A_681 = arith.constant 48 : index
          %get3A_682 = tpu.vector_load %arg8[%get3A_680, %get3A_681] {strides = array<i32>} : memref<100x64xf32, #tpu.memory_space<vmem>>, vector<1x16xf32>,
          %get3A_683 = vector.shape_cast %get3A_682 : vector<1x16xf32> to vector<16xf32>
          %add3A_684 = arith.addf %add3A_660, %get3A_683 : vector<16xf32>
          %mul3A_685 = arith.constant 10 : i32
          %mul3A_686 = arith.muli %scan3A_609, %mul3A_685 : i32
          %add3A_687 = arith.constant 3 : i32
          %add3A_688 = arith.addi %mul3A_686, %add3A_687 : i32
          %get3A_689 = arith.index_cast %add3A_688 : i32 to index
          %get3A_690 = arith.constant 0 : index
          %get3A_691 = tpu.vector_load %arg8[%get3A_689, %get3A_690] {strides = array<i32>} : memref<100x64xf32, #tpu.memory_space<vmem>>, vector<1x16xf32>,
          %get3A_692 = vector.shape_cast %get3A_691 : vector<1x16xf32> to vector<16xf32>
          %add3A_693 = arith.addf %add3A_669, %get3A_692 : vector<16xf32>
          %get3A_694 = arith.index_cast %add3A_688 : i32 to index
          %get3A_695 = arith.constant 16 : index
          %get3A_696 = tpu.vector_load %arg8[%get3A_694, %get3A_695] {strides = array<i32>} : memref<100x64xf32, #tpu.memory_space<vmem>>, vector<1x16xf32>,
          %get3A_697 = vector.shape_cast %get3A_696 : vector<1x16xf32> to vector<16xf32>
          %add3A_698 = arith.addf %add3A_674, %get3A_697 : vector<16xf32>
          %get3A_699 = arith.index_cast %add3A_688 : i32 to index
          %get3A_700 = arith.constant 32 : index
          %get3A_701 = tpu.vector_load %arg8[%get3A_699, %get3A_700] {strides = array<i32>} : memref<100x64xf32, #tpu.memory_space<vmem>>, vector<1x16xf32>,
          %get3A_702 = vector.shape_cast %get3A_701 : vector<1x16xf32> to vector<16xf32>
          %add3A_703 = arith.addf %add3A_679, %get3A_702 : vector<16xf32>
          %get3A_704 = arith.index_cast %add3A_688 : i32 to index
          %get3A_705 = arith.constant 48 : index
          %get3A_706 = tpu.vector_load %arg8[%get3A_704, %get3A_705] {strides = array<i32>} : memref<100x64xf32, #tpu.memory_space<vmem>>, vector<1x16xf32>,
          %get3A_707 = vector.shape_cast %get3A_706 : vector<1x16xf32> to vector<16xf32>
          %add3A_708 = arith.addf %add3A_684, %get3A_707 : vector<16xf32>
          %mul3A_709 = arith.constant 10 : i32
          %mul3A_710 = arith.muli %scan3A_609, %mul3A_709 : i32
          %add3A_711 = arith.constant 4 : i32
          %add3A_712 = arith.addi %mul3A_710, %add3A_711 : i32
          %get3A_713 = arith.index_cast %add3A_712 : i32 to index
          %get3A_714 = arith.constant 0 : index
          %get3A_715 = tpu.vector_load %arg8[%get3A_713, %get3A_714] {strides = array<i32>} : memref<100x64xf32, #tpu.memory_space<vmem>>, vector<1x16xf32>,
          %get3A_716 = vector.shape_cast %get3A_715 : vector<1x16xf32> to vector<16xf32>
          %add3A_717 = arith.addf %add3A_693, %get3A_716 : vector<16xf32>
          %get3A_718 = arith.index_cast %add3A_712 : i32 to index
          %get3A_719 = arith.constant 16 : index
          %get3A_720 = tpu.vector_load %arg8[%get3A_718, %get3A_719] {strides = array<i32>} : memref<100x64xf32, #tpu.memory_space<vmem>>, vector<1x16xf32>,
          %get3A_721 = vector.shape_cast %get3A_720 : vector<1x16xf32> to vector<16xf32>
          %add3A_722 = arith.addf %add3A_698, %get3A_721 : vector<16xf32>
          %get3A_723 = arith.index_cast %add3A_712 : i32 to index
          %get3A_724 = arith.constant 32 : index
          %get3A_725 = tpu.vector_load %arg8[%get3A_723, %get3A_724] {strides = array<i32>} : memref<100x64xf32, #tpu.memory_space<vmem>>, vector<1x16xf32>,
          %get3A_726 = vector.shape_cast %get3A_725 : vector<1x16xf32> to vector<16xf32>
          %add3A_727 = arith.addf %add3A_703, %get3A_726 : vector<16xf32>
          %get3A_728 = arith.index_cast %add3A_712 : i32 to index
          %get3A_729 = arith.constant 48 : index
          %get3A_730 = tpu.vector_load %arg8[%get3A_728, %get3A_729] {strides = array<i32>} : memref<100x64xf32, #tpu.memory_space<vmem>>, vector<1x16xf32>,
          %get3A_731 = vector.shape_cast %get3A_730 : vector<1x16xf32> to vector<16xf32>
          %add3A_732 = arith.addf %add3A_708, %get3A_731 : vector<16xf32>
          %mul3A_733 = arith.constant 10 : i32
          %mul3A_734 = arith.muli %scan3A_609, %mul3A_733 : i32
          %add3A_735 = arith.constant 5 : i32
          %add3A_736 = arith.addi %mul3A_734, %add3A_735 : i32
          %get3A_737 = arith.index_cast %add3A_736 : i32 to index
          %get3A_738 = arith.constant 0 : index
          %get3A_739 = tpu.vector_load %arg8[%get3A_737, %get3A_738] {strides = array<i32>} : memref<100x64xf32, #tpu.memory_space<vmem>>, vector<1x16xf32>,
          %get3A_740 = vector.shape_cast %get3A_739 : vector<1x16xf32> to vector<16xf32>
          %add3A_741 = arith.addf %add3A_717, %get3A_740 : vector<16xf32>
          %get3A_742 = arith.index_cast %add3A_736 : i32 to index
          %get3A_743 = arith.constant 16 : index
          %get3A_744 = tpu.vector_load %arg8[%get3A_742, %get3A_743] {strides = array<i32>} : memref<100x64xf32, #tpu.memory_space<vmem>>, vector<1x16xf32>,
          %get3A_745 = vector.shape_cast %get3A_744 : vector<1x16xf32> to vector<16xf32>
          %add3A_746 = arith.addf %add3A_722, %get3A_745 : vector<16xf32>
          %get3A_747 = arith.index_cast %add3A_736 : i32 to index
          %get3A_748 = arith.constant 32 : index
          %get3A_749 = tpu.vector_load %arg8[%get3A_747, %get3A_748] {strides = array<i32>} : memref<100x64xf32, #tpu.memory_space<vmem>>, vector<1x16xf32>,
          %get3A_750 = vector.shape_cast %get3A_749 : vector<1x16xf32> to vector<16xf32>
          %add3A_751 = arith.addf %add3A_727, %get3A_750 : vector<16xf32>
          %get3A_752 = arith.index_cast %add3A_736 : i32 to index
          %get3A_753 = arith.constant 48 : index
          %get3A_754 = tpu.vector_load %arg8[%get3A_752, %get3A_753] {strides = array<i32>} : memref<100x64xf32, #tpu.memory_space<vmem>>, vector<1x16xf32>,
          %get3A_755 = vector.shape_cast %get3A_754 : vector<1x16xf32> to vector<16xf32>
          %add3A_756 = arith.addf %add3A_732, %get3A_755 : vector<16xf32>
          %mul3A_757 = arith.constant 10 : i32
          %mul3A_758 = arith.muli %scan3A_609, %mul3A_757 : i32
          %add3A_759 = arith.constant 6 : i32
          %add3A_760 = arith.addi %mul3A_758, %add3A_759 : i32
          %get3A_761 = arith.index_cast %add3A_760 : i32 to index
          %get3A_762 = arith.constant 0 : index
          %get3A_763 = tpu.vector_load %arg8[%get3A_761, %get3A_762] {strides = array<i32>} : memref<100x64xf32, #tpu.memory_space<vmem>>, vector<1x16xf32>,
          %get3A_764 = vector.shape_cast %get3A_763 : vector<1x16xf32> to vector<16xf32>
          %add3A_765 = arith.addf %add3A_741, %get3A_764 : vector<16xf32>
          %get3A_766 = arith.index_cast %add3A_760 : i32 to index
          %get3A_767 = arith.constant 16 : index
          %get3A_768 = tpu.vector_load %arg8[%get3A_766, %get3A_767] {strides = array<i32>} : memref<100x64xf32, #tpu.memory_space<vmem>>, vector<1x16xf32>,
          %get3A_769 = vector.shape_cast %get3A_768 : vector<1x16xf32> to vector<16xf32>
          %add3A_770 = arith.addf %add3A_746, %get3A_769 : vector<16xf32>
          %get3A_771 = arith.index_cast %add3A_760 : i32 to index
          %get3A_772 = arith.constant 32 : index
          %get3A_773 = tpu.vector_load %arg8[%get3A_771, %get3A_772] {strides = array<i32>} : memref<100x64xf32, #tpu.memory_space<vmem>>, vector<1x16xf32>,
          %get3A_774 = vector.shape_cast %get3A_773 : vector<1x16xf32> to vector<16xf32>
          %add3A_775 = arith.addf %add3A_751, %get3A_774 : vector<16xf32>
          %get3A_776 = arith.index_cast %add3A_760 : i32 to index
          %get3A_777 = arith.constant 48 : index
          %get3A_778 = tpu.vector_load %arg8[%get3A_776, %get3A_777] {strides = array<i32>} : memref<100x64xf32, #tpu.memory_space<vmem>>, vector<1x16xf32>,
          %get3A_779 = vector.shape_cast %get3A_778 : vector<1x16xf32> to vector<16xf32>
          %add3A_780 = arith.addf %add3A_756, %get3A_779 : vector<16xf32>
          %mul3A_781 = arith.constant 10 : i32
          %mul3A_782 = arith.muli %scan3A_609, %mul3A_781 : i32
          %add3A_783 = arith.constant 7 : i32
          %add3A_784 = arith.addi %mul3A_782, %add3A_783 : i32
          %get3A_785 = arith.index_cast %add3A_784 : i32 to index
          %get3A_786 = arith.constant 0 : index
          %get3A_787 = tpu.vector_load %arg8[%get3A_785, %get3A_786] {strides = array<i32>} : memref<100x64xf32, #tpu.memory_space<vmem>>, vector<1x16xf32>,
          %get3A_788 = vector.shape_cast %get3A_787 : vector<1x16xf32> to vector<16xf32>
          %add3A_789 = arith.addf %add3A_765, %get3A_788 : vector<16xf32>
          %get3A_790 = arith.index_cast %add3A_784 : i32 to index
          %get3A_791 = arith.constant 16 : index
          %get3A_792 = tpu.vector_load %arg8[%get3A_790, %get3A_791] {strides = array<i32>} : memref<100x64xf32, #tpu.memory_space<vmem>>, vector<1x16xf32>,
          %get3A_793 = vector.shape_cast %get3A_792 : vector<1x16xf32> to vector<16xf32>
          %add3A_794 = arith.addf %add3A_770, %get3A_793 : vector<16xf32>
          %get3A_795 = arith.index_cast %add3A_784 : i32 to index
          %get3A_796 = arith.constant 32 : index
          %get3A_797 = tpu.vector_load %arg8[%get3A_795, %get3A_796] {strides = array<i32>} : memref<100x64xf32, #tpu.memory_space<vmem>>, vector<1x16xf32>,
          %get3A_798 = vector.shape_cast %get3A_797 : vector<1x16xf32> to vector<16xf32>
          %add3A_799 = arith.addf %add3A_775, %get3A_798 : vector<16xf32>
          %get3A_800 = arith.index_cast %add3A_784 : i32 to index
          %get3A_801 = arith.constant 48 : index
          %get3A_802 = tpu.vector_load %arg8[%get3A_800, %get3A_801] {strides = array<i32>} : memref<100x64xf32, #tpu.memory_space<vmem>>, vector<1x16xf32>,
          %get3A_803 = vector.shape_cast %get3A_802 : vector<1x16xf32> to vector<16xf32>
          %add3A_804 = arith.addf %add3A_780, %get3A_803 : vector<16xf32>
          %mul3A_805 = arith.constant 10 : i32
          %mul3A_806 = arith.muli %scan3A_609, %mul3A_805 : i32
          %add3A_807 = arith.constant 8 : i32
          %add3A_808 = arith.addi %mul3A_806, %add3A_807 : i32
          %get3A_809 = arith.index_cast %add3A_808 : i32 to index
          %get3A_810 = arith.constant 0 : index
          %get3A_811 = tpu.vector_load %arg8[%get3A_809, %get3A_810] {strides = array<i32>} : memref<100x64xf32, #tpu.memory_space<vmem>>, vector<1x16xf32>,
          %get3A_812 = vector.shape_cast %get3A_811 : vector<1x16xf32> to vector<16xf32>
          %add3A_813 = arith.addf %add3A_789, %get3A_812 : vector<16xf32>
          %get3A_814 = arith.index_cast %add3A_808 : i32 to index
          %get3A_815 = arith.constant 16 : index
          %get3A_816 = tpu.vector_load %arg8[%get3A_814, %get3A_815] {strides = array<i32>} : memref<100x64xf32, #tpu.memory_space<vmem>>, vector<1x16xf32>,
          %get3A_817 = vector.shape_cast %get3A_816 : vector<1x16xf32> to vector<16xf32>
          %add3A_818 = arith.addf %add3A_794, %get3A_817 : vector<16xf32>
          %get3A_819 = arith.index_cast %add3A_808 : i32 to index
          %get3A_820 = arith.constant 32 : index
          %get3A_821 = tpu.vector_load %arg8[%get3A_819, %get3A_820] {strides = array<i32>} : memref<100x64xf32, #tpu.memory_space<vmem>>, vector<1x16xf32>,
          %get3A_822 = vector.shape_cast %get3A_821 : vector<1x16xf32> to vector<16xf32>
          %add3A_823 = arith.addf %add3A_799, %get3A_822 : vector<16xf32>
          %get3A_824 = arith.index_cast %add3A_808 : i32 to index
          %get3A_825 = arith.constant 48 : index
          %get3A_826 = tpu.vector_load %arg8[%get3A_824, %get3A_825] {strides = array<i32>} : memref<100x64xf32, #tpu.memory_space<vmem>>, vector<1x16xf32>,
          %get3A_827 = vector.shape_cast %get3A_826 : vector<1x16xf32> to vector<16xf32>
          %add3A_828 = arith.addf %add3A_804, %get3A_827 : vector<16xf32>
          %mul3A_829 = arith.constant 10 : i32
          %mul3A_830 = arith.muli %scan3A_609, %mul3A_829 : i32
          %add3A_831 = arith.constant 9 : i32
          %add3A_832 = arith.addi %mul3A_830, %add3A_831 : i32
          %get3A_833 = arith.index_cast %add3A_832 : i32 to index
          %get3A_834 = arith.constant 0 : index
          %get3A_835 = tpu.vector_load %arg8[%get3A_833, %get3A_834] {strides = array<i32>} : memref<100x64xf32, #tpu.memory_space<vmem>>, vector<1x16xf32>,
          %get3A_836 = vector.shape_cast %get3A_835 : vector<1x16xf32> to vector<16xf32>
          %add3A_837 = arith.addf %add3A_813, %get3A_836 : vector<16xf32>
          %get3A_838 = arith.index_cast %add3A_832 : i32 to index
          %get3A_839 = arith.constant 16 : index
          %get3A_840 = tpu.vector_load %arg8[%get3A_838, %get3A_839] {strides = array<i32>} : memref<100x64xf32, #tpu.memory_space<vmem>>, vector<1x16xf32>,
          %get3A_841 = vector.shape_cast %get3A_840 : vector<1x16xf32> to vector<16xf32>
          %add3A_842 = arith.addf %add3A_818, %get3A_841 : vector<16xf32>
          %get3A_843 = arith.index_cast %add3A_832 : i32 to index
          %get3A_844 = arith.constant 32 : index
          %get3A_845 = tpu.vector_load %arg8[%get3A_843, %get3A_844] {strides = array<i32>} : memref<100x64xf32, #tpu.memory_space<vmem>>, vector<1x16xf32>,
          %get3A_846 = vector.shape_cast %get3A_845 : vector<1x16xf32> to vector<16xf32>
          %add3A_847 = arith.addf %add3A_823, %get3A_846 : vector<16xf32>
          %get3A_848 = arith.index_cast %add3A_832 : i32 to index
          %get3A_849 = arith.constant 48 : index
          %get3A_850 = tpu.vector_load %arg8[%get3A_848, %get3A_849] {strides = array<i32>} : memref<100x64xf32, #tpu.memory_space<vmem>>, vector<1x16xf32>,
          %get3A_851 = vector.shape_cast %get3A_850 : vector<1x16xf32> to vector<16xf32>
          %add3A_852 = arith.addf %add3A_828, %get3A_851 : vector<16xf32>
          scf.yield %add3A_837, %add3A_842, %add3A_847, %add3A_852 : vector<16xf32>, vector<16xf32>, vector<16xf32>, vector<16xf32>
        }
        %scan3A_392 = arith.constant 10 : i32
        %add3A_393 = arith.constant 8 : i32
        %add3A_394 = arith.addi %add3A_380, %add3A_393 : i32
        %dma_start3A_395 = arith.constant 0 : i32
        %dma_start3A_396 = tpu.memref_slice %arg5[%add3A_394, %dma_start3A_395] : memref<256x100xi32, #tpu.memory_space<vmem>> -> memref<1x100xi32, #tpu.memory_space<vmem>>
        %dma_start3A_397 = tpu.memref_squeeze %dma_start3A_396 : memref<1x100xi32, #tpu.memory_space<vmem>> -> memref<100xi32, #tpu.memory_space<vmem>>
        %dma_start3A_398 = arith.constant 0 : i32
        %dma_start3A_399 = arith.constant 0 : i32
        %dma_start3A_400 = tpu.memref_slice %arg3[%dma_start3A_398, %dma_start3A_399] : memref<1000000x64xf32, #tpu.memory_space<hbm>> -> memref<1000000x64xf32, #tpu.memory_space<hbm>>
        tpu.enqueue_indirect_dma source(%dma_start3A_400 : memref<1000000x64xf32, #tpu.memory_space<hbm>>) target(%arg8 : memref<100x64xf32, #tpu.memory_space<vmem>>) offsets(%dma_start3A_397 : memref<100xi32, #tpu.memory_space<vmem>>) semaphore(%arg17 : memref<!tpu.dma_semaphore, #tpu.memory_space<semaphore_mem>>)
        %mul3A_401 = arith.constant 8 : i32
        %mul3A_402 = arith.muli %scan3A_298, %mul3A_401 : i32
        %add3A_403 = arith.constant 3 : i32
        %add3A_404 = arith.addi %mul3A_402, %add3A_403 : i32
        %dma_wait3A_405 = arith.constant 0 : i32
        %dma_wait3A_406 = tpu.memref_slice %arg5[%add3A_404, %dma_wait3A_405] : memref<256x100xi32, #tpu.memory_space<vmem>> -> memref<1x100xi32, #tpu.memory_space<vmem>>
        %dma_wait3A_407 = tpu.memref_squeeze %dma_wait3A_406 : memref<1x100xi32, #tpu.memory_space<vmem>> -> memref<100xi32, #tpu.memory_space<vmem>>
        %dma_wait3A_408 = arith.constant 0 : i32
        %dma_wait3A_409 = arith.constant 0 : i32
        %dma_wait3A_410 = tpu.memref_slice %arg3[%dma_wait3A_408, %dma_wait3A_409] : memref<1000000x64xf32, #tpu.memory_space<hbm>> -> memref<1000000x64xf32, #tpu.memory_space<hbm>>
        tpu.wait_indirect_dma semaphore(%arg18 : memref<!tpu.dma_semaphore, #tpu.memory_space<semaphore_mem>>) src(%dma_wait3A_410 : memref<1000000x64xf32, #tpu.memory_space<hbm>>) dst(%arg9 : memref<100x64xf32, #tpu.memory_space<vmem>>)
        %scan3A_411 = arith.constant 0 : i32
        %scan3A_412 = arith.constant 10 : i32
        %scan3A_413 = arith.addi %scan3A_411, %scan3A_412 : i32
        %scan3A_414 = arith.constant 1 : i32
        %scan3A_415:4 = scf.for %scan3A_609 = %scan3A_411 to %scan3A_413 step %scan3A_414 iter_args(%scan3A_610 = %scan3A_391#0, %scan3A_611 = %scan3A_391#1, %scan3A_612 = %scan3A_391#2, %scan3A_613 = %scan3A_391#3) -> (vector<16xf32>, vector<16xf32>, vector<16xf32>, vector<16xf32>)  : i32 {
          %mul3A_614 = arith.constant 10 : i32
          %mul3A_615 = arith.muli %scan3A_609, %mul3A_614 : i32
          %add3A_616 = arith.constant 0 : i32
          %add3A_617 = arith.addi %mul3A_615, %add3A_616 : i32
          %get3A = arith.index_cast %add3A_617 : i32 to index
          %get3A_618 = arith.constant 0 : index
          %get3A_619 = tpu.vector_load %arg9[%get3A, %get3A_618] {strides = array<i32>} : memref<100x64xf32, #tpu.memory_space<vmem>>, vector<1x16xf32>,
          %get3A_620 = vector.shape_cast %get3A_619 : vector<1x16xf32> to vector<16xf32>
          %add3A_621 = arith.addf %scan3A_610, %get3A_620 : vector<16xf32>
          %get3A_622 = arith.index_cast %add3A_617 : i32 to index
          %get3A_623 = arith.constant 16 : index
          %get3A_624 = tpu.vector_load %arg9[%get3A_622, %get3A_623] {strides = array<i32>} : memref<100x64xf32, #tpu.memory_space<vmem>>, vector<1x16xf32>,
          %get3A_625 = vector.shape_cast %get3A_624 : vector<1x16xf32> to vector<16xf32>
          %add3A_626 = arith.addf %scan3A_611, %get3A_625 : vector<16xf32>
          %get3A_627 = arith.index_cast %add3A_617 : i32 to index
          %get3A_628 = arith.constant 32 : index
          %get3A_629 = tpu.vector_load %arg9[%get3A_627, %get3A_628] {strides = array<i32>} : memref<100x64xf32, #tpu.memory_space<vmem>>, vector<1x16xf32>,
          %get3A_630 = vector.shape_cast %get3A_629 : vector<1x16xf32> to vector<16xf32>
          %add3A_631 = arith.addf %scan3A_612, %get3A_630 : vector<16xf32>
          %get3A_632 = arith.index_cast %add3A_617 : i32 to index
          %get3A_633 = arith.constant 48 : index
          %get3A_634 = tpu.vector_load %arg9[%get3A_632, %get3A_633] {strides = array<i32>} : memref<100x64xf32, #tpu.memory_space<vmem>>, vector<1x16xf32>,
          %get3A_635 = vector.shape_cast %get3A_634 : vector<1x16xf32> to vector<16xf32>
          %add3A_636 = arith.addf %scan3A_613, %get3A_635 : vector<16xf32>
          %mul3A_637 = arith.constant 10 : i32
          %mul3A_638 = arith.muli %scan3A_609, %mul3A_637 : i32
          %add3A_639 = arith.constant 1 : i32
          %add3A_640 = arith.addi %mul3A_638, %add3A_639 : i32
          %get3A_641 = arith.index_cast %add3A_640 : i32 to index
          %get3A_642 = arith.constant 0 : index
          %get3A_643 = tpu.vector_load %arg9[%get3A_641, %get3A_642] {strides = array<i32>} : memref<100x64xf32, #tpu.memory_space<vmem>>, vector<1x16xf32>,
          %get3A_644 = vector.shape_cast %get3A_643 : vector<1x16xf32> to vector<16xf32>
          %add3A_645 = arith.addf %add3A_621, %get3A_644 : vector<16xf32>
          %get3A_646 = arith.index_cast %add3A_640 : i32 to index
          %get3A_647 = arith.constant 16 : index
          %get3A_648 = tpu.vector_load %arg9[%get3A_646, %get3A_647] {strides = array<i32>} : memref<100x64xf32, #tpu.memory_space<vmem>>, vector<1x16xf32>,
          %get3A_649 = vector.shape_cast %get3A_648 : vector<1x16xf32> to vector<16xf32>
          %add3A_650 = arith.addf %add3A_626, %get3A_649 : vector<16xf32>
          %get3A_651 = arith.index_cast %add3A_640 : i32 to index
          %get3A_652 = arith.constant 32 : index
          %get3A_653 = tpu.vector_load %arg9[%get3A_651, %get3A_652] {strides = array<i32>} : memref<100x64xf32, #tpu.memory_space<vmem>>, vector<1x16xf32>,
          %get3A_654 = vector.shape_cast %get3A_653 : vector<1x16xf32> to vector<16xf32>
          %add3A_655 = arith.addf %add3A_631, %get3A_654 : vector<16xf32>
          %get3A_656 = arith.index_cast %add3A_640 : i32 to index
          %get3A_657 = arith.constant 48 : index
          %get3A_658 = tpu.vector_load %arg9[%get3A_656, %get3A_657] {strides = array<i32>} : memref<100x64xf32, #tpu.memory_space<vmem>>, vector<1x16xf32>,
          %get3A_659 = vector.shape_cast %get3A_658 : vector<1x16xf32> to vector<16xf32>
          %add3A_660 = arith.addf %add3A_636, %get3A_659 : vector<16xf32>
          %mul3A_661 = arith.constant 10 : i32
          %mul3A_662 = arith.muli %scan3A_609, %mul3A_661 : i32
          %add3A_663 = arith.constant 2 : i32
          %add3A_664 = arith.addi %mul3A_662, %add3A_663 : i32
          %get3A_665 = arith.index_cast %add3A_664 : i32 to index
          %get3A_666 = arith.constant 0 : index
          %get3A_667 = tpu.vector_load %arg9[%get3A_665, %get3A_666] {strides = array<i32>} : memref<100x64xf32, #tpu.memory_space<vmem>>, vector<1x16xf32>,
          %get3A_668 = vector.shape_cast %get3A_667 : vector<1x16xf32> to vector<16xf32>
          %add3A_669 = arith.addf %add3A_645, %get3A_668 : vector<16xf32>
          %get3A_670 = arith.index_cast %add3A_664 : i32 to index
          %get3A_671 = arith.constant 16 : index
          %get3A_672 = tpu.vector_load %arg9[%get3A_670, %get3A_671] {strides = array<i32>} : memref<100x64xf32, #tpu.memory_space<vmem>>, vector<1x16xf32>,
          %get3A_673 = vector.shape_cast %get3A_672 : vector<1x16xf32> to vector<16xf32>
          %add3A_674 = arith.addf %add3A_650, %get3A_673 : vector<16xf32>
          %get3A_675 = arith.index_cast %add3A_664 : i32 to index
          %get3A_676 = arith.constant 32 : index
          %get3A_677 = tpu.vector_load %arg9[%get3A_675, %get3A_676] {strides = array<i32>} : memref<100x64xf32, #tpu.memory_space<vmem>>, vector<1x16xf32>,
          %get3A_678 = vector.shape_cast %get3A_677 : vector<1x16xf32> to vector<16xf32>
          %add3A_679 = arith.addf %add3A_655, %get3A_678 : vector<16xf32>
          %get3A_680 = arith.index_cast %add3A_664 : i32 to index
          %get3A_681 = arith.constant 48 : index
          %get3A_682 = tpu.vector_load %arg9[%get3A_680, %get3A_681] {strides = array<i32>} : memref<100x64xf32, #tpu.memory_space<vmem>>, vector<1x16xf32>,
          %get3A_683 = vector.shape_cast %get3A_682 : vector<1x16xf32> to vector<16xf32>
          %add3A_684 = arith.addf %add3A_660, %get3A_683 : vector<16xf32>
          %mul3A_685 = arith.constant 10 : i32
          %mul3A_686 = arith.muli %scan3A_609, %mul3A_685 : i32
          %add3A_687 = arith.constant 3 : i32
          %add3A_688 = arith.addi %mul3A_686, %add3A_687 : i32
          %get3A_689 = arith.index_cast %add3A_688 : i32 to index
          %get3A_690 = arith.constant 0 : index
          %get3A_691 = tpu.vector_load %arg9[%get3A_689, %get3A_690] {strides = array<i32>} : memref<100x64xf32, #tpu.memory_space<vmem>>, vector<1x16xf32>,
          %get3A_692 = vector.shape_cast %get3A_691 : vector<1x16xf32> to vector<16xf32>
          %add3A_693 = arith.addf %add3A_669, %get3A_692 : vector<16xf32>
          %get3A_694 = arith.index_cast %add3A_688 : i32 to index
          %get3A_695 = arith.constant 16 : index
          %get3A_696 = tpu.vector_load %arg9[%get3A_694, %get3A_695] {strides = array<i32>} : memref<100x64xf32, #tpu.memory_space<vmem>>, vector<1x16xf32>,
          %get3A_697 = vector.shape_cast %get3A_696 : vector<1x16xf32> to vector<16xf32>
          %add3A_698 = arith.addf %add3A_674, %get3A_697 : vector<16xf32>
          %get3A_699 = arith.index_cast %add3A_688 : i32 to index
          %get3A_700 = arith.constant 32 : index
          %get3A_701 = tpu.vector_load %arg9[%get3A_699, %get3A_700] {strides = array<i32>} : memref<100x64xf32, #tpu.memory_space<vmem>>, vector<1x16xf32>,
          %get3A_702 = vector.shape_cast %get3A_701 : vector<1x16xf32> to vector<16xf32>
          %add3A_703 = arith.addf %add3A_679, %get3A_702 : vector<16xf32>
          %get3A_704 = arith.index_cast %add3A_688 : i32 to index
          %get3A_705 = arith.constant 48 : index
          %get3A_706 = tpu.vector_load %arg9[%get3A_704, %get3A_705] {strides = array<i32>} : memref<100x64xf32, #tpu.memory_space<vmem>>, vector<1x16xf32>,
          %get3A_707 = vector.shape_cast %get3A_706 : vector<1x16xf32> to vector<16xf32>
          %add3A_708 = arith.addf %add3A_684, %get3A_707 : vector<16xf32>
          %mul3A_709 = arith.constant 10 : i32
          %mul3A_710 = arith.muli %scan3A_609, %mul3A_709 : i32
          %add3A_711 = arith.constant 4 : i32
          %add3A_712 = arith.addi %mul3A_710, %add3A_711 : i32
          %get3A_713 = arith.index_cast %add3A_712 : i32 to index
          %get3A_714 = arith.constant 0 : index
          %get3A_715 = tpu.vector_load %arg9[%get3A_713, %get3A_714] {strides = array<i32>} : memref<100x64xf32, #tpu.memory_space<vmem>>, vector<1x16xf32>,
          %get3A_716 = vector.shape_cast %get3A_715 : vector<1x16xf32> to vector<16xf32>
          %add3A_717 = arith.addf %add3A_693, %get3A_716 : vector<16xf32>
          %get3A_718 = arith.index_cast %add3A_712 : i32 to index
          %get3A_719 = arith.constant 16 : index
          %get3A_720 = tpu.vector_load %arg9[%get3A_718, %get3A_719] {strides = array<i32>} : memref<100x64xf32, #tpu.memory_space<vmem>>, vector<1x16xf32>,
          %get3A_721 = vector.shape_cast %get3A_720 : vector<1x16xf32> to vector<16xf32>
          %add3A_722 = arith.addf %add3A_698, %get3A_721 : vector<16xf32>
          %get3A_723 = arith.index_cast %add3A_712 : i32 to index
          %get3A_724 = arith.constant 32 : index
          %get3A_725 = tpu.vector_load %arg9[%get3A_723, %get3A_724] {strides = array<i32>} : memref<100x64xf32, #tpu.memory_space<vmem>>, vector<1x16xf32>,
          %get3A_726 = vector.shape_cast %get3A_725 : vector<1x16xf32> to vector<16xf32>
          %add3A_727 = arith.addf %add3A_703, %get3A_726 : vector<16xf32>
          %get3A_728 = arith.index_cast %add3A_712 : i32 to index
          %get3A_729 = arith.constant 48 : index
          %get3A_730 = tpu.vector_load %arg9[%get3A_728, %get3A_729] {strides = array<i32>} : memref<100x64xf32, #tpu.memory_space<vmem>>, vector<1x16xf32>,
          %get3A_731 = vector.shape_cast %get3A_730 : vector<1x16xf32> to vector<16xf32>
          %add3A_732 = arith.addf %add3A_708, %get3A_731 : vector<16xf32>
          %mul3A_733 = arith.constant 10 : i32
          %mul3A_734 = arith.muli %scan3A_609, %mul3A_733 : i32
          %add3A_735 = arith.constant 5 : i32
          %add3A_736 = arith.addi %mul3A_734, %add3A_735 : i32
          %get3A_737 = arith.index_cast %add3A_736 : i32 to index
          %get3A_738 = arith.constant 0 : index
          %get3A_739 = tpu.vector_load %arg9[%get3A_737, %get3A_738] {strides = array<i32>} : memref<100x64xf32, #tpu.memory_space<vmem>>, vector<1x16xf32>,
          %get3A_740 = vector.shape_cast %get3A_739 : vector<1x16xf32> to vector<16xf32>
          %add3A_741 = arith.addf %add3A_717, %get3A_740 : vector<16xf32>
          %get3A_742 = arith.index_cast %add3A_736 : i32 to index
          %get3A_743 = arith.constant 16 : index
          %get3A_744 = tpu.vector_load %arg9[%get3A_742, %get3A_743] {strides = array<i32>} : memref<100x64xf32, #tpu.memory_space<vmem>>, vector<1x16xf32>,
          %get3A_745 = vector.shape_cast %get3A_744 : vector<1x16xf32> to vector<16xf32>
          %add3A_746 = arith.addf %add3A_722, %get3A_745 : vector<16xf32>
          %get3A_747 = arith.index_cast %add3A_736 : i32 to index
          %get3A_748 = arith.constant 32 : index
          %get3A_749 = tpu.vector_load %arg9[%get3A_747, %get3A_748] {strides = array<i32>} : memref<100x64xf32, #tpu.memory_space<vmem>>, vector<1x16xf32>,
          %get3A_750 = vector.shape_cast %get3A_749 : vector<1x16xf32> to vector<16xf32>
          %add3A_751 = arith.addf %add3A_727, %get3A_750 : vector<16xf32>
          %get3A_752 = arith.index_cast %add3A_736 : i32 to index
          %get3A_753 = arith.constant 48 : index
          %get3A_754 = tpu.vector_load %arg9[%get3A_752, %get3A_753] {strides = array<i32>} : memref<100x64xf32, #tpu.memory_space<vmem>>, vector<1x16xf32>,
          %get3A_755 = vector.shape_cast %get3A_754 : vector<1x16xf32> to vector<16xf32>
          %add3A_756 = arith.addf %add3A_732, %get3A_755 : vector<16xf32>
          %mul3A_757 = arith.constant 10 : i32
          %mul3A_758 = arith.muli %scan3A_609, %mul3A_757 : i32
          %add3A_759 = arith.constant 6 : i32
          %add3A_760 = arith.addi %mul3A_758, %add3A_759 : i32
          %get3A_761 = arith.index_cast %add3A_760 : i32 to index
          %get3A_762 = arith.constant 0 : index
          %get3A_763 = tpu.vector_load %arg9[%get3A_761, %get3A_762] {strides = array<i32>} : memref<100x64xf32, #tpu.memory_space<vmem>>, vector<1x16xf32>,
          %get3A_764 = vector.shape_cast %get3A_763 : vector<1x16xf32> to vector<16xf32>
          %add3A_765 = arith.addf %add3A_741, %get3A_764 : vector<16xf32>
          %get3A_766 = arith.index_cast %add3A_760 : i32 to index
          %get3A_767 = arith.constant 16 : index
          %get3A_768 = tpu.vector_load %arg9[%get3A_766, %get3A_767] {strides = array<i32>} : memref<100x64xf32, #tpu.memory_space<vmem>>, vector<1x16xf32>,
          %get3A_769 = vector.shape_cast %get3A_768 : vector<1x16xf32> to vector<16xf32>
          %add3A_770 = arith.addf %add3A_746, %get3A_769 : vector<16xf32>
          %get3A_771 = arith.index_cast %add3A_760 : i32 to index
          %get3A_772 = arith.constant 32 : index
          %get3A_773 = tpu.vector_load %arg9[%get3A_771, %get3A_772] {strides = array<i32>} : memref<100x64xf32, #tpu.memory_space<vmem>>, vector<1x16xf32>,
          %get3A_774 = vector.shape_cast %get3A_773 : vector<1x16xf32> to vector<16xf32>
          %add3A_775 = arith.addf %add3A_751, %get3A_774 : vector<16xf32>
          %get3A_776 = arith.index_cast %add3A_760 : i32 to index
          %get3A_777 = arith.constant 48 : index
          %get3A_778 = tpu.vector_load %arg9[%get3A_776, %get3A_777] {strides = array<i32>} : memref<100x64xf32, #tpu.memory_space<vmem>>, vector<1x16xf32>,
          %get3A_779 = vector.shape_cast %get3A_778 : vector<1x16xf32> to vector<16xf32>
          %add3A_780 = arith.addf %add3A_756, %get3A_779 : vector<16xf32>
          %mul3A_781 = arith.constant 10 : i32
          %mul3A_782 = arith.muli %scan3A_609, %mul3A_781 : i32
          %add3A_783 = arith.constant 7 : i32
          %add3A_784 = arith.addi %mul3A_782, %add3A_783 : i32
          %get3A_785 = arith.index_cast %add3A_784 : i32 to index
          %get3A_786 = arith.constant 0 : index
          %get3A_787 = tpu.vector_load %arg9[%get3A_785, %get3A_786] {strides = array<i32>} : memref<100x64xf32, #tpu.memory_space<vmem>>, vector<1x16xf32>,
          %get3A_788 = vector.shape_cast %get3A_787 : vector<1x16xf32> to vector<16xf32>
          %add3A_789 = arith.addf %add3A_765, %get3A_788 : vector<16xf32>
          %get3A_790 = arith.index_cast %add3A_784 : i32 to index
          %get3A_791 = arith.constant 16 : index
          %get3A_792 = tpu.vector_load %arg9[%get3A_790, %get3A_791] {strides = array<i32>} : memref<100x64xf32, #tpu.memory_space<vmem>>, vector<1x16xf32>,
          %get3A_793 = vector.shape_cast %get3A_792 : vector<1x16xf32> to vector<16xf32>
          %add3A_794 = arith.addf %add3A_770, %get3A_793 : vector<16xf32>
          %get3A_795 = arith.index_cast %add3A_784 : i32 to index
          %get3A_796 = arith.constant 32 : index
          %get3A_797 = tpu.vector_load %arg9[%get3A_795, %get3A_796] {strides = array<i32>} : memref<100x64xf32, #tpu.memory_space<vmem>>, vector<1x16xf32>,
          %get3A_798 = vector.shape_cast %get3A_797 : vector<1x16xf32> to vector<16xf32>
          %add3A_799 = arith.addf %add3A_775, %get3A_798 : vector<16xf32>
          %get3A_800 = arith.index_cast %add3A_784 : i32 to index
          %get3A_801 = arith.constant 48 : index
          %get3A_802 = tpu.vector_load %arg9[%get3A_800, %get3A_801] {strides = array<i32>} : memref<100x64xf32, #tpu.memory_space<vmem>>, vector<1x16xf32>,
          %get3A_803 = vector.shape_cast %get3A_802 : vector<1x16xf32> to vector<16xf32>
          %add3A_804 = arith.addf %add3A_780, %get3A_803 : vector<16xf32>
          %mul3A_805 = arith.constant 10 : i32
          %mul3A_806 = arith.muli %scan3A_609, %mul3A_805 : i32
          %add3A_807 = arith.constant 8 : i32
          %add3A_808 = arith.addi %mul3A_806, %add3A_807 : i32
          %get3A_809 = arith.index_cast %add3A_808 : i32 to index
          %get3A_810 = arith.constant 0 : index
          %get3A_811 = tpu.vector_load %arg9[%get3A_809, %get3A_810] {strides = array<i32>} : memref<100x64xf32, #tpu.memory_space<vmem>>, vector<1x16xf32>,
          %get3A_812 = vector.shape_cast %get3A_811 : vector<1x16xf32> to vector<16xf32>
          %add3A_813 = arith.addf %add3A_789, %get3A_812 : vector<16xf32>
          %get3A_814 = arith.index_cast %add3A_808 : i32 to index
          %get3A_815 = arith.constant 16 : index
          %get3A_816 = tpu.vector_load %arg9[%get3A_814, %get3A_815] {strides = array<i32>} : memref<100x64xf32, #tpu.memory_space<vmem>>, vector<1x16xf32>,
          %get3A_817 = vector.shape_cast %get3A_816 : vector<1x16xf32> to vector<16xf32>
          %add3A_818 = arith.addf %add3A_794, %get3A_817 : vector<16xf32>
          %get3A_819 = arith.index_cast %add3A_808 : i32 to index
          %get3A_820 = arith.constant 32 : index
          %get3A_821 = tpu.vector_load %arg9[%get3A_819, %get3A_820] {strides = array<i32>} : memref<100x64xf32, #tpu.memory_space<vmem>>, vector<1x16xf32>,
          %get3A_822 = vector.shape_cast %get3A_821 : vector<1x16xf32> to vector<16xf32>
          %add3A_823 = arith.addf %add3A_799, %get3A_822 : vector<16xf32>
          %get3A_824 = arith.index_cast %add3A_808 : i32 to index
          %get3A_825 = arith.constant 48 : index
          %get3A_826 = tpu.vector_load %arg9[%get3A_824, %get3A_825] {strides = array<i32>} : memref<100x64xf32, #tpu.memory_space<vmem>>, vector<1x16xf32>,
          %get3A_827 = vector.shape_cast %get3A_826 : vector<1x16xf32> to vector<16xf32>
          %add3A_828 = arith.addf %add3A_804, %get3A_827 : vector<16xf32>
          %mul3A_829 = arith.constant 10 : i32
          %mul3A_830 = arith.muli %scan3A_609, %mul3A_829 : i32
          %add3A_831 = arith.constant 9 : i32
          %add3A_832 = arith.addi %mul3A_830, %add3A_831 : i32
          %get3A_833 = arith.index_cast %add3A_832 : i32 to index
          %get3A_834 = arith.constant 0 : index
          %get3A_835 = tpu.vector_load %arg9[%get3A_833, %get3A_834] {strides = array<i32>} : memref<100x64xf32, #tpu.memory_space<vmem>>, vector<1x16xf32>,
          %get3A_836 = vector.shape_cast %get3A_835 : vector<1x16xf32> to vector<16xf32>
          %add3A_837 = arith.addf %add3A_813, %get3A_836 : vector<16xf32>
          %get3A_838 = arith.index_cast %add3A_832 : i32 to index
          %get3A_839 = arith.constant 16 : index
          %get3A_840 = tpu.vector_load %arg9[%get3A_838, %get3A_839] {strides = array<i32>} : memref<100x64xf32, #tpu.memory_space<vmem>>, vector<1x16xf32>,
          %get3A_841 = vector.shape_cast %get3A_840 : vector<1x16xf32> to vector<16xf32>
          %add3A_842 = arith.addf %add3A_818, %get3A_841 : vector<16xf32>
          %get3A_843 = arith.index_cast %add3A_832 : i32 to index
          %get3A_844 = arith.constant 32 : index
          %get3A_845 = tpu.vector_load %arg9[%get3A_843, %get3A_844] {strides = array<i32>} : memref<100x64xf32, #tpu.memory_space<vmem>>, vector<1x16xf32>,
          %get3A_846 = vector.shape_cast %get3A_845 : vector<1x16xf32> to vector<16xf32>
          %add3A_847 = arith.addf %add3A_823, %get3A_846 : vector<16xf32>
          %get3A_848 = arith.index_cast %add3A_832 : i32 to index
          %get3A_849 = arith.constant 48 : index
          %get3A_850 = tpu.vector_load %arg9[%get3A_848, %get3A_849] {strides = array<i32>} : memref<100x64xf32, #tpu.memory_space<vmem>>, vector<1x16xf32>,
          %get3A_851 = vector.shape_cast %get3A_850 : vector<1x16xf32> to vector<16xf32>
          %add3A_852 = arith.addf %add3A_828, %get3A_851 : vector<16xf32>
          scf.yield %add3A_837, %add3A_842, %add3A_847, %add3A_852 : vector<16xf32>, vector<16xf32>, vector<16xf32>, vector<16xf32>
        }
        %scan3A_416 = arith.constant 10 : i32
        %mul3A_417 = arith.constant 4 : i32
        %mul3A_418 = arith.muli %scan3A_298, %mul3A_417 : i32
        %add3A_419 = arith.addi %mul3A_75, %mul3A_418 : i32
        %add3A_420 = arith.constant 1 : i32
        %add3A_421 = arith.addi %add3A_419, %add3A_420 : i32
        %mul3A_422 = arith.mulf %scan3A_415#0, %broadcast_in_dim3A_5 : vector<16xf32>
        %swap3A_423 = arith.index_cast %add3A_421 : i32 to index
        %swap3A_424 = arith.constant 0 : index
        %swap3A_425 = tpu.vector_load %arg14[%swap3A_423, %swap3A_424] {strides = array<i32>} : memref<512x64xf32, #tpu.memory_space<vmem>>, vector<1x16xf32>,
        %swap3A_426 = vector.shape_cast %swap3A_425 : vector<1x16xf32> to vector<16xf32>
        %swap3A_427 = vector.shape_cast %mul3A_422 : vector<16xf32> to vector<1x16xf32>
        tpu.vector_store %arg14[%swap3A_423, %swap3A_424], %swap3A_427 {strides = array<i32>} : memref<512x64xf32, #tpu.memory_space<vmem>>, vector<1x16xf32>,
        %mul3A_428 = arith.mulf %scan3A_415#1, %broadcast_in_dim3A_5 : vector<16xf32>
        %swap3A_429 = arith.index_cast %add3A_421 : i32 to index
        %swap3A_430 = arith.constant 16 : index
        %swap3A_431 = tpu.vector_load %arg14[%swap3A_429, %swap3A_430] {strides = array<i32>} : memref<512x64xf32, #tpu.memory_space<vmem>>, vector<1x16xf32>,
        %swap3A_432 = vector.shape_cast %swap3A_431 : vector<1x16xf32> to vector<16xf32>
        %swap3A_433 = vector.shape_cast %mul3A_428 : vector<16xf32> to vector<1x16xf32>
        tpu.vector_store %arg14[%swap3A_429, %swap3A_430], %swap3A_433 {strides = array<i32>} : memref<512x64xf32, #tpu.memory_space<vmem>>, vector<1x16xf32>,
        %mul3A_434 = arith.mulf %scan3A_415#2, %broadcast_in_dim3A_5 : vector<16xf32>
        %swap3A_435 = arith.index_cast %add3A_421 : i32 to index
        %swap3A_436 = arith.constant 32 : index
        %swap3A_437 = tpu.vector_load %arg14[%swap3A_435, %swap3A_436] {strides = array<i32>} : memref<512x64xf32, #tpu.memory_space<vmem>>, vector<1x16xf32>,
        %swap3A_438 = vector.shape_cast %swap3A_437 : vector<1x16xf32> to vector<16xf32>
        %swap3A_439 = vector.shape_cast %mul3A_434 : vector<16xf32> to vector<1x16xf32>
        tpu.vector_store %arg14[%swap3A_435, %swap3A_436], %swap3A_439 {strides = array<i32>} : memref<512x64xf32, #tpu.memory_space<vmem>>, vector<1x16xf32>,
        %mul3A_440 = arith.mulf %scan3A_415#3, %broadcast_in_dim3A_5 : vector<16xf32>
        %swap3A_441 = arith.index_cast %add3A_421 : i32 to index
        %swap3A_442 = arith.constant 48 : index
        %swap3A_443 = tpu.vector_load %arg14[%swap3A_441, %swap3A_442] {strides = array<i32>} : memref<512x64xf32, #tpu.memory_space<vmem>>, vector<1x16xf32>,
        %swap3A_444 = vector.shape_cast %swap3A_443 : vector<1x16xf32> to vector<16xf32>
        %swap3A_445 = vector.shape_cast %mul3A_440 : vector<16xf32> to vector<1x16xf32>
        tpu.vector_store %arg14[%swap3A_441, %swap3A_442], %swap3A_445 {strides = array<i32>} : memref<512x64xf32, #tpu.memory_space<vmem>>, vector<1x16xf32>,
        %add3A_446 = arith.constant 8 : i32
        %add3A_447 = arith.addi %add3A_404, %add3A_446 : i32
        %dma_start3A_448 = arith.constant 0 : i32
        %dma_start3A_449 = tpu.memref_slice %arg5[%add3A_447, %dma_start3A_448] : memref<256x100xi32, #tpu.memory_space<vmem>> -> memref<1x100xi32, #tpu.memory_space<vmem>>
        %dma_start3A_450 = tpu.memref_squeeze %dma_start3A_449 : memref<1x100xi32, #tpu.memory_space<vmem>> -> memref<100xi32, #tpu.memory_space<vmem>>
        %dma_start3A_451 = arith.constant 0 : i32
        %dma_start3A_452 = arith.constant 0 : i32
        %dma_start3A_453 = tpu.memref_slice %arg3[%dma_start3A_451, %dma_start3A_452] : memref<1000000x64xf32, #tpu.memory_space<hbm>> -> memref<1000000x64xf32, #tpu.memory_space<hbm>>
        tpu.enqueue_indirect_dma source(%dma_start3A_453 : memref<1000000x64xf32, #tpu.memory_space<hbm>>) target(%arg9 : memref<100x64xf32, #tpu.memory_space<vmem>>) offsets(%dma_start3A_450 : memref<100xi32, #tpu.memory_space<vmem>>) semaphore(%arg18 : memref<!tpu.dma_semaphore, #tpu.memory_space<semaphore_mem>>)
        %mul3A_454 = arith.constant 8 : i32
        %mul3A_455 = arith.muli %scan3A_298, %mul3A_454 : i32
        %add3A_456 = arith.constant 4 : i32
        %add3A_457 = arith.addi %mul3A_455, %add3A_456 : i32
        %dma_wait3A_458 = arith.constant 0 : i32
        %dma_wait3A_459 = tpu.memref_slice %arg5[%add3A_457, %dma_wait3A_458] : memref<256x100xi32, #tpu.memory_space<vmem>> -> memref<1x100xi32, #tpu.memory_space<vmem>>
        %dma_wait3A_460 = tpu.memref_squeeze %dma_wait3A_459 : memref<1x100xi32, #tpu.memory_space<vmem>> -> memref<100xi32, #tpu.memory_space<vmem>>
        %dma_wait3A_461 = arith.constant 0 : i32
        %dma_wait3A_462 = arith.constant 0 : i32
        %dma_wait3A_463 = tpu.memref_slice %arg3[%dma_wait3A_461, %dma_wait3A_462] : memref<1000000x64xf32, #tpu.memory_space<hbm>> -> memref<1000000x64xf32, #tpu.memory_space<hbm>>
        tpu.wait_indirect_dma semaphore(%arg19 : memref<!tpu.dma_semaphore, #tpu.memory_space<semaphore_mem>>) src(%dma_wait3A_463 : memref<1000000x64xf32, #tpu.memory_space<hbm>>) dst(%arg10 : memref<100x64xf32, #tpu.memory_space<vmem>>)
        %scan3A_464 = arith.constant 0 : i32
        %scan3A_465 = arith.constant 10 : i32
        %scan3A_466 = arith.addi %scan3A_464, %scan3A_465 : i32
        %scan3A_467 = arith.constant 1 : i32
        %scan3A_468:4 = scf.for %scan3A_609 = %scan3A_464 to %scan3A_466 step %scan3A_467 iter_args(%scan3A_610 = %broadcast_in_dim3A_7, %scan3A_611 = %broadcast_in_dim3A_7, %scan3A_612 = %broadcast_in_dim3A_7, %scan3A_613 = %broadcast_in_dim3A_7) -> (vector<16xf32>, vector<16xf32>, vector<16xf32>, vector<16xf32>)  : i32 {
          %mul3A_614 = arith.constant 10 : i32
          %mul3A_615 = arith.muli %scan3A_609, %mul3A_614 : i32
          %add3A_616 = arith.constant 0 : i32
          %add3A_617 = arith.addi %mul3A_615, %add3A_616 : i32
          %get3A = arith.index_cast %add3A_617 : i32 to index
          %get3A_618 = arith.constant 0 : index
          %get3A_619 = tpu.vector_load %arg10[%get3A, %get3A_618] {strides = array<i32>} : memref<100x64xf32, #tpu.memory_space<vmem>>, vector<1x16xf32>,
          %get3A_620 = vector.shape_cast %get3A_619 : vector<1x16xf32> to vector<16xf32>
          %add3A_621 = arith.addf %scan3A_610, %get3A_620 : vector<16xf32>
          %get3A_622 = arith.index_cast %add3A_617 : i32 to index
          %get3A_623 = arith.constant 16 : index
          %get3A_624 = tpu.vector_load %arg10[%get3A_622, %get3A_623] {strides = array<i32>} : memref<100x64xf32, #tpu.memory_space<vmem>>, vector<1x16xf32>,
          %get3A_625 = vector.shape_cast %get3A_624 : vector<1x16xf32> to vector<16xf32>
          %add3A_626 = arith.addf %scan3A_611, %get3A_625 : vector<16xf32>
          %get3A_627 = arith.index_cast %add3A_617 : i32 to index
          %get3A_628 = arith.constant 32 : index
          %get3A_629 = tpu.vector_load %arg10[%get3A_627, %get3A_628] {strides = array<i32>} : memref<100x64xf32, #tpu.memory_space<vmem>>, vector<1x16xf32>,
          %get3A_630 = vector.shape_cast %get3A_629 : vector<1x16xf32> to vector<16xf32>
          %add3A_631 = arith.addf %scan3A_612, %get3A_630 : vector<16xf32>
          %get3A_632 = arith.index_cast %add3A_617 : i32 to index
          %get3A_633 = arith.constant 48 : index
          %get3A_634 = tpu.vector_load %arg10[%get3A_632, %get3A_633] {strides = array<i32>} : memref<100x64xf32, #tpu.memory_space<vmem>>, vector<1x16xf32>,
          %get3A_635 = vector.shape_cast %get3A_634 : vector<1x16xf32> to vector<16xf32>
          %add3A_636 = arith.addf %scan3A_613, %get3A_635 : vector<16xf32>
          %mul3A_637 = arith.constant 10 : i32
          %mul3A_638 = arith.muli %scan3A_609, %mul3A_637 : i32
          %add3A_639 = arith.constant 1 : i32
          %add3A_640 = arith.addi %mul3A_638, %add3A_639 : i32
          %get3A_641 = arith.index_cast %add3A_640 : i32 to index
          %get3A_642 = arith.constant 0 : index
          %get3A_643 = tpu.vector_load %arg10[%get3A_641, %get3A_642] {strides = array<i32>} : memref<100x64xf32, #tpu.memory_space<vmem>>, vector<1x16xf32>,
          %get3A_644 = vector.shape_cast %get3A_643 : vector<1x16xf32> to vector<16xf32>
          %add3A_645 = arith.addf %add3A_621, %get3A_644 : vector<16xf32>
          %get3A_646 = arith.index_cast %add3A_640 : i32 to index
          %get3A_647 = arith.constant 16 : index
          %get3A_648 = tpu.vector_load %arg10[%get3A_646, %get3A_647] {strides = array<i32>} : memref<100x64xf32, #tpu.memory_space<vmem>>, vector<1x16xf32>,
          %get3A_649 = vector.shape_cast %get3A_648 : vector<1x16xf32> to vector<16xf32>
          %add3A_650 = arith.addf %add3A_626, %get3A_649 : vector<16xf32>
          %get3A_651 = arith.index_cast %add3A_640 : i32 to index
          %get3A_652 = arith.constant 32 : index
          %get3A_653 = tpu.vector_load %arg10[%get3A_651, %get3A_652] {strides = array<i32>} : memref<100x64xf32, #tpu.memory_space<vmem>>, vector<1x16xf32>,
          %get3A_654 = vector.shape_cast %get3A_653 : vector<1x16xf32> to vector<16xf32>
          %add3A_655 = arith.addf %add3A_631, %get3A_654 : vector<16xf32>
          %get3A_656 = arith.index_cast %add3A_640 : i32 to index
          %get3A_657 = arith.constant 48 : index
          %get3A_658 = tpu.vector_load %arg10[%get3A_656, %get3A_657] {strides = array<i32>} : memref<100x64xf32, #tpu.memory_space<vmem>>, vector<1x16xf32>,
          %get3A_659 = vector.shape_cast %get3A_658 : vector<1x16xf32> to vector<16xf32>
          %add3A_660 = arith.addf %add3A_636, %get3A_659 : vector<16xf32>
          %mul3A_661 = arith.constant 10 : i32
          %mul3A_662 = arith.muli %scan3A_609, %mul3A_661 : i32
          %add3A_663 = arith.constant 2 : i32
          %add3A_664 = arith.addi %mul3A_662, %add3A_663 : i32
          %get3A_665 = arith.index_cast %add3A_664 : i32 to index
          %get3A_666 = arith.constant 0 : index
          %get3A_667 = tpu.vector_load %arg10[%get3A_665, %get3A_666] {strides = array<i32>} : memref<100x64xf32, #tpu.memory_space<vmem>>, vector<1x16xf32>,
          %get3A_668 = vector.shape_cast %get3A_667 : vector<1x16xf32> to vector<16xf32>
          %add3A_669 = arith.addf %add3A_645, %get3A_668 : vector<16xf32>
          %get3A_670 = arith.index_cast %add3A_664 : i32 to index
          %get3A_671 = arith.constant 16 : index
          %get3A_672 = tpu.vector_load %arg10[%get3A_670, %get3A_671] {strides = array<i32>} : memref<100x64xf32, #tpu.memory_space<vmem>>, vector<1x16xf32>,
          %get3A_673 = vector.shape_cast %get3A_672 : vector<1x16xf32> to vector<16xf32>
          %add3A_674 = arith.addf %add3A_650, %get3A_673 : vector<16xf32>
          %get3A_675 = arith.index_cast %add3A_664 : i32 to index
          %get3A_676 = arith.constant 32 : index
          %get3A_677 = tpu.vector_load %arg10[%get3A_675, %get3A_676] {strides = array<i32>} : memref<100x64xf32, #tpu.memory_space<vmem>>, vector<1x16xf32>,
          %get3A_678 = vector.shape_cast %get3A_677 : vector<1x16xf32> to vector<16xf32>
          %add3A_679 = arith.addf %add3A_655, %get3A_678 : vector<16xf32>
          %get3A_680 = arith.index_cast %add3A_664 : i32 to index
          %get3A_681 = arith.constant 48 : index
          %get3A_682 = tpu.vector_load %arg10[%get3A_680, %get3A_681] {strides = array<i32>} : memref<100x64xf32, #tpu.memory_space<vmem>>, vector<1x16xf32>,
          %get3A_683 = vector.shape_cast %get3A_682 : vector<1x16xf32> to vector<16xf32>
          %add3A_684 = arith.addf %add3A_660, %get3A_683 : vector<16xf32>
          %mul3A_685 = arith.constant 10 : i32
          %mul3A_686 = arith.muli %scan3A_609, %mul3A_685 : i32
          %add3A_687 = arith.constant 3 : i32
          %add3A_688 = arith.addi %mul3A_686, %add3A_687 : i32
          %get3A_689 = arith.index_cast %add3A_688 : i32 to index
          %get3A_690 = arith.constant 0 : index
          %get3A_691 = tpu.vector_load %arg10[%get3A_689, %get3A_690] {strides = array<i32>} : memref<100x64xf32, #tpu.memory_space<vmem>>, vector<1x16xf32>,
          %get3A_692 = vector.shape_cast %get3A_691 : vector<1x16xf32> to vector<16xf32>
          %add3A_693 = arith.addf %add3A_669, %get3A_692 : vector<16xf32>
          %get3A_694 = arith.index_cast %add3A_688 : i32 to index
          %get3A_695 = arith.constant 16 : index
          %get3A_696 = tpu.vector_load %arg10[%get3A_694, %get3A_695] {strides = array<i32>} : memref<100x64xf32, #tpu.memory_space<vmem>>, vector<1x16xf32>,
          %get3A_697 = vector.shape_cast %get3A_696 : vector<1x16xf32> to vector<16xf32>
          %add3A_698 = arith.addf %add3A_674, %get3A_697 : vector<16xf32>
          %get3A_699 = arith.index_cast %add3A_688 : i32 to index
          %get3A_700 = arith.constant 32 : index
          %get3A_701 = tpu.vector_load %arg10[%get3A_699, %get3A_700] {strides = array<i32>} : memref<100x64xf32, #tpu.memory_space<vmem>>, vector<1x16xf32>,
          %get3A_702 = vector.shape_cast %get3A_701 : vector<1x16xf32> to vector<16xf32>
          %add3A_703 = arith.addf %add3A_679, %get3A_702 : vector<16xf32>
          %get3A_704 = arith.index_cast %add3A_688 : i32 to index
          %get3A_705 = arith.constant 48 : index
          %get3A_706 = tpu.vector_load %arg10[%get3A_704, %get3A_705] {strides = array<i32>} : memref<100x64xf32, #tpu.memory_space<vmem>>, vector<1x16xf32>,
          %get3A_707 = vector.shape_cast %get3A_706 : vector<1x16xf32> to vector<16xf32>
          %add3A_708 = arith.addf %add3A_684, %get3A_707 : vector<16xf32>
          %mul3A_709 = arith.constant 10 : i32
          %mul3A_710 = arith.muli %scan3A_609, %mul3A_709 : i32
          %add3A_711 = arith.constant 4 : i32
          %add3A_712 = arith.addi %mul3A_710, %add3A_711 : i32
          %get3A_713 = arith.index_cast %add3A_712 : i32 to index
          %get3A_714 = arith.constant 0 : index
          %get3A_715 = tpu.vector_load %arg10[%get3A_713, %get3A_714] {strides = array<i32>} : memref<100x64xf32, #tpu.memory_space<vmem>>, vector<1x16xf32>,
          %get3A_716 = vector.shape_cast %get3A_715 : vector<1x16xf32> to vector<16xf32>
          %add3A_717 = arith.addf %add3A_693, %get3A_716 : vector<16xf32>
          %get3A_718 = arith.index_cast %add3A_712 : i32 to index
          %get3A_719 = arith.constant 16 : index
          %get3A_720 = tpu.vector_load %arg10[%get3A_718, %get3A_719] {strides = array<i32>} : memref<100x64xf32, #tpu.memory_space<vmem>>, vector<1x16xf32>,
          %get3A_721 = vector.shape_cast %get3A_720 : vector<1x16xf32> to vector<16xf32>
          %add3A_722 = arith.addf %add3A_698, %get3A_721 : vector<16xf32>
          %get3A_723 = arith.index_cast %add3A_712 : i32 to index
          %get3A_724 = arith.constant 32 : index
          %get3A_725 = tpu.vector_load %arg10[%get3A_723, %get3A_724] {strides = array<i32>} : memref<100x64xf32, #tpu.memory_space<vmem>>, vector<1x16xf32>,
          %get3A_726 = vector.shape_cast %get3A_725 : vector<1x16xf32> to vector<16xf32>
          %add3A_727 = arith.addf %add3A_703, %get3A_726 : vector<16xf32>
          %get3A_728 = arith.index_cast %add3A_712 : i32 to index
          %get3A_729 = arith.constant 48 : index
          %get3A_730 = tpu.vector_load %arg10[%get3A_728, %get3A_729] {strides = array<i32>} : memref<100x64xf32, #tpu.memory_space<vmem>>, vector<1x16xf32>,
          %get3A_731 = vector.shape_cast %get3A_730 : vector<1x16xf32> to vector<16xf32>
          %add3A_732 = arith.addf %add3A_708, %get3A_731 : vector<16xf32>
          %mul3A_733 = arith.constant 10 : i32
          %mul3A_734 = arith.muli %scan3A_609, %mul3A_733 : i32
          %add3A_735 = arith.constant 5 : i32
          %add3A_736 = arith.addi %mul3A_734, %add3A_735 : i32
          %get3A_737 = arith.index_cast %add3A_736 : i32 to index
          %get3A_738 = arith.constant 0 : index
          %get3A_739 = tpu.vector_load %arg10[%get3A_737, %get3A_738] {strides = array<i32>} : memref<100x64xf32, #tpu.memory_space<vmem>>, vector<1x16xf32>,
          %get3A_740 = vector.shape_cast %get3A_739 : vector<1x16xf32> to vector<16xf32>
          %add3A_741 = arith.addf %add3A_717, %get3A_740 : vector<16xf32>
          %get3A_742 = arith.index_cast %add3A_736 : i32 to index
          %get3A_743 = arith.constant 16 : index
          %get3A_744 = tpu.vector_load %arg10[%get3A_742, %get3A_743] {strides = array<i32>} : memref<100x64xf32, #tpu.memory_space<vmem>>, vector<1x16xf32>,
          %get3A_745 = vector.shape_cast %get3A_744 : vector<1x16xf32> to vector<16xf32>
          %add3A_746 = arith.addf %add3A_722, %get3A_745 : vector<16xf32>
          %get3A_747 = arith.index_cast %add3A_736 : i32 to index
          %get3A_748 = arith.constant 32 : index
          %get3A_749 = tpu.vector_load %arg10[%get3A_747, %get3A_748] {strides = array<i32>} : memref<100x64xf32, #tpu.memory_space<vmem>>, vector<1x16xf32>,
          %get3A_750 = vector.shape_cast %get3A_749 : vector<1x16xf32> to vector<16xf32>
          %add3A_751 = arith.addf %add3A_727, %get3A_750 : vector<16xf32>
          %get3A_752 = arith.index_cast %add3A_736 : i32 to index
          %get3A_753 = arith.constant 48 : index
          %get3A_754 = tpu.vector_load %arg10[%get3A_752, %get3A_753] {strides = array<i32>} : memref<100x64xf32, #tpu.memory_space<vmem>>, vector<1x16xf32>,
          %get3A_755 = vector.shape_cast %get3A_754 : vector<1x16xf32> to vector<16xf32>
          %add3A_756 = arith.addf %add3A_732, %get3A_755 : vector<16xf32>
          %mul3A_757 = arith.constant 10 : i32
          %mul3A_758 = arith.muli %scan3A_609, %mul3A_757 : i32
          %add3A_759 = arith.constant 6 : i32
          %add3A_760 = arith.addi %mul3A_758, %add3A_759 : i32
          %get3A_761 = arith.index_cast %add3A_760 : i32 to index
          %get3A_762 = arith.constant 0 : index
          %get3A_763 = tpu.vector_load %arg10[%get3A_761, %get3A_762] {strides = array<i32>} : memref<100x64xf32, #tpu.memory_space<vmem>>, vector<1x16xf32>,
          %get3A_764 = vector.shape_cast %get3A_763 : vector<1x16xf32> to vector<16xf32>
          %add3A_765 = arith.addf %add3A_741, %get3A_764 : vector<16xf32>
          %get3A_766 = arith.index_cast %add3A_760 : i32 to index
          %get3A_767 = arith.constant 16 : index
          %get3A_768 = tpu.vector_load %arg10[%get3A_766, %get3A_767] {strides = array<i32>} : memref<100x64xf32, #tpu.memory_space<vmem>>, vector<1x16xf32>,
          %get3A_769 = vector.shape_cast %get3A_768 : vector<1x16xf32> to vector<16xf32>
          %add3A_770 = arith.addf %add3A_746, %get3A_769 : vector<16xf32>
          %get3A_771 = arith.index_cast %add3A_760 : i32 to index
          %get3A_772 = arith.constant 32 : index
          %get3A_773 = tpu.vector_load %arg10[%get3A_771, %get3A_772] {strides = array<i32>} : memref<100x64xf32, #tpu.memory_space<vmem>>, vector<1x16xf32>,
          %get3A_774 = vector.shape_cast %get3A_773 : vector<1x16xf32> to vector<16xf32>
          %add3A_775 = arith.addf %add3A_751, %get3A_774 : vector<16xf32>
          %get3A_776 = arith.index_cast %add3A_760 : i32 to index
          %get3A_777 = arith.constant 48 : index
          %get3A_778 = tpu.vector_load %arg10[%get3A_776, %get3A_777] {strides = array<i32>} : memref<100x64xf32, #tpu.memory_space<vmem>>, vector<1x16xf32>,
          %get3A_779 = vector.shape_cast %get3A_778 : vector<1x16xf32> to vector<16xf32>
          %add3A_780 = arith.addf %add3A_756, %get3A_779 : vector<16xf32>
          %mul3A_781 = arith.constant 10 : i32
          %mul3A_782 = arith.muli %scan3A_609, %mul3A_781 : i32
          %add3A_783 = arith.constant 7 : i32
          %add3A_784 = arith.addi %mul3A_782, %add3A_783 : i32
          %get3A_785 = arith.index_cast %add3A_784 : i32 to index
          %get3A_786 = arith.constant 0 : index
          %get3A_787 = tpu.vector_load %arg10[%get3A_785, %get3A_786] {strides = array<i32>} : memref<100x64xf32, #tpu.memory_space<vmem>>, vector<1x16xf32>,
          %get3A_788 = vector.shape_cast %get3A_787 : vector<1x16xf32> to vector<16xf32>
          %add3A_789 = arith.addf %add3A_765, %get3A_788 : vector<16xf32>
          %get3A_790 = arith.index_cast %add3A_784 : i32 to index
          %get3A_791 = arith.constant 16 : index
          %get3A_792 = tpu.vector_load %arg10[%get3A_790, %get3A_791] {strides = array<i32>} : memref<100x64xf32, #tpu.memory_space<vmem>>, vector<1x16xf32>,
          %get3A_793 = vector.shape_cast %get3A_792 : vector<1x16xf32> to vector<16xf32>
          %add3A_794 = arith.addf %add3A_770, %get3A_793 : vector<16xf32>
          %get3A_795 = arith.index_cast %add3A_784 : i32 to index
          %get3A_796 = arith.constant 32 : index
          %get3A_797 = tpu.vector_load %arg10[%get3A_795, %get3A_796] {strides = array<i32>} : memref<100x64xf32, #tpu.memory_space<vmem>>, vector<1x16xf32>,
          %get3A_798 = vector.shape_cast %get3A_797 : vector<1x16xf32> to vector<16xf32>
          %add3A_799 = arith.addf %add3A_775, %get3A_798 : vector<16xf32>
          %get3A_800 = arith.index_cast %add3A_784 : i32 to index
          %get3A_801 = arith.constant 48 : index
          %get3A_802 = tpu.vector_load %arg10[%get3A_800, %get3A_801] {strides = array<i32>} : memref<100x64xf32, #tpu.memory_space<vmem>>, vector<1x16xf32>,
          %get3A_803 = vector.shape_cast %get3A_802 : vector<1x16xf32> to vector<16xf32>
          %add3A_804 = arith.addf %add3A_780, %get3A_803 : vector<16xf32>
          %mul3A_805 = arith.constant 10 : i32
          %mul3A_806 = arith.muli %scan3A_609, %mul3A_805 : i32
          %add3A_807 = arith.constant 8 : i32
          %add3A_808 = arith.addi %mul3A_806, %add3A_807 : i32
          %get3A_809 = arith.index_cast %add3A_808 : i32 to index
          %get3A_810 = arith.constant 0 : index
          %get3A_811 = tpu.vector_load %arg10[%get3A_809, %get3A_810] {strides = array<i32>} : memref<100x64xf32, #tpu.memory_space<vmem>>, vector<1x16xf32>,
          %get3A_812 = vector.shape_cast %get3A_811 : vector<1x16xf32> to vector<16xf32>
          %add3A_813 = arith.addf %add3A_789, %get3A_812 : vector<16xf32>
          %get3A_814 = arith.index_cast %add3A_808 : i32 to index
          %get3A_815 = arith.constant 16 : index
          %get3A_816 = tpu.vector_load %arg10[%get3A_814, %get3A_815] {strides = array<i32>} : memref<100x64xf32, #tpu.memory_space<vmem>>, vector<1x16xf32>,
          %get3A_817 = vector.shape_cast %get3A_816 : vector<1x16xf32> to vector<16xf32>
          %add3A_818 = arith.addf %add3A_794, %get3A_817 : vector<16xf32>
          %get3A_819 = arith.index_cast %add3A_808 : i32 to index
          %get3A_820 = arith.constant 32 : index
          %get3A_821 = tpu.vector_load %arg10[%get3A_819, %get3A_820] {strides = array<i32>} : memref<100x64xf32, #tpu.memory_space<vmem>>, vector<1x16xf32>,
          %get3A_822 = vector.shape_cast %get3A_821 : vector<1x16xf32> to vector<16xf32>
          %add3A_823 = arith.addf %add3A_799, %get3A_822 : vector<16xf32>
          %get3A_824 = arith.index_cast %add3A_808 : i32 to index
          %get3A_825 = arith.constant 48 : index
          %get3A_826 = tpu.vector_load %arg10[%get3A_824, %get3A_825] {strides = array<i32>} : memref<100x64xf32, #tpu.memory_space<vmem>>, vector<1x16xf32>,
          %get3A_827 = vector.shape_cast %get3A_826 : vector<1x16xf32> to vector<16xf32>
          %add3A_828 = arith.addf %add3A_804, %get3A_827 : vector<16xf32>
          %mul3A_829 = arith.constant 10 : i32
          %mul3A_830 = arith.muli %scan3A_609, %mul3A_829 : i32
          %add3A_831 = arith.constant 9 : i32
          %add3A_832 = arith.addi %mul3A_830, %add3A_831 : i32
          %get3A_833 = arith.index_cast %add3A_832 : i32 to index
          %get3A_834 = arith.constant 0 : index
          %get3A_835 = tpu.vector_load %arg10[%get3A_833, %get3A_834] {strides = array<i32>} : memref<100x64xf32, #tpu.memory_space<vmem>>, vector<1x16xf32>,
          %get3A_836 = vector.shape_cast %get3A_835 : vector<1x16xf32> to vector<16xf32>
          %add3A_837 = arith.addf %add3A_813, %get3A_836 : vector<16xf32>
          %get3A_838 = arith.index_cast %add3A_832 : i32 to index
          %get3A_839 = arith.constant 16 : index
          %get3A_840 = tpu.vector_load %arg10[%get3A_838, %get3A_839] {strides = array<i32>} : memref<100x64xf32, #tpu.memory_space<vmem>>, vector<1x16xf32>,
          %get3A_841 = vector.shape_cast %get3A_840 : vector<1x16xf32> to vector<16xf32>
          %add3A_842 = arith.addf %add3A_818, %get3A_841 : vector<16xf32>
          %get3A_843 = arith.index_cast %add3A_832 : i32 to index
          %get3A_844 = arith.constant 32 : index
          %get3A_845 = tpu.vector_load %arg10[%get3A_843, %get3A_844] {strides = array<i32>} : memref<100x64xf32, #tpu.memory_space<vmem>>, vector<1x16xf32>,
          %get3A_846 = vector.shape_cast %get3A_845 : vector<1x16xf32> to vector<16xf32>
          %add3A_847 = arith.addf %add3A_823, %get3A_846 : vector<16xf32>
          %get3A_848 = arith.index_cast %add3A_832 : i32 to index
          %get3A_849 = arith.constant 48 : index
          %get3A_850 = tpu.vector_load %arg10[%get3A_848, %get3A_849] {strides = array<i32>} : memref<100x64xf32, #tpu.memory_space<vmem>>, vector<1x16xf32>,
          %get3A_851 = vector.shape_cast %get3A_850 : vector<1x16xf32> to vector<16xf32>
          %add3A_852 = arith.addf %add3A_828, %get3A_851 : vector<16xf32>
          scf.yield %add3A_837, %add3A_842, %add3A_847, %add3A_852 : vector<16xf32>, vector<16xf32>, vector<16xf32>, vector<16xf32>
        }
        %scan3A_469 = arith.constant 10 : i32
        %add3A_470 = arith.constant 8 : i32
        %add3A_471 = arith.addi %add3A_457, %add3A_470 : i32
        %dma_start3A_472 = arith.constant 0 : i32
        %dma_start3A_473 = tpu.memref_slice %arg5[%add3A_471, %dma_start3A_472] : memref<256x100xi32, #tpu.memory_space<vmem>> -> memref<1x100xi32, #tpu.memory_space<vmem>>
        %dma_start3A_474 = tpu.memref_squeeze %dma_start3A_473 : memref<1x100xi32, #tpu.memory_space<vmem>> -> memref<100xi32, #tpu.memory_space<vmem>>
        %dma_start3A_475 = arith.constant 0 : i32
        %dma_start3A_476 = arith.constant 0 : i32
        %dma_start3A_477 = tpu.memref_slice %arg3[%dma_start3A_475, %dma_start3A_476] : memref<1000000x64xf32, #tpu.memory_space<hbm>> -> memref<1000000x64xf32, #tpu.memory_space<hbm>>
        tpu.enqueue_indirect_dma source(%dma_start3A_477 : memref<1000000x64xf32, #tpu.memory_space<hbm>>) target(%arg10 : memref<100x64xf32, #tpu.memory_space<vmem>>) offsets(%dma_start3A_474 : memref<100xi32, #tpu.memory_space<vmem>>) semaphore(%arg19 : memref<!tpu.dma_semaphore, #tpu.memory_space<semaphore_mem>>)
        %mul3A_478 = arith.constant 8 : i32
        %mul3A_479 = arith.muli %scan3A_298, %mul3A_478 : i32
        %add3A_480 = arith.constant 5 : i32
        %add3A_481 = arith.addi %mul3A_479, %add3A_480 : i32
        %dma_wait3A_482 = arith.constant 0 : i32
        %dma_wait3A_483 = tpu.memref_slice %arg5[%add3A_481, %dma_wait3A_482] : memref<256x100xi32, #tpu.memory_space<vmem>> -> memref<1x100xi32, #tpu.memory_space<vmem>>
        %dma_wait3A_484 = tpu.memref_squeeze %dma_wait3A_483 : memref<1x100xi32, #tpu.memory_space<vmem>> -> memref<100xi32, #tpu.memory_space<vmem>>
        %dma_wait3A_485 = arith.constant 0 : i32
        %dma_wait3A_486 = arith.constant 0 : i32
        %dma_wait3A_487 = tpu.memref_slice %arg3[%dma_wait3A_485, %dma_wait3A_486] : memref<1000000x64xf32, #tpu.memory_space<hbm>> -> memref<1000000x64xf32, #tpu.memory_space<hbm>>
        tpu.wait_indirect_dma semaphore(%arg20 : memref<!tpu.dma_semaphore, #tpu.memory_space<semaphore_mem>>) src(%dma_wait3A_487 : memref<1000000x64xf32, #tpu.memory_space<hbm>>) dst(%arg11 : memref<100x64xf32, #tpu.memory_space<vmem>>)
        %scan3A_488 = arith.constant 0 : i32
        %scan3A_489 = arith.constant 10 : i32
        %scan3A_490 = arith.addi %scan3A_488, %scan3A_489 : i32
        %scan3A_491 = arith.constant 1 : i32
        %scan3A_492:4 = scf.for %scan3A_609 = %scan3A_488 to %scan3A_490 step %scan3A_491 iter_args(%scan3A_610 = %scan3A_468#0, %scan3A_611 = %scan3A_468#1, %scan3A_612 = %scan3A_468#2, %scan3A_613 = %scan3A_468#3) -> (vector<16xf32>, vector<16xf32>, vector<16xf32>, vector<16xf32>)  : i32 {
          %mul3A_614 = arith.constant 10 : i32
          %mul3A_615 = arith.muli %scan3A_609, %mul3A_614 : i32
          %add3A_616 = arith.constant 0 : i32
          %add3A_617 = arith.addi %mul3A_615, %add3A_616 : i32
          %get3A = arith.index_cast %add3A_617 : i32 to index
          %get3A_618 = arith.constant 0 : index
          %get3A_619 = tpu.vector_load %arg11[%get3A, %get3A_618] {strides = array<i32>} : memref<100x64xf32, #tpu.memory_space<vmem>>, vector<1x16xf32>,
          %get3A_620 = vector.shape_cast %get3A_619 : vector<1x16xf32> to vector<16xf32>
          %add3A_621 = arith.addf %scan3A_610, %get3A_620 : vector<16xf32>
          %get3A_622 = arith.index_cast %add3A_617 : i32 to index
          %get3A_623 = arith.constant 16 : index
          %get3A_624 = tpu.vector_load %arg11[%get3A_622, %get3A_623] {strides = array<i32>} : memref<100x64xf32, #tpu.memory_space<vmem>>, vector<1x16xf32>,
          %get3A_625 = vector.shape_cast %get3A_624 : vector<1x16xf32> to vector<16xf32>
          %add3A_626 = arith.addf %scan3A_611, %get3A_625 : vector<16xf32>
          %get3A_627 = arith.index_cast %add3A_617 : i32 to index
          %get3A_628 = arith.constant 32 : index
          %get3A_629 = tpu.vector_load %arg11[%get3A_627, %get3A_628] {strides = array<i32>} : memref<100x64xf32, #tpu.memory_space<vmem>>, vector<1x16xf32>,
          %get3A_630 = vector.shape_cast %get3A_629 : vector<1x16xf32> to vector<16xf32>
          %add3A_631 = arith.addf %scan3A_612, %get3A_630 : vector<16xf32>
          %get3A_632 = arith.index_cast %add3A_617 : i32 to index
          %get3A_633 = arith.constant 48 : index
          %get3A_634 = tpu.vector_load %arg11[%get3A_632, %get3A_633] {strides = array<i32>} : memref<100x64xf32, #tpu.memory_space<vmem>>, vector<1x16xf32>,
          %get3A_635 = vector.shape_cast %get3A_634 : vector<1x16xf32> to vector<16xf32>
          %add3A_636 = arith.addf %scan3A_613, %get3A_635 : vector<16xf32>
          %mul3A_637 = arith.constant 10 : i32
          %mul3A_638 = arith.muli %scan3A_609, %mul3A_637 : i32
          %add3A_639 = arith.constant 1 : i32
          %add3A_640 = arith.addi %mul3A_638, %add3A_639 : i32
          %get3A_641 = arith.index_cast %add3A_640 : i32 to index
          %get3A_642 = arith.constant 0 : index
          %get3A_643 = tpu.vector_load %arg11[%get3A_641, %get3A_642] {strides = array<i32>} : memref<100x64xf32, #tpu.memory_space<vmem>>, vector<1x16xf32>,
          %get3A_644 = vector.shape_cast %get3A_643 : vector<1x16xf32> to vector<16xf32>
          %add3A_645 = arith.addf %add3A_621, %get3A_644 : vector<16xf32>
          %get3A_646 = arith.index_cast %add3A_640 : i32 to index
          %get3A_647 = arith.constant 16 : index
          %get3A_648 = tpu.vector_load %arg11[%get3A_646, %get3A_647] {strides = array<i32>} : memref<100x64xf32, #tpu.memory_space<vmem>>, vector<1x16xf32>,
          %get3A_649 = vector.shape_cast %get3A_648 : vector<1x16xf32> to vector<16xf32>
          %add3A_650 = arith.addf %add3A_626, %get3A_649 : vector<16xf32>
          %get3A_651 = arith.index_cast %add3A_640 : i32 to index
          %get3A_652 = arith.constant 32 : index
          %get3A_653 = tpu.vector_load %arg11[%get3A_651, %get3A_652] {strides = array<i32>} : memref<100x64xf32, #tpu.memory_space<vmem>>, vector<1x16xf32>,
          %get3A_654 = vector.shape_cast %get3A_653 : vector<1x16xf32> to vector<16xf32>
          %add3A_655 = arith.addf %add3A_631, %get3A_654 : vector<16xf32>
          %get3A_656 = arith.index_cast %add3A_640 : i32 to index
          %get3A_657 = arith.constant 48 : index
          %get3A_658 = tpu.vector_load %arg11[%get3A_656, %get3A_657] {strides = array<i32>} : memref<100x64xf32, #tpu.memory_space<vmem>>, vector<1x16xf32>,
          %get3A_659 = vector.shape_cast %get3A_658 : vector<1x16xf32> to vector<16xf32>
          %add3A_660 = arith.addf %add3A_636, %get3A_659 : vector<16xf32>
          %mul3A_661 = arith.constant 10 : i32
          %mul3A_662 = arith.muli %scan3A_609, %mul3A_661 : i32
          %add3A_663 = arith.constant 2 : i32
          %add3A_664 = arith.addi %mul3A_662, %add3A_663 : i32
          %get3A_665 = arith.index_cast %add3A_664 : i32 to index
          %get3A_666 = arith.constant 0 : index
          %get3A_667 = tpu.vector_load %arg11[%get3A_665, %get3A_666] {strides = array<i32>} : memref<100x64xf32, #tpu.memory_space<vmem>>, vector<1x16xf32>,
          %get3A_668 = vector.shape_cast %get3A_667 : vector<1x16xf32> to vector<16xf32>
          %add3A_669 = arith.addf %add3A_645, %get3A_668 : vector<16xf32>
          %get3A_670 = arith.index_cast %add3A_664 : i32 to index
          %get3A_671 = arith.constant 16 : index
          %get3A_672 = tpu.vector_load %arg11[%get3A_670, %get3A_671] {strides = array<i32>} : memref<100x64xf32, #tpu.memory_space<vmem>>, vector<1x16xf32>,
          %get3A_673 = vector.shape_cast %get3A_672 : vector<1x16xf32> to vector<16xf32>
          %add3A_674 = arith.addf %add3A_650, %get3A_673 : vector<16xf32>
          %get3A_675 = arith.index_cast %add3A_664 : i32 to index
          %get3A_676 = arith.constant 32 : index
          %get3A_677 = tpu.vector_load %arg11[%get3A_675, %get3A_676] {strides = array<i32>} : memref<100x64xf32, #tpu.memory_space<vmem>>, vector<1x16xf32>,
          %get3A_678 = vector.shape_cast %get3A_677 : vector<1x16xf32> to vector<16xf32>
          %add3A_679 = arith.addf %add3A_655, %get3A_678 : vector<16xf32>
          %get3A_680 = arith.index_cast %add3A_664 : i32 to index
          %get3A_681 = arith.constant 48 : index
          %get3A_682 = tpu.vector_load %arg11[%get3A_680, %get3A_681] {strides = array<i32>} : memref<100x64xf32, #tpu.memory_space<vmem>>, vector<1x16xf32>,
          %get3A_683 = vector.shape_cast %get3A_682 : vector<1x16xf32> to vector<16xf32>
          %add3A_684 = arith.addf %add3A_660, %get3A_683 : vector<16xf32>
          %mul3A_685 = arith.constant 10 : i32
          %mul3A_686 = arith.muli %scan3A_609, %mul3A_685 : i32
          %add3A_687 = arith.constant 3 : i32
          %add3A_688 = arith.addi %mul3A_686, %add3A_687 : i32
          %get3A_689 = arith.index_cast %add3A_688 : i32 to index
          %get3A_690 = arith.constant 0 : index
          %get3A_691 = tpu.vector_load %arg11[%get3A_689, %get3A_690] {strides = array<i32>} : memref<100x64xf32, #tpu.memory_space<vmem>>, vector<1x16xf32>,
          %get3A_692 = vector.shape_cast %get3A_691 : vector<1x16xf32> to vector<16xf32>
          %add3A_693 = arith.addf %add3A_669, %get3A_692 : vector<16xf32>
          %get3A_694 = arith.index_cast %add3A_688 : i32 to index
          %get3A_695 = arith.constant 16 : index
          %get3A_696 = tpu.vector_load %arg11[%get3A_694, %get3A_695] {strides = array<i32>} : memref<100x64xf32, #tpu.memory_space<vmem>>, vector<1x16xf32>,
          %get3A_697 = vector.shape_cast %get3A_696 : vector<1x16xf32> to vector<16xf32>
          %add3A_698 = arith.addf %add3A_674, %get3A_697 : vector<16xf32>
          %get3A_699 = arith.index_cast %add3A_688 : i32 to index
          %get3A_700 = arith.constant 32 : index
          %get3A_701 = tpu.vector_load %arg11[%get3A_699, %get3A_700] {strides = array<i32>} : memref<100x64xf32, #tpu.memory_space<vmem>>, vector<1x16xf32>,
          %get3A_702 = vector.shape_cast %get3A_701 : vector<1x16xf32> to vector<16xf32>
          %add3A_703 = arith.addf %add3A_679, %get3A_702 : vector<16xf32>
          %get3A_704 = arith.index_cast %add3A_688 : i32 to index
          %get3A_705 = arith.constant 48 : index
          %get3A_706 = tpu.vector_load %arg11[%get3A_704, %get3A_705] {strides = array<i32>} : memref<100x64xf32, #tpu.memory_space<vmem>>, vector<1x16xf32>,
          %get3A_707 = vector.shape_cast %get3A_706 : vector<1x16xf32> to vector<16xf32>
          %add3A_708 = arith.addf %add3A_684, %get3A_707 : vector<16xf32>
          %mul3A_709 = arith.constant 10 : i32
          %mul3A_710 = arith.muli %scan3A_609, %mul3A_709 : i32
          %add3A_711 = arith.constant 4 : i32
          %add3A_712 = arith.addi %mul3A_710, %add3A_711 : i32
          %get3A_713 = arith.index_cast %add3A_712 : i32 to index
          %get3A_714 = arith.constant 0 : index
          %get3A_715 = tpu.vector_load %arg11[%get3A_713, %get3A_714] {strides = array<i32>} : memref<100x64xf32, #tpu.memory_space<vmem>>, vector<1x16xf32>,
          %get3A_716 = vector.shape_cast %get3A_715 : vector<1x16xf32> to vector<16xf32>
          %add3A_717 = arith.addf %add3A_693, %get3A_716 : vector<16xf32>
          %get3A_718 = arith.index_cast %add3A_712 : i32 to index
          %get3A_719 = arith.constant 16 : index
          %get3A_720 = tpu.vector_load %arg11[%get3A_718, %get3A_719] {strides = array<i32>} : memref<100x64xf32, #tpu.memory_space<vmem>>, vector<1x16xf32>,
          %get3A_721 = vector.shape_cast %get3A_720 : vector<1x16xf32> to vector<16xf32>
          %add3A_722 = arith.addf %add3A_698, %get3A_721 : vector<16xf32>
          %get3A_723 = arith.index_cast %add3A_712 : i32 to index
          %get3A_724 = arith.constant 32 : index
          %get3A_725 = tpu.vector_load %arg11[%get3A_723, %get3A_724] {strides = array<i32>} : memref<100x64xf32, #tpu.memory_space<vmem>>, vector<1x16xf32>,
          %get3A_726 = vector.shape_cast %get3A_725 : vector<1x16xf32> to vector<16xf32>
          %add3A_727 = arith.addf %add3A_703, %get3A_726 : vector<16xf32>
          %get3A_728 = arith.index_cast %add3A_712 : i32 to index
          %get3A_729 = arith.constant 48 : index
          %get3A_730 = tpu.vector_load %arg11[%get3A_728, %get3A_729] {strides = array<i32>} : memref<100x64xf32, #tpu.memory_space<vmem>>, vector<1x16xf32>,
          %get3A_731 = vector.shape_cast %get3A_730 : vector<1x16xf32> to vector<16xf32>
          %add3A_732 = arith.addf %add3A_708, %get3A_731 : vector<16xf32>
          %mul3A_733 = arith.constant 10 : i32
          %mul3A_734 = arith.muli %scan3A_609, %mul3A_733 : i32
          %add3A_735 = arith.constant 5 : i32
          %add3A_736 = arith.addi %mul3A_734, %add3A_735 : i32
          %get3A_737 = arith.index_cast %add3A_736 : i32 to index
          %get3A_738 = arith.constant 0 : index
          %get3A_739 = tpu.vector_load %arg11[%get3A_737, %get3A_738] {strides = array<i32>} : memref<100x64xf32, #tpu.memory_space<vmem>>, vector<1x16xf32>,
          %get3A_740 = vector.shape_cast %get3A_739 : vector<1x16xf32> to vector<16xf32>
          %add3A_741 = arith.addf %add3A_717, %get3A_740 : vector<16xf32>
          %get3A_742 = arith.index_cast %add3A_736 : i32 to index
          %get3A_743 = arith.constant 16 : index
          %get3A_744 = tpu.vector_load %arg11[%get3A_742, %get3A_743] {strides = array<i32>} : memref<100x64xf32, #tpu.memory_space<vmem>>, vector<1x16xf32>,
          %get3A_745 = vector.shape_cast %get3A_744 : vector<1x16xf32> to vector<16xf32>
          %add3A_746 = arith.addf %add3A_722, %get3A_745 : vector<16xf32>
          %get3A_747 = arith.index_cast %add3A_736 : i32 to index
          %get3A_748 = arith.constant 32 : index
          %get3A_749 = tpu.vector_load %arg11[%get3A_747, %get3A_748] {strides = array<i32>} : memref<100x64xf32, #tpu.memory_space<vmem>>, vector<1x16xf32>,
          %get3A_750 = vector.shape_cast %get3A_749 : vector<1x16xf32> to vector<16xf32>
          %add3A_751 = arith.addf %add3A_727, %get3A_750 : vector<16xf32>
          %get3A_752 = arith.index_cast %add3A_736 : i32 to index
          %get3A_753 = arith.constant 48 : index
          %get3A_754 = tpu.vector_load %arg11[%get3A_752, %get3A_753] {strides = array<i32>} : memref<100x64xf32, #tpu.memory_space<vmem>>, vector<1x16xf32>,
          %get3A_755 = vector.shape_cast %get3A_754 : vector<1x16xf32> to vector<16xf32>
          %add3A_756 = arith.addf %add3A_732, %get3A_755 : vector<16xf32>
          %mul3A_757 = arith.constant 10 : i32
          %mul3A_758 = arith.muli %scan3A_609, %mul3A_757 : i32
          %add3A_759 = arith.constant 6 : i32
          %add3A_760 = arith.addi %mul3A_758, %add3A_759 : i32
          %get3A_761 = arith.index_cast %add3A_760 : i32 to index
          %get3A_762 = arith.constant 0 : index
          %get3A_763 = tpu.vector_load %arg11[%get3A_761, %get3A_762] {strides = array<i32>} : memref<100x64xf32, #tpu.memory_space<vmem>>, vector<1x16xf32>,
          %get3A_764 = vector.shape_cast %get3A_763 : vector<1x16xf32> to vector<16xf32>
          %add3A_765 = arith.addf %add3A_741, %get3A_764 : vector<16xf32>
          %get3A_766 = arith.index_cast %add3A_760 : i32 to index
          %get3A_767 = arith.constant 16 : index
          %get3A_768 = tpu.vector_load %arg11[%get3A_766, %get3A_767] {strides = array<i32>} : memref<100x64xf32, #tpu.memory_space<vmem>>, vector<1x16xf32>,
          %get3A_769 = vector.shape_cast %get3A_768 : vector<1x16xf32> to vector<16xf32>
          %add3A_770 = arith.addf %add3A_746, %get3A_769 : vector<16xf32>
          %get3A_771 = arith.index_cast %add3A_760 : i32 to index
          %get3A_772 = arith.constant 32 : index
          %get3A_773 = tpu.vector_load %arg11[%get3A_771, %get3A_772] {strides = array<i32>} : memref<100x64xf32, #tpu.memory_space<vmem>>, vector<1x16xf32>,
          %get3A_774 = vector.shape_cast %get3A_773 : vector<1x16xf32> to vector<16xf32>
          %add3A_775 = arith.addf %add3A_751, %get3A_774 : vector<16xf32>
          %get3A_776 = arith.index_cast %add3A_760 : i32 to index
          %get3A_777 = arith.constant 48 : index
          %get3A_778 = tpu.vector_load %arg11[%get3A_776, %get3A_777] {strides = array<i32>} : memref<100x64xf32, #tpu.memory_space<vmem>>, vector<1x16xf32>,
          %get3A_779 = vector.shape_cast %get3A_778 : vector<1x16xf32> to vector<16xf32>
          %add3A_780 = arith.addf %add3A_756, %get3A_779 : vector<16xf32>
          %mul3A_781 = arith.constant 10 : i32
          %mul3A_782 = arith.muli %scan3A_609, %mul3A_781 : i32
          %add3A_783 = arith.constant 7 : i32
          %add3A_784 = arith.addi %mul3A_782, %add3A_783 : i32
          %get3A_785 = arith.index_cast %add3A_784 : i32 to index
          %get3A_786 = arith.constant 0 : index
          %get3A_787 = tpu.vector_load %arg11[%get3A_785, %get3A_786] {strides = array<i32>} : memref<100x64xf32, #tpu.memory_space<vmem>>, vector<1x16xf32>,
          %get3A_788 = vector.shape_cast %get3A_787 : vector<1x16xf32> to vector<16xf32>
          %add3A_789 = arith.addf %add3A_765, %get3A_788 : vector<16xf32>
          %get3A_790 = arith.index_cast %add3A_784 : i32 to index
          %get3A_791 = arith.constant 16 : index
          %get3A_792 = tpu.vector_load %arg11[%get3A_790, %get3A_791] {strides = array<i32>} : memref<100x64xf32, #tpu.memory_space<vmem>>, vector<1x16xf32>,
          %get3A_793 = vector.shape_cast %get3A_792 : vector<1x16xf32> to vector<16xf32>
          %add3A_794 = arith.addf %add3A_770, %get3A_793 : vector<16xf32>
          %get3A_795 = arith.index_cast %add3A_784 : i32 to index
          %get3A_796 = arith.constant 32 : index
          %get3A_797 = tpu.vector_load %arg11[%get3A_795, %get3A_796] {strides = array<i32>} : memref<100x64xf32, #tpu.memory_space<vmem>>, vector<1x16xf32>,
          %get3A_798 = vector.shape_cast %get3A_797 : vector<1x16xf32> to vector<16xf32>
          %add3A_799 = arith.addf %add3A_775, %get3A_798 : vector<16xf32>
          %get3A_800 = arith.index_cast %add3A_784 : i32 to index
          %get3A_801 = arith.constant 48 : index
          %get3A_802 = tpu.vector_load %arg11[%get3A_800, %get3A_801] {strides = array<i32>} : memref<100x64xf32, #tpu.memory_space<vmem>>, vector<1x16xf32>,
          %get3A_803 = vector.shape_cast %get3A_802 : vector<1x16xf32> to vector<16xf32>
          %add3A_804 = arith.addf %add3A_780, %get3A_803 : vector<16xf32>
          %mul3A_805 = arith.constant 10 : i32
          %mul3A_806 = arith.muli %scan3A_609, %mul3A_805 : i32
          %add3A_807 = arith.constant 8 : i32
          %add3A_808 = arith.addi %mul3A_806, %add3A_807 : i32
          %get3A_809 = arith.index_cast %add3A_808 : i32 to index
          %get3A_810 = arith.constant 0 : index
          %get3A_811 = tpu.vector_load %arg11[%get3A_809, %get3A_810] {strides = array<i32>} : memref<100x64xf32, #tpu.memory_space<vmem>>, vector<1x16xf32>,
          %get3A_812 = vector.shape_cast %get3A_811 : vector<1x16xf32> to vector<16xf32>
          %add3A_813 = arith.addf %add3A_789, %get3A_812 : vector<16xf32>
          %get3A_814 = arith.index_cast %add3A_808 : i32 to index
          %get3A_815 = arith.constant 16 : index
          %get3A_816 = tpu.vector_load %arg11[%get3A_814, %get3A_815] {strides = array<i32>} : memref<100x64xf32, #tpu.memory_space<vmem>>, vector<1x16xf32>,
          %get3A_817 = vector.shape_cast %get3A_816 : vector<1x16xf32> to vector<16xf32>
          %add3A_818 = arith.addf %add3A_794, %get3A_817 : vector<16xf32>
          %get3A_819 = arith.index_cast %add3A_808 : i32 to index
          %get3A_820 = arith.constant 32 : index
          %get3A_821 = tpu.vector_load %arg11[%get3A_819, %get3A_820] {strides = array<i32>} : memref<100x64xf32, #tpu.memory_space<vmem>>, vector<1x16xf32>,
          %get3A_822 = vector.shape_cast %get3A_821 : vector<1x16xf32> to vector<16xf32>
          %add3A_823 = arith.addf %add3A_799, %get3A_822 : vector<16xf32>
          %get3A_824 = arith.index_cast %add3A_808 : i32 to index
          %get3A_825 = arith.constant 48 : index
          %get3A_826 = tpu.vector_load %arg11[%get3A_824, %get3A_825] {strides = array<i32>} : memref<100x64xf32, #tpu.memory_space<vmem>>, vector<1x16xf32>,
          %get3A_827 = vector.shape_cast %get3A_826 : vector<1x16xf32> to vector<16xf32>
          %add3A_828 = arith.addf %add3A_804, %get3A_827 : vector<16xf32>
          %mul3A_829 = arith.constant 10 : i32
          %mul3A_830 = arith.muli %scan3A_609, %mul3A_829 : i32
          %add3A_831 = arith.constant 9 : i32
          %add3A_832 = arith.addi %mul3A_830, %add3A_831 : i32
          %get3A_833 = arith.index_cast %add3A_832 : i32 to index
          %get3A_834 = arith.constant 0 : index
          %get3A_835 = tpu.vector_load %arg11[%get3A_833, %get3A_834] {strides = array<i32>} : memref<100x64xf32, #tpu.memory_space<vmem>>, vector<1x16xf32>,
          %get3A_836 = vector.shape_cast %get3A_835 : vector<1x16xf32> to vector<16xf32>
          %add3A_837 = arith.addf %add3A_813, %get3A_836 : vector<16xf32>
          %get3A_838 = arith.index_cast %add3A_832 : i32 to index
          %get3A_839 = arith.constant 16 : index
          %get3A_840 = tpu.vector_load %arg11[%get3A_838, %get3A_839] {strides = array<i32>} : memref<100x64xf32, #tpu.memory_space<vmem>>, vector<1x16xf32>,
          %get3A_841 = vector.shape_cast %get3A_840 : vector<1x16xf32> to vector<16xf32>
          %add3A_842 = arith.addf %add3A_818, %get3A_841 : vector<16xf32>
          %get3A_843 = arith.index_cast %add3A_832 : i32 to index
          %get3A_844 = arith.constant 32 : index
          %get3A_845 = tpu.vector_load %arg11[%get3A_843, %get3A_844] {strides = array<i32>} : memref<100x64xf32, #tpu.memory_space<vmem>>, vector<1x16xf32>,
          %get3A_846 = vector.shape_cast %get3A_845 : vector<1x16xf32> to vector<16xf32>
          %add3A_847 = arith.addf %add3A_823, %get3A_846 : vector<16xf32>
          %get3A_848 = arith.index_cast %add3A_832 : i32 to index
          %get3A_849 = arith.constant 48 : index
          %get3A_850 = tpu.vector_load %arg11[%get3A_848, %get3A_849] {strides = array<i32>} : memref<100x64xf32, #tpu.memory_space<vmem>>, vector<1x16xf32>,
          %get3A_851 = vector.shape_cast %get3A_850 : vector<1x16xf32> to vector<16xf32>
          %add3A_852 = arith.addf %add3A_828, %get3A_851 : vector<16xf32>
          scf.yield %add3A_837, %add3A_842, %add3A_847, %add3A_852 : vector<16xf32>, vector<16xf32>, vector<16xf32>, vector<16xf32>
        }
        %scan3A_493 = arith.constant 10 : i32
        %mul3A_494 = arith.constant 4 : i32
        %mul3A_495 = arith.muli %scan3A_298, %mul3A_494 : i32
        %add3A_496 = arith.addi %mul3A_75, %mul3A_495 : i32
        %add3A_497 = arith.constant 2 : i32
        %add3A_498 = arith.addi %add3A_496, %add3A_497 : i32
        %mul3A_499 = arith.mulf %scan3A_492#0, %broadcast_in_dim3A_5 : vector<16xf32>
        %swap3A_500 = arith.index_cast %add3A_498 : i32 to index
        %swap3A_501 = arith.constant 0 : index
        %swap3A_502 = tpu.vector_load %arg14[%swap3A_500, %swap3A_501] {strides = array<i32>} : memref<512x64xf32, #tpu.memory_space<vmem>>, vector<1x16xf32>,
        %swap3A_503 = vector.shape_cast %swap3A_502 : vector<1x16xf32> to vector<16xf32>
        %swap3A_504 = vector.shape_cast %mul3A_499 : vector<16xf32> to vector<1x16xf32>
        tpu.vector_store %arg14[%swap3A_500, %swap3A_501], %swap3A_504 {strides = array<i32>} : memref<512x64xf32, #tpu.memory_space<vmem>>, vector<1x16xf32>,
        %mul3A_505 = arith.mulf %scan3A_492#1, %broadcast_in_dim3A_5 : vector<16xf32>
        %swap3A_506 = arith.index_cast %add3A_498 : i32 to index
        %swap3A_507 = arith.constant 16 : index
        %swap3A_508 = tpu.vector_load %arg14[%swap3A_506, %swap3A_507] {strides = array<i32>} : memref<512x64xf32, #tpu.memory_space<vmem>>, vector<1x16xf32>,
        %swap3A_509 = vector.shape_cast %swap3A_508 : vector<1x16xf32> to vector<16xf32>
        %swap3A_510 = vector.shape_cast %mul3A_505 : vector<16xf32> to vector<1x16xf32>
        tpu.vector_store %arg14[%swap3A_506, %swap3A_507], %swap3A_510 {strides = array<i32>} : memref<512x64xf32, #tpu.memory_space<vmem>>, vector<1x16xf32>,
        %mul3A_511 = arith.mulf %scan3A_492#2, %broadcast_in_dim3A_5 : vector<16xf32>
        %swap3A_512 = arith.index_cast %add3A_498 : i32 to index
        %swap3A_513 = arith.constant 32 : index
        %swap3A_514 = tpu.vector_load %arg14[%swap3A_512, %swap3A_513] {strides = array<i32>} : memref<512x64xf32, #tpu.memory_space<vmem>>, vector<1x16xf32>,
        %swap3A_515 = vector.shape_cast %swap3A_514 : vector<1x16xf32> to vector<16xf32>
        %swap3A_516 = vector.shape_cast %mul3A_511 : vector<16xf32> to vector<1x16xf32>
        tpu.vector_store %arg14[%swap3A_512, %swap3A_513], %swap3A_516 {strides = array<i32>} : memref<512x64xf32, #tpu.memory_space<vmem>>, vector<1x16xf32>,
        %mul3A_517 = arith.mulf %scan3A_492#3, %broadcast_in_dim3A_5 : vector<16xf32>
        %swap3A_518 = arith.index_cast %add3A_498 : i32 to index
        %swap3A_519 = arith.constant 48 : index
        %swap3A_520 = tpu.vector_load %arg14[%swap3A_518, %swap3A_519] {strides = array<i32>} : memref<512x64xf32, #tpu.memory_space<vmem>>, vector<1x16xf32>,
        %swap3A_521 = vector.shape_cast %swap3A_520 : vector<1x16xf32> to vector<16xf32>
        %swap3A_522 = vector.shape_cast %mul3A_517 : vector<16xf32> to vector<1x16xf32>
        tpu.vector_store %arg14[%swap3A_518, %swap3A_519], %swap3A_522 {strides = array<i32>} : memref<512x64xf32, #tpu.memory_space<vmem>>, vector<1x16xf32>,
        %add3A_523 = arith.constant 8 : i32
        %add3A_524 = arith.addi %add3A_481, %add3A_523 : i32
        %dma_start3A_525 = arith.constant 0 : i32
        %dma_start3A_526 = tpu.memref_slice %arg5[%add3A_524, %dma_start3A_525] : memref<256x100xi32, #tpu.memory_space<vmem>> -> memref<1x100xi32, #tpu.memory_space<vmem>>
        %dma_start3A_527 = tpu.memref_squeeze %dma_start3A_526 : memref<1x100xi32, #tpu.memory_space<vmem>> -> memref<100xi32, #tpu.memory_space<vmem>>
        %dma_start3A_528 = arith.constant 0 : i32
        %dma_start3A_529 = arith.constant 0 : i32
        %dma_start3A_530 = tpu.memref_slice %arg3[%dma_start3A_528, %dma_start3A_529] : memref<1000000x64xf32, #tpu.memory_space<hbm>> -> memref<1000000x64xf32, #tpu.memory_space<hbm>>
        tpu.enqueue_indirect_dma source(%dma_start3A_530 : memref<1000000x64xf32, #tpu.memory_space<hbm>>) target(%arg11 : memref<100x64xf32, #tpu.memory_space<vmem>>) offsets(%dma_start3A_527 : memref<100xi32, #tpu.memory_space<vmem>>) semaphore(%arg20 : memref<!tpu.dma_semaphore, #tpu.memory_space<semaphore_mem>>)
        %mul3A_531 = arith.constant 8 : i32
        %mul3A_532 = arith.muli %scan3A_298, %mul3A_531 : i32
        %add3A_533 = arith.constant 6 : i32
        %add3A_534 = arith.addi %mul3A_532, %add3A_533 : i32
        %dma_wait3A_535 = arith.constant 0 : i32
        %dma_wait3A_536 = tpu.memref_slice %arg5[%add3A_534, %dma_wait3A_535] : memref<256x100xi32, #tpu.memory_space<vmem>> -> memref<1x100xi32, #tpu.memory_space<vmem>>
        %dma_wait3A_537 = tpu.memref_squeeze %dma_wait3A_536 : memref<1x100xi32, #tpu.memory_space<vmem>> -> memref<100xi32, #tpu.memory_space<vmem>>
        %dma_wait3A_538 = arith.constant 0 : i32
        %dma_wait3A_539 = arith.constant 0 : i32
        %dma_wait3A_540 = tpu.memref_slice %arg3[%dma_wait3A_538, %dma_wait3A_539] : memref<1000000x64xf32, #tpu.memory_space<hbm>> -> memref<1000000x64xf32, #tpu.memory_space<hbm>>
        tpu.wait_indirect_dma semaphore(%arg21 : memref<!tpu.dma_semaphore, #tpu.memory_space<semaphore_mem>>) src(%dma_wait3A_540 : memref<1000000x64xf32, #tpu.memory_space<hbm>>) dst(%arg12 : memref<100x64xf32, #tpu.memory_space<vmem>>)
        %scan3A_541 = arith.constant 0 : i32
        %scan3A_542 = arith.constant 10 : i32
        %scan3A_543 = arith.addi %scan3A_541, %scan3A_542 : i32
        %scan3A_544 = arith.constant 1 : i32
        %scan3A_545:4 = scf.for %scan3A_609 = %scan3A_541 to %scan3A_543 step %scan3A_544 iter_args(%scan3A_610 = %broadcast_in_dim3A_7, %scan3A_611 = %broadcast_in_dim3A_7, %scan3A_612 = %broadcast_in_dim3A_7, %scan3A_613 = %broadcast_in_dim3A_7) -> (vector<16xf32>, vector<16xf32>, vector<16xf32>, vector<16xf32>)  : i32 {
          %mul3A_614 = arith.constant 10 : i32
          %mul3A_615 = arith.muli %scan3A_609, %mul3A_614 : i32
          %add3A_616 = arith.constant 0 : i32
          %add3A_617 = arith.addi %mul3A_615, %add3A_616 : i32
          %get3A = arith.index_cast %add3A_617 : i32 to index
          %get3A_618 = arith.constant 0 : index
          %get3A_619 = tpu.vector_load %arg12[%get3A, %get3A_618] {strides = array<i32>} : memref<100x64xf32, #tpu.memory_space<vmem>>, vector<1x16xf32>,
          %get3A_620 = vector.shape_cast %get3A_619 : vector<1x16xf32> to vector<16xf32>
          %add3A_621 = arith.addf %scan3A_610, %get3A_620 : vector<16xf32>
          %get3A_622 = arith.index_cast %add3A_617 : i32 to index
          %get3A_623 = arith.constant 16 : index
          %get3A_624 = tpu.vector_load %arg12[%get3A_622, %get3A_623] {strides = array<i32>} : memref<100x64xf32, #tpu.memory_space<vmem>>, vector<1x16xf32>,
          %get3A_625 = vector.shape_cast %get3A_624 : vector<1x16xf32> to vector<16xf32>
          %add3A_626 = arith.addf %scan3A_611, %get3A_625 : vector<16xf32>
          %get3A_627 = arith.index_cast %add3A_617 : i32 to index
          %get3A_628 = arith.constant 32 : index
          %get3A_629 = tpu.vector_load %arg12[%get3A_627, %get3A_628] {strides = array<i32>} : memref<100x64xf32, #tpu.memory_space<vmem>>, vector<1x16xf32>,
          %get3A_630 = vector.shape_cast %get3A_629 : vector<1x16xf32> to vector<16xf32>
          %add3A_631 = arith.addf %scan3A_612, %get3A_630 : vector<16xf32>
          %get3A_632 = arith.index_cast %add3A_617 : i32 to index
          %get3A_633 = arith.constant 48 : index
          %get3A_634 = tpu.vector_load %arg12[%get3A_632, %get3A_633] {strides = array<i32>} : memref<100x64xf32, #tpu.memory_space<vmem>>, vector<1x16xf32>,
          %get3A_635 = vector.shape_cast %get3A_634 : vector<1x16xf32> to vector<16xf32>
          %add3A_636 = arith.addf %scan3A_613, %get3A_635 : vector<16xf32>
          %mul3A_637 = arith.constant 10 : i32
          %mul3A_638 = arith.muli %scan3A_609, %mul3A_637 : i32
          %add3A_639 = arith.constant 1 : i32
          %add3A_640 = arith.addi %mul3A_638, %add3A_639 : i32
          %get3A_641 = arith.index_cast %add3A_640 : i32 to index
          %get3A_642 = arith.constant 0 : index
          %get3A_643 = tpu.vector_load %arg12[%get3A_641, %get3A_642] {strides = array<i32>} : memref<100x64xf32, #tpu.memory_space<vmem>>, vector<1x16xf32>,
          %get3A_644 = vector.shape_cast %get3A_643 : vector<1x16xf32> to vector<16xf32>
          %add3A_645 = arith.addf %add3A_621, %get3A_644 : vector<16xf32>
          %get3A_646 = arith.index_cast %add3A_640 : i32 to index
          %get3A_647 = arith.constant 16 : index
          %get3A_648 = tpu.vector_load %arg12[%get3A_646, %get3A_647] {strides = array<i32>} : memref<100x64xf32, #tpu.memory_space<vmem>>, vector<1x16xf32>,
          %get3A_649 = vector.shape_cast %get3A_648 : vector<1x16xf32> to vector<16xf32>
          %add3A_650 = arith.addf %add3A_626, %get3A_649 : vector<16xf32>
          %get3A_651 = arith.index_cast %add3A_640 : i32 to index
          %get3A_652 = arith.constant 32 : index
          %get3A_653 = tpu.vector_load %arg12[%get3A_651, %get3A_652] {strides = array<i32>} : memref<100x64xf32, #tpu.memory_space<vmem>>, vector<1x16xf32>,
          %get3A_654 = vector.shape_cast %get3A_653 : vector<1x16xf32> to vector<16xf32>
          %add3A_655 = arith.addf %add3A_631, %get3A_654 : vector<16xf32>
          %get3A_656 = arith.index_cast %add3A_640 : i32 to index
          %get3A_657 = arith.constant 48 : index
          %get3A_658 = tpu.vector_load %arg12[%get3A_656, %get3A_657] {strides = array<i32>} : memref<100x64xf32, #tpu.memory_space<vmem>>, vector<1x16xf32>,
          %get3A_659 = vector.shape_cast %get3A_658 : vector<1x16xf32> to vector<16xf32>
          %add3A_660 = arith.addf %add3A_636, %get3A_659 : vector<16xf32>
          %mul3A_661 = arith.constant 10 : i32
          %mul3A_662 = arith.muli %scan3A_609, %mul3A_661 : i32
          %add3A_663 = arith.constant 2 : i32
          %add3A_664 = arith.addi %mul3A_662, %add3A_663 : i32
          %get3A_665 = arith.index_cast %add3A_664 : i32 to index
          %get3A_666 = arith.constant 0 : index
          %get3A_667 = tpu.vector_load %arg12[%get3A_665, %get3A_666] {strides = array<i32>} : memref<100x64xf32, #tpu.memory_space<vmem>>, vector<1x16xf32>,
          %get3A_668 = vector.shape_cast %get3A_667 : vector<1x16xf32> to vector<16xf32>
          %add3A_669 = arith.addf %add3A_645, %get3A_668 : vector<16xf32>
          %get3A_670 = arith.index_cast %add3A_664 : i32 to index
          %get3A_671 = arith.constant 16 : index
          %get3A_672 = tpu.vector_load %arg12[%get3A_670, %get3A_671] {strides = array<i32>} : memref<100x64xf32, #tpu.memory_space<vmem>>, vector<1x16xf32>,
          %get3A_673 = vector.shape_cast %get3A_672 : vector<1x16xf32> to vector<16xf32>
          %add3A_674 = arith.addf %add3A_650, %get3A_673 : vector<16xf32>
          %get3A_675 = arith.index_cast %add3A_664 : i32 to index
          %get3A_676 = arith.constant 32 : index
          %get3A_677 = tpu.vector_load %arg12[%get3A_675, %get3A_676] {strides = array<i32>} : memref<100x64xf32, #tpu.memory_space<vmem>>, vector<1x16xf32>,
          %get3A_678 = vector.shape_cast %get3A_677 : vector<1x16xf32> to vector<16xf32>
          %add3A_679 = arith.addf %add3A_655, %get3A_678 : vector<16xf32>
          %get3A_680 = arith.index_cast %add3A_664 : i32 to index
          %get3A_681 = arith.constant 48 : index
          %get3A_682 = tpu.vector_load %arg12[%get3A_680, %get3A_681] {strides = array<i32>} : memref<100x64xf32, #tpu.memory_space<vmem>>, vector<1x16xf32>,
          %get3A_683 = vector.shape_cast %get3A_682 : vector<1x16xf32> to vector<16xf32>
          %add3A_684 = arith.addf %add3A_660, %get3A_683 : vector<16xf32>
          %mul3A_685 = arith.constant 10 : i32
          %mul3A_686 = arith.muli %scan3A_609, %mul3A_685 : i32
          %add3A_687 = arith.constant 3 : i32
          %add3A_688 = arith.addi %mul3A_686, %add3A_687 : i32
          %get3A_689 = arith.index_cast %add3A_688 : i32 to index
          %get3A_690 = arith.constant 0 : index
          %get3A_691 = tpu.vector_load %arg12[%get3A_689, %get3A_690] {strides = array<i32>} : memref<100x64xf32, #tpu.memory_space<vmem>>, vector<1x16xf32>,
          %get3A_692 = vector.shape_cast %get3A_691 : vector<1x16xf32> to vector<16xf32>
          %add3A_693 = arith.addf %add3A_669, %get3A_692 : vector<16xf32>
          %get3A_694 = arith.index_cast %add3A_688 : i32 to index
          %get3A_695 = arith.constant 16 : index
          %get3A_696 = tpu.vector_load %arg12[%get3A_694, %get3A_695] {strides = array<i32>} : memref<100x64xf32, #tpu.memory_space<vmem>>, vector<1x16xf32>,
          %get3A_697 = vector.shape_cast %get3A_696 : vector<1x16xf32> to vector<16xf32>
          %add3A_698 = arith.addf %add3A_674, %get3A_697 : vector<16xf32>
          %get3A_699 = arith.index_cast %add3A_688 : i32 to index
          %get3A_700 = arith.constant 32 : index
          %get3A_701 = tpu.vector_load %arg12[%get3A_699, %get3A_700] {strides = array<i32>} : memref<100x64xf32, #tpu.memory_space<vmem>>, vector<1x16xf32>,
          %get3A_702 = vector.shape_cast %get3A_701 : vector<1x16xf32> to vector<16xf32>
          %add3A_703 = arith.addf %add3A_679, %get3A_702 : vector<16xf32>
          %get3A_704 = arith.index_cast %add3A_688 : i32 to index
          %get3A_705 = arith.constant 48 : index
          %get3A_706 = tpu.vector_load %arg12[%get3A_704, %get3A_705] {strides = array<i32>} : memref<100x64xf32, #tpu.memory_space<vmem>>, vector<1x16xf32>,
          %get3A_707 = vector.shape_cast %get3A_706 : vector<1x16xf32> to vector<16xf32>
          %add3A_708 = arith.addf %add3A_684, %get3A_707 : vector<16xf32>
          %mul3A_709 = arith.constant 10 : i32
          %mul3A_710 = arith.muli %scan3A_609, %mul3A_709 : i32
          %add3A_711 = arith.constant 4 : i32
          %add3A_712 = arith.addi %mul3A_710, %add3A_711 : i32
          %get3A_713 = arith.index_cast %add3A_712 : i32 to index
          %get3A_714 = arith.constant 0 : index
          %get3A_715 = tpu.vector_load %arg12[%get3A_713, %get3A_714] {strides = array<i32>} : memref<100x64xf32, #tpu.memory_space<vmem>>, vector<1x16xf32>,
          %get3A_716 = vector.shape_cast %get3A_715 : vector<1x16xf32> to vector<16xf32>
          %add3A_717 = arith.addf %add3A_693, %get3A_716 : vector<16xf32>
          %get3A_718 = arith.index_cast %add3A_712 : i32 to index
          %get3A_719 = arith.constant 16 : index
          %get3A_720 = tpu.vector_load %arg12[%get3A_718, %get3A_719] {strides = array<i32>} : memref<100x64xf32, #tpu.memory_space<vmem>>, vector<1x16xf32>,
          %get3A_721 = vector.shape_cast %get3A_720 : vector<1x16xf32> to vector<16xf32>
          %add3A_722 = arith.addf %add3A_698, %get3A_721 : vector<16xf32>
          %get3A_723 = arith.index_cast %add3A_712 : i32 to index
          %get3A_724 = arith.constant 32 : index
          %get3A_725 = tpu.vector_load %arg12[%get3A_723, %get3A_724] {strides = array<i32>} : memref<100x64xf32, #tpu.memory_space<vmem>>, vector<1x16xf32>,
          %get3A_726 = vector.shape_cast %get3A_725 : vector<1x16xf32> to vector<16xf32>
          %add3A_727 = arith.addf %add3A_703, %get3A_726 : vector<16xf32>
          %get3A_728 = arith.index_cast %add3A_712 : i32 to index
          %get3A_729 = arith.constant 48 : index
          %get3A_730 = tpu.vector_load %arg12[%get3A_728, %get3A_729] {strides = array<i32>} : memref<100x64xf32, #tpu.memory_space<vmem>>, vector<1x16xf32>,
          %get3A_731 = vector.shape_cast %get3A_730 : vector<1x16xf32> to vector<16xf32>
          %add3A_732 = arith.addf %add3A_708, %get3A_731 : vector<16xf32>
          %mul3A_733 = arith.constant 10 : i32
          %mul3A_734 = arith.muli %scan3A_609, %mul3A_733 : i32
          %add3A_735 = arith.constant 5 : i32
          %add3A_736 = arith.addi %mul3A_734, %add3A_735 : i32
          %get3A_737 = arith.index_cast %add3A_736 : i32 to index
          %get3A_738 = arith.constant 0 : index
          %get3A_739 = tpu.vector_load %arg12[%get3A_737, %get3A_738] {strides = array<i32>} : memref<100x64xf32, #tpu.memory_space<vmem>>, vector<1x16xf32>,
          %get3A_740 = vector.shape_cast %get3A_739 : vector<1x16xf32> to vector<16xf32>
          %add3A_741 = arith.addf %add3A_717, %get3A_740 : vector<16xf32>
          %get3A_742 = arith.index_cast %add3A_736 : i32 to index
          %get3A_743 = arith.constant 16 : index
          %get3A_744 = tpu.vector_load %arg12[%get3A_742, %get3A_743] {strides = array<i32>} : memref<100x64xf32, #tpu.memory_space<vmem>>, vector<1x16xf32>,
          %get3A_745 = vector.shape_cast %get3A_744 : vector<1x16xf32> to vector<16xf32>
          %add3A_746 = arith.addf %add3A_722, %get3A_745 : vector<16xf32>
          %get3A_747 = arith.index_cast %add3A_736 : i32 to index
          %get3A_748 = arith.constant 32 : index
          %get3A_749 = tpu.vector_load %arg12[%get3A_747, %get3A_748] {strides = array<i32>} : memref<100x64xf32, #tpu.memory_space<vmem>>, vector<1x16xf32>,
          %get3A_750 = vector.shape_cast %get3A_749 : vector<1x16xf32> to vector<16xf32>
          %add3A_751 = arith.addf %add3A_727, %get3A_750 : vector<16xf32>
          %get3A_752 = arith.index_cast %add3A_736 : i32 to index
          %get3A_753 = arith.constant 48 : index
          %get3A_754 = tpu.vector_load %arg12[%get3A_752, %get3A_753] {strides = array<i32>} : memref<100x64xf32, #tpu.memory_space<vmem>>, vector<1x16xf32>,
          %get3A_755 = vector.shape_cast %get3A_754 : vector<1x16xf32> to vector<16xf32>
          %add3A_756 = arith.addf %add3A_732, %get3A_755 : vector<16xf32>
          %mul3A_757 = arith.constant 10 : i32
          %mul3A_758 = arith.muli %scan3A_609, %mul3A_757 : i32
          %add3A_759 = arith.constant 6 : i32
          %add3A_760 = arith.addi %mul3A_758, %add3A_759 : i32
          %get3A_761 = arith.index_cast %add3A_760 : i32 to index
          %get3A_762 = arith.constant 0 : index
          %get3A_763 = tpu.vector_load %arg12[%get3A_761, %get3A_762] {strides = array<i32>} : memref<100x64xf32, #tpu.memory_space<vmem>>, vector<1x16xf32>,
          %get3A_764 = vector.shape_cast %get3A_763 : vector<1x16xf32> to vector<16xf32>
          %add3A_765 = arith.addf %add3A_741, %get3A_764 : vector<16xf32>
          %get3A_766 = arith.index_cast %add3A_760 : i32 to index
          %get3A_767 = arith.constant 16 : index
          %get3A_768 = tpu.vector_load %arg12[%get3A_766, %get3A_767] {strides = array<i32>} : memref<100x64xf32, #tpu.memory_space<vmem>>, vector<1x16xf32>,
          %get3A_769 = vector.shape_cast %get3A_768 : vector<1x16xf32> to vector<16xf32>
          %add3A_770 = arith.addf %add3A_746, %get3A_769 : vector<16xf32>
          %get3A_771 = arith.index_cast %add3A_760 : i32 to index
          %get3A_772 = arith.constant 32 : index
          %get3A_773 = tpu.vector_load %arg12[%get3A_771, %get3A_772] {strides = array<i32>} : memref<100x64xf32, #tpu.memory_space<vmem>>, vector<1x16xf32>,
          %get3A_774 = vector.shape_cast %get3A_773 : vector<1x16xf32> to vector<16xf32>
          %add3A_775 = arith.addf %add3A_751, %get3A_774 : vector<16xf32>
          %get3A_776 = arith.index_cast %add3A_760 : i32 to index
          %get3A_777 = arith.constant 48 : index
          %get3A_778 = tpu.vector_load %arg12[%get3A_776, %get3A_777] {strides = array<i32>} : memref<100x64xf32, #tpu.memory_space<vmem>>, vector<1x16xf32>,
          %get3A_779 = vector.shape_cast %get3A_778 : vector<1x16xf32> to vector<16xf32>
          %add3A_780 = arith.addf %add3A_756, %get3A_779 : vector<16xf32>
          %mul3A_781 = arith.constant 10 : i32
          %mul3A_782 = arith.muli %scan3A_609, %mul3A_781 : i32
          %add3A_783 = arith.constant 7 : i32
          %add3A_784 = arith.addi %mul3A_782, %add3A_783 : i32
          %get3A_785 = arith.index_cast %add3A_784 : i32 to index
          %get3A_786 = arith.constant 0 : index
          %get3A_787 = tpu.vector_load %arg12[%get3A_785, %get3A_786] {strides = array<i32>} : memref<100x64xf32, #tpu.memory_space<vmem>>, vector<1x16xf32>,
          %get3A_788 = vector.shape_cast %get3A_787 : vector<1x16xf32> to vector<16xf32>
          %add3A_789 = arith.addf %add3A_765, %get3A_788 : vector<16xf32>
          %get3A_790 = arith.index_cast %add3A_784 : i32 to index
          %get3A_791 = arith.constant 16 : index
          %get3A_792 = tpu.vector_load %arg12[%get3A_790, %get3A_791] {strides = array<i32>} : memref<100x64xf32, #tpu.memory_space<vmem>>, vector<1x16xf32>,
          %get3A_793 = vector.shape_cast %get3A_792 : vector<1x16xf32> to vector<16xf32>
          %add3A_794 = arith.addf %add3A_770, %get3A_793 : vector<16xf32>
          %get3A_795 = arith.index_cast %add3A_784 : i32 to index
          %get3A_796 = arith.constant 32 : index
          %get3A_797 = tpu.vector_load %arg12[%get3A_795, %get3A_796] {strides = array<i32>} : memref<100x64xf32, #tpu.memory_space<vmem>>, vector<1x16xf32>,
          %get3A_798 = vector.shape_cast %get3A_797 : vector<1x16xf32> to vector<16xf32>
          %add3A_799 = arith.addf %add3A_775, %get3A_798 : vector<16xf32>
          %get3A_800 = arith.index_cast %add3A_784 : i32 to index
          %get3A_801 = arith.constant 48 : index
          %get3A_802 = tpu.vector_load %arg12[%get3A_800, %get3A_801] {strides = array<i32>} : memref<100x64xf32, #tpu.memory_space<vmem>>, vector<1x16xf32>,
          %get3A_803 = vector.shape_cast %get3A_802 : vector<1x16xf32> to vector<16xf32>
          %add3A_804 = arith.addf %add3A_780, %get3A_803 : vector<16xf32>
          %mul3A_805 = arith.constant 10 : i32
          %mul3A_806 = arith.muli %scan3A_609, %mul3A_805 : i32
          %add3A_807 = arith.constant 8 : i32
          %add3A_808 = arith.addi %mul3A_806, %add3A_807 : i32
          %get3A_809 = arith.index_cast %add3A_808 : i32 to index
          %get3A_810 = arith.constant 0 : index
          %get3A_811 = tpu.vector_load %arg12[%get3A_809, %get3A_810] {strides = array<i32>} : memref<100x64xf32, #tpu.memory_space<vmem>>, vector<1x16xf32>,
          %get3A_812 = vector.shape_cast %get3A_811 : vector<1x16xf32> to vector<16xf32>
          %add3A_813 = arith.addf %add3A_789, %get3A_812 : vector<16xf32>
          %get3A_814 = arith.index_cast %add3A_808 : i32 to index
          %get3A_815 = arith.constant 16 : index
          %get3A_816 = tpu.vector_load %arg12[%get3A_814, %get3A_815] {strides = array<i32>} : memref<100x64xf32, #tpu.memory_space<vmem>>, vector<1x16xf32>,
          %get3A_817 = vector.shape_cast %get3A_816 : vector<1x16xf32> to vector<16xf32>
          %add3A_818 = arith.addf %add3A_794, %get3A_817 : vector<16xf32>
          %get3A_819 = arith.index_cast %add3A_808 : i32 to index
          %get3A_820 = arith.constant 32 : index
          %get3A_821 = tpu.vector_load %arg12[%get3A_819, %get3A_820] {strides = array<i32>} : memref<100x64xf32, #tpu.memory_space<vmem>>, vector<1x16xf32>,
          %get3A_822 = vector.shape_cast %get3A_821 : vector<1x16xf32> to vector<16xf32>
          %add3A_823 = arith.addf %add3A_799, %get3A_822 : vector<16xf32>
          %get3A_824 = arith.index_cast %add3A_808 : i32 to index
          %get3A_825 = arith.constant 48 : index
          %get3A_826 = tpu.vector_load %arg12[%get3A_824, %get3A_825] {strides = array<i32>} : memref<100x64xf32, #tpu.memory_space<vmem>>, vector<1x16xf32>,
          %get3A_827 = vector.shape_cast %get3A_826 : vector<1x16xf32> to vector<16xf32>
          %add3A_828 = arith.addf %add3A_804, %get3A_827 : vector<16xf32>
          %mul3A_829 = arith.constant 10 : i32
          %mul3A_830 = arith.muli %scan3A_609, %mul3A_829 : i32
          %add3A_831 = arith.constant 9 : i32
          %add3A_832 = arith.addi %mul3A_830, %add3A_831 : i32
          %get3A_833 = arith.index_cast %add3A_832 : i32 to index
          %get3A_834 = arith.constant 0 : index
          %get3A_835 = tpu.vector_load %arg12[%get3A_833, %get3A_834] {strides = array<i32>} : memref<100x64xf32, #tpu.memory_space<vmem>>, vector<1x16xf32>,
          %get3A_836 = vector.shape_cast %get3A_835 : vector<1x16xf32> to vector<16xf32>
          %add3A_837 = arith.addf %add3A_813, %get3A_836 : vector<16xf32>
          %get3A_838 = arith.index_cast %add3A_832 : i32 to index
          %get3A_839 = arith.constant 16 : index
          %get3A_840 = tpu.vector_load %arg12[%get3A_838, %get3A_839] {strides = array<i32>} : memref<100x64xf32, #tpu.memory_space<vmem>>, vector<1x16xf32>,
          %get3A_841 = vector.shape_cast %get3A_840 : vector<1x16xf32> to vector<16xf32>
          %add3A_842 = arith.addf %add3A_818, %get3A_841 : vector<16xf32>
          %get3A_843 = arith.index_cast %add3A_832 : i32 to index
          %get3A_844 = arith.constant 32 : index
          %get3A_845 = tpu.vector_load %arg12[%get3A_843, %get3A_844] {strides = array<i32>} : memref<100x64xf32, #tpu.memory_space<vmem>>, vector<1x16xf32>,
          %get3A_846 = vector.shape_cast %get3A_845 : vector<1x16xf32> to vector<16xf32>
          %add3A_847 = arith.addf %add3A_823, %get3A_846 : vector<16xf32>
          %get3A_848 = arith.index_cast %add3A_832 : i32 to index
          %get3A_849 = arith.constant 48 : index
          %get3A_850 = tpu.vector_load %arg12[%get3A_848, %get3A_849] {strides = array<i32>} : memref<100x64xf32, #tpu.memory_space<vmem>>, vector<1x16xf32>,
          %get3A_851 = vector.shape_cast %get3A_850 : vector<1x16xf32> to vector<16xf32>
          %add3A_852 = arith.addf %add3A_828, %get3A_851 : vector<16xf32>
          scf.yield %add3A_837, %add3A_842, %add3A_847, %add3A_852 : vector<16xf32>, vector<16xf32>, vector<16xf32>, vector<16xf32>
        }
        %scan3A_546 = arith.constant 10 : i32
        %add3A_547 = arith.constant 8 : i32
        %add3A_548 = arith.addi %add3A_534, %add3A_547 : i32
        %dma_start3A_549 = arith.constant 0 : i32
        %dma_start3A_550 = tpu.memref_slice %arg5[%add3A_548, %dma_start3A_549] : memref<256x100xi32, #tpu.memory_space<vmem>> -> memref<1x100xi32, #tpu.memory_space<vmem>>
        %dma_start3A_551 = tpu.memref_squeeze %dma_start3A_550 : memref<1x100xi32, #tpu.memory_space<vmem>> -> memref<100xi32, #tpu.memory_space<vmem>>
        %dma_start3A_552 = arith.constant 0 : i32
        %dma_start3A_553 = arith.constant 0 : i32
        %dma_start3A_554 = tpu.memref_slice %arg3[%dma_start3A_552, %dma_start3A_553] : memref<1000000x64xf32, #tpu.memory_space<hbm>> -> memref<1000000x64xf32, #tpu.memory_space<hbm>>
        tpu.enqueue_indirect_dma source(%dma_start3A_554 : memref<1000000x64xf32, #tpu.memory_space<hbm>>) target(%arg12 : memref<100x64xf32, #tpu.memory_space<vmem>>) offsets(%dma_start3A_551 : memref<100xi32, #tpu.memory_space<vmem>>) semaphore(%arg21 : memref<!tpu.dma_semaphore, #tpu.memory_space<semaphore_mem>>)
        %mul3A_555 = arith.constant 8 : i32
        %mul3A_556 = arith.muli %scan3A_298, %mul3A_555 : i32
        %add3A_557 = arith.constant 7 : i32
        %add3A_558 = arith.addi %mul3A_556, %add3A_557 : i32
        %dma_wait3A_559 = arith.constant 0 : i32
        %dma_wait3A_560 = tpu.memref_slice %arg5[%add3A_558, %dma_wait3A_559] : memref<256x100xi32, #tpu.memory_space<vmem>> -> memref<1x100xi32, #tpu.memory_space<vmem>>
        %dma_wait3A_561 = tpu.memref_squeeze %dma_wait3A_560 : memref<1x100xi32, #tpu.memory_space<vmem>> -> memref<100xi32, #tpu.memory_space<vmem>>
        %dma_wait3A_562 = arith.constant 0 : i32
        %dma_wait3A_563 = arith.constant 0 : i32
        %dma_wait3A_564 = tpu.memref_slice %arg3[%dma_wait3A_562, %dma_wait3A_563] : memref<1000000x64xf32, #tpu.memory_space<hbm>> -> memref<1000000x64xf32, #tpu.memory_space<hbm>>
        tpu.wait_indirect_dma semaphore(%arg22 : memref<!tpu.dma_semaphore, #tpu.memory_space<semaphore_mem>>) src(%dma_wait3A_564 : memref<1000000x64xf32, #tpu.memory_space<hbm>>) dst(%arg13 : memref<100x64xf32, #tpu.memory_space<vmem>>)
        %scan3A_565 = arith.constant 0 : i32
        %scan3A_566 = arith.constant 10 : i32
        %scan3A_567 = arith.addi %scan3A_565, %scan3A_566 : i32
        %scan3A_568 = arith.constant 1 : i32
        %scan3A_569:4 = scf.for %scan3A_609 = %scan3A_565 to %scan3A_567 step %scan3A_568 iter_args(%scan3A_610 = %scan3A_545#0, %scan3A_611 = %scan3A_545#1, %scan3A_612 = %scan3A_545#2, %scan3A_613 = %scan3A_545#3) -> (vector<16xf32>, vector<16xf32>, vector<16xf32>, vector<16xf32>)  : i32 {
          %mul3A_614 = arith.constant 10 : i32
          %mul3A_615 = arith.muli %scan3A_609, %mul3A_614 : i32
          %add3A_616 = arith.constant 0 : i32
          %add3A_617 = arith.addi %mul3A_615, %add3A_616 : i32
          %get3A = arith.index_cast %add3A_617 : i32 to index
          %get3A_618 = arith.constant 0 : index
          %get3A_619 = tpu.vector_load %arg13[%get3A, %get3A_618] {strides = array<i32>} : memref<100x64xf32, #tpu.memory_space<vmem>>, vector<1x16xf32>,
          %get3A_620 = vector.shape_cast %get3A_619 : vector<1x16xf32> to vector<16xf32>
          %add3A_621 = arith.addf %scan3A_610, %get3A_620 : vector<16xf32>
          %get3A_622 = arith.index_cast %add3A_617 : i32 to index
          %get3A_623 = arith.constant 16 : index
          %get3A_624 = tpu.vector_load %arg13[%get3A_622, %get3A_623] {strides = array<i32>} : memref<100x64xf32, #tpu.memory_space<vmem>>, vector<1x16xf32>,
          %get3A_625 = vector.shape_cast %get3A_624 : vector<1x16xf32> to vector<16xf32>
          %add3A_626 = arith.addf %scan3A_611, %get3A_625 : vector<16xf32>
          %get3A_627 = arith.index_cast %add3A_617 : i32 to index
          %get3A_628 = arith.constant 32 : index
          %get3A_629 = tpu.vector_load %arg13[%get3A_627, %get3A_628] {strides = array<i32>} : memref<100x64xf32, #tpu.memory_space<vmem>>, vector<1x16xf32>,
          %get3A_630 = vector.shape_cast %get3A_629 : vector<1x16xf32> to vector<16xf32>
          %add3A_631 = arith.addf %scan3A_612, %get3A_630 : vector<16xf32>
          %get3A_632 = arith.index_cast %add3A_617 : i32 to index
          %get3A_633 = arith.constant 48 : index
          %get3A_634 = tpu.vector_load %arg13[%get3A_632, %get3A_633] {strides = array<i32>} : memref<100x64xf32, #tpu.memory_space<vmem>>, vector<1x16xf32>,
          %get3A_635 = vector.shape_cast %get3A_634 : vector<1x16xf32> to vector<16xf32>
          %add3A_636 = arith.addf %scan3A_613, %get3A_635 : vector<16xf32>
          %mul3A_637 = arith.constant 10 : i32
          %mul3A_638 = arith.muli %scan3A_609, %mul3A_637 : i32
          %add3A_639 = arith.constant 1 : i32
          %add3A_640 = arith.addi %mul3A_638, %add3A_639 : i32
          %get3A_641 = arith.index_cast %add3A_640 : i32 to index
          %get3A_642 = arith.constant 0 : index
          %get3A_643 = tpu.vector_load %arg13[%get3A_641, %get3A_642] {strides = array<i32>} : memref<100x64xf32, #tpu.memory_space<vmem>>, vector<1x16xf32>,
          %get3A_644 = vector.shape_cast %get3A_643 : vector<1x16xf32> to vector<16xf32>
          %add3A_645 = arith.addf %add3A_621, %get3A_644 : vector<16xf32>
          %get3A_646 = arith.index_cast %add3A_640 : i32 to index
          %get3A_647 = arith.constant 16 : index
          %get3A_648 = tpu.vector_load %arg13[%get3A_646, %get3A_647] {strides = array<i32>} : memref<100x64xf32, #tpu.memory_space<vmem>>, vector<1x16xf32>,
          %get3A_649 = vector.shape_cast %get3A_648 : vector<1x16xf32> to vector<16xf32>
          %add3A_650 = arith.addf %add3A_626, %get3A_649 : vector<16xf32>
          %get3A_651 = arith.index_cast %add3A_640 : i32 to index
          %get3A_652 = arith.constant 32 : index
          %get3A_653 = tpu.vector_load %arg13[%get3A_651, %get3A_652] {strides = array<i32>} : memref<100x64xf32, #tpu.memory_space<vmem>>, vector<1x16xf32>,
          %get3A_654 = vector.shape_cast %get3A_653 : vector<1x16xf32> to vector<16xf32>
          %add3A_655 = arith.addf %add3A_631, %get3A_654 : vector<16xf32>
          %get3A_656 = arith.index_cast %add3A_640 : i32 to index
          %get3A_657 = arith.constant 48 : index
          %get3A_658 = tpu.vector_load %arg13[%get3A_656, %get3A_657] {strides = array<i32>} : memref<100x64xf32, #tpu.memory_space<vmem>>, vector<1x16xf32>,
          %get3A_659 = vector.shape_cast %get3A_658 : vector<1x16xf32> to vector<16xf32>
          %add3A_660 = arith.addf %add3A_636, %get3A_659 : vector<16xf32>
          %mul3A_661 = arith.constant 10 : i32
          %mul3A_662 = arith.muli %scan3A_609, %mul3A_661 : i32
          %add3A_663 = arith.constant 2 : i32
          %add3A_664 = arith.addi %mul3A_662, %add3A_663 : i32
          %get3A_665 = arith.index_cast %add3A_664 : i32 to index
          %get3A_666 = arith.constant 0 : index
          %get3A_667 = tpu.vector_load %arg13[%get3A_665, %get3A_666] {strides = array<i32>} : memref<100x64xf32, #tpu.memory_space<vmem>>, vector<1x16xf32>,
          %get3A_668 = vector.shape_cast %get3A_667 : vector<1x16xf32> to vector<16xf32>
          %add3A_669 = arith.addf %add3A_645, %get3A_668 : vector<16xf32>
          %get3A_670 = arith.index_cast %add3A_664 : i32 to index
          %get3A_671 = arith.constant 16 : index
          %get3A_672 = tpu.vector_load %arg13[%get3A_670, %get3A_671] {strides = array<i32>} : memref<100x64xf32, #tpu.memory_space<vmem>>, vector<1x16xf32>,
          %get3A_673 = vector.shape_cast %get3A_672 : vector<1x16xf32> to vector<16xf32>
          %add3A_674 = arith.addf %add3A_650, %get3A_673 : vector<16xf32>
          %get3A_675 = arith.index_cast %add3A_664 : i32 to index
          %get3A_676 = arith.constant 32 : index
          %get3A_677 = tpu.vector_load %arg13[%get3A_675, %get3A_676] {strides = array<i32>} : memref<100x64xf32, #tpu.memory_space<vmem>>, vector<1x16xf32>,
          %get3A_678 = vector.shape_cast %get3A_677 : vector<1x16xf32> to vector<16xf32>
          %add3A_679 = arith.addf %add3A_655, %get3A_678 : vector<16xf32>
          %get3A_680 = arith.index_cast %add3A_664 : i32 to index
          %get3A_681 = arith.constant 48 : index
          %get3A_682 = tpu.vector_load %arg13[%get3A_680, %get3A_681] {strides = array<i32>} : memref<100x64xf32, #tpu.memory_space<vmem>>, vector<1x16xf32>,
          %get3A_683 = vector.shape_cast %get3A_682 : vector<1x16xf32> to vector<16xf32>
          %add3A_684 = arith.addf %add3A_660, %get3A_683 : vector<16xf32>
          %mul3A_685 = arith.constant 10 : i32
          %mul3A_686 = arith.muli %scan3A_609, %mul3A_685 : i32
          %add3A_687 = arith.constant 3 : i32
          %add3A_688 = arith.addi %mul3A_686, %add3A_687 : i32
          %get3A_689 = arith.index_cast %add3A_688 : i32 to index
          %get3A_690 = arith.constant 0 : index
          %get3A_691 = tpu.vector_load %arg13[%get3A_689, %get3A_690] {strides = array<i32>} : memref<100x64xf32, #tpu.memory_space<vmem>>, vector<1x16xf32>,
          %get3A_692 = vector.shape_cast %get3A_691 : vector<1x16xf32> to vector<16xf32>
          %add3A_693 = arith.addf %add3A_669, %get3A_692 : vector<16xf32>
          %get3A_694 = arith.index_cast %add3A_688 : i32 to index
          %get3A_695 = arith.constant 16 : index
          %get3A_696 = tpu.vector_load %arg13[%get3A_694, %get3A_695] {strides = array<i32>} : memref<100x64xf32, #tpu.memory_space<vmem>>, vector<1x16xf32>,
          %get3A_697 = vector.shape_cast %get3A_696 : vector<1x16xf32> to vector<16xf32>
          %add3A_698 = arith.addf %add3A_674, %get3A_697 : vector<16xf32>
          %get3A_699 = arith.index_cast %add3A_688 : i32 to index
          %get3A_700 = arith.constant 32 : index
          %get3A_701 = tpu.vector_load %arg13[%get3A_699, %get3A_700] {strides = array<i32>} : memref<100x64xf32, #tpu.memory_space<vmem>>, vector<1x16xf32>,
          %get3A_702 = vector.shape_cast %get3A_701 : vector<1x16xf32> to vector<16xf32>
          %add3A_703 = arith.addf %add3A_679, %get3A_702 : vector<16xf32>
          %get3A_704 = arith.index_cast %add3A_688 : i32 to index
          %get3A_705 = arith.constant 48 : index
          %get3A_706 = tpu.vector_load %arg13[%get3A_704, %get3A_705] {strides = array<i32>} : memref<100x64xf32, #tpu.memory_space<vmem>>, vector<1x16xf32>,
          %get3A_707 = vector.shape_cast %get3A_706 : vector<1x16xf32> to vector<16xf32>
          %add3A_708 = arith.addf %add3A_684, %get3A_707 : vector<16xf32>
          %mul3A_709 = arith.constant 10 : i32
          %mul3A_710 = arith.muli %scan3A_609, %mul3A_709 : i32
          %add3A_711 = arith.constant 4 : i32
          %add3A_712 = arith.addi %mul3A_710, %add3A_711 : i32
          %get3A_713 = arith.index_cast %add3A_712 : i32 to index
          %get3A_714 = arith.constant 0 : index
          %get3A_715 = tpu.vector_load %arg13[%get3A_713, %get3A_714] {strides = array<i32>} : memref<100x64xf32, #tpu.memory_space<vmem>>, vector<1x16xf32>,
          %get3A_716 = vector.shape_cast %get3A_715 : vector<1x16xf32> to vector<16xf32>
          %add3A_717 = arith.addf %add3A_693, %get3A_716 : vector<16xf32>
          %get3A_718 = arith.index_cast %add3A_712 : i32 to index
          %get3A_719 = arith.constant 16 : index
          %get3A_720 = tpu.vector_load %arg13[%get3A_718, %get3A_719] {strides = array<i32>} : memref<100x64xf32, #tpu.memory_space<vmem>>, vector<1x16xf32>,
          %get3A_721 = vector.shape_cast %get3A_720 : vector<1x16xf32> to vector<16xf32>
          %add3A_722 = arith.addf %add3A_698, %get3A_721 : vector<16xf32>
          %get3A_723 = arith.index_cast %add3A_712 : i32 to index
          %get3A_724 = arith.constant 32 : index
          %get3A_725 = tpu.vector_load %arg13[%get3A_723, %get3A_724] {strides = array<i32>} : memref<100x64xf32, #tpu.memory_space<vmem>>, vector<1x16xf32>,
          %get3A_726 = vector.shape_cast %get3A_725 : vector<1x16xf32> to vector<16xf32>
          %add3A_727 = arith.addf %add3A_703, %get3A_726 : vector<16xf32>
          %get3A_728 = arith.index_cast %add3A_712 : i32 to index
          %get3A_729 = arith.constant 48 : index
          %get3A_730 = tpu.vector_load %arg13[%get3A_728, %get3A_729] {strides = array<i32>} : memref<100x64xf32, #tpu.memory_space<vmem>>, vector<1x16xf32>,
          %get3A_731 = vector.shape_cast %get3A_730 : vector<1x16xf32> to vector<16xf32>
          %add3A_732 = arith.addf %add3A_708, %get3A_731 : vector<16xf32>
          %mul3A_733 = arith.constant 10 : i32
          %mul3A_734 = arith.muli %scan3A_609, %mul3A_733 : i32
          %add3A_735 = arith.constant 5 : i32
          %add3A_736 = arith.addi %mul3A_734, %add3A_735 : i32
          %get3A_737 = arith.index_cast %add3A_736 : i32 to index
          %get3A_738 = arith.constant 0 : index
          %get3A_739 = tpu.vector_load %arg13[%get3A_737, %get3A_738] {strides = array<i32>} : memref<100x64xf32, #tpu.memory_space<vmem>>, vector<1x16xf32>,
          %get3A_740 = vector.shape_cast %get3A_739 : vector<1x16xf32> to vector<16xf32>
          %add3A_741 = arith.addf %add3A_717, %get3A_740 : vector<16xf32>
          %get3A_742 = arith.index_cast %add3A_736 : i32 to index
          %get3A_743 = arith.constant 16 : index
          %get3A_744 = tpu.vector_load %arg13[%get3A_742, %get3A_743] {strides = array<i32>} : memref<100x64xf32, #tpu.memory_space<vmem>>, vector<1x16xf32>,
          %get3A_745 = vector.shape_cast %get3A_744 : vector<1x16xf32> to vector<16xf32>
          %add3A_746 = arith.addf %add3A_722, %get3A_745 : vector<16xf32>
          %get3A_747 = arith.index_cast %add3A_736 : i32 to index
          %get3A_748 = arith.constant 32 : index
          %get3A_749 = tpu.vector_load %arg13[%get3A_747, %get3A_748] {strides = array<i32>} : memref<100x64xf32, #tpu.memory_space<vmem>>, vector<1x16xf32>,
          %get3A_750 = vector.shape_cast %get3A_749 : vector<1x16xf32> to vector<16xf32>
          %add3A_751 = arith.addf %add3A_727, %get3A_750 : vector<16xf32>
          %get3A_752 = arith.index_cast %add3A_736 : i32 to index
          %get3A_753 = arith.constant 48 : index
          %get3A_754 = tpu.vector_load %arg13[%get3A_752, %get3A_753] {strides = array<i32>} : memref<100x64xf32, #tpu.memory_space<vmem>>, vector<1x16xf32>,
          %get3A_755 = vector.shape_cast %get3A_754 : vector<1x16xf32> to vector<16xf32>
          %add3A_756 = arith.addf %add3A_732, %get3A_755 : vector<16xf32>
          %mul3A_757 = arith.constant 10 : i32
          %mul3A_758 = arith.muli %scan3A_609, %mul3A_757 : i32
          %add3A_759 = arith.constant 6 : i32
          %add3A_760 = arith.addi %mul3A_758, %add3A_759 : i32
          %get3A_761 = arith.index_cast %add3A_760 : i32 to index
          %get3A_762 = arith.constant 0 : index
          %get3A_763 = tpu.vector_load %arg13[%get3A_761, %get3A_762] {strides = array<i32>} : memref<100x64xf32, #tpu.memory_space<vmem>>, vector<1x16xf32>,
          %get3A_764 = vector.shape_cast %get3A_763 : vector<1x16xf32> to vector<16xf32>
          %add3A_765 = arith.addf %add3A_741, %get3A_764 : vector<16xf32>
          %get3A_766 = arith.index_cast %add3A_760 : i32 to index
          %get3A_767 = arith.constant 16 : index
          %get3A_768 = tpu.vector_load %arg13[%get3A_766, %get3A_767] {strides = array<i32>} : memref<100x64xf32, #tpu.memory_space<vmem>>, vector<1x16xf32>,
          %get3A_769 = vector.shape_cast %get3A_768 : vector<1x16xf32> to vector<16xf32>
          %add3A_770 = arith.addf %add3A_746, %get3A_769 : vector<16xf32>
          %get3A_771 = arith.index_cast %add3A_760 : i32 to index
          %get3A_772 = arith.constant 32 : index
          %get3A_773 = tpu.vector_load %arg13[%get3A_771, %get3A_772] {strides = array<i32>} : memref<100x64xf32, #tpu.memory_space<vmem>>, vector<1x16xf32>,
          %get3A_774 = vector.shape_cast %get3A_773 : vector<1x16xf32> to vector<16xf32>
          %add3A_775 = arith.addf %add3A_751, %get3A_774 : vector<16xf32>
          %get3A_776 = arith.index_cast %add3A_760 : i32 to index
          %get3A_777 = arith.constant 48 : index
          %get3A_778 = tpu.vector_load %arg13[%get3A_776, %get3A_777] {strides = array<i32>} : memref<100x64xf32, #tpu.memory_space<vmem>>, vector<1x16xf32>,
          %get3A_779 = vector.shape_cast %get3A_778 : vector<1x16xf32> to vector<16xf32>
          %add3A_780 = arith.addf %add3A_756, %get3A_779 : vector<16xf32>
          %mul3A_781 = arith.constant 10 : i32
          %mul3A_782 = arith.muli %scan3A_609, %mul3A_781 : i32
          %add3A_783 = arith.constant 7 : i32
          %add3A_784 = arith.addi %mul3A_782, %add3A_783 : i32
          %get3A_785 = arith.index_cast %add3A_784 : i32 to index
          %get3A_786 = arith.constant 0 : index
          %get3A_787 = tpu.vector_load %arg13[%get3A_785, %get3A_786] {strides = array<i32>} : memref<100x64xf32, #tpu.memory_space<vmem>>, vector<1x16xf32>,
          %get3A_788 = vector.shape_cast %get3A_787 : vector<1x16xf32> to vector<16xf32>
          %add3A_789 = arith.addf %add3A_765, %get3A_788 : vector<16xf32>
          %get3A_790 = arith.index_cast %add3A_784 : i32 to index
          %get3A_791 = arith.constant 16 : index
          %get3A_792 = tpu.vector_load %arg13[%get3A_790, %get3A_791] {strides = array<i32>} : memref<100x64xf32, #tpu.memory_space<vmem>>, vector<1x16xf32>,
          %get3A_793 = vector.shape_cast %get3A_792 : vector<1x16xf32> to vector<16xf32>
          %add3A_794 = arith.addf %add3A_770, %get3A_793 : vector<16xf32>
          %get3A_795 = arith.index_cast %add3A_784 : i32 to index
          %get3A_796 = arith.constant 32 : index
          %get3A_797 = tpu.vector_load %arg13[%get3A_795, %get3A_796] {strides = array<i32>} : memref<100x64xf32, #tpu.memory_space<vmem>>, vector<1x16xf32>,
          %get3A_798 = vector.shape_cast %get3A_797 : vector<1x16xf32> to vector<16xf32>
          %add3A_799 = arith.addf %add3A_775, %get3A_798 : vector<16xf32>
          %get3A_800 = arith.index_cast %add3A_784 : i32 to index
          %get3A_801 = arith.constant 48 : index
          %get3A_802 = tpu.vector_load %arg13[%get3A_800, %get3A_801] {strides = array<i32>} : memref<100x64xf32, #tpu.memory_space<vmem>>, vector<1x16xf32>,
          %get3A_803 = vector.shape_cast %get3A_802 : vector<1x16xf32> to vector<16xf32>
          %add3A_804 = arith.addf %add3A_780, %get3A_803 : vector<16xf32>
          %mul3A_805 = arith.constant 10 : i32
          %mul3A_806 = arith.muli %scan3A_609, %mul3A_805 : i32
          %add3A_807 = arith.constant 8 : i32
          %add3A_808 = arith.addi %mul3A_806, %add3A_807 : i32
          %get3A_809 = arith.index_cast %add3A_808 : i32 to index
          %get3A_810 = arith.constant 0 : index
          %get3A_811 = tpu.vector_load %arg13[%get3A_809, %get3A_810] {strides = array<i32>} : memref<100x64xf32, #tpu.memory_space<vmem>>, vector<1x16xf32>,
          %get3A_812 = vector.shape_cast %get3A_811 : vector<1x16xf32> to vector<16xf32>
          %add3A_813 = arith.addf %add3A_789, %get3A_812 : vector<16xf32>
          %get3A_814 = arith.index_cast %add3A_808 : i32 to index
          %get3A_815 = arith.constant 16 : index
          %get3A_816 = tpu.vector_load %arg13[%get3A_814, %get3A_815] {strides = array<i32>} : memref<100x64xf32, #tpu.memory_space<vmem>>, vector<1x16xf32>,
          %get3A_817 = vector.shape_cast %get3A_816 : vector<1x16xf32> to vector<16xf32>
          %add3A_818 = arith.addf %add3A_794, %get3A_817 : vector<16xf32>
          %get3A_819 = arith.index_cast %add3A_808 : i32 to index
          %get3A_820 = arith.constant 32 : index
          %get3A_821 = tpu.vector_load %arg13[%get3A_819, %get3A_820] {strides = array<i32>} : memref<100x64xf32, #tpu.memory_space<vmem>>, vector<1x16xf32>,
          %get3A_822 = vector.shape_cast %get3A_821 : vector<1x16xf32> to vector<16xf32>
          %add3A_823 = arith.addf %add3A_799, %get3A_822 : vector<16xf32>
          %get3A_824 = arith.index_cast %add3A_808 : i32 to index
          %get3A_825 = arith.constant 48 : index
          %get3A_826 = tpu.vector_load %arg13[%get3A_824, %get3A_825] {strides = array<i32>} : memref<100x64xf32, #tpu.memory_space<vmem>>, vector<1x16xf32>,
          %get3A_827 = vector.shape_cast %get3A_826 : vector<1x16xf32> to vector<16xf32>
          %add3A_828 = arith.addf %add3A_804, %get3A_827 : vector<16xf32>
          %mul3A_829 = arith.constant 10 : i32
          %mul3A_830 = arith.muli %scan3A_609, %mul3A_829 : i32
          %add3A_831 = arith.constant 9 : i32
          %add3A_832 = arith.addi %mul3A_830, %add3A_831 : i32
          %get3A_833 = arith.index_cast %add3A_832 : i32 to index
          %get3A_834 = arith.constant 0 : index
          %get3A_835 = tpu.vector_load %arg13[%get3A_833, %get3A_834] {strides = array<i32>} : memref<100x64xf32, #tpu.memory_space<vmem>>, vector<1x16xf32>,
          %get3A_836 = vector.shape_cast %get3A_835 : vector<1x16xf32> to vector<16xf32>
          %add3A_837 = arith.addf %add3A_813, %get3A_836 : vector<16xf32>
          %get3A_838 = arith.index_cast %add3A_832 : i32 to index
          %get3A_839 = arith.constant 16 : index
          %get3A_840 = tpu.vector_load %arg13[%get3A_838, %get3A_839] {strides = array<i32>} : memref<100x64xf32, #tpu.memory_space<vmem>>, vector<1x16xf32>,
          %get3A_841 = vector.shape_cast %get3A_840 : vector<1x16xf32> to vector<16xf32>
          %add3A_842 = arith.addf %add3A_818, %get3A_841 : vector<16xf32>
          %get3A_843 = arith.index_cast %add3A_832 : i32 to index
          %get3A_844 = arith.constant 32 : index
          %get3A_845 = tpu.vector_load %arg13[%get3A_843, %get3A_844] {strides = array<i32>} : memref<100x64xf32, #tpu.memory_space<vmem>>, vector<1x16xf32>,
          %get3A_846 = vector.shape_cast %get3A_845 : vector<1x16xf32> to vector<16xf32>
          %add3A_847 = arith.addf %add3A_823, %get3A_846 : vector<16xf32>
          %get3A_848 = arith.index_cast %add3A_832 : i32 to index
          %get3A_849 = arith.constant 48 : index
          %get3A_850 = tpu.vector_load %arg13[%get3A_848, %get3A_849] {strides = array<i32>} : memref<100x64xf32, #tpu.memory_space<vmem>>, vector<1x16xf32>,
          %get3A_851 = vector.shape_cast %get3A_850 : vector<1x16xf32> to vector<16xf32>
          %add3A_852 = arith.addf %add3A_828, %get3A_851 : vector<16xf32>
          scf.yield %add3A_837, %add3A_842, %add3A_847, %add3A_852 : vector<16xf32>, vector<16xf32>, vector<16xf32>, vector<16xf32>
        }
        %scan3A_570 = arith.constant 10 : i32
        %mul3A_571 = arith.constant 4 : i32
        %mul3A_572 = arith.muli %scan3A_298, %mul3A_571 : i32
        %add3A_573 = arith.addi %mul3A_75, %mul3A_572 : i32
        %add3A_574 = arith.constant 3 : i32
        %add3A_575 = arith.addi %add3A_573, %add3A_574 : i32
        %mul3A_576 = arith.mulf %scan3A_569#0, %broadcast_in_dim3A_5 : vector<16xf32>
        %swap3A_577 = arith.index_cast %add3A_575 : i32 to index
        %swap3A_578 = arith.constant 0 : index
        %swap3A_579 = tpu.vector_load %arg14[%swap3A_577, %swap3A_578] {strides = array<i32>} : memref<512x64xf32, #tpu.memory_space<vmem>>, vector<1x16xf32>,
        %swap3A_580 = vector.shape_cast %swap3A_579 : vector<1x16xf32> to vector<16xf32>
        %swap3A_581 = vector.shape_cast %mul3A_576 : vector<16xf32> to vector<1x16xf32>
        tpu.vector_store %arg14[%swap3A_577, %swap3A_578], %swap3A_581 {strides = array<i32>} : memref<512x64xf32, #tpu.memory_space<vmem>>, vector<1x16xf32>,
        %mul3A_582 = arith.mulf %scan3A_569#1, %broadcast_in_dim3A_5 : vector<16xf32>
        %swap3A_583 = arith.index_cast %add3A_575 : i32 to index
        %swap3A_584 = arith.constant 16 : index
        %swap3A_585 = tpu.vector_load %arg14[%swap3A_583, %swap3A_584] {strides = array<i32>} : memref<512x64xf32, #tpu.memory_space<vmem>>, vector<1x16xf32>,
        %swap3A_586 = vector.shape_cast %swap3A_585 : vector<1x16xf32> to vector<16xf32>
        %swap3A_587 = vector.shape_cast %mul3A_582 : vector<16xf32> to vector<1x16xf32>
        tpu.vector_store %arg14[%swap3A_583, %swap3A_584], %swap3A_587 {strides = array<i32>} : memref<512x64xf32, #tpu.memory_space<vmem>>, vector<1x16xf32>,
        %mul3A_588 = arith.mulf %scan3A_569#2, %broadcast_in_dim3A_5 : vector<16xf32>
        %swap3A_589 = arith.index_cast %add3A_575 : i32 to index
        %swap3A_590 = arith.constant 32 : index
        %swap3A_591 = tpu.vector_load %arg14[%swap3A_589, %swap3A_590] {strides = array<i32>} : memref<512x64xf32, #tpu.memory_space<vmem>>, vector<1x16xf32>,
        %swap3A_592 = vector.shape_cast %swap3A_591 : vector<1x16xf32> to vector<16xf32>
        %swap3A_593 = vector.shape_cast %mul3A_588 : vector<16xf32> to vector<1x16xf32>
        tpu.vector_store %arg14[%swap3A_589, %swap3A_590], %swap3A_593 {strides = array<i32>} : memref<512x64xf32, #tpu.memory_space<vmem>>, vector<1x16xf32>,
        %mul3A_594 = arith.mulf %scan3A_569#3, %broadcast_in_dim3A_5 : vector<16xf32>
        %swap3A_595 = arith.index_cast %add3A_575 : i32 to index
        %swap3A_596 = arith.constant 48 : index
        %swap3A_597 = tpu.vector_load %arg14[%swap3A_595, %swap3A_596] {strides = array<i32>} : memref<512x64xf32, #tpu.memory_space<vmem>>, vector<1x16xf32>,
        %swap3A_598 = vector.shape_cast %swap3A_597 : vector<1x16xf32> to vector<16xf32>
        %swap3A_599 = vector.shape_cast %mul3A_594 : vector<16xf32> to vector<1x16xf32>
        tpu.vector_store %arg14[%swap3A_595, %swap3A_596], %swap3A_599 {strides = array<i32>} : memref<512x64xf32, #tpu.memory_space<vmem>>, vector<1x16xf32>,
        %add3A_600 = arith.constant 8 : i32
        %add3A_601 = arith.addi %add3A_558, %add3A_600 : i32
        %dma_start3A_602 = arith.constant 0 : i32
        %dma_start3A_603 = tpu.memref_slice %arg5[%add3A_601, %dma_start3A_602] : memref<256x100xi32, #tpu.memory_space<vmem>> -> memref<1x100xi32, #tpu.memory_space<vmem>>
        %dma_start3A_604 = tpu.memref_squeeze %dma_start3A_603 : memref<1x100xi32, #tpu.memory_space<vmem>> -> memref<100xi32, #tpu.memory_space<vmem>>
        %dma_start3A_605 = arith.constant 0 : i32
        %dma_start3A_606 = arith.constant 0 : i32
        %dma_start3A_607 = tpu.memref_slice %arg3[%dma_start3A_605, %dma_start3A_606] : memref<1000000x64xf32, #tpu.memory_space<hbm>> -> memref<1000000x64xf32, #tpu.memory_space<hbm>>
        tpu.enqueue_indirect_dma source(%dma_start3A_607 : memref<1000000x64xf32, #tpu.memory_space<hbm>>) target(%arg13 : memref<100x64xf32, #tpu.memory_space<vmem>>) offsets(%dma_start3A_604 : memref<100xi32, #tpu.memory_space<vmem>>) semaphore(%arg22 : memref<!tpu.dma_semaphore, #tpu.memory_space<semaphore_mem>>)
        %scan3A_608 = arith.constant 0 : i32
        scf.yield %scan3A_608 : i32
      }
      %scan3A_82 = arith.constant 31 : i32
      %dma_wait3A = arith.constant 248 : i32
      %dma_wait3A_83 = arith.constant 0 : i32
      %dma_wait3A_84 = tpu.memref_slice %arg5[%dma_wait3A, %dma_wait3A_83] : memref<256x100xi32, #tpu.memory_space<vmem>> -> memref<1x100xi32, #tpu.memory_space<vmem>>
      %dma_wait3A_85 = tpu.memref_squeeze %dma_wait3A_84 : memref<1x100xi32, #tpu.memory_space<vmem>> -> memref<100xi32, #tpu.memory_space<vmem>>
      %dma_wait3A_86 = arith.constant 0 : i32
      %dma_wait3A_87 = arith.constant 0 : i32
      %dma_wait3A_88 = tpu.memref_slice %arg3[%dma_wait3A_86, %dma_wait3A_87] : memref<1000000x64xf32, #tpu.memory_space<hbm>> -> memref<1000000x64xf32, #tpu.memory_space<hbm>>
      tpu.wait_indirect_dma semaphore(%arg15 : memref<!tpu.dma_semaphore, #tpu.memory_space<semaphore_mem>>) src(%dma_wait3A_88 : memref<1000000x64xf32, #tpu.memory_space<hbm>>) dst(%arg6 : memref<100x64xf32, #tpu.memory_space<vmem>>)
      %scan3A_89 = arith.constant 0 : i32
      %scan3A_90 = arith.constant 10 : i32
      %scan3A_91 = arith.addi %scan3A_89, %scan3A_90 : i32
      %scan3A_92 = arith.constant 1 : i32
      %scan3A_93:4 = scf.for %scan3A_298 = %scan3A_89 to %scan3A_91 step %scan3A_92 iter_args(%scan3A_299 = %broadcast_in_dim3A_7, %scan3A_300 = %broadcast_in_dim3A_7, %scan3A_301 = %broadcast_in_dim3A_7, %scan3A_302 = %broadcast_in_dim3A_7) -> (vector<16xf32>, vector<16xf32>, vector<16xf32>, vector<16xf32>)  : i32 {
        %mul3A_303 = arith.constant 10 : i32
        %mul3A_304 = arith.muli %scan3A_298, %mul3A_303 : i32
        %add3A_305 = arith.constant 0 : i32
        %add3A_306 = arith.addi %mul3A_304, %add3A_305 : i32
        %get3A = arith.index_cast %add3A_306 : i32 to index
        %get3A_307 = arith.constant 0 : index
        %get3A_308 = tpu.vector_load %arg6[%get3A, %get3A_307] {strides = array<i32>} : memref<100x64xf32, #tpu.memory_space<vmem>>, vector<1x16xf32>,
        %get3A_309 = vector.shape_cast %get3A_308 : vector<1x16xf32> to vector<16xf32>
        %add3A_310 = arith.addf %scan3A_299, %get3A_309 : vector<16xf32>
        %get3A_311 = arith.index_cast %add3A_306 : i32 to index
        %get3A_312 = arith.constant 16 : index
        %get3A_313 = tpu.vector_load %arg6[%get3A_311, %get3A_312] {strides = array<i32>} : memref<100x64xf32, #tpu.memory_space<vmem>>, vector<1x16xf32>,
        %get3A_314 = vector.shape_cast %get3A_313 : vector<1x16xf32> to vector<16xf32>
        %add3A_315 = arith.addf %scan3A_300, %get3A_314 : vector<16xf32>
        %get3A_316 = arith.index_cast %add3A_306 : i32 to index
        %get3A_317 = arith.constant 32 : index
        %get3A_318 = tpu.vector_load %arg6[%get3A_316, %get3A_317] {strides = array<i32>} : memref<100x64xf32, #tpu.memory_space<vmem>>, vector<1x16xf32>,
        %get3A_319 = vector.shape_cast %get3A_318 : vector<1x16xf32> to vector<16xf32>
        %add3A_320 = arith.addf %scan3A_301, %get3A_319 : vector<16xf32>
        %get3A_321 = arith.index_cast %add3A_306 : i32 to index
        %get3A_322 = arith.constant 48 : index
        %get3A_323 = tpu.vector_load %arg6[%get3A_321, %get3A_322] {strides = array<i32>} : memref<100x64xf32, #tpu.memory_space<vmem>>, vector<1x16xf32>,
        %get3A_324 = vector.shape_cast %get3A_323 : vector<1x16xf32> to vector<16xf32>
        %add3A_325 = arith.addf %scan3A_302, %get3A_324 : vector<16xf32>
        %mul3A_326 = arith.constant 10 : i32
        %mul3A_327 = arith.muli %scan3A_298, %mul3A_326 : i32
        %add3A_328 = arith.constant 1 : i32
        %add3A_329 = arith.addi %mul3A_327, %add3A_328 : i32
        %get3A_330 = arith.index_cast %add3A_329 : i32 to index
        %get3A_331 = arith.constant 0 : index
        %get3A_332 = tpu.vector_load %arg6[%get3A_330, %get3A_331] {strides = array<i32>} : memref<100x64xf32, #tpu.memory_space<vmem>>, vector<1x16xf32>,
        %get3A_333 = vector.shape_cast %get3A_332 : vector<1x16xf32> to vector<16xf32>
        %add3A_334 = arith.addf %add3A_310, %get3A_333 : vector<16xf32>
        %get3A_335 = arith.index_cast %add3A_329 : i32 to index
        %get3A_336 = arith.constant 16 : index
        %get3A_337 = tpu.vector_load %arg6[%get3A_335, %get3A_336] {strides = array<i32>} : memref<100x64xf32, #tpu.memory_space<vmem>>, vector<1x16xf32>,
        %get3A_338 = vector.shape_cast %get3A_337 : vector<1x16xf32> to vector<16xf32>
        %add3A_339 = arith.addf %add3A_315, %get3A_338 : vector<16xf32>
        %get3A_340 = arith.index_cast %add3A_329 : i32 to index
        %get3A_341 = arith.constant 32 : index
        %get3A_342 = tpu.vector_load %arg6[%get3A_340, %get3A_341] {strides = array<i32>} : memref<100x64xf32, #tpu.memory_space<vmem>>, vector<1x16xf32>,
        %get3A_343 = vector.shape_cast %get3A_342 : vector<1x16xf32> to vector<16xf32>
        %add3A_344 = arith.addf %add3A_320, %get3A_343 : vector<16xf32>
        %get3A_345 = arith.index_cast %add3A_329 : i32 to index
        %get3A_346 = arith.constant 48 : index
        %get3A_347 = tpu.vector_load %arg6[%get3A_345, %get3A_346] {strides = array<i32>} : memref<100x64xf32, #tpu.memory_space<vmem>>, vector<1x16xf32>,
        %get3A_348 = vector.shape_cast %get3A_347 : vector<1x16xf32> to vector<16xf32>
        %add3A_349 = arith.addf %add3A_325, %get3A_348 : vector<16xf32>
        %mul3A_350 = arith.constant 10 : i32
        %mul3A_351 = arith.muli %scan3A_298, %mul3A_350 : i32
        %add3A_352 = arith.constant 2 : i32
        %add3A_353 = arith.addi %mul3A_351, %add3A_352 : i32
        %get3A_354 = arith.index_cast %add3A_353 : i32 to index
        %get3A_355 = arith.constant 0 : index
        %get3A_356 = tpu.vector_load %arg6[%get3A_354, %get3A_355] {strides = array<i32>} : memref<100x64xf32, #tpu.memory_space<vmem>>, vector<1x16xf32>,
        %get3A_357 = vector.shape_cast %get3A_356 : vector<1x16xf32> to vector<16xf32>
        %add3A_358 = arith.addf %add3A_334, %get3A_357 : vector<16xf32>
        %get3A_359 = arith.index_cast %add3A_353 : i32 to index
        %get3A_360 = arith.constant 16 : index
        %get3A_361 = tpu.vector_load %arg6[%get3A_359, %get3A_360] {strides = array<i32>} : memref<100x64xf32, #tpu.memory_space<vmem>>, vector<1x16xf32>,
        %get3A_362 = vector.shape_cast %get3A_361 : vector<1x16xf32> to vector<16xf32>
        %add3A_363 = arith.addf %add3A_339, %get3A_362 : vector<16xf32>
        %get3A_364 = arith.index_cast %add3A_353 : i32 to index
        %get3A_365 = arith.constant 32 : index
        %get3A_366 = tpu.vector_load %arg6[%get3A_364, %get3A_365] {strides = array<i32>} : memref<100x64xf32, #tpu.memory_space<vmem>>, vector<1x16xf32>,
        %get3A_367 = vector.shape_cast %get3A_366 : vector<1x16xf32> to vector<16xf32>
        %add3A_368 = arith.addf %add3A_344, %get3A_367 : vector<16xf32>
        %get3A_369 = arith.index_cast %add3A_353 : i32 to index
        %get3A_370 = arith.constant 48 : index
        %get3A_371 = tpu.vector_load %arg6[%get3A_369, %get3A_370] {strides = array<i32>} : memref<100x64xf32, #tpu.memory_space<vmem>>, vector<1x16xf32>,
        %get3A_372 = vector.shape_cast %get3A_371 : vector<1x16xf32> to vector<16xf32>
        %add3A_373 = arith.addf %add3A_349, %get3A_372 : vector<16xf32>
        %mul3A_374 = arith.constant 10 : i32
        %mul3A_375 = arith.muli %scan3A_298, %mul3A_374 : i32
        %add3A_376 = arith.constant 3 : i32
        %add3A_377 = arith.addi %mul3A_375, %add3A_376 : i32
        %get3A_378 = arith.index_cast %add3A_377 : i32 to index
        %get3A_379 = arith.constant 0 : index
        %get3A_380 = tpu.vector_load %arg6[%get3A_378, %get3A_379] {strides = array<i32>} : memref<100x64xf32, #tpu.memory_space<vmem>>, vector<1x16xf32>,
        %get3A_381 = vector.shape_cast %get3A_380 : vector<1x16xf32> to vector<16xf32>
        %add3A_382 = arith.addf %add3A_358, %get3A_381 : vector<16xf32>
        %get3A_383 = arith.index_cast %add3A_377 : i32 to index
        %get3A_384 = arith.constant 16 : index
        %get3A_385 = tpu.vector_load %arg6[%get3A_383, %get3A_384] {strides = array<i32>} : memref<100x64xf32, #tpu.memory_space<vmem>>, vector<1x16xf32>,
        %get3A_386 = vector.shape_cast %get3A_385 : vector<1x16xf32> to vector<16xf32>
        %add3A_387 = arith.addf %add3A_363, %get3A_386 : vector<16xf32>
        %get3A_388 = arith.index_cast %add3A_377 : i32 to index
        %get3A_389 = arith.constant 32 : index
        %get3A_390 = tpu.vector_load %arg6[%get3A_388, %get3A_389] {strides = array<i32>} : memref<100x64xf32, #tpu.memory_space<vmem>>, vector<1x16xf32>,
        %get3A_391 = vector.shape_cast %get3A_390 : vector<1x16xf32> to vector<16xf32>
        %add3A_392 = arith.addf %add3A_368, %get3A_391 : vector<16xf32>
        %get3A_393 = arith.index_cast %add3A_377 : i32 to index
        %get3A_394 = arith.constant 48 : index
        %get3A_395 = tpu.vector_load %arg6[%get3A_393, %get3A_394] {strides = array<i32>} : memref<100x64xf32, #tpu.memory_space<vmem>>, vector<1x16xf32>,
        %get3A_396 = vector.shape_cast %get3A_395 : vector<1x16xf32> to vector<16xf32>
        %add3A_397 = arith.addf %add3A_373, %get3A_396 : vector<16xf32>
        %mul3A_398 = arith.constant 10 : i32
        %mul3A_399 = arith.muli %scan3A_298, %mul3A_398 : i32
        %add3A_400 = arith.constant 4 : i32
        %add3A_401 = arith.addi %mul3A_399, %add3A_400 : i32
        %get3A_402 = arith.index_cast %add3A_401 : i32 to index
        %get3A_403 = arith.constant 0 : index
        %get3A_404 = tpu.vector_load %arg6[%get3A_402, %get3A_403] {strides = array<i32>} : memref<100x64xf32, #tpu.memory_space<vmem>>, vector<1x16xf32>,
        %get3A_405 = vector.shape_cast %get3A_404 : vector<1x16xf32> to vector<16xf32>
        %add3A_406 = arith.addf %add3A_382, %get3A_405 : vector<16xf32>
        %get3A_407 = arith.index_cast %add3A_401 : i32 to index
        %get3A_408 = arith.constant 16 : index
        %get3A_409 = tpu.vector_load %arg6[%get3A_407, %get3A_408] {strides = array<i32>} : memref<100x64xf32, #tpu.memory_space<vmem>>, vector<1x16xf32>,
        %get3A_410 = vector.shape_cast %get3A_409 : vector<1x16xf32> to vector<16xf32>
        %add3A_411 = arith.addf %add3A_387, %get3A_410 : vector<16xf32>
        %get3A_412 = arith.index_cast %add3A_401 : i32 to index
        %get3A_413 = arith.constant 32 : index
        %get3A_414 = tpu.vector_load %arg6[%get3A_412, %get3A_413] {strides = array<i32>} : memref<100x64xf32, #tpu.memory_space<vmem>>, vector<1x16xf32>,
        %get3A_415 = vector.shape_cast %get3A_414 : vector<1x16xf32> to vector<16xf32>
        %add3A_416 = arith.addf %add3A_392, %get3A_415 : vector<16xf32>
        %get3A_417 = arith.index_cast %add3A_401 : i32 to index
        %get3A_418 = arith.constant 48 : index
        %get3A_419 = tpu.vector_load %arg6[%get3A_417, %get3A_418] {strides = array<i32>} : memref<100x64xf32, #tpu.memory_space<vmem>>, vector<1x16xf32>,
        %get3A_420 = vector.shape_cast %get3A_419 : vector<1x16xf32> to vector<16xf32>
        %add3A_421 = arith.addf %add3A_397, %get3A_420 : vector<16xf32>
        %mul3A_422 = arith.constant 10 : i32
        %mul3A_423 = arith.muli %scan3A_298, %mul3A_422 : i32
        %add3A_424 = arith.constant 5 : i32
        %add3A_425 = arith.addi %mul3A_423, %add3A_424 : i32
        %get3A_426 = arith.index_cast %add3A_425 : i32 to index
        %get3A_427 = arith.constant 0 : index
        %get3A_428 = tpu.vector_load %arg6[%get3A_426, %get3A_427] {strides = array<i32>} : memref<100x64xf32, #tpu.memory_space<vmem>>, vector<1x16xf32>,
        %get3A_429 = vector.shape_cast %get3A_428 : vector<1x16xf32> to vector<16xf32>
        %add3A_430 = arith.addf %add3A_406, %get3A_429 : vector<16xf32>
        %get3A_431 = arith.index_cast %add3A_425 : i32 to index
        %get3A_432 = arith.constant 16 : index
        %get3A_433 = tpu.vector_load %arg6[%get3A_431, %get3A_432] {strides = array<i32>} : memref<100x64xf32, #tpu.memory_space<vmem>>, vector<1x16xf32>,
        %get3A_434 = vector.shape_cast %get3A_433 : vector<1x16xf32> to vector<16xf32>
        %add3A_435 = arith.addf %add3A_411, %get3A_434 : vector<16xf32>
        %get3A_436 = arith.index_cast %add3A_425 : i32 to index
        %get3A_437 = arith.constant 32 : index
        %get3A_438 = tpu.vector_load %arg6[%get3A_436, %get3A_437] {strides = array<i32>} : memref<100x64xf32, #tpu.memory_space<vmem>>, vector<1x16xf32>,
        %get3A_439 = vector.shape_cast %get3A_438 : vector<1x16xf32> to vector<16xf32>
        %add3A_440 = arith.addf %add3A_416, %get3A_439 : vector<16xf32>
        %get3A_441 = arith.index_cast %add3A_425 : i32 to index
        %get3A_442 = arith.constant 48 : index
        %get3A_443 = tpu.vector_load %arg6[%get3A_441, %get3A_442] {strides = array<i32>} : memref<100x64xf32, #tpu.memory_space<vmem>>, vector<1x16xf32>,
        %get3A_444 = vector.shape_cast %get3A_443 : vector<1x16xf32> to vector<16xf32>
        %add3A_445 = arith.addf %add3A_421, %get3A_444 : vector<16xf32>
        %mul3A_446 = arith.constant 10 : i32
        %mul3A_447 = arith.muli %scan3A_298, %mul3A_446 : i32
        %add3A_448 = arith.constant 6 : i32
        %add3A_449 = arith.addi %mul3A_447, %add3A_448 : i32
        %get3A_450 = arith.index_cast %add3A_449 : i32 to index
        %get3A_451 = arith.constant 0 : index
        %get3A_452 = tpu.vector_load %arg6[%get3A_450, %get3A_451] {strides = array<i32>} : memref<100x64xf32, #tpu.memory_space<vmem>>, vector<1x16xf32>,
        %get3A_453 = vector.shape_cast %get3A_452 : vector<1x16xf32> to vector<16xf32>
        %add3A_454 = arith.addf %add3A_430, %get3A_453 : vector<16xf32>
        %get3A_455 = arith.index_cast %add3A_449 : i32 to index
        %get3A_456 = arith.constant 16 : index
        %get3A_457 = tpu.vector_load %arg6[%get3A_455, %get3A_456] {strides = array<i32>} : memref<100x64xf32, #tpu.memory_space<vmem>>, vector<1x16xf32>,
        %get3A_458 = vector.shape_cast %get3A_457 : vector<1x16xf32> to vector<16xf32>
        %add3A_459 = arith.addf %add3A_435, %get3A_458 : vector<16xf32>
        %get3A_460 = arith.index_cast %add3A_449 : i32 to index
        %get3A_461 = arith.constant 32 : index
        %get3A_462 = tpu.vector_load %arg6[%get3A_460, %get3A_461] {strides = array<i32>} : memref<100x64xf32, #tpu.memory_space<vmem>>, vector<1x16xf32>,
        %get3A_463 = vector.shape_cast %get3A_462 : vector<1x16xf32> to vector<16xf32>
        %add3A_464 = arith.addf %add3A_440, %get3A_463 : vector<16xf32>
        %get3A_465 = arith.index_cast %add3A_449 : i32 to index
        %get3A_466 = arith.constant 48 : index
        %get3A_467 = tpu.vector_load %arg6[%get3A_465, %get3A_466] {strides = array<i32>} : memref<100x64xf32, #tpu.memory_space<vmem>>, vector<1x16xf32>,
        %get3A_468 = vector.shape_cast %get3A_467 : vector<1x16xf32> to vector<16xf32>
        %add3A_469 = arith.addf %add3A_445, %get3A_468 : vector<16xf32>
        %mul3A_470 = arith.constant 10 : i32
        %mul3A_471 = arith.muli %scan3A_298, %mul3A_470 : i32
        %add3A_472 = arith.constant 7 : i32
        %add3A_473 = arith.addi %mul3A_471, %add3A_472 : i32
        %get3A_474 = arith.index_cast %add3A_473 : i32 to index
        %get3A_475 = arith.constant 0 : index
        %get3A_476 = tpu.vector_load %arg6[%get3A_474, %get3A_475] {strides = array<i32>} : memref<100x64xf32, #tpu.memory_space<vmem>>, vector<1x16xf32>,
        %get3A_477 = vector.shape_cast %get3A_476 : vector<1x16xf32> to vector<16xf32>
        %add3A_478 = arith.addf %add3A_454, %get3A_477 : vector<16xf32>
        %get3A_479 = arith.index_cast %add3A_473 : i32 to index
        %get3A_480 = arith.constant 16 : index
        %get3A_481 = tpu.vector_load %arg6[%get3A_479, %get3A_480] {strides = array<i32>} : memref<100x64xf32, #tpu.memory_space<vmem>>, vector<1x16xf32>,
        %get3A_482 = vector.shape_cast %get3A_481 : vector<1x16xf32> to vector<16xf32>
        %add3A_483 = arith.addf %add3A_459, %get3A_482 : vector<16xf32>
        %get3A_484 = arith.index_cast %add3A_473 : i32 to index
        %get3A_485 = arith.constant 32 : index
        %get3A_486 = tpu.vector_load %arg6[%get3A_484, %get3A_485] {strides = array<i32>} : memref<100x64xf32, #tpu.memory_space<vmem>>, vector<1x16xf32>,
        %get3A_487 = vector.shape_cast %get3A_486 : vector<1x16xf32> to vector<16xf32>
        %add3A_488 = arith.addf %add3A_464, %get3A_487 : vector<16xf32>
        %get3A_489 = arith.index_cast %add3A_473 : i32 to index
        %get3A_490 = arith.constant 48 : index
        %get3A_491 = tpu.vector_load %arg6[%get3A_489, %get3A_490] {strides = array<i32>} : memref<100x64xf32, #tpu.memory_space<vmem>>, vector<1x16xf32>,
        %get3A_492 = vector.shape_cast %get3A_491 : vector<1x16xf32> to vector<16xf32>
        %add3A_493 = arith.addf %add3A_469, %get3A_492 : vector<16xf32>
        %mul3A_494 = arith.constant 10 : i32
        %mul3A_495 = arith.muli %scan3A_298, %mul3A_494 : i32
        %add3A_496 = arith.constant 8 : i32
        %add3A_497 = arith.addi %mul3A_495, %add3A_496 : i32
        %get3A_498 = arith.index_cast %add3A_497 : i32 to index
        %get3A_499 = arith.constant 0 : index
        %get3A_500 = tpu.vector_load %arg6[%get3A_498, %get3A_499] {strides = array<i32>} : memref<100x64xf32, #tpu.memory_space<vmem>>, vector<1x16xf32>,
        %get3A_501 = vector.shape_cast %get3A_500 : vector<1x16xf32> to vector<16xf32>
        %add3A_502 = arith.addf %add3A_478, %get3A_501 : vector<16xf32>
        %get3A_503 = arith.index_cast %add3A_497 : i32 to index
        %get3A_504 = arith.constant 16 : index
        %get3A_505 = tpu.vector_load %arg6[%get3A_503, %get3A_504] {strides = array<i32>} : memref<100x64xf32, #tpu.memory_space<vmem>>, vector<1x16xf32>,
        %get3A_506 = vector.shape_cast %get3A_505 : vector<1x16xf32> to vector<16xf32>
        %add3A_507 = arith.addf %add3A_483, %get3A_506 : vector<16xf32>
        %get3A_508 = arith.index_cast %add3A_497 : i32 to index
        %get3A_509 = arith.constant 32 : index
        %get3A_510 = tpu.vector_load %arg6[%get3A_508, %get3A_509] {strides = array<i32>} : memref<100x64xf32, #tpu.memory_space<vmem>>, vector<1x16xf32>,
        %get3A_511 = vector.shape_cast %get3A_510 : vector<1x16xf32> to vector<16xf32>
        %add3A_512 = arith.addf %add3A_488, %get3A_511 : vector<16xf32>
        %get3A_513 = arith.index_cast %add3A_497 : i32 to index
        %get3A_514 = arith.constant 48 : index
        %get3A_515 = tpu.vector_load %arg6[%get3A_513, %get3A_514] {strides = array<i32>} : memref<100x64xf32, #tpu.memory_space<vmem>>, vector<1x16xf32>,
        %get3A_516 = vector.shape_cast %get3A_515 : vector<1x16xf32> to vector<16xf32>
        %add3A_517 = arith.addf %add3A_493, %get3A_516 : vector<16xf32>
        %mul3A_518 = arith.constant 10 : i32
        %mul3A_519 = arith.muli %scan3A_298, %mul3A_518 : i32
        %add3A_520 = arith.constant 9 : i32
        %add3A_521 = arith.addi %mul3A_519, %add3A_520 : i32
        %get3A_522 = arith.index_cast %add3A_521 : i32 to index
        %get3A_523 = arith.constant 0 : index
        %get3A_524 = tpu.vector_load %arg6[%get3A_522, %get3A_523] {strides = array<i32>} : memref<100x64xf32, #tpu.memory_space<vmem>>, vector<1x16xf32>,
        %get3A_525 = vector.shape_cast %get3A_524 : vector<1x16xf32> to vector<16xf32>
        %add3A_526 = arith.addf %add3A_502, %get3A_525 : vector<16xf32>
        %get3A_527 = arith.index_cast %add3A_521 : i32 to index
        %get3A_528 = arith.constant 16 : index
        %get3A_529 = tpu.vector_load %arg6[%get3A_527, %get3A_528] {strides = array<i32>} : memref<100x64xf32, #tpu.memory_space<vmem>>, vector<1x16xf32>,
        %get3A_530 = vector.shape_cast %get3A_529 : vector<1x16xf32> to vector<16xf32>
        %add3A_531 = arith.addf %add3A_507, %get3A_530 : vector<16xf32>
        %get3A_532 = arith.index_cast %add3A_521 : i32 to index
        %get3A_533 = arith.constant 32 : index
        %get3A_534 = tpu.vector_load %arg6[%get3A_532, %get3A_533] {strides = array<i32>} : memref<100x64xf32, #tpu.memory_space<vmem>>, vector<1x16xf32>,
        %get3A_535 = vector.shape_cast %get3A_534 : vector<1x16xf32> to vector<16xf32>
        %add3A_536 = arith.addf %add3A_512, %get3A_535 : vector<16xf32>
        %get3A_537 = arith.index_cast %add3A_521 : i32 to index
        %get3A_538 = arith.constant 48 : index
        %get3A_539 = tpu.vector_load %arg6[%get3A_537, %get3A_538] {strides = array<i32>} : memref<100x64xf32, #tpu.memory_space<vmem>>, vector<1x16xf32>,
        %get3A_540 = vector.shape_cast %get3A_539 : vector<1x16xf32> to vector<16xf32>
        %add3A_541 = arith.addf %add3A_517, %get3A_540 : vector<16xf32>
        scf.yield %add3A_526, %add3A_531, %add3A_536, %add3A_541 : vector<16xf32>, vector<16xf32>, vector<16xf32>, vector<16xf32>
      }
      %scan3A_94 = arith.constant 10 : i32
      %dma_wait3A_95 = arith.constant 249 : i32
      %dma_wait3A_96 = arith.constant 0 : i32
      %dma_wait3A_97 = tpu.memref_slice %arg5[%dma_wait3A_95, %dma_wait3A_96] : memref<256x100xi32, #tpu.memory_space<vmem>> -> memref<1x100xi32, #tpu.memory_space<vmem>>
      %dma_wait3A_98 = tpu.memref_squeeze %dma_wait3A_97 : memref<1x100xi32, #tpu.memory_space<vmem>> -> memref<100xi32, #tpu.memory_space<vmem>>
      %dma_wait3A_99 = arith.constant 0 : i32
      %dma_wait3A_100 = arith.constant 0 : i32
      %dma_wait3A_101 = tpu.memref_slice %arg3[%dma_wait3A_99, %dma_wait3A_100] : memref<1000000x64xf32, #tpu.memory_space<hbm>> -> memref<1000000x64xf32, #tpu.memory_space<hbm>>
      tpu.wait_indirect_dma semaphore(%arg16 : memref<!tpu.dma_semaphore, #tpu.memory_space<semaphore_mem>>) src(%dma_wait3A_101 : memref<1000000x64xf32, #tpu.memory_space<hbm>>) dst(%arg7 : memref<100x64xf32, #tpu.memory_space<vmem>>)
      %scan3A_102 = arith.constant 0 : i32
      %scan3A_103 = arith.constant 10 : i32
      %scan3A_104 = arith.addi %scan3A_102, %scan3A_103 : i32
      %scan3A_105 = arith.constant 1 : i32
      %scan3A_106:4 = scf.for %scan3A_298 = %scan3A_102 to %scan3A_104 step %scan3A_105 iter_args(%scan3A_299 = %scan3A_93#0, %scan3A_300 = %scan3A_93#1, %scan3A_301 = %scan3A_93#2, %scan3A_302 = %scan3A_93#3) -> (vector<16xf32>, vector<16xf32>, vector<16xf32>, vector<16xf32>)  : i32 {
        %mul3A_303 = arith.constant 10 : i32
        %mul3A_304 = arith.muli %scan3A_298, %mul3A_303 : i32
        %add3A_305 = arith.constant 0 : i32
        %add3A_306 = arith.addi %mul3A_304, %add3A_305 : i32
        %get3A = arith.index_cast %add3A_306 : i32 to index
        %get3A_307 = arith.constant 0 : index
        %get3A_308 = tpu.vector_load %arg7[%get3A, %get3A_307] {strides = array<i32>} : memref<100x64xf32, #tpu.memory_space<vmem>>, vector<1x16xf32>,
        %get3A_309 = vector.shape_cast %get3A_308 : vector<1x16xf32> to vector<16xf32>
        %add3A_310 = arith.addf %scan3A_299, %get3A_309 : vector<16xf32>
        %get3A_311 = arith.index_cast %add3A_306 : i32 to index
        %get3A_312 = arith.constant 16 : index
        %get3A_313 = tpu.vector_load %arg7[%get3A_311, %get3A_312] {strides = array<i32>} : memref<100x64xf32, #tpu.memory_space<vmem>>, vector<1x16xf32>,
        %get3A_314 = vector.shape_cast %get3A_313 : vector<1x16xf32> to vector<16xf32>
        %add3A_315 = arith.addf %scan3A_300, %get3A_314 : vector<16xf32>
        %get3A_316 = arith.index_cast %add3A_306 : i32 to index
        %get3A_317 = arith.constant 32 : index
        %get3A_318 = tpu.vector_load %arg7[%get3A_316, %get3A_317] {strides = array<i32>} : memref<100x64xf32, #tpu.memory_space<vmem>>, vector<1x16xf32>,
        %get3A_319 = vector.shape_cast %get3A_318 : vector<1x16xf32> to vector<16xf32>
        %add3A_320 = arith.addf %scan3A_301, %get3A_319 : vector<16xf32>
        %get3A_321 = arith.index_cast %add3A_306 : i32 to index
        %get3A_322 = arith.constant 48 : index
        %get3A_323 = tpu.vector_load %arg7[%get3A_321, %get3A_322] {strides = array<i32>} : memref<100x64xf32, #tpu.memory_space<vmem>>, vector<1x16xf32>,
        %get3A_324 = vector.shape_cast %get3A_323 : vector<1x16xf32> to vector<16xf32>
        %add3A_325 = arith.addf %scan3A_302, %get3A_324 : vector<16xf32>
        %mul3A_326 = arith.constant 10 : i32
        %mul3A_327 = arith.muli %scan3A_298, %mul3A_326 : i32
        %add3A_328 = arith.constant 1 : i32
        %add3A_329 = arith.addi %mul3A_327, %add3A_328 : i32
        %get3A_330 = arith.index_cast %add3A_329 : i32 to index
        %get3A_331 = arith.constant 0 : index
        %get3A_332 = tpu.vector_load %arg7[%get3A_330, %get3A_331] {strides = array<i32>} : memref<100x64xf32, #tpu.memory_space<vmem>>, vector<1x16xf32>,
        %get3A_333 = vector.shape_cast %get3A_332 : vector<1x16xf32> to vector<16xf32>
        %add3A_334 = arith.addf %add3A_310, %get3A_333 : vector<16xf32>
        %get3A_335 = arith.index_cast %add3A_329 : i32 to index
        %get3A_336 = arith.constant 16 : index
        %get3A_337 = tpu.vector_load %arg7[%get3A_335, %get3A_336] {strides = array<i32>} : memref<100x64xf32, #tpu.memory_space<vmem>>, vector<1x16xf32>,
        %get3A_338 = vector.shape_cast %get3A_337 : vector<1x16xf32> to vector<16xf32>
        %add3A_339 = arith.addf %add3A_315, %get3A_338 : vector<16xf32>
        %get3A_340 = arith.index_cast %add3A_329 : i32 to index
        %get3A_341 = arith.constant 32 : index
        %get3A_342 = tpu.vector_load %arg7[%get3A_340, %get3A_341] {strides = array<i32>} : memref<100x64xf32, #tpu.memory_space<vmem>>, vector<1x16xf32>,
        %get3A_343 = vector.shape_cast %get3A_342 : vector<1x16xf32> to vector<16xf32>
        %add3A_344 = arith.addf %add3A_320, %get3A_343 : vector<16xf32>
        %get3A_345 = arith.index_cast %add3A_329 : i32 to index
        %get3A_346 = arith.constant 48 : index
        %get3A_347 = tpu.vector_load %arg7[%get3A_345, %get3A_346] {strides = array<i32>} : memref<100x64xf32, #tpu.memory_space<vmem>>, vector<1x16xf32>,
        %get3A_348 = vector.shape_cast %get3A_347 : vector<1x16xf32> to vector<16xf32>
        %add3A_349 = arith.addf %add3A_325, %get3A_348 : vector<16xf32>
        %mul3A_350 = arith.constant 10 : i32
        %mul3A_351 = arith.muli %scan3A_298, %mul3A_350 : i32
        %add3A_352 = arith.constant 2 : i32
        %add3A_353 = arith.addi %mul3A_351, %add3A_352 : i32
        %get3A_354 = arith.index_cast %add3A_353 : i32 to index
        %get3A_355 = arith.constant 0 : index
        %get3A_356 = tpu.vector_load %arg7[%get3A_354, %get3A_355] {strides = array<i32>} : memref<100x64xf32, #tpu.memory_space<vmem>>, vector<1x16xf32>,
        %get3A_357 = vector.shape_cast %get3A_356 : vector<1x16xf32> to vector<16xf32>
        %add3A_358 = arith.addf %add3A_334, %get3A_357 : vector<16xf32>
        %get3A_359 = arith.index_cast %add3A_353 : i32 to index
        %get3A_360 = arith.constant 16 : index
        %get3A_361 = tpu.vector_load %arg7[%get3A_359, %get3A_360] {strides = array<i32>} : memref<100x64xf32, #tpu.memory_space<vmem>>, vector<1x16xf32>,
        %get3A_362 = vector.shape_cast %get3A_361 : vector<1x16xf32> to vector<16xf32>
        %add3A_363 = arith.addf %add3A_339, %get3A_362 : vector<16xf32>
        %get3A_364 = arith.index_cast %add3A_353 : i32 to index
        %get3A_365 = arith.constant 32 : index
        %get3A_366 = tpu.vector_load %arg7[%get3A_364, %get3A_365] {strides = array<i32>} : memref<100x64xf32, #tpu.memory_space<vmem>>, vector<1x16xf32>,
        %get3A_367 = vector.shape_cast %get3A_366 : vector<1x16xf32> to vector<16xf32>
        %add3A_368 = arith.addf %add3A_344, %get3A_367 : vector<16xf32>
        %get3A_369 = arith.index_cast %add3A_353 : i32 to index
        %get3A_370 = arith.constant 48 : index
        %get3A_371 = tpu.vector_load %arg7[%get3A_369, %get3A_370] {strides = array<i32>} : memref<100x64xf32, #tpu.memory_space<vmem>>, vector<1x16xf32>,
        %get3A_372 = vector.shape_cast %get3A_371 : vector<1x16xf32> to vector<16xf32>
        %add3A_373 = arith.addf %add3A_349, %get3A_372 : vector<16xf32>
        %mul3A_374 = arith.constant 10 : i32
        %mul3A_375 = arith.muli %scan3A_298, %mul3A_374 : i32
        %add3A_376 = arith.constant 3 : i32
        %add3A_377 = arith.addi %mul3A_375, %add3A_376 : i32
        %get3A_378 = arith.index_cast %add3A_377 : i32 to index
        %get3A_379 = arith.constant 0 : index
        %get3A_380 = tpu.vector_load %arg7[%get3A_378, %get3A_379] {strides = array<i32>} : memref<100x64xf32, #tpu.memory_space<vmem>>, vector<1x16xf32>,
        %get3A_381 = vector.shape_cast %get3A_380 : vector<1x16xf32> to vector<16xf32>
        %add3A_382 = arith.addf %add3A_358, %get3A_381 : vector<16xf32>
        %get3A_383 = arith.index_cast %add3A_377 : i32 to index
        %get3A_384 = arith.constant 16 : index
        %get3A_385 = tpu.vector_load %arg7[%get3A_383, %get3A_384] {strides = array<i32>} : memref<100x64xf32, #tpu.memory_space<vmem>>, vector<1x16xf32>,
        %get3A_386 = vector.shape_cast %get3A_385 : vector<1x16xf32> to vector<16xf32>
        %add3A_387 = arith.addf %add3A_363, %get3A_386 : vector<16xf32>
        %get3A_388 = arith.index_cast %add3A_377 : i32 to index
        %get3A_389 = arith.constant 32 : index
        %get3A_390 = tpu.vector_load %arg7[%get3A_388, %get3A_389] {strides = array<i32>} : memref<100x64xf32, #tpu.memory_space<vmem>>, vector<1x16xf32>,
        %get3A_391 = vector.shape_cast %get3A_390 : vector<1x16xf32> to vector<16xf32>
        %add3A_392 = arith.addf %add3A_368, %get3A_391 : vector<16xf32>
        %get3A_393 = arith.index_cast %add3A_377 : i32 to index
        %get3A_394 = arith.constant 48 : index
        %get3A_395 = tpu.vector_load %arg7[%get3A_393, %get3A_394] {strides = array<i32>} : memref<100x64xf32, #tpu.memory_space<vmem>>, vector<1x16xf32>,
        %get3A_396 = vector.shape_cast %get3A_395 : vector<1x16xf32> to vector<16xf32>
        %add3A_397 = arith.addf %add3A_373, %get3A_396 : vector<16xf32>
        %mul3A_398 = arith.constant 10 : i32
        %mul3A_399 = arith.muli %scan3A_298, %mul3A_398 : i32
        %add3A_400 = arith.constant 4 : i32
        %add3A_401 = arith.addi %mul3A_399, %add3A_400 : i32
        %get3A_402 = arith.index_cast %add3A_401 : i32 to index
        %get3A_403 = arith.constant 0 : index
        %get3A_404 = tpu.vector_load %arg7[%get3A_402, %get3A_403] {strides = array<i32>} : memref<100x64xf32, #tpu.memory_space<vmem>>, vector<1x16xf32>,
        %get3A_405 = vector.shape_cast %get3A_404 : vector<1x16xf32> to vector<16xf32>
        %add3A_406 = arith.addf %add3A_382, %get3A_405 : vector<16xf32>
        %get3A_407 = arith.index_cast %add3A_401 : i32 to index
        %get3A_408 = arith.constant 16 : index
        %get3A_409 = tpu.vector_load %arg7[%get3A_407, %get3A_408] {strides = array<i32>} : memref<100x64xf32, #tpu.memory_space<vmem>>, vector<1x16xf32>,
        %get3A_410 = vector.shape_cast %get3A_409 : vector<1x16xf32> to vector<16xf32>
        %add3A_411 = arith.addf %add3A_387, %get3A_410 : vector<16xf32>
        %get3A_412 = arith.index_cast %add3A_401 : i32 to index
        %get3A_413 = arith.constant 32 : index
        %get3A_414 = tpu.vector_load %arg7[%get3A_412, %get3A_413] {strides = array<i32>} : memref<100x64xf32, #tpu.memory_space<vmem>>, vector<1x16xf32>,
        %get3A_415 = vector.shape_cast %get3A_414 : vector<1x16xf32> to vector<16xf32>
        %add3A_416 = arith.addf %add3A_392, %get3A_415 : vector<16xf32>
        %get3A_417 = arith.index_cast %add3A_401 : i32 to index
        %get3A_418 = arith.constant 48 : index
        %get3A_419 = tpu.vector_load %arg7[%get3A_417, %get3A_418] {strides = array<i32>} : memref<100x64xf32, #tpu.memory_space<vmem>>, vector<1x16xf32>,
        %get3A_420 = vector.shape_cast %get3A_419 : vector<1x16xf32> to vector<16xf32>
        %add3A_421 = arith.addf %add3A_397, %get3A_420 : vector<16xf32>
        %mul3A_422 = arith.constant 10 : i32
        %mul3A_423 = arith.muli %scan3A_298, %mul3A_422 : i32
        %add3A_424 = arith.constant 5 : i32
        %add3A_425 = arith.addi %mul3A_423, %add3A_424 : i32
        %get3A_426 = arith.index_cast %add3A_425 : i32 to index
        %get3A_427 = arith.constant 0 : index
        %get3A_428 = tpu.vector_load %arg7[%get3A_426, %get3A_427] {strides = array<i32>} : memref<100x64xf32, #tpu.memory_space<vmem>>, vector<1x16xf32>,
        %get3A_429 = vector.shape_cast %get3A_428 : vector<1x16xf32> to vector<16xf32>
        %add3A_430 = arith.addf %add3A_406, %get3A_429 : vector<16xf32>
        %get3A_431 = arith.index_cast %add3A_425 : i32 to index
        %get3A_432 = arith.constant 16 : index
        %get3A_433 = tpu.vector_load %arg7[%get3A_431, %get3A_432] {strides = array<i32>} : memref<100x64xf32, #tpu.memory_space<vmem>>, vector<1x16xf32>,
        %get3A_434 = vector.shape_cast %get3A_433 : vector<1x16xf32> to vector<16xf32>
        %add3A_435 = arith.addf %add3A_411, %get3A_434 : vector<16xf32>
        %get3A_436 = arith.index_cast %add3A_425 : i32 to index
        %get3A_437 = arith.constant 32 : index
        %get3A_438 = tpu.vector_load %arg7[%get3A_436, %get3A_437] {strides = array<i32>} : memref<100x64xf32, #tpu.memory_space<vmem>>, vector<1x16xf32>,
        %get3A_439 = vector.shape_cast %get3A_438 : vector<1x16xf32> to vector<16xf32>
        %add3A_440 = arith.addf %add3A_416, %get3A_439 : vector<16xf32>
        %get3A_441 = arith.index_cast %add3A_425 : i32 to index
        %get3A_442 = arith.constant 48 : index
        %get3A_443 = tpu.vector_load %arg7[%get3A_441, %get3A_442] {strides = array<i32>} : memref<100x64xf32, #tpu.memory_space<vmem>>, vector<1x16xf32>,
        %get3A_444 = vector.shape_cast %get3A_443 : vector<1x16xf32> to vector<16xf32>
        %add3A_445 = arith.addf %add3A_421, %get3A_444 : vector<16xf32>
        %mul3A_446 = arith.constant 10 : i32
        %mul3A_447 = arith.muli %scan3A_298, %mul3A_446 : i32
        %add3A_448 = arith.constant 6 : i32
        %add3A_449 = arith.addi %mul3A_447, %add3A_448 : i32
        %get3A_450 = arith.index_cast %add3A_449 : i32 to index
        %get3A_451 = arith.constant 0 : index
        %get3A_452 = tpu.vector_load %arg7[%get3A_450, %get3A_451] {strides = array<i32>} : memref<100x64xf32, #tpu.memory_space<vmem>>, vector<1x16xf32>,
        %get3A_453 = vector.shape_cast %get3A_452 : vector<1x16xf32> to vector<16xf32>
        %add3A_454 = arith.addf %add3A_430, %get3A_453 : vector<16xf32>
        %get3A_455 = arith.index_cast %add3A_449 : i32 to index
        %get3A_456 = arith.constant 16 : index
        %get3A_457 = tpu.vector_load %arg7[%get3A_455, %get3A_456] {strides = array<i32>} : memref<100x64xf32, #tpu.memory_space<vmem>>, vector<1x16xf32>,
        %get3A_458 = vector.shape_cast %get3A_457 : vector<1x16xf32> to vector<16xf32>
        %add3A_459 = arith.addf %add3A_435, %get3A_458 : vector<16xf32>
        %get3A_460 = arith.index_cast %add3A_449 : i32 to index
        %get3A_461 = arith.constant 32 : index
        %get3A_462 = tpu.vector_load %arg7[%get3A_460, %get3A_461] {strides = array<i32>} : memref<100x64xf32, #tpu.memory_space<vmem>>, vector<1x16xf32>,
        %get3A_463 = vector.shape_cast %get3A_462 : vector<1x16xf32> to vector<16xf32>
        %add3A_464 = arith.addf %add3A_440, %get3A_463 : vector<16xf32>
        %get3A_465 = arith.index_cast %add3A_449 : i32 to index
        %get3A_466 = arith.constant 48 : index
        %get3A_467 = tpu.vector_load %arg7[%get3A_465, %get3A_466] {strides = array<i32>} : memref<100x64xf32, #tpu.memory_space<vmem>>, vector<1x16xf32>,
        %get3A_468 = vector.shape_cast %get3A_467 : vector<1x16xf32> to vector<16xf32>
        %add3A_469 = arith.addf %add3A_445, %get3A_468 : vector<16xf32>
        %mul3A_470 = arith.constant 10 : i32
        %mul3A_471 = arith.muli %scan3A_298, %mul3A_470 : i32
        %add3A_472 = arith.constant 7 : i32
        %add3A_473 = arith.addi %mul3A_471, %add3A_472 : i32
        %get3A_474 = arith.index_cast %add3A_473 : i32 to index
        %get3A_475 = arith.constant 0 : index
        %get3A_476 = tpu.vector_load %arg7[%get3A_474, %get3A_475] {strides = array<i32>} : memref<100x64xf32, #tpu.memory_space<vmem>>, vector<1x16xf32>,
        %get3A_477 = vector.shape_cast %get3A_476 : vector<1x16xf32> to vector<16xf32>
        %add3A_478 = arith.addf %add3A_454, %get3A_477 : vector<16xf32>
        %get3A_479 = arith.index_cast %add3A_473 : i32 to index
        %get3A_480 = arith.constant 16 : index
        %get3A_481 = tpu.vector_load %arg7[%get3A_479, %get3A_480] {strides = array<i32>} : memref<100x64xf32, #tpu.memory_space<vmem>>, vector<1x16xf32>,
        %get3A_482 = vector.shape_cast %get3A_481 : vector<1x16xf32> to vector<16xf32>
        %add3A_483 = arith.addf %add3A_459, %get3A_482 : vector<16xf32>
        %get3A_484 = arith.index_cast %add3A_473 : i32 to index
        %get3A_485 = arith.constant 32 : index
        %get3A_486 = tpu.vector_load %arg7[%get3A_484, %get3A_485] {strides = array<i32>} : memref<100x64xf32, #tpu.memory_space<vmem>>, vector<1x16xf32>,
        %get3A_487 = vector.shape_cast %get3A_486 : vector<1x16xf32> to vector<16xf32>
        %add3A_488 = arith.addf %add3A_464, %get3A_487 : vector<16xf32>
        %get3A_489 = arith.index_cast %add3A_473 : i32 to index
        %get3A_490 = arith.constant 48 : index
        %get3A_491 = tpu.vector_load %arg7[%get3A_489, %get3A_490] {strides = array<i32>} : memref<100x64xf32, #tpu.memory_space<vmem>>, vector<1x16xf32>,
        %get3A_492 = vector.shape_cast %get3A_491 : vector<1x16xf32> to vector<16xf32>
        %add3A_493 = arith.addf %add3A_469, %get3A_492 : vector<16xf32>
        %mul3A_494 = arith.constant 10 : i32
        %mul3A_495 = arith.muli %scan3A_298, %mul3A_494 : i32
        %add3A_496 = arith.constant 8 : i32
        %add3A_497 = arith.addi %mul3A_495, %add3A_496 : i32
        %get3A_498 = arith.index_cast %add3A_497 : i32 to index
        %get3A_499 = arith.constant 0 : index
        %get3A_500 = tpu.vector_load %arg7[%get3A_498, %get3A_499] {strides = array<i32>} : memref<100x64xf32, #tpu.memory_space<vmem>>, vector<1x16xf32>,
        %get3A_501 = vector.shape_cast %get3A_500 : vector<1x16xf32> to vector<16xf32>
        %add3A_502 = arith.addf %add3A_478, %get3A_501 : vector<16xf32>
        %get3A_503 = arith.index_cast %add3A_497 : i32 to index
        %get3A_504 = arith.constant 16 : index
        %get3A_505 = tpu.vector_load %arg7[%get3A_503, %get3A_504] {strides = array<i32>} : memref<100x64xf32, #tpu.memory_space<vmem>>, vector<1x16xf32>,
        %get3A_506 = vector.shape_cast %get3A_505 : vector<1x16xf32> to vector<16xf32>
        %add3A_507 = arith.addf %add3A_483, %get3A_506 : vector<16xf32>
        %get3A_508 = arith.index_cast %add3A_497 : i32 to index
        %get3A_509 = arith.constant 32 : index
        %get3A_510 = tpu.vector_load %arg7[%get3A_508, %get3A_509] {strides = array<i32>} : memref<100x64xf32, #tpu.memory_space<vmem>>, vector<1x16xf32>,
        %get3A_511 = vector.shape_cast %get3A_510 : vector<1x16xf32> to vector<16xf32>
        %add3A_512 = arith.addf %add3A_488, %get3A_511 : vector<16xf32>
        %get3A_513 = arith.index_cast %add3A_497 : i32 to index
        %get3A_514 = arith.constant 48 : index
        %get3A_515 = tpu.vector_load %arg7[%get3A_513, %get3A_514] {strides = array<i32>} : memref<100x64xf32, #tpu.memory_space<vmem>>, vector<1x16xf32>,
        %get3A_516 = vector.shape_cast %get3A_515 : vector<1x16xf32> to vector<16xf32>
        %add3A_517 = arith.addf %add3A_493, %get3A_516 : vector<16xf32>
        %mul3A_518 = arith.constant 10 : i32
        %mul3A_519 = arith.muli %scan3A_298, %mul3A_518 : i32
        %add3A_520 = arith.constant 9 : i32
        %add3A_521 = arith.addi %mul3A_519, %add3A_520 : i32
        %get3A_522 = arith.index_cast %add3A_521 : i32 to index
        %get3A_523 = arith.constant 0 : index
        %get3A_524 = tpu.vector_load %arg7[%get3A_522, %get3A_523] {strides = array<i32>} : memref<100x64xf32, #tpu.memory_space<vmem>>, vector<1x16xf32>,
        %get3A_525 = vector.shape_cast %get3A_524 : vector<1x16xf32> to vector<16xf32>
        %add3A_526 = arith.addf %add3A_502, %get3A_525 : vector<16xf32>
        %get3A_527 = arith.index_cast %add3A_521 : i32 to index
        %get3A_528 = arith.constant 16 : index
        %get3A_529 = tpu.vector_load %arg7[%get3A_527, %get3A_528] {strides = array<i32>} : memref<100x64xf32, #tpu.memory_space<vmem>>, vector<1x16xf32>,
        %get3A_530 = vector.shape_cast %get3A_529 : vector<1x16xf32> to vector<16xf32>
        %add3A_531 = arith.addf %add3A_507, %get3A_530 : vector<16xf32>
        %get3A_532 = arith.index_cast %add3A_521 : i32 to index
        %get3A_533 = arith.constant 32 : index
        %get3A_534 = tpu.vector_load %arg7[%get3A_532, %get3A_533] {strides = array<i32>} : memref<100x64xf32, #tpu.memory_space<vmem>>, vector<1x16xf32>,
        %get3A_535 = vector.shape_cast %get3A_534 : vector<1x16xf32> to vector<16xf32>
        %add3A_536 = arith.addf %add3A_512, %get3A_535 : vector<16xf32>
        %get3A_537 = arith.index_cast %add3A_521 : i32 to index
        %get3A_538 = arith.constant 48 : index
        %get3A_539 = tpu.vector_load %arg7[%get3A_537, %get3A_538] {strides = array<i32>} : memref<100x64xf32, #tpu.memory_space<vmem>>, vector<1x16xf32>,
        %get3A_540 = vector.shape_cast %get3A_539 : vector<1x16xf32> to vector<16xf32>
        %add3A_541 = arith.addf %add3A_517, %get3A_540 : vector<16xf32>
        scf.yield %add3A_526, %add3A_531, %add3A_536, %add3A_541 : vector<16xf32>, vector<16xf32>, vector<16xf32>, vector<16xf32>
      }
      %scan3A_107 = arith.constant 10 : i32
      %add3A_108 = arith.constant 124 : i32
      %add3A_109 = arith.addi %mul3A_75, %add3A_108 : i32
      %add3A_110 = arith.constant 0 : i32
      %add3A_111 = arith.addi %add3A_109, %add3A_110 : i32
      %mul3A_112 = arith.mulf %scan3A_106#0, %broadcast_in_dim3A_5 : vector<16xf32>
      %swap3A = arith.index_cast %add3A_111 : i32 to index
      %swap3A_113 = arith.constant 0 : index
      %swap3A_114 = tpu.vector_load %arg14[%swap3A, %swap3A_113] {strides = array<i32>} : memref<512x64xf32, #tpu.memory_space<vmem>>, vector<1x16xf32>,
      %swap3A_115 = vector.shape_cast %swap3A_114 : vector<1x16xf32> to vector<16xf32>
      %swap3A_116 = vector.shape_cast %mul3A_112 : vector<16xf32> to vector<1x16xf32>
      tpu.vector_store %arg14[%swap3A, %swap3A_113], %swap3A_116 {strides = array<i32>} : memref<512x64xf32, #tpu.memory_space<vmem>>, vector<1x16xf32>,
      %mul3A_117 = arith.mulf %scan3A_106#1, %broadcast_in_dim3A_5 : vector<16xf32>
      %swap3A_118 = arith.index_cast %add3A_111 : i32 to index
      %swap3A_119 = arith.constant 16 : index
      %swap3A_120 = tpu.vector_load %arg14[%swap3A_118, %swap3A_119] {strides = array<i32>} : memref<512x64xf32, #tpu.memory_space<vmem>>, vector<1x16xf32>,
      %swap3A_121 = vector.shape_cast %swap3A_120 : vector<1x16xf32> to vector<16xf32>
      %swap3A_122 = vector.shape_cast %mul3A_117 : vector<16xf32> to vector<1x16xf32>
      tpu.vector_store %arg14[%swap3A_118, %swap3A_119], %swap3A_122 {strides = array<i32>} : memref<512x64xf32, #tpu.memory_space<vmem>>, vector<1x16xf32>,
      %mul3A_123 = arith.mulf %scan3A_106#2, %broadcast_in_dim3A_5 : vector<16xf32>
      %swap3A_124 = arith.index_cast %add3A_111 : i32 to index
      %swap3A_125 = arith.constant 32 : index
      %swap3A_126 = tpu.vector_load %arg14[%swap3A_124, %swap3A_125] {strides = array<i32>} : memref<512x64xf32, #tpu.memory_space<vmem>>, vector<1x16xf32>,
      %swap3A_127 = vector.shape_cast %swap3A_126 : vector<1x16xf32> to vector<16xf32>
      %swap3A_128 = vector.shape_cast %mul3A_123 : vector<16xf32> to vector<1x16xf32>
      tpu.vector_store %arg14[%swap3A_124, %swap3A_125], %swap3A_128 {strides = array<i32>} : memref<512x64xf32, #tpu.memory_space<vmem>>, vector<1x16xf32>,
      %mul3A_129 = arith.mulf %scan3A_106#3, %broadcast_in_dim3A_5 : vector<16xf32>
      %swap3A_130 = arith.index_cast %add3A_111 : i32 to index
      %swap3A_131 = arith.constant 48 : index
      %swap3A_132 = tpu.vector_load %arg14[%swap3A_130, %swap3A_131] {strides = array<i32>} : memref<512x64xf32, #tpu.memory_space<vmem>>, vector<1x16xf32>,
      %swap3A_133 = vector.shape_cast %swap3A_132 : vector<1x16xf32> to vector<16xf32>
      %swap3A_134 = vector.shape_cast %mul3A_129 : vector<16xf32> to vector<1x16xf32>
      tpu.vector_store %arg14[%swap3A_130, %swap3A_131], %swap3A_134 {strides = array<i32>} : memref<512x64xf32, #tpu.memory_space<vmem>>, vector<1x16xf32>,
      %dma_wait3A_135 = arith.constant 250 : i32
      %dma_wait3A_136 = arith.constant 0 : i32
      %dma_wait3A_137 = tpu.memref_slice %arg5[%dma_wait3A_135, %dma_wait3A_136] : memref<256x100xi32, #tpu.memory_space<vmem>> -> memref<1x100xi32, #tpu.memory_space<vmem>>
      %dma_wait3A_138 = tpu.memref_squeeze %dma_wait3A_137 : memref<1x100xi32, #tpu.memory_space<vmem>> -> memref<100xi32, #tpu.memory_space<vmem>>
      %dma_wait3A_139 = arith.constant 0 : i32
      %dma_wait3A_140 = arith.constant 0 : i32
      %dma_wait3A_141 = tpu.memref_slice %arg3[%dma_wait3A_139, %dma_wait3A_140] : memref<1000000x64xf32, #tpu.memory_space<hbm>> -> memref<1000000x64xf32, #tpu.memory_space<hbm>>
      tpu.wait_indirect_dma semaphore(%arg17 : memref<!tpu.dma_semaphore, #tpu.memory_space<semaphore_mem>>) src(%dma_wait3A_141 : memref<1000000x64xf32, #tpu.memory_space<hbm>>) dst(%arg8 : memref<100x64xf32, #tpu.memory_space<vmem>>)
      %scan3A_142 = arith.constant 0 : i32
      %scan3A_143 = arith.constant 10 : i32
      %scan3A_144 = arith.addi %scan3A_142, %scan3A_143 : i32
      %scan3A_145 = arith.constant 1 : i32
      %scan3A_146:4 = scf.for %scan3A_298 = %scan3A_142 to %scan3A_144 step %scan3A_145 iter_args(%scan3A_299 = %broadcast_in_dim3A_7, %scan3A_300 = %broadcast_in_dim3A_7, %scan3A_301 = %broadcast_in_dim3A_7, %scan3A_302 = %broadcast_in_dim3A_7) -> (vector<16xf32>, vector<16xf32>, vector<16xf32>, vector<16xf32>)  : i32 {
        %mul3A_303 = arith.constant 10 : i32
        %mul3A_304 = arith.muli %scan3A_298, %mul3A_303 : i32
        %add3A_305 = arith.constant 0 : i32
        %add3A_306 = arith.addi %mul3A_304, %add3A_305 : i32
        %get3A = arith.index_cast %add3A_306 : i32 to index
        %get3A_307 = arith.constant 0 : index
        %get3A_308 = tpu.vector_load %arg8[%get3A, %get3A_307] {strides = array<i32>} : memref<100x64xf32, #tpu.memory_space<vmem>>, vector<1x16xf32>,
        %get3A_309 = vector.shape_cast %get3A_308 : vector<1x16xf32> to vector<16xf32>
        %add3A_310 = arith.addf %scan3A_299, %get3A_309 : vector<16xf32>
        %get3A_311 = arith.index_cast %add3A_306 : i32 to index
        %get3A_312 = arith.constant 16 : index
        %get3A_313 = tpu.vector_load %arg8[%get3A_311, %get3A_312] {strides = array<i32>} : memref<100x64xf32, #tpu.memory_space<vmem>>, vector<1x16xf32>,
        %get3A_314 = vector.shape_cast %get3A_313 : vector<1x16xf32> to vector<16xf32>
        %add3A_315 = arith.addf %scan3A_300, %get3A_314 : vector<16xf32>
        %get3A_316 = arith.index_cast %add3A_306 : i32 to index
        %get3A_317 = arith.constant 32 : index
        %get3A_318 = tpu.vector_load %arg8[%get3A_316, %get3A_317] {strides = array<i32>} : memref<100x64xf32, #tpu.memory_space<vmem>>, vector<1x16xf32>,
        %get3A_319 = vector.shape_cast %get3A_318 : vector<1x16xf32> to vector<16xf32>
        %add3A_320 = arith.addf %scan3A_301, %get3A_319 : vector<16xf32>
        %get3A_321 = arith.index_cast %add3A_306 : i32 to index
        %get3A_322 = arith.constant 48 : index
        %get3A_323 = tpu.vector_load %arg8[%get3A_321, %get3A_322] {strides = array<i32>} : memref<100x64xf32, #tpu.memory_space<vmem>>, vector<1x16xf32>,
        %get3A_324 = vector.shape_cast %get3A_323 : vector<1x16xf32> to vector<16xf32>
        %add3A_325 = arith.addf %scan3A_302, %get3A_324 : vector<16xf32>
        %mul3A_326 = arith.constant 10 : i32
        %mul3A_327 = arith.muli %scan3A_298, %mul3A_326 : i32
        %add3A_328 = arith.constant 1 : i32
        %add3A_329 = arith.addi %mul3A_327, %add3A_328 : i32
        %get3A_330 = arith.index_cast %add3A_329 : i32 to index
        %get3A_331 = arith.constant 0 : index
        %get3A_332 = tpu.vector_load %arg8[%get3A_330, %get3A_331] {strides = array<i32>} : memref<100x64xf32, #tpu.memory_space<vmem>>, vector<1x16xf32>,
        %get3A_333 = vector.shape_cast %get3A_332 : vector<1x16xf32> to vector<16xf32>
        %add3A_334 = arith.addf %add3A_310, %get3A_333 : vector<16xf32>
        %get3A_335 = arith.index_cast %add3A_329 : i32 to index
        %get3A_336 = arith.constant 16 : index
        %get3A_337 = tpu.vector_load %arg8[%get3A_335, %get3A_336] {strides = array<i32>} : memref<100x64xf32, #tpu.memory_space<vmem>>, vector<1x16xf32>,
        %get3A_338 = vector.shape_cast %get3A_337 : vector<1x16xf32> to vector<16xf32>
        %add3A_339 = arith.addf %add3A_315, %get3A_338 : vector<16xf32>
        %get3A_340 = arith.index_cast %add3A_329 : i32 to index
        %get3A_341 = arith.constant 32 : index
        %get3A_342 = tpu.vector_load %arg8[%get3A_340, %get3A_341] {strides = array<i32>} : memref<100x64xf32, #tpu.memory_space<vmem>>, vector<1x16xf32>,
        %get3A_343 = vector.shape_cast %get3A_342 : vector<1x16xf32> to vector<16xf32>
        %add3A_344 = arith.addf %add3A_320, %get3A_343 : vector<16xf32>
        %get3A_345 = arith.index_cast %add3A_329 : i32 to index
        %get3A_346 = arith.constant 48 : index
        %get3A_347 = tpu.vector_load %arg8[%get3A_345, %get3A_346] {strides = array<i32>} : memref<100x64xf32, #tpu.memory_space<vmem>>, vector<1x16xf32>,
        %get3A_348 = vector.shape_cast %get3A_347 : vector<1x16xf32> to vector<16xf32>
        %add3A_349 = arith.addf %add3A_325, %get3A_348 : vector<16xf32>
        %mul3A_350 = arith.constant 10 : i32
        %mul3A_351 = arith.muli %scan3A_298, %mul3A_350 : i32
        %add3A_352 = arith.constant 2 : i32
        %add3A_353 = arith.addi %mul3A_351, %add3A_352 : i32
        %get3A_354 = arith.index_cast %add3A_353 : i32 to index
        %get3A_355 = arith.constant 0 : index
        %get3A_356 = tpu.vector_load %arg8[%get3A_354, %get3A_355] {strides = array<i32>} : memref<100x64xf32, #tpu.memory_space<vmem>>, vector<1x16xf32>,
        %get3A_357 = vector.shape_cast %get3A_356 : vector<1x16xf32> to vector<16xf32>
        %add3A_358 = arith.addf %add3A_334, %get3A_357 : vector<16xf32>
        %get3A_359 = arith.index_cast %add3A_353 : i32 to index
        %get3A_360 = arith.constant 16 : index
        %get3A_361 = tpu.vector_load %arg8[%get3A_359, %get3A_360] {strides = array<i32>} : memref<100x64xf32, #tpu.memory_space<vmem>>, vector<1x16xf32>,
        %get3A_362 = vector.shape_cast %get3A_361 : vector<1x16xf32> to vector<16xf32>
        %add3A_363 = arith.addf %add3A_339, %get3A_362 : vector<16xf32>
        %get3A_364 = arith.index_cast %add3A_353 : i32 to index
        %get3A_365 = arith.constant 32 : index
        %get3A_366 = tpu.vector_load %arg8[%get3A_364, %get3A_365] {strides = array<i32>} : memref<100x64xf32, #tpu.memory_space<vmem>>, vector<1x16xf32>,
        %get3A_367 = vector.shape_cast %get3A_366 : vector<1x16xf32> to vector<16xf32>
        %add3A_368 = arith.addf %add3A_344, %get3A_367 : vector<16xf32>
        %get3A_369 = arith.index_cast %add3A_353 : i32 to index
        %get3A_370 = arith.constant 48 : index
        %get3A_371 = tpu.vector_load %arg8[%get3A_369, %get3A_370] {strides = array<i32>} : memref<100x64xf32, #tpu.memory_space<vmem>>, vector<1x16xf32>,
        %get3A_372 = vector.shape_cast %get3A_371 : vector<1x16xf32> to vector<16xf32>
        %add3A_373 = arith.addf %add3A_349, %get3A_372 : vector<16xf32>
        %mul3A_374 = arith.constant 10 : i32
        %mul3A_375 = arith.muli %scan3A_298, %mul3A_374 : i32
        %add3A_376 = arith.constant 3 : i32
        %add3A_377 = arith.addi %mul3A_375, %add3A_376 : i32
        %get3A_378 = arith.index_cast %add3A_377 : i32 to index
        %get3A_379 = arith.constant 0 : index
        %get3A_380 = tpu.vector_load %arg8[%get3A_378, %get3A_379] {strides = array<i32>} : memref<100x64xf32, #tpu.memory_space<vmem>>, vector<1x16xf32>,
        %get3A_381 = vector.shape_cast %get3A_380 : vector<1x16xf32> to vector<16xf32>
        %add3A_382 = arith.addf %add3A_358, %get3A_381 : vector<16xf32>
        %get3A_383 = arith.index_cast %add3A_377 : i32 to index
        %get3A_384 = arith.constant 16 : index
        %get3A_385 = tpu.vector_load %arg8[%get3A_383, %get3A_384] {strides = array<i32>} : memref<100x64xf32, #tpu.memory_space<vmem>>, vector<1x16xf32>,
        %get3A_386 = vector.shape_cast %get3A_385 : vector<1x16xf32> to vector<16xf32>
        %add3A_387 = arith.addf %add3A_363, %get3A_386 : vector<16xf32>
        %get3A_388 = arith.index_cast %add3A_377 : i32 to index
        %get3A_389 = arith.constant 32 : index
        %get3A_390 = tpu.vector_load %arg8[%get3A_388, %get3A_389] {strides = array<i32>} : memref<100x64xf32, #tpu.memory_space<vmem>>, vector<1x16xf32>,
        %get3A_391 = vector.shape_cast %get3A_390 : vector<1x16xf32> to vector<16xf32>
        %add3A_392 = arith.addf %add3A_368, %get3A_391 : vector<16xf32>
        %get3A_393 = arith.index_cast %add3A_377 : i32 to index
        %get3A_394 = arith.constant 48 : index
        %get3A_395 = tpu.vector_load %arg8[%get3A_393, %get3A_394] {strides = array<i32>} : memref<100x64xf32, #tpu.memory_space<vmem>>, vector<1x16xf32>,
        %get3A_396 = vector.shape_cast %get3A_395 : vector<1x16xf32> to vector<16xf32>
        %add3A_397 = arith.addf %add3A_373, %get3A_396 : vector<16xf32>
        %mul3A_398 = arith.constant 10 : i32
        %mul3A_399 = arith.muli %scan3A_298, %mul3A_398 : i32
        %add3A_400 = arith.constant 4 : i32
        %add3A_401 = arith.addi %mul3A_399, %add3A_400 : i32
        %get3A_402 = arith.index_cast %add3A_401 : i32 to index
        %get3A_403 = arith.constant 0 : index
        %get3A_404 = tpu.vector_load %arg8[%get3A_402, %get3A_403] {strides = array<i32>} : memref<100x64xf32, #tpu.memory_space<vmem>>, vector<1x16xf32>,
        %get3A_405 = vector.shape_cast %get3A_404 : vector<1x16xf32> to vector<16xf32>
        %add3A_406 = arith.addf %add3A_382, %get3A_405 : vector<16xf32>
        %get3A_407 = arith.index_cast %add3A_401 : i32 to index
        %get3A_408 = arith.constant 16 : index
        %get3A_409 = tpu.vector_load %arg8[%get3A_407, %get3A_408] {strides = array<i32>} : memref<100x64xf32, #tpu.memory_space<vmem>>, vector<1x16xf32>,
        %get3A_410 = vector.shape_cast %get3A_409 : vector<1x16xf32> to vector<16xf32>
        %add3A_411 = arith.addf %add3A_387, %get3A_410 : vector<16xf32>
        %get3A_412 = arith.index_cast %add3A_401 : i32 to index
        %get3A_413 = arith.constant 32 : index
        %get3A_414 = tpu.vector_load %arg8[%get3A_412, %get3A_413] {strides = array<i32>} : memref<100x64xf32, #tpu.memory_space<vmem>>, vector<1x16xf32>,
        %get3A_415 = vector.shape_cast %get3A_414 : vector<1x16xf32> to vector<16xf32>
        %add3A_416 = arith.addf %add3A_392, %get3A_415 : vector<16xf32>
        %get3A_417 = arith.index_cast %add3A_401 : i32 to index
        %get3A_418 = arith.constant 48 : index
        %get3A_419 = tpu.vector_load %arg8[%get3A_417, %get3A_418] {strides = array<i32>} : memref<100x64xf32, #tpu.memory_space<vmem>>, vector<1x16xf32>,
        %get3A_420 = vector.shape_cast %get3A_419 : vector<1x16xf32> to vector<16xf32>
        %add3A_421 = arith.addf %add3A_397, %get3A_420 : vector<16xf32>
        %mul3A_422 = arith.constant 10 : i32
        %mul3A_423 = arith.muli %scan3A_298, %mul3A_422 : i32
        %add3A_424 = arith.constant 5 : i32
        %add3A_425 = arith.addi %mul3A_423, %add3A_424 : i32
        %get3A_426 = arith.index_cast %add3A_425 : i32 to index
        %get3A_427 = arith.constant 0 : index
        %get3A_428 = tpu.vector_load %arg8[%get3A_426, %get3A_427] {strides = array<i32>} : memref<100x64xf32, #tpu.memory_space<vmem>>, vector<1x16xf32>,
        %get3A_429 = vector.shape_cast %get3A_428 : vector<1x16xf32> to vector<16xf32>
        %add3A_430 = arith.addf %add3A_406, %get3A_429 : vector<16xf32>
        %get3A_431 = arith.index_cast %add3A_425 : i32 to index
        %get3A_432 = arith.constant 16 : index
        %get3A_433 = tpu.vector_load %arg8[%get3A_431, %get3A_432] {strides = array<i32>} : memref<100x64xf32, #tpu.memory_space<vmem>>, vector<1x16xf32>,
        %get3A_434 = vector.shape_cast %get3A_433 : vector<1x16xf32> to vector<16xf32>
        %add3A_435 = arith.addf %add3A_411, %get3A_434 : vector<16xf32>
        %get3A_436 = arith.index_cast %add3A_425 : i32 to index
        %get3A_437 = arith.constant 32 : index
        %get3A_438 = tpu.vector_load %arg8[%get3A_436, %get3A_437] {strides = array<i32>} : memref<100x64xf32, #tpu.memory_space<vmem>>, vector<1x16xf32>,
        %get3A_439 = vector.shape_cast %get3A_438 : vector<1x16xf32> to vector<16xf32>
        %add3A_440 = arith.addf %add3A_416, %get3A_439 : vector<16xf32>
        %get3A_441 = arith.index_cast %add3A_425 : i32 to index
        %get3A_442 = arith.constant 48 : index
        %get3A_443 = tpu.vector_load %arg8[%get3A_441, %get3A_442] {strides = array<i32>} : memref<100x64xf32, #tpu.memory_space<vmem>>, vector<1x16xf32>,
        %get3A_444 = vector.shape_cast %get3A_443 : vector<1x16xf32> to vector<16xf32>
        %add3A_445 = arith.addf %add3A_421, %get3A_444 : vector<16xf32>
        %mul3A_446 = arith.constant 10 : i32
        %mul3A_447 = arith.muli %scan3A_298, %mul3A_446 : i32
        %add3A_448 = arith.constant 6 : i32
        %add3A_449 = arith.addi %mul3A_447, %add3A_448 : i32
        %get3A_450 = arith.index_cast %add3A_449 : i32 to index
        %get3A_451 = arith.constant 0 : index
        %get3A_452 = tpu.vector_load %arg8[%get3A_450, %get3A_451] {strides = array<i32>} : memref<100x64xf32, #tpu.memory_space<vmem>>, vector<1x16xf32>,
        %get3A_453 = vector.shape_cast %get3A_452 : vector<1x16xf32> to vector<16xf32>
        %add3A_454 = arith.addf %add3A_430, %get3A_453 : vector<16xf32>
        %get3A_455 = arith.index_cast %add3A_449 : i32 to index
        %get3A_456 = arith.constant 16 : index
        %get3A_457 = tpu.vector_load %arg8[%get3A_455, %get3A_456] {strides = array<i32>} : memref<100x64xf32, #tpu.memory_space<vmem>>, vector<1x16xf32>,
        %get3A_458 = vector.shape_cast %get3A_457 : vector<1x16xf32> to vector<16xf32>
        %add3A_459 = arith.addf %add3A_435, %get3A_458 : vector<16xf32>
        %get3A_460 = arith.index_cast %add3A_449 : i32 to index
        %get3A_461 = arith.constant 32 : index
        %get3A_462 = tpu.vector_load %arg8[%get3A_460, %get3A_461] {strides = array<i32>} : memref<100x64xf32, #tpu.memory_space<vmem>>, vector<1x16xf32>,
        %get3A_463 = vector.shape_cast %get3A_462 : vector<1x16xf32> to vector<16xf32>
        %add3A_464 = arith.addf %add3A_440, %get3A_463 : vector<16xf32>
        %get3A_465 = arith.index_cast %add3A_449 : i32 to index
        %get3A_466 = arith.constant 48 : index
        %get3A_467 = tpu.vector_load %arg8[%get3A_465, %get3A_466] {strides = array<i32>} : memref<100x64xf32, #tpu.memory_space<vmem>>, vector<1x16xf32>,
        %get3A_468 = vector.shape_cast %get3A_467 : vector<1x16xf32> to vector<16xf32>
        %add3A_469 = arith.addf %add3A_445, %get3A_468 : vector<16xf32>
        %mul3A_470 = arith.constant 10 : i32
        %mul3A_471 = arith.muli %scan3A_298, %mul3A_470 : i32
        %add3A_472 = arith.constant 7 : i32
        %add3A_473 = arith.addi %mul3A_471, %add3A_472 : i32
        %get3A_474 = arith.index_cast %add3A_473 : i32 to index
        %get3A_475 = arith.constant 0 : index
        %get3A_476 = tpu.vector_load %arg8[%get3A_474, %get3A_475] {strides = array<i32>} : memref<100x64xf32, #tpu.memory_space<vmem>>, vector<1x16xf32>,
        %get3A_477 = vector.shape_cast %get3A_476 : vector<1x16xf32> to vector<16xf32>
        %add3A_478 = arith.addf %add3A_454, %get3A_477 : vector<16xf32>
        %get3A_479 = arith.index_cast %add3A_473 : i32 to index
        %get3A_480 = arith.constant 16 : index
        %get3A_481 = tpu.vector_load %arg8[%get3A_479, %get3A_480] {strides = array<i32>} : memref<100x64xf32, #tpu.memory_space<vmem>>, vector<1x16xf32>,
        %get3A_482 = vector.shape_cast %get3A_481 : vector<1x16xf32> to vector<16xf32>
        %add3A_483 = arith.addf %add3A_459, %get3A_482 : vector<16xf32>
        %get3A_484 = arith.index_cast %add3A_473 : i32 to index
        %get3A_485 = arith.constant 32 : index
        %get3A_486 = tpu.vector_load %arg8[%get3A_484, %get3A_485] {strides = array<i32>} : memref<100x64xf32, #tpu.memory_space<vmem>>, vector<1x16xf32>,
        %get3A_487 = vector.shape_cast %get3A_486 : vector<1x16xf32> to vector<16xf32>
        %add3A_488 = arith.addf %add3A_464, %get3A_487 : vector<16xf32>
        %get3A_489 = arith.index_cast %add3A_473 : i32 to index
        %get3A_490 = arith.constant 48 : index
        %get3A_491 = tpu.vector_load %arg8[%get3A_489, %get3A_490] {strides = array<i32>} : memref<100x64xf32, #tpu.memory_space<vmem>>, vector<1x16xf32>,
        %get3A_492 = vector.shape_cast %get3A_491 : vector<1x16xf32> to vector<16xf32>
        %add3A_493 = arith.addf %add3A_469, %get3A_492 : vector<16xf32>
        %mul3A_494 = arith.constant 10 : i32
        %mul3A_495 = arith.muli %scan3A_298, %mul3A_494 : i32
        %add3A_496 = arith.constant 8 : i32
        %add3A_497 = arith.addi %mul3A_495, %add3A_496 : i32
        %get3A_498 = arith.index_cast %add3A_497 : i32 to index
        %get3A_499 = arith.constant 0 : index
        %get3A_500 = tpu.vector_load %arg8[%get3A_498, %get3A_499] {strides = array<i32>} : memref<100x64xf32, #tpu.memory_space<vmem>>, vector<1x16xf32>,
        %get3A_501 = vector.shape_cast %get3A_500 : vector<1x16xf32> to vector<16xf32>
        %add3A_502 = arith.addf %add3A_478, %get3A_501 : vector<16xf32>
        %get3A_503 = arith.index_cast %add3A_497 : i32 to index
        %get3A_504 = arith.constant 16 : index
        %get3A_505 = tpu.vector_load %arg8[%get3A_503, %get3A_504] {strides = array<i32>} : memref<100x64xf32, #tpu.memory_space<vmem>>, vector<1x16xf32>,
        %get3A_506 = vector.shape_cast %get3A_505 : vector<1x16xf32> to vector<16xf32>
        %add3A_507 = arith.addf %add3A_483, %get3A_506 : vector<16xf32>
        %get3A_508 = arith.index_cast %add3A_497 : i32 to index
        %get3A_509 = arith.constant 32 : index
        %get3A_510 = tpu.vector_load %arg8[%get3A_508, %get3A_509] {strides = array<i32>} : memref<100x64xf32, #tpu.memory_space<vmem>>, vector<1x16xf32>,
        %get3A_511 = vector.shape_cast %get3A_510 : vector<1x16xf32> to vector<16xf32>
        %add3A_512 = arith.addf %add3A_488, %get3A_511 : vector<16xf32>
        %get3A_513 = arith.index_cast %add3A_497 : i32 to index
        %get3A_514 = arith.constant 48 : index
        %get3A_515 = tpu.vector_load %arg8[%get3A_513, %get3A_514] {strides = array<i32>} : memref<100x64xf32, #tpu.memory_space<vmem>>, vector<1x16xf32>,
        %get3A_516 = vector.shape_cast %get3A_515 : vector<1x16xf32> to vector<16xf32>
        %add3A_517 = arith.addf %add3A_493, %get3A_516 : vector<16xf32>
        %mul3A_518 = arith.constant 10 : i32
        %mul3A_519 = arith.muli %scan3A_298, %mul3A_518 : i32
        %add3A_520 = arith.constant 9 : i32
        %add3A_521 = arith.addi %mul3A_519, %add3A_520 : i32
        %get3A_522 = arith.index_cast %add3A_521 : i32 to index
        %get3A_523 = arith.constant 0 : index
        %get3A_524 = tpu.vector_load %arg8[%get3A_522, %get3A_523] {strides = array<i32>} : memref<100x64xf32, #tpu.memory_space<vmem>>, vector<1x16xf32>,
        %get3A_525 = vector.shape_cast %get3A_524 : vector<1x16xf32> to vector<16xf32>
        %add3A_526 = arith.addf %add3A_502, %get3A_525 : vector<16xf32>
        %get3A_527 = arith.index_cast %add3A_521 : i32 to index
        %get3A_528 = arith.constant 16 : index
        %get3A_529 = tpu.vector_load %arg8[%get3A_527, %get3A_528] {strides = array<i32>} : memref<100x64xf32, #tpu.memory_space<vmem>>, vector<1x16xf32>,
        %get3A_530 = vector.shape_cast %get3A_529 : vector<1x16xf32> to vector<16xf32>
        %add3A_531 = arith.addf %add3A_507, %get3A_530 : vector<16xf32>
        %get3A_532 = arith.index_cast %add3A_521 : i32 to index
        %get3A_533 = arith.constant 32 : index
        %get3A_534 = tpu.vector_load %arg8[%get3A_532, %get3A_533] {strides = array<i32>} : memref<100x64xf32, #tpu.memory_space<vmem>>, vector<1x16xf32>,
        %get3A_535 = vector.shape_cast %get3A_534 : vector<1x16xf32> to vector<16xf32>
        %add3A_536 = arith.addf %add3A_512, %get3A_535 : vector<16xf32>
        %get3A_537 = arith.index_cast %add3A_521 : i32 to index
        %get3A_538 = arith.constant 48 : index
        %get3A_539 = tpu.vector_load %arg8[%get3A_537, %get3A_538] {strides = array<i32>} : memref<100x64xf32, #tpu.memory_space<vmem>>, vector<1x16xf32>,
        %get3A_540 = vector.shape_cast %get3A_539 : vector<1x16xf32> to vector<16xf32>
        %add3A_541 = arith.addf %add3A_517, %get3A_540 : vector<16xf32>
        scf.yield %add3A_526, %add3A_531, %add3A_536, %add3A_541 : vector<16xf32>, vector<16xf32>, vector<16xf32>, vector<16xf32>
      }
      %scan3A_147 = arith.constant 10 : i32
      %dma_wait3A_148 = arith.constant 251 : i32
      %dma_wait3A_149 = arith.constant 0 : i32
      %dma_wait3A_150 = tpu.memref_slice %arg5[%dma_wait3A_148, %dma_wait3A_149] : memref<256x100xi32, #tpu.memory_space<vmem>> -> memref<1x100xi32, #tpu.memory_space<vmem>>
      %dma_wait3A_151 = tpu.memref_squeeze %dma_wait3A_150 : memref<1x100xi32, #tpu.memory_space<vmem>> -> memref<100xi32, #tpu.memory_space<vmem>>
      %dma_wait3A_152 = arith.constant 0 : i32
      %dma_wait3A_153 = arith.constant 0 : i32
      %dma_wait3A_154 = tpu.memref_slice %arg3[%dma_wait3A_152, %dma_wait3A_153] : memref<1000000x64xf32, #tpu.memory_space<hbm>> -> memref<1000000x64xf32, #tpu.memory_space<hbm>>
      tpu.wait_indirect_dma semaphore(%arg18 : memref<!tpu.dma_semaphore, #tpu.memory_space<semaphore_mem>>) src(%dma_wait3A_154 : memref<1000000x64xf32, #tpu.memory_space<hbm>>) dst(%arg9 : memref<100x64xf32, #tpu.memory_space<vmem>>)
      %scan3A_155 = arith.constant 0 : i32
      %scan3A_156 = arith.constant 10 : i32
      %scan3A_157 = arith.addi %scan3A_155, %scan3A_156 : i32
      %scan3A_158 = arith.constant 1 : i32
      %scan3A_159:4 = scf.for %scan3A_298 = %scan3A_155 to %scan3A_157 step %scan3A_158 iter_args(%scan3A_299 = %scan3A_146#0, %scan3A_300 = %scan3A_146#1, %scan3A_301 = %scan3A_146#2, %scan3A_302 = %scan3A_146#3) -> (vector<16xf32>, vector<16xf32>, vector<16xf32>, vector<16xf32>)  : i32 {
        %mul3A_303 = arith.constant 10 : i32
        %mul3A_304 = arith.muli %scan3A_298, %mul3A_303 : i32
        %add3A_305 = arith.constant 0 : i32
        %add3A_306 = arith.addi %mul3A_304, %add3A_305 : i32
        %get3A = arith.index_cast %add3A_306 : i32 to index
        %get3A_307 = arith.constant 0 : index
        %get3A_308 = tpu.vector_load %arg9[%get3A, %get3A_307] {strides = array<i32>} : memref<100x64xf32, #tpu.memory_space<vmem>>, vector<1x16xf32>,
        %get3A_309 = vector.shape_cast %get3A_308 : vector<1x16xf32> to vector<16xf32>
        %add3A_310 = arith.addf %scan3A_299, %get3A_309 : vector<16xf32>
        %get3A_311 = arith.index_cast %add3A_306 : i32 to index
        %get3A_312 = arith.constant 16 : index
        %get3A_313 = tpu.vector_load %arg9[%get3A_311, %get3A_312] {strides = array<i32>} : memref<100x64xf32, #tpu.memory_space<vmem>>, vector<1x16xf32>,
        %get3A_314 = vector.shape_cast %get3A_313 : vector<1x16xf32> to vector<16xf32>
        %add3A_315 = arith.addf %scan3A_300, %get3A_314 : vector<16xf32>
        %get3A_316 = arith.index_cast %add3A_306 : i32 to index
        %get3A_317 = arith.constant 32 : index
        %get3A_318 = tpu.vector_load %arg9[%get3A_316, %get3A_317] {strides = array<i32>} : memref<100x64xf32, #tpu.memory_space<vmem>>, vector<1x16xf32>,
        %get3A_319 = vector.shape_cast %get3A_318 : vector<1x16xf32> to vector<16xf32>
        %add3A_320 = arith.addf %scan3A_301, %get3A_319 : vector<16xf32>
        %get3A_321 = arith.index_cast %add3A_306 : i32 to index
        %get3A_322 = arith.constant 48 : index
        %get3A_323 = tpu.vector_load %arg9[%get3A_321, %get3A_322] {strides = array<i32>} : memref<100x64xf32, #tpu.memory_space<vmem>>, vector<1x16xf32>,
        %get3A_324 = vector.shape_cast %get3A_323 : vector<1x16xf32> to vector<16xf32>
        %add3A_325 = arith.addf %scan3A_302, %get3A_324 : vector<16xf32>
        %mul3A_326 = arith.constant 10 : i32
        %mul3A_327 = arith.muli %scan3A_298, %mul3A_326 : i32
        %add3A_328 = arith.constant 1 : i32
        %add3A_329 = arith.addi %mul3A_327, %add3A_328 : i32
        %get3A_330 = arith.index_cast %add3A_329 : i32 to index
        %get3A_331 = arith.constant 0 : index
        %get3A_332 = tpu.vector_load %arg9[%get3A_330, %get3A_331] {strides = array<i32>} : memref<100x64xf32, #tpu.memory_space<vmem>>, vector<1x16xf32>,
        %get3A_333 = vector.shape_cast %get3A_332 : vector<1x16xf32> to vector<16xf32>
        %add3A_334 = arith.addf %add3A_310, %get3A_333 : vector<16xf32>
        %get3A_335 = arith.index_cast %add3A_329 : i32 to index
        %get3A_336 = arith.constant 16 : index
        %get3A_337 = tpu.vector_load %arg9[%get3A_335, %get3A_336] {strides = array<i32>} : memref<100x64xf32, #tpu.memory_space<vmem>>, vector<1x16xf32>,
        %get3A_338 = vector.shape_cast %get3A_337 : vector<1x16xf32> to vector<16xf32>
        %add3A_339 = arith.addf %add3A_315, %get3A_338 : vector<16xf32>
        %get3A_340 = arith.index_cast %add3A_329 : i32 to index
        %get3A_341 = arith.constant 32 : index
        %get3A_342 = tpu.vector_load %arg9[%get3A_340, %get3A_341] {strides = array<i32>} : memref<100x64xf32, #tpu.memory_space<vmem>>, vector<1x16xf32>,
        %get3A_343 = vector.shape_cast %get3A_342 : vector<1x16xf32> to vector<16xf32>
        %add3A_344 = arith.addf %add3A_320, %get3A_343 : vector<16xf32>
        %get3A_345 = arith.index_cast %add3A_329 : i32 to index
        %get3A_346 = arith.constant 48 : index
        %get3A_347 = tpu.vector_load %arg9[%get3A_345, %get3A_346] {strides = array<i32>} : memref<100x64xf32, #tpu.memory_space<vmem>>, vector<1x16xf32>,
        %get3A_348 = vector.shape_cast %get3A_347 : vector<1x16xf32> to vector<16xf32>
        %add3A_349 = arith.addf %add3A_325, %get3A_348 : vector<16xf32>
        %mul3A_350 = arith.constant 10 : i32
        %mul3A_351 = arith.muli %scan3A_298, %mul3A_350 : i32
        %add3A_352 = arith.constant 2 : i32
        %add3A_353 = arith.addi %mul3A_351, %add3A_352 : i32
        %get3A_354 = arith.index_cast %add3A_353 : i32 to index
        %get3A_355 = arith.constant 0 : index
        %get3A_356 = tpu.vector_load %arg9[%get3A_354, %get3A_355] {strides = array<i32>} : memref<100x64xf32, #tpu.memory_space<vmem>>, vector<1x16xf32>,
        %get3A_357 = vector.shape_cast %get3A_356 : vector<1x16xf32> to vector<16xf32>
        %add3A_358 = arith.addf %add3A_334, %get3A_357 : vector<16xf32>
        %get3A_359 = arith.index_cast %add3A_353 : i32 to index
        %get3A_360 = arith.constant 16 : index
        %get3A_361 = tpu.vector_load %arg9[%get3A_359, %get3A_360] {strides = array<i32>} : memref<100x64xf32, #tpu.memory_space<vmem>>, vector<1x16xf32>,
        %get3A_362 = vector.shape_cast %get3A_361 : vector<1x16xf32> to vector<16xf32>
        %add3A_363 = arith.addf %add3A_339, %get3A_362 : vector<16xf32>
        %get3A_364 = arith.index_cast %add3A_353 : i32 to index
        %get3A_365 = arith.constant 32 : index
        %get3A_366 = tpu.vector_load %arg9[%get3A_364, %get3A_365] {strides = array<i32>} : memref<100x64xf32, #tpu.memory_space<vmem>>, vector<1x16xf32>,
        %get3A_367 = vector.shape_cast %get3A_366 : vector<1x16xf32> to vector<16xf32>
        %add3A_368 = arith.addf %add3A_344, %get3A_367 : vector<16xf32>
        %get3A_369 = arith.index_cast %add3A_353 : i32 to index
        %get3A_370 = arith.constant 48 : index
        %get3A_371 = tpu.vector_load %arg9[%get3A_369, %get3A_370] {strides = array<i32>} : memref<100x64xf32, #tpu.memory_space<vmem>>, vector<1x16xf32>,
        %get3A_372 = vector.shape_cast %get3A_371 : vector<1x16xf32> to vector<16xf32>
        %add3A_373 = arith.addf %add3A_349, %get3A_372 : vector<16xf32>
        %mul3A_374 = arith.constant 10 : i32
        %mul3A_375 = arith.muli %scan3A_298, %mul3A_374 : i32
        %add3A_376 = arith.constant 3 : i32
        %add3A_377 = arith.addi %mul3A_375, %add3A_376 : i32
        %get3A_378 = arith.index_cast %add3A_377 : i32 to index
        %get3A_379 = arith.constant 0 : index
        %get3A_380 = tpu.vector_load %arg9[%get3A_378, %get3A_379] {strides = array<i32>} : memref<100x64xf32, #tpu.memory_space<vmem>>, vector<1x16xf32>,
        %get3A_381 = vector.shape_cast %get3A_380 : vector<1x16xf32> to vector<16xf32>
        %add3A_382 = arith.addf %add3A_358, %get3A_381 : vector<16xf32>
        %get3A_383 = arith.index_cast %add3A_377 : i32 to index
        %get3A_384 = arith.constant 16 : index
        %get3A_385 = tpu.vector_load %arg9[%get3A_383, %get3A_384] {strides = array<i32>} : memref<100x64xf32, #tpu.memory_space<vmem>>, vector<1x16xf32>,
        %get3A_386 = vector.shape_cast %get3A_385 : vector<1x16xf32> to vector<16xf32>
        %add3A_387 = arith.addf %add3A_363, %get3A_386 : vector<16xf32>
        %get3A_388 = arith.index_cast %add3A_377 : i32 to index
        %get3A_389 = arith.constant 32 : index
        %get3A_390 = tpu.vector_load %arg9[%get3A_388, %get3A_389] {strides = array<i32>} : memref<100x64xf32, #tpu.memory_space<vmem>>, vector<1x16xf32>,
        %get3A_391 = vector.shape_cast %get3A_390 : vector<1x16xf32> to vector<16xf32>
        %add3A_392 = arith.addf %add3A_368, %get3A_391 : vector<16xf32>
        %get3A_393 = arith.index_cast %add3A_377 : i32 to index
        %get3A_394 = arith.constant 48 : index
        %get3A_395 = tpu.vector_load %arg9[%get3A_393, %get3A_394] {strides = array<i32>} : memref<100x64xf32, #tpu.memory_space<vmem>>, vector<1x16xf32>,
        %get3A_396 = vector.shape_cast %get3A_395 : vector<1x16xf32> to vector<16xf32>
        %add3A_397 = arith.addf %add3A_373, %get3A_396 : vector<16xf32>
        %mul3A_398 = arith.constant 10 : i32
        %mul3A_399 = arith.muli %scan3A_298, %mul3A_398 : i32
        %add3A_400 = arith.constant 4 : i32
        %add3A_401 = arith.addi %mul3A_399, %add3A_400 : i32
        %get3A_402 = arith.index_cast %add3A_401 : i32 to index
        %get3A_403 = arith.constant 0 : index
        %get3A_404 = tpu.vector_load %arg9[%get3A_402, %get3A_403] {strides = array<i32>} : memref<100x64xf32, #tpu.memory_space<vmem>>, vector<1x16xf32>,
        %get3A_405 = vector.shape_cast %get3A_404 : vector<1x16xf32> to vector<16xf32>
        %add3A_406 = arith.addf %add3A_382, %get3A_405 : vector<16xf32>
        %get3A_407 = arith.index_cast %add3A_401 : i32 to index
        %get3A_408 = arith.constant 16 : index
        %get3A_409 = tpu.vector_load %arg9[%get3A_407, %get3A_408] {strides = array<i32>} : memref<100x64xf32, #tpu.memory_space<vmem>>, vector<1x16xf32>,
        %get3A_410 = vector.shape_cast %get3A_409 : vector<1x16xf32> to vector<16xf32>
        %add3A_411 = arith.addf %add3A_387, %get3A_410 : vector<16xf32>
        %get3A_412 = arith.index_cast %add3A_401 : i32 to index
        %get3A_413 = arith.constant 32 : index
        %get3A_414 = tpu.vector_load %arg9[%get3A_412, %get3A_413] {strides = array<i32>} : memref<100x64xf32, #tpu.memory_space<vmem>>, vector<1x16xf32>,
        %get3A_415 = vector.shape_cast %get3A_414 : vector<1x16xf32> to vector<16xf32>
        %add3A_416 = arith.addf %add3A_392, %get3A_415 : vector<16xf32>
        %get3A_417 = arith.index_cast %add3A_401 : i32 to index
        %get3A_418 = arith.constant 48 : index
        %get3A_419 = tpu.vector_load %arg9[%get3A_417, %get3A_418] {strides = array<i32>} : memref<100x64xf32, #tpu.memory_space<vmem>>, vector<1x16xf32>,
        %get3A_420 = vector.shape_cast %get3A_419 : vector<1x16xf32> to vector<16xf32>
        %add3A_421 = arith.addf %add3A_397, %get3A_420 : vector<16xf32>
        %mul3A_422 = arith.constant 10 : i32
        %mul3A_423 = arith.muli %scan3A_298, %mul3A_422 : i32
        %add3A_424 = arith.constant 5 : i32
        %add3A_425 = arith.addi %mul3A_423, %add3A_424 : i32
        %get3A_426 = arith.index_cast %add3A_425 : i32 to index
        %get3A_427 = arith.constant 0 : index
        %get3A_428 = tpu.vector_load %arg9[%get3A_426, %get3A_427] {strides = array<i32>} : memref<100x64xf32, #tpu.memory_space<vmem>>, vector<1x16xf32>,
        %get3A_429 = vector.shape_cast %get3A_428 : vector<1x16xf32> to vector<16xf32>
        %add3A_430 = arith.addf %add3A_406, %get3A_429 : vector<16xf32>
        %get3A_431 = arith.index_cast %add3A_425 : i32 to index
        %get3A_432 = arith.constant 16 : index
        %get3A_433 = tpu.vector_load %arg9[%get3A_431, %get3A_432] {strides = array<i32>} : memref<100x64xf32, #tpu.memory_space<vmem>>, vector<1x16xf32>,
        %get3A_434 = vector.shape_cast %get3A_433 : vector<1x16xf32> to vector<16xf32>
        %add3A_435 = arith.addf %add3A_411, %get3A_434 : vector<16xf32>
        %get3A_436 = arith.index_cast %add3A_425 : i32 to index
        %get3A_437 = arith.constant 32 : index
        %get3A_438 = tpu.vector_load %arg9[%get3A_436, %get3A_437] {strides = array<i32>} : memref<100x64xf32, #tpu.memory_space<vmem>>, vector<1x16xf32>,
        %get3A_439 = vector.shape_cast %get3A_438 : vector<1x16xf32> to vector<16xf32>
        %add3A_440 = arith.addf %add3A_416, %get3A_439 : vector<16xf32>
        %get3A_441 = arith.index_cast %add3A_425 : i32 to index
        %get3A_442 = arith.constant 48 : index
        %get3A_443 = tpu.vector_load %arg9[%get3A_441, %get3A_442] {strides = array<i32>} : memref<100x64xf32, #tpu.memory_space<vmem>>, vector<1x16xf32>,
        %get3A_444 = vector.shape_cast %get3A_443 : vector<1x16xf32> to vector<16xf32>
        %add3A_445 = arith.addf %add3A_421, %get3A_444 : vector<16xf32>
        %mul3A_446 = arith.constant 10 : i32
        %mul3A_447 = arith.muli %scan3A_298, %mul3A_446 : i32
        %add3A_448 = arith.constant 6 : i32
        %add3A_449 = arith.addi %mul3A_447, %add3A_448 : i32
        %get3A_450 = arith.index_cast %add3A_449 : i32 to index
        %get3A_451 = arith.constant 0 : index
        %get3A_452 = tpu.vector_load %arg9[%get3A_450, %get3A_451] {strides = array<i32>} : memref<100x64xf32, #tpu.memory_space<vmem>>, vector<1x16xf32>,
        %get3A_453 = vector.shape_cast %get3A_452 : vector<1x16xf32> to vector<16xf32>
        %add3A_454 = arith.addf %add3A_430, %get3A_453 : vector<16xf32>
        %get3A_455 = arith.index_cast %add3A_449 : i32 to index
        %get3A_456 = arith.constant 16 : index
        %get3A_457 = tpu.vector_load %arg9[%get3A_455, %get3A_456] {strides = array<i32>} : memref<100x64xf32, #tpu.memory_space<vmem>>, vector<1x16xf32>,
        %get3A_458 = vector.shape_cast %get3A_457 : vector<1x16xf32> to vector<16xf32>
        %add3A_459 = arith.addf %add3A_435, %get3A_458 : vector<16xf32>
        %get3A_460 = arith.index_cast %add3A_449 : i32 to index
        %get3A_461 = arith.constant 32 : index
        %get3A_462 = tpu.vector_load %arg9[%get3A_460, %get3A_461] {strides = array<i32>} : memref<100x64xf32, #tpu.memory_space<vmem>>, vector<1x16xf32>,
        %get3A_463 = vector.shape_cast %get3A_462 : vector<1x16xf32> to vector<16xf32>
        %add3A_464 = arith.addf %add3A_440, %get3A_463 : vector<16xf32>
        %get3A_465 = arith.index_cast %add3A_449 : i32 to index
        %get3A_466 = arith.constant 48 : index
        %get3A_467 = tpu.vector_load %arg9[%get3A_465, %get3A_466] {strides = array<i32>} : memref<100x64xf32, #tpu.memory_space<vmem>>, vector<1x16xf32>,
        %get3A_468 = vector.shape_cast %get3A_467 : vector<1x16xf32> to vector<16xf32>
        %add3A_469 = arith.addf %add3A_445, %get3A_468 : vector<16xf32>
        %mul3A_470 = arith.constant 10 : i32
        %mul3A_471 = arith.muli %scan3A_298, %mul3A_470 : i32
        %add3A_472 = arith.constant 7 : i32
        %add3A_473 = arith.addi %mul3A_471, %add3A_472 : i32
        %get3A_474 = arith.index_cast %add3A_473 : i32 to index
        %get3A_475 = arith.constant 0 : index
        %get3A_476 = tpu.vector_load %arg9[%get3A_474, %get3A_475] {strides = array<i32>} : memref<100x64xf32, #tpu.memory_space<vmem>>, vector<1x16xf32>,
        %get3A_477 = vector.shape_cast %get3A_476 : vector<1x16xf32> to vector<16xf32>
        %add3A_478 = arith.addf %add3A_454, %get3A_477 : vector<16xf32>
        %get3A_479 = arith.index_cast %add3A_473 : i32 to index
        %get3A_480 = arith.constant 16 : index
        %get3A_481 = tpu.vector_load %arg9[%get3A_479, %get3A_480] {strides = array<i32>} : memref<100x64xf32, #tpu.memory_space<vmem>>, vector<1x16xf32>,
        %get3A_482 = vector.shape_cast %get3A_481 : vector<1x16xf32> to vector<16xf32>
        %add3A_483 = arith.addf %add3A_459, %get3A_482 : vector<16xf32>
        %get3A_484 = arith.index_cast %add3A_473 : i32 to index
        %get3A_485 = arith.constant 32 : index
        %get3A_486 = tpu.vector_load %arg9[%get3A_484, %get3A_485] {strides = array<i32>} : memref<100x64xf32, #tpu.memory_space<vmem>>, vector<1x16xf32>,
        %get3A_487 = vector.shape_cast %get3A_486 : vector<1x16xf32> to vector<16xf32>
        %add3A_488 = arith.addf %add3A_464, %get3A_487 : vector<16xf32>
        %get3A_489 = arith.index_cast %add3A_473 : i32 to index
        %get3A_490 = arith.constant 48 : index
        %get3A_491 = tpu.vector_load %arg9[%get3A_489, %get3A_490] {strides = array<i32>} : memref<100x64xf32, #tpu.memory_space<vmem>>, vector<1x16xf32>,
        %get3A_492 = vector.shape_cast %get3A_491 : vector<1x16xf32> to vector<16xf32>
        %add3A_493 = arith.addf %add3A_469, %get3A_492 : vector<16xf32>
        %mul3A_494 = arith.constant 10 : i32
        %mul3A_495 = arith.muli %scan3A_298, %mul3A_494 : i32
        %add3A_496 = arith.constant 8 : i32
        %add3A_497 = arith.addi %mul3A_495, %add3A_496 : i32
        %get3A_498 = arith.index_cast %add3A_497 : i32 to index
        %get3A_499 = arith.constant 0 : index
        %get3A_500 = tpu.vector_load %arg9[%get3A_498, %get3A_499] {strides = array<i32>} : memref<100x64xf32, #tpu.memory_space<vmem>>, vector<1x16xf32>,
        %get3A_501 = vector.shape_cast %get3A_500 : vector<1x16xf32> to vector<16xf32>
        %add3A_502 = arith.addf %add3A_478, %get3A_501 : vector<16xf32>
        %get3A_503 = arith.index_cast %add3A_497 : i32 to index
        %get3A_504 = arith.constant 16 : index
        %get3A_505 = tpu.vector_load %arg9[%get3A_503, %get3A_504] {strides = array<i32>} : memref<100x64xf32, #tpu.memory_space<vmem>>, vector<1x16xf32>,
        %get3A_506 = vector.shape_cast %get3A_505 : vector<1x16xf32> to vector<16xf32>
        %add3A_507 = arith.addf %add3A_483, %get3A_506 : vector<16xf32>
        %get3A_508 = arith.index_cast %add3A_497 : i32 to index
        %get3A_509 = arith.constant 32 : index
        %get3A_510 = tpu.vector_load %arg9[%get3A_508, %get3A_509] {strides = array<i32>} : memref<100x64xf32, #tpu.memory_space<vmem>>, vector<1x16xf32>,
        %get3A_511 = vector.shape_cast %get3A_510 : vector<1x16xf32> to vector<16xf32>
        %add3A_512 = arith.addf %add3A_488, %get3A_511 : vector<16xf32>
        %get3A_513 = arith.index_cast %add3A_497 : i32 to index
        %get3A_514 = arith.constant 48 : index
        %get3A_515 = tpu.vector_load %arg9[%get3A_513, %get3A_514] {strides = array<i32>} : memref<100x64xf32, #tpu.memory_space<vmem>>, vector<1x16xf32>,
        %get3A_516 = vector.shape_cast %get3A_515 : vector<1x16xf32> to vector<16xf32>
        %add3A_517 = arith.addf %add3A_493, %get3A_516 : vector<16xf32>
        %mul3A_518 = arith.constant 10 : i32
        %mul3A_519 = arith.muli %scan3A_298, %mul3A_518 : i32
        %add3A_520 = arith.constant 9 : i32
        %add3A_521 = arith.addi %mul3A_519, %add3A_520 : i32
        %get3A_522 = arith.index_cast %add3A_521 : i32 to index
        %get3A_523 = arith.constant 0 : index
        %get3A_524 = tpu.vector_load %arg9[%get3A_522, %get3A_523] {strides = array<i32>} : memref<100x64xf32, #tpu.memory_space<vmem>>, vector<1x16xf32>,
        %get3A_525 = vector.shape_cast %get3A_524 : vector<1x16xf32> to vector<16xf32>
        %add3A_526 = arith.addf %add3A_502, %get3A_525 : vector<16xf32>
        %get3A_527 = arith.index_cast %add3A_521 : i32 to index
        %get3A_528 = arith.constant 16 : index
        %get3A_529 = tpu.vector_load %arg9[%get3A_527, %get3A_528] {strides = array<i32>} : memref<100x64xf32, #tpu.memory_space<vmem>>, vector<1x16xf32>,
        %get3A_530 = vector.shape_cast %get3A_529 : vector<1x16xf32> to vector<16xf32>
        %add3A_531 = arith.addf %add3A_507, %get3A_530 : vector<16xf32>
        %get3A_532 = arith.index_cast %add3A_521 : i32 to index
        %get3A_533 = arith.constant 32 : index
        %get3A_534 = tpu.vector_load %arg9[%get3A_532, %get3A_533] {strides = array<i32>} : memref<100x64xf32, #tpu.memory_space<vmem>>, vector<1x16xf32>,
        %get3A_535 = vector.shape_cast %get3A_534 : vector<1x16xf32> to vector<16xf32>
        %add3A_536 = arith.addf %add3A_512, %get3A_535 : vector<16xf32>
        %get3A_537 = arith.index_cast %add3A_521 : i32 to index
        %get3A_538 = arith.constant 48 : index
        %get3A_539 = tpu.vector_load %arg9[%get3A_537, %get3A_538] {strides = array<i32>} : memref<100x64xf32, #tpu.memory_space<vmem>>, vector<1x16xf32>,
        %get3A_540 = vector.shape_cast %get3A_539 : vector<1x16xf32> to vector<16xf32>
        %add3A_541 = arith.addf %add3A_517, %get3A_540 : vector<16xf32>
        scf.yield %add3A_526, %add3A_531, %add3A_536, %add3A_541 : vector<16xf32>, vector<16xf32>, vector<16xf32>, vector<16xf32>
      }
      %scan3A_160 = arith.constant 10 : i32
      %add3A_161 = arith.constant 124 : i32
      %add3A_162 = arith.addi %mul3A_75, %add3A_161 : i32
      %add3A_163 = arith.constant 1 : i32
      %add3A_164 = arith.addi %add3A_162, %add3A_163 : i32
      %mul3A_165 = arith.mulf %scan3A_159#0, %broadcast_in_dim3A_5 : vector<16xf32>
      %swap3A_166 = arith.index_cast %add3A_164 : i32 to index
      %swap3A_167 = arith.constant 0 : index
      %swap3A_168 = tpu.vector_load %arg14[%swap3A_166, %swap3A_167] {strides = array<i32>} : memref<512x64xf32, #tpu.memory_space<vmem>>, vector<1x16xf32>,
      %swap3A_169 = vector.shape_cast %swap3A_168 : vector<1x16xf32> to vector<16xf32>
      %swap3A_170 = vector.shape_cast %mul3A_165 : vector<16xf32> to vector<1x16xf32>
      tpu.vector_store %arg14[%swap3A_166, %swap3A_167], %swap3A_170 {strides = array<i32>} : memref<512x64xf32, #tpu.memory_space<vmem>>, vector<1x16xf32>,
      %mul3A_171 = arith.mulf %scan3A_159#1, %broadcast_in_dim3A_5 : vector<16xf32>
      %swap3A_172 = arith.index_cast %add3A_164 : i32 to index
      %swap3A_173 = arith.constant 16 : index
      %swap3A_174 = tpu.vector_load %arg14[%swap3A_172, %swap3A_173] {strides = array<i32>} : memref<512x64xf32, #tpu.memory_space<vmem>>, vector<1x16xf32>,
      %swap3A_175 = vector.shape_cast %swap3A_174 : vector<1x16xf32> to vector<16xf32>
      %swap3A_176 = vector.shape_cast %mul3A_171 : vector<16xf32> to vector<1x16xf32>
      tpu.vector_store %arg14[%swap3A_172, %swap3A_173], %swap3A_176 {strides = array<i32>} : memref<512x64xf32, #tpu.memory_space<vmem>>, vector<1x16xf32>,
      %mul3A_177 = arith.mulf %scan3A_159#2, %broadcast_in_dim3A_5 : vector<16xf32>
      %swap3A_178 = arith.index_cast %add3A_164 : i32 to index
      %swap3A_179 = arith.constant 32 : index
      %swap3A_180 = tpu.vector_load %arg14[%swap3A_178, %swap3A_179] {strides = array<i32>} : memref<512x64xf32, #tpu.memory_space<vmem>>, vector<1x16xf32>,
      %swap3A_181 = vector.shape_cast %swap3A_180 : vector<1x16xf32> to vector<16xf32>
      %swap3A_182 = vector.shape_cast %mul3A_177 : vector<16xf32> to vector<1x16xf32>
      tpu.vector_store %arg14[%swap3A_178, %swap3A_179], %swap3A_182 {strides = array<i32>} : memref<512x64xf32, #tpu.memory_space<vmem>>, vector<1x16xf32>,
      %mul3A_183 = arith.mulf %scan3A_159#3, %broadcast_in_dim3A_5 : vector<16xf32>
      %swap3A_184 = arith.index_cast %add3A_164 : i32 to index
      %swap3A_185 = arith.constant 48 : index
      %swap3A_186 = tpu.vector_load %arg14[%swap3A_184, %swap3A_185] {strides = array<i32>} : memref<512x64xf32, #tpu.memory_space<vmem>>, vector<1x16xf32>,
      %swap3A_187 = vector.shape_cast %swap3A_186 : vector<1x16xf32> to vector<16xf32>
      %swap3A_188 = vector.shape_cast %mul3A_183 : vector<16xf32> to vector<1x16xf32>
      tpu.vector_store %arg14[%swap3A_184, %swap3A_185], %swap3A_188 {strides = array<i32>} : memref<512x64xf32, #tpu.memory_space<vmem>>, vector<1x16xf32>,
      %dma_wait3A_189 = arith.constant 252 : i32
      %dma_wait3A_190 = arith.constant 0 : i32
      %dma_wait3A_191 = tpu.memref_slice %arg5[%dma_wait3A_189, %dma_wait3A_190] : memref<256x100xi32, #tpu.memory_space<vmem>> -> memref<1x100xi32, #tpu.memory_space<vmem>>
      %dma_wait3A_192 = tpu.memref_squeeze %dma_wait3A_191 : memref<1x100xi32, #tpu.memory_space<vmem>> -> memref<100xi32, #tpu.memory_space<vmem>>
      %dma_wait3A_193 = arith.constant 0 : i32
      %dma_wait3A_194 = arith.constant 0 : i32
      %dma_wait3A_195 = tpu.memref_slice %arg3[%dma_wait3A_193, %dma_wait3A_194] : memref<1000000x64xf32, #tpu.memory_space<hbm>> -> memref<1000000x64xf32, #tpu.memory_space<hbm>>
      tpu.wait_indirect_dma semaphore(%arg19 : memref<!tpu.dma_semaphore, #tpu.memory_space<semaphore_mem>>) src(%dma_wait3A_195 : memref<1000000x64xf32, #tpu.memory_space<hbm>>) dst(%arg10 : memref<100x64xf32, #tpu.memory_space<vmem>>)
      %scan3A_196 = arith.constant 0 : i32
      %scan3A_197 = arith.constant 10 : i32
      %scan3A_198 = arith.addi %scan3A_196, %scan3A_197 : i32
      %scan3A_199 = arith.constant 1 : i32
      %scan3A_200:4 = scf.for %scan3A_298 = %scan3A_196 to %scan3A_198 step %scan3A_199 iter_args(%scan3A_299 = %broadcast_in_dim3A_7, %scan3A_300 = %broadcast_in_dim3A_7, %scan3A_301 = %broadcast_in_dim3A_7, %scan3A_302 = %broadcast_in_dim3A_7) -> (vector<16xf32>, vector<16xf32>, vector<16xf32>, vector<16xf32>)  : i32 {
        %mul3A_303 = arith.constant 10 : i32
        %mul3A_304 = arith.muli %scan3A_298, %mul3A_303 : i32
        %add3A_305 = arith.constant 0 : i32
        %add3A_306 = arith.addi %mul3A_304, %add3A_305 : i32
        %get3A = arith.index_cast %add3A_306 : i32 to index
        %get3A_307 = arith.constant 0 : index
        %get3A_308 = tpu.vector_load %arg10[%get3A, %get3A_307] {strides = array<i32>} : memref<100x64xf32, #tpu.memory_space<vmem>>, vector<1x16xf32>,
        %get3A_309 = vector.shape_cast %get3A_308 : vector<1x16xf32> to vector<16xf32>
        %add3A_310 = arith.addf %scan3A_299, %get3A_309 : vector<16xf32>
        %get3A_311 = arith.index_cast %add3A_306 : i32 to index
        %get3A_312 = arith.constant 16 : index
        %get3A_313 = tpu.vector_load %arg10[%get3A_311, %get3A_312] {strides = array<i32>} : memref<100x64xf32, #tpu.memory_space<vmem>>, vector<1x16xf32>,
        %get3A_314 = vector.shape_cast %get3A_313 : vector<1x16xf32> to vector<16xf32>
        %add3A_315 = arith.addf %scan3A_300, %get3A_314 : vector<16xf32>
        %get3A_316 = arith.index_cast %add3A_306 : i32 to index
        %get3A_317 = arith.constant 32 : index
        %get3A_318 = tpu.vector_load %arg10[%get3A_316, %get3A_317] {strides = array<i32>} : memref<100x64xf32, #tpu.memory_space<vmem>>, vector<1x16xf32>,
        %get3A_319 = vector.shape_cast %get3A_318 : vector<1x16xf32> to vector<16xf32>
        %add3A_320 = arith.addf %scan3A_301, %get3A_319 : vector<16xf32>
        %get3A_321 = arith.index_cast %add3A_306 : i32 to index
        %get3A_322 = arith.constant 48 : index
        %get3A_323 = tpu.vector_load %arg10[%get3A_321, %get3A_322] {strides = array<i32>} : memref<100x64xf32, #tpu.memory_space<vmem>>, vector<1x16xf32>,
        %get3A_324 = vector.shape_cast %get3A_323 : vector<1x16xf32> to vector<16xf32>
        %add3A_325 = arith.addf %scan3A_302, %get3A_324 : vector<16xf32>
        %mul3A_326 = arith.constant 10 : i32
        %mul3A_327 = arith.muli %scan3A_298, %mul3A_326 : i32
        %add3A_328 = arith.constant 1 : i32
        %add3A_329 = arith.addi %mul3A_327, %add3A_328 : i32
        %get3A_330 = arith.index_cast %add3A_329 : i32 to index
        %get3A_331 = arith.constant 0 : index
        %get3A_332 = tpu.vector_load %arg10[%get3A_330, %get3A_331] {strides = array<i32>} : memref<100x64xf32, #tpu.memory_space<vmem>>, vector<1x16xf32>,
        %get3A_333 = vector.shape_cast %get3A_332 : vector<1x16xf32> to vector<16xf32>
        %add3A_334 = arith.addf %add3A_310, %get3A_333 : vector<16xf32>
        %get3A_335 = arith.index_cast %add3A_329 : i32 to index
        %get3A_336 = arith.constant 16 : index
        %get3A_337 = tpu.vector_load %arg10[%get3A_335, %get3A_336] {strides = array<i32>} : memref<100x64xf32, #tpu.memory_space<vmem>>, vector<1x16xf32>,
        %get3A_338 = vector.shape_cast %get3A_337 : vector<1x16xf32> to vector<16xf32>
        %add3A_339 = arith.addf %add3A_315, %get3A_338 : vector<16xf32>
        %get3A_340 = arith.index_cast %add3A_329 : i32 to index
        %get3A_341 = arith.constant 32 : index
        %get3A_342 = tpu.vector_load %arg10[%get3A_340, %get3A_341] {strides = array<i32>} : memref<100x64xf32, #tpu.memory_space<vmem>>, vector<1x16xf32>,
        %get3A_343 = vector.shape_cast %get3A_342 : vector<1x16xf32> to vector<16xf32>
        %add3A_344 = arith.addf %add3A_320, %get3A_343 : vector<16xf32>
        %get3A_345 = arith.index_cast %add3A_329 : i32 to index
        %get3A_346 = arith.constant 48 : index
        %get3A_347 = tpu.vector_load %arg10[%get3A_345, %get3A_346] {strides = array<i32>} : memref<100x64xf32, #tpu.memory_space<vmem>>, vector<1x16xf32>,
        %get3A_348 = vector.shape_cast %get3A_347 : vector<1x16xf32> to vector<16xf32>
        %add3A_349 = arith.addf %add3A_325, %get3A_348 : vector<16xf32>
        %mul3A_350 = arith.constant 10 : i32
        %mul3A_351 = arith.muli %scan3A_298, %mul3A_350 : i32
        %add3A_352 = arith.constant 2 : i32
        %add3A_353 = arith.addi %mul3A_351, %add3A_352 : i32
        %get3A_354 = arith.index_cast %add3A_353 : i32 to index
        %get3A_355 = arith.constant 0 : index
        %get3A_356 = tpu.vector_load %arg10[%get3A_354, %get3A_355] {strides = array<i32>} : memref<100x64xf32, #tpu.memory_space<vmem>>, vector<1x16xf32>,
        %get3A_357 = vector.shape_cast %get3A_356 : vector<1x16xf32> to vector<16xf32>
        %add3A_358 = arith.addf %add3A_334, %get3A_357 : vector<16xf32>
        %get3A_359 = arith.index_cast %add3A_353 : i32 to index
        %get3A_360 = arith.constant 16 : index
        %get3A_361 = tpu.vector_load %arg10[%get3A_359, %get3A_360] {strides = array<i32>} : memref<100x64xf32, #tpu.memory_space<vmem>>, vector<1x16xf32>,
        %get3A_362 = vector.shape_cast %get3A_361 : vector<1x16xf32> to vector<16xf32>
        %add3A_363 = arith.addf %add3A_339, %get3A_362 : vector<16xf32>
        %get3A_364 = arith.index_cast %add3A_353 : i32 to index
        %get3A_365 = arith.constant 32 : index
        %get3A_366 = tpu.vector_load %arg10[%get3A_364, %get3A_365] {strides = array<i32>} : memref<100x64xf32, #tpu.memory_space<vmem>>, vector<1x16xf32>,
        %get3A_367 = vector.shape_cast %get3A_366 : vector<1x16xf32> to vector<16xf32>
        %add3A_368 = arith.addf %add3A_344, %get3A_367 : vector<16xf32>
        %get3A_369 = arith.index_cast %add3A_353 : i32 to index
        %get3A_370 = arith.constant 48 : index
        %get3A_371 = tpu.vector_load %arg10[%get3A_369, %get3A_370] {strides = array<i32>} : memref<100x64xf32, #tpu.memory_space<vmem>>, vector<1x16xf32>,
        %get3A_372 = vector.shape_cast %get3A_371 : vector<1x16xf32> to vector<16xf32>
        %add3A_373 = arith.addf %add3A_349, %get3A_372 : vector<16xf32>
        %mul3A_374 = arith.constant 10 : i32
        %mul3A_375 = arith.muli %scan3A_298, %mul3A_374 : i32
        %add3A_376 = arith.constant 3 : i32
        %add3A_377 = arith.addi %mul3A_375, %add3A_376 : i32
        %get3A_378 = arith.index_cast %add3A_377 : i32 to index
        %get3A_379 = arith.constant 0 : index
        %get3A_380 = tpu.vector_load %arg10[%get3A_378, %get3A_379] {strides = array<i32>} : memref<100x64xf32, #tpu.memory_space<vmem>>, vector<1x16xf32>,
        %get3A_381 = vector.shape_cast %get3A_380 : vector<1x16xf32> to vector<16xf32>
        %add3A_382 = arith.addf %add3A_358, %get3A_381 : vector<16xf32>
        %get3A_383 = arith.index_cast %add3A_377 : i32 to index
        %get3A_384 = arith.constant 16 : index
        %get3A_385 = tpu.vector_load %arg10[%get3A_383, %get3A_384] {strides = array<i32>} : memref<100x64xf32, #tpu.memory_space<vmem>>, vector<1x16xf32>,
        %get3A_386 = vector.shape_cast %get3A_385 : vector<1x16xf32> to vector<16xf32>
        %add3A_387 = arith.addf %add3A_363, %get3A_386 : vector<16xf32>
        %get3A_388 = arith.index_cast %add3A_377 : i32 to index
        %get3A_389 = arith.constant 32 : index
        %get3A_390 = tpu.vector_load %arg10[%get3A_388, %get3A_389] {strides = array<i32>} : memref<100x64xf32, #tpu.memory_space<vmem>>, vector<1x16xf32>,
        %get3A_391 = vector.shape_cast %get3A_390 : vector<1x16xf32> to vector<16xf32>
        %add3A_392 = arith.addf %add3A_368, %get3A_391 : vector<16xf32>
        %get3A_393 = arith.index_cast %add3A_377 : i32 to index
        %get3A_394 = arith.constant 48 : index
        %get3A_395 = tpu.vector_load %arg10[%get3A_393, %get3A_394] {strides = array<i32>} : memref<100x64xf32, #tpu.memory_space<vmem>>, vector<1x16xf32>,
        %get3A_396 = vector.shape_cast %get3A_395 : vector<1x16xf32> to vector<16xf32>
        %add3A_397 = arith.addf %add3A_373, %get3A_396 : vector<16xf32>
        %mul3A_398 = arith.constant 10 : i32
        %mul3A_399 = arith.muli %scan3A_298, %mul3A_398 : i32
        %add3A_400 = arith.constant 4 : i32
        %add3A_401 = arith.addi %mul3A_399, %add3A_400 : i32
        %get3A_402 = arith.index_cast %add3A_401 : i32 to index
        %get3A_403 = arith.constant 0 : index
        %get3A_404 = tpu.vector_load %arg10[%get3A_402, %get3A_403] {strides = array<i32>} : memref<100x64xf32, #tpu.memory_space<vmem>>, vector<1x16xf32>,
        %get3A_405 = vector.shape_cast %get3A_404 : vector<1x16xf32> to vector<16xf32>
        %add3A_406 = arith.addf %add3A_382, %get3A_405 : vector<16xf32>
        %get3A_407 = arith.index_cast %add3A_401 : i32 to index
        %get3A_408 = arith.constant 16 : index
        %get3A_409 = tpu.vector_load %arg10[%get3A_407, %get3A_408] {strides = array<i32>} : memref<100x64xf32, #tpu.memory_space<vmem>>, vector<1x16xf32>,
        %get3A_410 = vector.shape_cast %get3A_409 : vector<1x16xf32> to vector<16xf32>
        %add3A_411 = arith.addf %add3A_387, %get3A_410 : vector<16xf32>
        %get3A_412 = arith.index_cast %add3A_401 : i32 to index
        %get3A_413 = arith.constant 32 : index
        %get3A_414 = tpu.vector_load %arg10[%get3A_412, %get3A_413] {strides = array<i32>} : memref<100x64xf32, #tpu.memory_space<vmem>>, vector<1x16xf32>,
        %get3A_415 = vector.shape_cast %get3A_414 : vector<1x16xf32> to vector<16xf32>
        %add3A_416 = arith.addf %add3A_392, %get3A_415 : vector<16xf32>
        %get3A_417 = arith.index_cast %add3A_401 : i32 to index
        %get3A_418 = arith.constant 48 : index
        %get3A_419 = tpu.vector_load %arg10[%get3A_417, %get3A_418] {strides = array<i32>} : memref<100x64xf32, #tpu.memory_space<vmem>>, vector<1x16xf32>,
        %get3A_420 = vector.shape_cast %get3A_419 : vector<1x16xf32> to vector<16xf32>
        %add3A_421 = arith.addf %add3A_397, %get3A_420 : vector<16xf32>
        %mul3A_422 = arith.constant 10 : i32
        %mul3A_423 = arith.muli %scan3A_298, %mul3A_422 : i32
        %add3A_424 = arith.constant 5 : i32
        %add3A_425 = arith.addi %mul3A_423, %add3A_424 : i32
        %get3A_426 = arith.index_cast %add3A_425 : i32 to index
        %get3A_427 = arith.constant 0 : index
        %get3A_428 = tpu.vector_load %arg10[%get3A_426, %get3A_427] {strides = array<i32>} : memref<100x64xf32, #tpu.memory_space<vmem>>, vector<1x16xf32>,
        %get3A_429 = vector.shape_cast %get3A_428 : vector<1x16xf32> to vector<16xf32>
        %add3A_430 = arith.addf %add3A_406, %get3A_429 : vector<16xf32>
        %get3A_431 = arith.index_cast %add3A_425 : i32 to index
        %get3A_432 = arith.constant 16 : index
        %get3A_433 = tpu.vector_load %arg10[%get3A_431, %get3A_432] {strides = array<i32>} : memref<100x64xf32, #tpu.memory_space<vmem>>, vector<1x16xf32>,
        %get3A_434 = vector.shape_cast %get3A_433 : vector<1x16xf32> to vector<16xf32>
        %add3A_435 = arith.addf %add3A_411, %get3A_434 : vector<16xf32>
        %get3A_436 = arith.index_cast %add3A_425 : i32 to index
        %get3A_437 = arith.constant 32 : index
        %get3A_438 = tpu.vector_load %arg10[%get3A_436, %get3A_437] {strides = array<i32>} : memref<100x64xf32, #tpu.memory_space<vmem>>, vector<1x16xf32>,
        %get3A_439 = vector.shape_cast %get3A_438 : vector<1x16xf32> to vector<16xf32>
        %add3A_440 = arith.addf %add3A_416, %get3A_439 : vector<16xf32>
        %get3A_441 = arith.index_cast %add3A_425 : i32 to index
        %get3A_442 = arith.constant 48 : index
        %get3A_443 = tpu.vector_load %arg10[%get3A_441, %get3A_442] {strides = array<i32>} : memref<100x64xf32, #tpu.memory_space<vmem>>, vector<1x16xf32>,
        %get3A_444 = vector.shape_cast %get3A_443 : vector<1x16xf32> to vector<16xf32>
        %add3A_445 = arith.addf %add3A_421, %get3A_444 : vector<16xf32>
        %mul3A_446 = arith.constant 10 : i32
        %mul3A_447 = arith.muli %scan3A_298, %mul3A_446 : i32
        %add3A_448 = arith.constant 6 : i32
        %add3A_449 = arith.addi %mul3A_447, %add3A_448 : i32
        %get3A_450 = arith.index_cast %add3A_449 : i32 to index
        %get3A_451 = arith.constant 0 : index
        %get3A_452 = tpu.vector_load %arg10[%get3A_450, %get3A_451] {strides = array<i32>} : memref<100x64xf32, #tpu.memory_space<vmem>>, vector<1x16xf32>,
        %get3A_453 = vector.shape_cast %get3A_452 : vector<1x16xf32> to vector<16xf32>
        %add3A_454 = arith.addf %add3A_430, %get3A_453 : vector<16xf32>
        %get3A_455 = arith.index_cast %add3A_449 : i32 to index
        %get3A_456 = arith.constant 16 : index
        %get3A_457 = tpu.vector_load %arg10[%get3A_455, %get3A_456] {strides = array<i32>} : memref<100x64xf32, #tpu.memory_space<vmem>>, vector<1x16xf32>,
        %get3A_458 = vector.shape_cast %get3A_457 : vector<1x16xf32> to vector<16xf32>
        %add3A_459 = arith.addf %add3A_435, %get3A_458 : vector<16xf32>
        %get3A_460 = arith.index_cast %add3A_449 : i32 to index
        %get3A_461 = arith.constant 32 : index
        %get3A_462 = tpu.vector_load %arg10[%get3A_460, %get3A_461] {strides = array<i32>} : memref<100x64xf32, #tpu.memory_space<vmem>>, vector<1x16xf32>,
        %get3A_463 = vector.shape_cast %get3A_462 : vector<1x16xf32> to vector<16xf32>
        %add3A_464 = arith.addf %add3A_440, %get3A_463 : vector<16xf32>
        %get3A_465 = arith.index_cast %add3A_449 : i32 to index
        %get3A_466 = arith.constant 48 : index
        %get3A_467 = tpu.vector_load %arg10[%get3A_465, %get3A_466] {strides = array<i32>} : memref<100x64xf32, #tpu.memory_space<vmem>>, vector<1x16xf32>,
        %get3A_468 = vector.shape_cast %get3A_467 : vector<1x16xf32> to vector<16xf32>
        %add3A_469 = arith.addf %add3A_445, %get3A_468 : vector<16xf32>
        %mul3A_470 = arith.constant 10 : i32
        %mul3A_471 = arith.muli %scan3A_298, %mul3A_470 : i32
        %add3A_472 = arith.constant 7 : i32
        %add3A_473 = arith.addi %mul3A_471, %add3A_472 : i32
        %get3A_474 = arith.index_cast %add3A_473 : i32 to index
        %get3A_475 = arith.constant 0 : index
        %get3A_476 = tpu.vector_load %arg10[%get3A_474, %get3A_475] {strides = array<i32>} : memref<100x64xf32, #tpu.memory_space<vmem>>, vector<1x16xf32>,
        %get3A_477 = vector.shape_cast %get3A_476 : vector<1x16xf32> to vector<16xf32>
        %add3A_478 = arith.addf %add3A_454, %get3A_477 : vector<16xf32>
        %get3A_479 = arith.index_cast %add3A_473 : i32 to index
        %get3A_480 = arith.constant 16 : index
        %get3A_481 = tpu.vector_load %arg10[%get3A_479, %get3A_480] {strides = array<i32>} : memref<100x64xf32, #tpu.memory_space<vmem>>, vector<1x16xf32>,
        %get3A_482 = vector.shape_cast %get3A_481 : vector<1x16xf32> to vector<16xf32>
        %add3A_483 = arith.addf %add3A_459, %get3A_482 : vector<16xf32>
        %get3A_484 = arith.index_cast %add3A_473 : i32 to index
        %get3A_485 = arith.constant 32 : index
        %get3A_486 = tpu.vector_load %arg10[%get3A_484, %get3A_485] {strides = array<i32>} : memref<100x64xf32, #tpu.memory_space<vmem>>, vector<1x16xf32>,
        %get3A_487 = vector.shape_cast %get3A_486 : vector<1x16xf32> to vector<16xf32>
        %add3A_488 = arith.addf %add3A_464, %get3A_487 : vector<16xf32>
        %get3A_489 = arith.index_cast %add3A_473 : i32 to index
        %get3A_490 = arith.constant 48 : index
        %get3A_491 = tpu.vector_load %arg10[%get3A_489, %get3A_490] {strides = array<i32>} : memref<100x64xf32, #tpu.memory_space<vmem>>, vector<1x16xf32>,
        %get3A_492 = vector.shape_cast %get3A_491 : vector<1x16xf32> to vector<16xf32>
        %add3A_493 = arith.addf %add3A_469, %get3A_492 : vector<16xf32>
        %mul3A_494 = arith.constant 10 : i32
        %mul3A_495 = arith.muli %scan3A_298, %mul3A_494 : i32
        %add3A_496 = arith.constant 8 : i32
        %add3A_497 = arith.addi %mul3A_495, %add3A_496 : i32
        %get3A_498 = arith.index_cast %add3A_497 : i32 to index
        %get3A_499 = arith.constant 0 : index
        %get3A_500 = tpu.vector_load %arg10[%get3A_498, %get3A_499] {strides = array<i32>} : memref<100x64xf32, #tpu.memory_space<vmem>>, vector<1x16xf32>,
        %get3A_501 = vector.shape_cast %get3A_500 : vector<1x16xf32> to vector<16xf32>
        %add3A_502 = arith.addf %add3A_478, %get3A_501 : vector<16xf32>
        %get3A_503 = arith.index_cast %add3A_497 : i32 to index
        %get3A_504 = arith.constant 16 : index
        %get3A_505 = tpu.vector_load %arg10[%get3A_503, %get3A_504] {strides = array<i32>} : memref<100x64xf32, #tpu.memory_space<vmem>>, vector<1x16xf32>,
        %get3A_506 = vector.shape_cast %get3A_505 : vector<1x16xf32> to vector<16xf32>
        %add3A_507 = arith.addf %add3A_483, %get3A_506 : vector<16xf32>
        %get3A_508 = arith.index_cast %add3A_497 : i32 to index
        %get3A_509 = arith.constant 32 : index
        %get3A_510 = tpu.vector_load %arg10[%get3A_508, %get3A_509] {strides = array<i32>} : memref<100x64xf32, #tpu.memory_space<vmem>>, vector<1x16xf32>,
        %get3A_511 = vector.shape_cast %get3A_510 : vector<1x16xf32> to vector<16xf32>
        %add3A_512 = arith.addf %add3A_488, %get3A_511 : vector<16xf32>
        %get3A_513 = arith.index_cast %add3A_497 : i32 to index
        %get3A_514 = arith.constant 48 : index
        %get3A_515 = tpu.vector_load %arg10[%get3A_513, %get3A_514] {strides = array<i32>} : memref<100x64xf32, #tpu.memory_space<vmem>>, vector<1x16xf32>,
        %get3A_516 = vector.shape_cast %get3A_515 : vector<1x16xf32> to vector<16xf32>
        %add3A_517 = arith.addf %add3A_493, %get3A_516 : vector<16xf32>
        %mul3A_518 = arith.constant 10 : i32
        %mul3A_519 = arith.muli %scan3A_298, %mul3A_518 : i32
        %add3A_520 = arith.constant 9 : i32
        %add3A_521 = arith.addi %mul3A_519, %add3A_520 : i32
        %get3A_522 = arith.index_cast %add3A_521 : i32 to index
        %get3A_523 = arith.constant 0 : index
        %get3A_524 = tpu.vector_load %arg10[%get3A_522, %get3A_523] {strides = array<i32>} : memref<100x64xf32, #tpu.memory_space<vmem>>, vector<1x16xf32>,
        %get3A_525 = vector.shape_cast %get3A_524 : vector<1x16xf32> to vector<16xf32>
        %add3A_526 = arith.addf %add3A_502, %get3A_525 : vector<16xf32>
        %get3A_527 = arith.index_cast %add3A_521 : i32 to index
        %get3A_528 = arith.constant 16 : index
        %get3A_529 = tpu.vector_load %arg10[%get3A_527, %get3A_528] {strides = array<i32>} : memref<100x64xf32, #tpu.memory_space<vmem>>, vector<1x16xf32>,
        %get3A_530 = vector.shape_cast %get3A_529 : vector<1x16xf32> to vector<16xf32>
        %add3A_531 = arith.addf %add3A_507, %get3A_530 : vector<16xf32>
        %get3A_532 = arith.index_cast %add3A_521 : i32 to index
        %get3A_533 = arith.constant 32 : index
        %get3A_534 = tpu.vector_load %arg10[%get3A_532, %get3A_533] {strides = array<i32>} : memref<100x64xf32, #tpu.memory_space<vmem>>, vector<1x16xf32>,
        %get3A_535 = vector.shape_cast %get3A_534 : vector<1x16xf32> to vector<16xf32>
        %add3A_536 = arith.addf %add3A_512, %get3A_535 : vector<16xf32>
        %get3A_537 = arith.index_cast %add3A_521 : i32 to index
        %get3A_538 = arith.constant 48 : index
        %get3A_539 = tpu.vector_load %arg10[%get3A_537, %get3A_538] {strides = array<i32>} : memref<100x64xf32, #tpu.memory_space<vmem>>, vector<1x16xf32>,
        %get3A_540 = vector.shape_cast %get3A_539 : vector<1x16xf32> to vector<16xf32>
        %add3A_541 = arith.addf %add3A_517, %get3A_540 : vector<16xf32>
        scf.yield %add3A_526, %add3A_531, %add3A_536, %add3A_541 : vector<16xf32>, vector<16xf32>, vector<16xf32>, vector<16xf32>
      }
      %scan3A_201 = arith.constant 10 : i32
      %dma_wait3A_202 = arith.constant 253 : i32
      %dma_wait3A_203 = arith.constant 0 : i32
      %dma_wait3A_204 = tpu.memref_slice %arg5[%dma_wait3A_202, %dma_wait3A_203] : memref<256x100xi32, #tpu.memory_space<vmem>> -> memref<1x100xi32, #tpu.memory_space<vmem>>
      %dma_wait3A_205 = tpu.memref_squeeze %dma_wait3A_204 : memref<1x100xi32, #tpu.memory_space<vmem>> -> memref<100xi32, #tpu.memory_space<vmem>>
      %dma_wait3A_206 = arith.constant 0 : i32
      %dma_wait3A_207 = arith.constant 0 : i32
      %dma_wait3A_208 = tpu.memref_slice %arg3[%dma_wait3A_206, %dma_wait3A_207] : memref<1000000x64xf32, #tpu.memory_space<hbm>> -> memref<1000000x64xf32, #tpu.memory_space<hbm>>
      tpu.wait_indirect_dma semaphore(%arg20 : memref<!tpu.dma_semaphore, #tpu.memory_space<semaphore_mem>>) src(%dma_wait3A_208 : memref<1000000x64xf32, #tpu.memory_space<hbm>>) dst(%arg11 : memref<100x64xf32, #tpu.memory_space<vmem>>)
      %scan3A_209 = arith.constant 0 : i32
      %scan3A_210 = arith.constant 10 : i32
      %scan3A_211 = arith.addi %scan3A_209, %scan3A_210 : i32
      %scan3A_212 = arith.constant 1 : i32
      %scan3A_213:4 = scf.for %scan3A_298 = %scan3A_209 to %scan3A_211 step %scan3A_212 iter_args(%scan3A_299 = %scan3A_200#0, %scan3A_300 = %scan3A_200#1, %scan3A_301 = %scan3A_200#2, %scan3A_302 = %scan3A_200#3) -> (vector<16xf32>, vector<16xf32>, vector<16xf32>, vector<16xf32>)  : i32 {
        %mul3A_303 = arith.constant 10 : i32
        %mul3A_304 = arith.muli %scan3A_298, %mul3A_303 : i32
        %add3A_305 = arith.constant 0 : i32
        %add3A_306 = arith.addi %mul3A_304, %add3A_305 : i32
        %get3A = arith.index_cast %add3A_306 : i32 to index
        %get3A_307 = arith.constant 0 : index
        %get3A_308 = tpu.vector_load %arg11[%get3A, %get3A_307] {strides = array<i32>} : memref<100x64xf32, #tpu.memory_space<vmem>>, vector<1x16xf32>,
        %get3A_309 = vector.shape_cast %get3A_308 : vector<1x16xf32> to vector<16xf32>
        %add3A_310 = arith.addf %scan3A_299, %get3A_309 : vector<16xf32>
        %get3A_311 = arith.index_cast %add3A_306 : i32 to index
        %get3A_312 = arith.constant 16 : index
        %get3A_313 = tpu.vector_load %arg11[%get3A_311, %get3A_312] {strides = array<i32>} : memref<100x64xf32, #tpu.memory_space<vmem>>, vector<1x16xf32>,
        %get3A_314 = vector.shape_cast %get3A_313 : vector<1x16xf32> to vector<16xf32>
        %add3A_315 = arith.addf %scan3A_300, %get3A_314 : vector<16xf32>
        %get3A_316 = arith.index_cast %add3A_306 : i32 to index
        %get3A_317 = arith.constant 32 : index
        %get3A_318 = tpu.vector_load %arg11[%get3A_316, %get3A_317] {strides = array<i32>} : memref<100x64xf32, #tpu.memory_space<vmem>>, vector<1x16xf32>,
        %get3A_319 = vector.shape_cast %get3A_318 : vector<1x16xf32> to vector<16xf32>
        %add3A_320 = arith.addf %scan3A_301, %get3A_319 : vector<16xf32>
        %get3A_321 = arith.index_cast %add3A_306 : i32 to index
        %get3A_322 = arith.constant 48 : index
        %get3A_323 = tpu.vector_load %arg11[%get3A_321, %get3A_322] {strides = array<i32>} : memref<100x64xf32, #tpu.memory_space<vmem>>, vector<1x16xf32>,
        %get3A_324 = vector.shape_cast %get3A_323 : vector<1x16xf32> to vector<16xf32>
        %add3A_325 = arith.addf %scan3A_302, %get3A_324 : vector<16xf32>
        %mul3A_326 = arith.constant 10 : i32
        %mul3A_327 = arith.muli %scan3A_298, %mul3A_326 : i32
        %add3A_328 = arith.constant 1 : i32
        %add3A_329 = arith.addi %mul3A_327, %add3A_328 : i32
        %get3A_330 = arith.index_cast %add3A_329 : i32 to index
        %get3A_331 = arith.constant 0 : index
        %get3A_332 = tpu.vector_load %arg11[%get3A_330, %get3A_331] {strides = array<i32>} : memref<100x64xf32, #tpu.memory_space<vmem>>, vector<1x16xf32>,
        %get3A_333 = vector.shape_cast %get3A_332 : vector<1x16xf32> to vector<16xf32>
        %add3A_334 = arith.addf %add3A_310, %get3A_333 : vector<16xf32>
        %get3A_335 = arith.index_cast %add3A_329 : i32 to index
        %get3A_336 = arith.constant 16 : index
        %get3A_337 = tpu.vector_load %arg11[%get3A_335, %get3A_336] {strides = array<i32>} : memref<100x64xf32, #tpu.memory_space<vmem>>, vector<1x16xf32>,
        %get3A_338 = vector.shape_cast %get3A_337 : vector<1x16xf32> to vector<16xf32>
        %add3A_339 = arith.addf %add3A_315, %get3A_338 : vector<16xf32>
        %get3A_340 = arith.index_cast %add3A_329 : i32 to index
        %get3A_341 = arith.constant 32 : index
        %get3A_342 = tpu.vector_load %arg11[%get3A_340, %get3A_341] {strides = array<i32>} : memref<100x64xf32, #tpu.memory_space<vmem>>, vector<1x16xf32>,
        %get3A_343 = vector.shape_cast %get3A_342 : vector<1x16xf32> to vector<16xf32>
        %add3A_344 = arith.addf %add3A_320, %get3A_343 : vector<16xf32>
        %get3A_345 = arith.index_cast %add3A_329 : i32 to index
        %get3A_346 = arith.constant 48 : index
        %get3A_347 = tpu.vector_load %arg11[%get3A_345, %get3A_346] {strides = array<i32>} : memref<100x64xf32, #tpu.memory_space<vmem>>, vector<1x16xf32>,
        %get3A_348 = vector.shape_cast %get3A_347 : vector<1x16xf32> to vector<16xf32>
        %add3A_349 = arith.addf %add3A_325, %get3A_348 : vector<16xf32>
        %mul3A_350 = arith.constant 10 : i32
        %mul3A_351 = arith.muli %scan3A_298, %mul3A_350 : i32
        %add3A_352 = arith.constant 2 : i32
        %add3A_353 = arith.addi %mul3A_351, %add3A_352 : i32
        %get3A_354 = arith.index_cast %add3A_353 : i32 to index
        %get3A_355 = arith.constant 0 : index
        %get3A_356 = tpu.vector_load %arg11[%get3A_354, %get3A_355] {strides = array<i32>} : memref<100x64xf32, #tpu.memory_space<vmem>>, vector<1x16xf32>,
        %get3A_357 = vector.shape_cast %get3A_356 : vector<1x16xf32> to vector<16xf32>
        %add3A_358 = arith.addf %add3A_334, %get3A_357 : vector<16xf32>
        %get3A_359 = arith.index_cast %add3A_353 : i32 to index
        %get3A_360 = arith.constant 16 : index
        %get3A_361 = tpu.vector_load %arg11[%get3A_359, %get3A_360] {strides = array<i32>} : memref<100x64xf32, #tpu.memory_space<vmem>>, vector<1x16xf32>,
        %get3A_362 = vector.shape_cast %get3A_361 : vector<1x16xf32> to vector<16xf32>
        %add3A_363 = arith.addf %add3A_339, %get3A_362 : vector<16xf32>
        %get3A_364 = arith.index_cast %add3A_353 : i32 to index
        %get3A_365 = arith.constant 32 : index
        %get3A_366 = tpu.vector_load %arg11[%get3A_364, %get3A_365] {strides = array<i32>} : memref<100x64xf32, #tpu.memory_space<vmem>>, vector<1x16xf32>,
        %get3A_367 = vector.shape_cast %get3A_366 : vector<1x16xf32> to vector<16xf32>
        %add3A_368 = arith.addf %add3A_344, %get3A_367 : vector<16xf32>
        %get3A_369 = arith.index_cast %add3A_353 : i32 to index
        %get3A_370 = arith.constant 48 : index
        %get3A_371 = tpu.vector_load %arg11[%get3A_369, %get3A_370] {strides = array<i32>} : memref<100x64xf32, #tpu.memory_space<vmem>>, vector<1x16xf32>,
        %get3A_372 = vector.shape_cast %get3A_371 : vector<1x16xf32> to vector<16xf32>
        %add3A_373 = arith.addf %add3A_349, %get3A_372 : vector<16xf32>
        %mul3A_374 = arith.constant 10 : i32
        %mul3A_375 = arith.muli %scan3A_298, %mul3A_374 : i32
        %add3A_376 = arith.constant 3 : i32
        %add3A_377 = arith.addi %mul3A_375, %add3A_376 : i32
        %get3A_378 = arith.index_cast %add3A_377 : i32 to index
        %get3A_379 = arith.constant 0 : index
        %get3A_380 = tpu.vector_load %arg11[%get3A_378, %get3A_379] {strides = array<i32>} : memref<100x64xf32, #tpu.memory_space<vmem>>, vector<1x16xf32>,
        %get3A_381 = vector.shape_cast %get3A_380 : vector<1x16xf32> to vector<16xf32>
        %add3A_382 = arith.addf %add3A_358, %get3A_381 : vector<16xf32>
        %get3A_383 = arith.index_cast %add3A_377 : i32 to index
        %get3A_384 = arith.constant 16 : index
        %get3A_385 = tpu.vector_load %arg11[%get3A_383, %get3A_384] {strides = array<i32>} : memref<100x64xf32, #tpu.memory_space<vmem>>, vector<1x16xf32>,
        %get3A_386 = vector.shape_cast %get3A_385 : vector<1x16xf32> to vector<16xf32>
        %add3A_387 = arith.addf %add3A_363, %get3A_386 : vector<16xf32>
        %get3A_388 = arith.index_cast %add3A_377 : i32 to index
        %get3A_389 = arith.constant 32 : index
        %get3A_390 = tpu.vector_load %arg11[%get3A_388, %get3A_389] {strides = array<i32>} : memref<100x64xf32, #tpu.memory_space<vmem>>, vector<1x16xf32>,
        %get3A_391 = vector.shape_cast %get3A_390 : vector<1x16xf32> to vector<16xf32>
        %add3A_392 = arith.addf %add3A_368, %get3A_391 : vector<16xf32>
        %get3A_393 = arith.index_cast %add3A_377 : i32 to index
        %get3A_394 = arith.constant 48 : index
        %get3A_395 = tpu.vector_load %arg11[%get3A_393, %get3A_394] {strides = array<i32>} : memref<100x64xf32, #tpu.memory_space<vmem>>, vector<1x16xf32>,
        %get3A_396 = vector.shape_cast %get3A_395 : vector<1x16xf32> to vector<16xf32>
        %add3A_397 = arith.addf %add3A_373, %get3A_396 : vector<16xf32>
        %mul3A_398 = arith.constant 10 : i32
        %mul3A_399 = arith.muli %scan3A_298, %mul3A_398 : i32
        %add3A_400 = arith.constant 4 : i32
        %add3A_401 = arith.addi %mul3A_399, %add3A_400 : i32
        %get3A_402 = arith.index_cast %add3A_401 : i32 to index
        %get3A_403 = arith.constant 0 : index
        %get3A_404 = tpu.vector_load %arg11[%get3A_402, %get3A_403] {strides = array<i32>} : memref<100x64xf32, #tpu.memory_space<vmem>>, vector<1x16xf32>,
        %get3A_405 = vector.shape_cast %get3A_404 : vector<1x16xf32> to vector<16xf32>
        %add3A_406 = arith.addf %add3A_382, %get3A_405 : vector<16xf32>
        %get3A_407 = arith.index_cast %add3A_401 : i32 to index
        %get3A_408 = arith.constant 16 : index
        %get3A_409 = tpu.vector_load %arg11[%get3A_407, %get3A_408] {strides = array<i32>} : memref<100x64xf32, #tpu.memory_space<vmem>>, vector<1x16xf32>,
        %get3A_410 = vector.shape_cast %get3A_409 : vector<1x16xf32> to vector<16xf32>
        %add3A_411 = arith.addf %add3A_387, %get3A_410 : vector<16xf32>
        %get3A_412 = arith.index_cast %add3A_401 : i32 to index
        %get3A_413 = arith.constant 32 : index
        %get3A_414 = tpu.vector_load %arg11[%get3A_412, %get3A_413] {strides = array<i32>} : memref<100x64xf32, #tpu.memory_space<vmem>>, vector<1x16xf32>,
        %get3A_415 = vector.shape_cast %get3A_414 : vector<1x16xf32> to vector<16xf32>
        %add3A_416 = arith.addf %add3A_392, %get3A_415 : vector<16xf32>
        %get3A_417 = arith.index_cast %add3A_401 : i32 to index
        %get3A_418 = arith.constant 48 : index
        %get3A_419 = tpu.vector_load %arg11[%get3A_417, %get3A_418] {strides = array<i32>} : memref<100x64xf32, #tpu.memory_space<vmem>>, vector<1x16xf32>,
        %get3A_420 = vector.shape_cast %get3A_419 : vector<1x16xf32> to vector<16xf32>
        %add3A_421 = arith.addf %add3A_397, %get3A_420 : vector<16xf32>
        %mul3A_422 = arith.constant 10 : i32
        %mul3A_423 = arith.muli %scan3A_298, %mul3A_422 : i32
        %add3A_424 = arith.constant 5 : i32
        %add3A_425 = arith.addi %mul3A_423, %add3A_424 : i32
        %get3A_426 = arith.index_cast %add3A_425 : i32 to index
        %get3A_427 = arith.constant 0 : index
        %get3A_428 = tpu.vector_load %arg11[%get3A_426, %get3A_427] {strides = array<i32>} : memref<100x64xf32, #tpu.memory_space<vmem>>, vector<1x16xf32>,
        %get3A_429 = vector.shape_cast %get3A_428 : vector<1x16xf32> to vector<16xf32>
        %add3A_430 = arith.addf %add3A_406, %get3A_429 : vector<16xf32>
        %get3A_431 = arith.index_cast %add3A_425 : i32 to index
        %get3A_432 = arith.constant 16 : index
        %get3A_433 = tpu.vector_load %arg11[%get3A_431, %get3A_432] {strides = array<i32>} : memref<100x64xf32, #tpu.memory_space<vmem>>, vector<1x16xf32>,
        %get3A_434 = vector.shape_cast %get3A_433 : vector<1x16xf32> to vector<16xf32>
        %add3A_435 = arith.addf %add3A_411, %get3A_434 : vector<16xf32>
        %get3A_436 = arith.index_cast %add3A_425 : i32 to index
        %get3A_437 = arith.constant 32 : index
        %get3A_438 = tpu.vector_load %arg11[%get3A_436, %get3A_437] {strides = array<i32>} : memref<100x64xf32, #tpu.memory_space<vmem>>, vector<1x16xf32>,
        %get3A_439 = vector.shape_cast %get3A_438 : vector<1x16xf32> to vector<16xf32>
        %add3A_440 = arith.addf %add3A_416, %get3A_439 : vector<16xf32>
        %get3A_441 = arith.index_cast %add3A_425 : i32 to index
        %get3A_442 = arith.constant 48 : index
        %get3A_443 = tpu.vector_load %arg11[%get3A_441, %get3A_442] {strides = array<i32>} : memref<100x64xf32, #tpu.memory_space<vmem>>, vector<1x16xf32>,
        %get3A_444 = vector.shape_cast %get3A_443 : vector<1x16xf32> to vector<16xf32>
        %add3A_445 = arith.addf %add3A_421, %get3A_444 : vector<16xf32>
        %mul3A_446 = arith.constant 10 : i32
        %mul3A_447 = arith.muli %scan3A_298, %mul3A_446 : i32
        %add3A_448 = arith.constant 6 : i32
        %add3A_449 = arith.addi %mul3A_447, %add3A_448 : i32
        %get3A_450 = arith.index_cast %add3A_449 : i32 to index
        %get3A_451 = arith.constant 0 : index
        %get3A_452 = tpu.vector_load %arg11[%get3A_450, %get3A_451] {strides = array<i32>} : memref<100x64xf32, #tpu.memory_space<vmem>>, vector<1x16xf32>,
        %get3A_453 = vector.shape_cast %get3A_452 : vector<1x16xf32> to vector<16xf32>
        %add3A_454 = arith.addf %add3A_430, %get3A_453 : vector<16xf32>
        %get3A_455 = arith.index_cast %add3A_449 : i32 to index
        %get3A_456 = arith.constant 16 : index
        %get3A_457 = tpu.vector_load %arg11[%get3A_455, %get3A_456] {strides = array<i32>} : memref<100x64xf32, #tpu.memory_space<vmem>>, vector<1x16xf32>,
        %get3A_458 = vector.shape_cast %get3A_457 : vector<1x16xf32> to vector<16xf32>
        %add3A_459 = arith.addf %add3A_435, %get3A_458 : vector<16xf32>
        %get3A_460 = arith.index_cast %add3A_449 : i32 to index
        %get3A_461 = arith.constant 32 : index
        %get3A_462 = tpu.vector_load %arg11[%get3A_460, %get3A_461] {strides = array<i32>} : memref<100x64xf32, #tpu.memory_space<vmem>>, vector<1x16xf32>,
        %get3A_463 = vector.shape_cast %get3A_462 : vector<1x16xf32> to vector<16xf32>
        %add3A_464 = arith.addf %add3A_440, %get3A_463 : vector<16xf32>
        %get3A_465 = arith.index_cast %add3A_449 : i32 to index
        %get3A_466 = arith.constant 48 : index
        %get3A_467 = tpu.vector_load %arg11[%get3A_465, %get3A_466] {strides = array<i32>} : memref<100x64xf32, #tpu.memory_space<vmem>>, vector<1x16xf32>,
        %get3A_468 = vector.shape_cast %get3A_467 : vector<1x16xf32> to vector<16xf32>
        %add3A_469 = arith.addf %add3A_445, %get3A_468 : vector<16xf32>
        %mul3A_470 = arith.constant 10 : i32
        %mul3A_471 = arith.muli %scan3A_298, %mul3A_470 : i32
        %add3A_472 = arith.constant 7 : i32
        %add3A_473 = arith.addi %mul3A_471, %add3A_472 : i32
        %get3A_474 = arith.index_cast %add3A_473 : i32 to index
        %get3A_475 = arith.constant 0 : index
        %get3A_476 = tpu.vector_load %arg11[%get3A_474, %get3A_475] {strides = array<i32>} : memref<100x64xf32, #tpu.memory_space<vmem>>, vector<1x16xf32>,
        %get3A_477 = vector.shape_cast %get3A_476 : vector<1x16xf32> to vector<16xf32>
        %add3A_478 = arith.addf %add3A_454, %get3A_477 : vector<16xf32>
        %get3A_479 = arith.index_cast %add3A_473 : i32 to index
        %get3A_480 = arith.constant 16 : index
        %get3A_481 = tpu.vector_load %arg11[%get3A_479, %get3A_480] {strides = array<i32>} : memref<100x64xf32, #tpu.memory_space<vmem>>, vector<1x16xf32>,
        %get3A_482 = vector.shape_cast %get3A_481 : vector<1x16xf32> to vector<16xf32>
        %add3A_483 = arith.addf %add3A_459, %get3A_482 : vector<16xf32>
        %get3A_484 = arith.index_cast %add3A_473 : i32 to index
        %get3A_485 = arith.constant 32 : index
        %get3A_486 = tpu.vector_load %arg11[%get3A_484, %get3A_485] {strides = array<i32>} : memref<100x64xf32, #tpu.memory_space<vmem>>, vector<1x16xf32>,
        %get3A_487 = vector.shape_cast %get3A_486 : vector<1x16xf32> to vector<16xf32>
        %add3A_488 = arith.addf %add3A_464, %get3A_487 : vector<16xf32>
        %get3A_489 = arith.index_cast %add3A_473 : i32 to index
        %get3A_490 = arith.constant 48 : index
        %get3A_491 = tpu.vector_load %arg11[%get3A_489, %get3A_490] {strides = array<i32>} : memref<100x64xf32, #tpu.memory_space<vmem>>, vector<1x16xf32>,
        %get3A_492 = vector.shape_cast %get3A_491 : vector<1x16xf32> to vector<16xf32>
        %add3A_493 = arith.addf %add3A_469, %get3A_492 : vector<16xf32>
        %mul3A_494 = arith.constant 10 : i32
        %mul3A_495 = arith.muli %scan3A_298, %mul3A_494 : i32
        %add3A_496 = arith.constant 8 : i32
        %add3A_497 = arith.addi %mul3A_495, %add3A_496 : i32
        %get3A_498 = arith.index_cast %add3A_497 : i32 to index
        %get3A_499 = arith.constant 0 : index
        %get3A_500 = tpu.vector_load %arg11[%get3A_498, %get3A_499] {strides = array<i32>} : memref<100x64xf32, #tpu.memory_space<vmem>>, vector<1x16xf32>,
        %get3A_501 = vector.shape_cast %get3A_500 : vector<1x16xf32> to vector<16xf32>
        %add3A_502 = arith.addf %add3A_478, %get3A_501 : vector<16xf32>
        %get3A_503 = arith.index_cast %add3A_497 : i32 to index
        %get3A_504 = arith.constant 16 : index
        %get3A_505 = tpu.vector_load %arg11[%get3A_503, %get3A_504] {strides = array<i32>} : memref<100x64xf32, #tpu.memory_space<vmem>>, vector<1x16xf32>,
        %get3A_506 = vector.shape_cast %get3A_505 : vector<1x16xf32> to vector<16xf32>
        %add3A_507 = arith.addf %add3A_483, %get3A_506 : vector<16xf32>
        %get3A_508 = arith.index_cast %add3A_497 : i32 to index
        %get3A_509 = arith.constant 32 : index
        %get3A_510 = tpu.vector_load %arg11[%get3A_508, %get3A_509] {strides = array<i32>} : memref<100x64xf32, #tpu.memory_space<vmem>>, vector<1x16xf32>,
        %get3A_511 = vector.shape_cast %get3A_510 : vector<1x16xf32> to vector<16xf32>
        %add3A_512 = arith.addf %add3A_488, %get3A_511 : vector<16xf32>
        %get3A_513 = arith.index_cast %add3A_497 : i32 to index
        %get3A_514 = arith.constant 48 : index
        %get3A_515 = tpu.vector_load %arg11[%get3A_513, %get3A_514] {strides = array<i32>} : memref<100x64xf32, #tpu.memory_space<vmem>>, vector<1x16xf32>,
        %get3A_516 = vector.shape_cast %get3A_515 : vector<1x16xf32> to vector<16xf32>
        %add3A_517 = arith.addf %add3A_493, %get3A_516 : vector<16xf32>
        %mul3A_518 = arith.constant 10 : i32
        %mul3A_519 = arith.muli %scan3A_298, %mul3A_518 : i32
        %add3A_520 = arith.constant 9 : i32
        %add3A_521 = arith.addi %mul3A_519, %add3A_520 : i32
        %get3A_522 = arith.index_cast %add3A_521 : i32 to index
        %get3A_523 = arith.constant 0 : index
        %get3A_524 = tpu.vector_load %arg11[%get3A_522, %get3A_523] {strides = array<i32>} : memref<100x64xf32, #tpu.memory_space<vmem>>, vector<1x16xf32>,
        %get3A_525 = vector.shape_cast %get3A_524 : vector<1x16xf32> to vector<16xf32>
        %add3A_526 = arith.addf %add3A_502, %get3A_525 : vector<16xf32>
        %get3A_527 = arith.index_cast %add3A_521 : i32 to index
        %get3A_528 = arith.constant 16 : index
        %get3A_529 = tpu.vector_load %arg11[%get3A_527, %get3A_528] {strides = array<i32>} : memref<100x64xf32, #tpu.memory_space<vmem>>, vector<1x16xf32>,
        %get3A_530 = vector.shape_cast %get3A_529 : vector<1x16xf32> to vector<16xf32>
        %add3A_531 = arith.addf %add3A_507, %get3A_530 : vector<16xf32>
        %get3A_532 = arith.index_cast %add3A_521 : i32 to index
        %get3A_533 = arith.constant 32 : index
        %get3A_534 = tpu.vector_load %arg11[%get3A_532, %get3A_533] {strides = array<i32>} : memref<100x64xf32, #tpu.memory_space<vmem>>, vector<1x16xf32>,
        %get3A_535 = vector.shape_cast %get3A_534 : vector<1x16xf32> to vector<16xf32>
        %add3A_536 = arith.addf %add3A_512, %get3A_535 : vector<16xf32>
        %get3A_537 = arith.index_cast %add3A_521 : i32 to index
        %get3A_538 = arith.constant 48 : index
        %get3A_539 = tpu.vector_load %arg11[%get3A_537, %get3A_538] {strides = array<i32>} : memref<100x64xf32, #tpu.memory_space<vmem>>, vector<1x16xf32>,
        %get3A_540 = vector.shape_cast %get3A_539 : vector<1x16xf32> to vector<16xf32>
        %add3A_541 = arith.addf %add3A_517, %get3A_540 : vector<16xf32>
        scf.yield %add3A_526, %add3A_531, %add3A_536, %add3A_541 : vector<16xf32>, vector<16xf32>, vector<16xf32>, vector<16xf32>
      }
      %scan3A_214 = arith.constant 10 : i32
      %add3A_215 = arith.constant 124 : i32
      %add3A_216 = arith.addi %mul3A_75, %add3A_215 : i32
      %add3A_217 = arith.constant 2 : i32
      %add3A_218 = arith.addi %add3A_216, %add3A_217 : i32
      %mul3A_219 = arith.mulf %scan3A_213#0, %broadcast_in_dim3A_5 : vector<16xf32>
      %swap3A_220 = arith.index_cast %add3A_218 : i32 to index
      %swap3A_221 = arith.constant 0 : index
      %swap3A_222 = tpu.vector_load %arg14[%swap3A_220, %swap3A_221] {strides = array<i32>} : memref<512x64xf32, #tpu.memory_space<vmem>>, vector<1x16xf32>,
      %swap3A_223 = vector.shape_cast %swap3A_222 : vector<1x16xf32> to vector<16xf32>
      %swap3A_224 = vector.shape_cast %mul3A_219 : vector<16xf32> to vector<1x16xf32>
      tpu.vector_store %arg14[%swap3A_220, %swap3A_221], %swap3A_224 {strides = array<i32>} : memref<512x64xf32, #tpu.memory_space<vmem>>, vector<1x16xf32>,
      %mul3A_225 = arith.mulf %scan3A_213#1, %broadcast_in_dim3A_5 : vector<16xf32>
      %swap3A_226 = arith.index_cast %add3A_218 : i32 to index
      %swap3A_227 = arith.constant 16 : index
      %swap3A_228 = tpu.vector_load %arg14[%swap3A_226, %swap3A_227] {strides = array<i32>} : memref<512x64xf32, #tpu.memory_space<vmem>>, vector<1x16xf32>,
      %swap3A_229 = vector.shape_cast %swap3A_228 : vector<1x16xf32> to vector<16xf32>
      %swap3A_230 = vector.shape_cast %mul3A_225 : vector<16xf32> to vector<1x16xf32>
      tpu.vector_store %arg14[%swap3A_226, %swap3A_227], %swap3A_230 {strides = array<i32>} : memref<512x64xf32, #tpu.memory_space<vmem>>, vector<1x16xf32>,
      %mul3A_231 = arith.mulf %scan3A_213#2, %broadcast_in_dim3A_5 : vector<16xf32>
      %swap3A_232 = arith.index_cast %add3A_218 : i32 to index
      %swap3A_233 = arith.constant 32 : index
      %swap3A_234 = tpu.vector_load %arg14[%swap3A_232, %swap3A_233] {strides = array<i32>} : memref<512x64xf32, #tpu.memory_space<vmem>>, vector<1x16xf32>,
      %swap3A_235 = vector.shape_cast %swap3A_234 : vector<1x16xf32> to vector<16xf32>
      %swap3A_236 = vector.shape_cast %mul3A_231 : vector<16xf32> to vector<1x16xf32>
      tpu.vector_store %arg14[%swap3A_232, %swap3A_233], %swap3A_236 {strides = array<i32>} : memref<512x64xf32, #tpu.memory_space<vmem>>, vector<1x16xf32>,
      %mul3A_237 = arith.mulf %scan3A_213#3, %broadcast_in_dim3A_5 : vector<16xf32>
      %swap3A_238 = arith.index_cast %add3A_218 : i32 to index
      %swap3A_239 = arith.constant 48 : index
      %swap3A_240 = tpu.vector_load %arg14[%swap3A_238, %swap3A_239] {strides = array<i32>} : memref<512x64xf32, #tpu.memory_space<vmem>>, vector<1x16xf32>,
      %swap3A_241 = vector.shape_cast %swap3A_240 : vector<1x16xf32> to vector<16xf32>
      %swap3A_242 = vector.shape_cast %mul3A_237 : vector<16xf32> to vector<1x16xf32>
      tpu.vector_store %arg14[%swap3A_238, %swap3A_239], %swap3A_242 {strides = array<i32>} : memref<512x64xf32, #tpu.memory_space<vmem>>, vector<1x16xf32>,
      %dma_wait3A_243 = arith.constant 254 : i32
      %dma_wait3A_244 = arith.constant 0 : i32
      %dma_wait3A_245 = tpu.memref_slice %arg5[%dma_wait3A_243, %dma_wait3A_244] : memref<256x100xi32, #tpu.memory_space<vmem>> -> memref<1x100xi32, #tpu.memory_space<vmem>>
      %dma_wait3A_246 = tpu.memref_squeeze %dma_wait3A_245 : memref<1x100xi32, #tpu.memory_space<vmem>> -> memref<100xi32, #tpu.memory_space<vmem>>
      %dma_wait3A_247 = arith.constant 0 : i32
      %dma_wait3A_248 = arith.constant 0 : i32
      %dma_wait3A_249 = tpu.memref_slice %arg3[%dma_wait3A_247, %dma_wait3A_248] : memref<1000000x64xf32, #tpu.memory_space<hbm>> -> memref<1000000x64xf32, #tpu.memory_space<hbm>>
      tpu.wait_indirect_dma semaphore(%arg21 : memref<!tpu.dma_semaphore, #tpu.memory_space<semaphore_mem>>) src(%dma_wait3A_249 : memref<1000000x64xf32, #tpu.memory_space<hbm>>) dst(%arg12 : memref<100x64xf32, #tpu.memory_space<vmem>>)
      %scan3A_250 = arith.constant 0 : i32
      %scan3A_251 = arith.constant 10 : i32
      %scan3A_252 = arith.addi %scan3A_250, %scan3A_251 : i32
      %scan3A_253 = arith.constant 1 : i32
      %scan3A_254:4 = scf.for %scan3A_298 = %scan3A_250 to %scan3A_252 step %scan3A_253 iter_args(%scan3A_299 = %broadcast_in_dim3A_7, %scan3A_300 = %broadcast_in_dim3A_7, %scan3A_301 = %broadcast_in_dim3A_7, %scan3A_302 = %broadcast_in_dim3A_7) -> (vector<16xf32>, vector<16xf32>, vector<16xf32>, vector<16xf32>)  : i32 {
        %mul3A_303 = arith.constant 10 : i32
        %mul3A_304 = arith.muli %scan3A_298, %mul3A_303 : i32
        %add3A_305 = arith.constant 0 : i32
        %add3A_306 = arith.addi %mul3A_304, %add3A_305 : i32
        %get3A = arith.index_cast %add3A_306 : i32 to index
        %get3A_307 = arith.constant 0 : index
        %get3A_308 = tpu.vector_load %arg12[%get3A, %get3A_307] {strides = array<i32>} : memref<100x64xf32, #tpu.memory_space<vmem>>, vector<1x16xf32>,
        %get3A_309 = vector.shape_cast %get3A_308 : vector<1x16xf32> to vector<16xf32>
        %add3A_310 = arith.addf %scan3A_299, %get3A_309 : vector<16xf32>
        %get3A_311 = arith.index_cast %add3A_306 : i32 to index
        %get3A_312 = arith.constant 16 : index
        %get3A_313 = tpu.vector_load %arg12[%get3A_311, %get3A_312] {strides = array<i32>} : memref<100x64xf32, #tpu.memory_space<vmem>>, vector<1x16xf32>,
        %get3A_314 = vector.shape_cast %get3A_313 : vector<1x16xf32> to vector<16xf32>
        %add3A_315 = arith.addf %scan3A_300, %get3A_314 : vector<16xf32>
        %get3A_316 = arith.index_cast %add3A_306 : i32 to index
        %get3A_317 = arith.constant 32 : index
        %get3A_318 = tpu.vector_load %arg12[%get3A_316, %get3A_317] {strides = array<i32>} : memref<100x64xf32, #tpu.memory_space<vmem>>, vector<1x16xf32>,
        %get3A_319 = vector.shape_cast %get3A_318 : vector<1x16xf32> to vector<16xf32>
        %add3A_320 = arith.addf %scan3A_301, %get3A_319 : vector<16xf32>
        %get3A_321 = arith.index_cast %add3A_306 : i32 to index
        %get3A_322 = arith.constant 48 : index
        %get3A_323 = tpu.vector_load %arg12[%get3A_321, %get3A_322] {strides = array<i32>} : memref<100x64xf32, #tpu.memory_space<vmem>>, vector<1x16xf32>,
        %get3A_324 = vector.shape_cast %get3A_323 : vector<1x16xf32> to vector<16xf32>
        %add3A_325 = arith.addf %scan3A_302, %get3A_324 : vector<16xf32>
        %mul3A_326 = arith.constant 10 : i32
        %mul3A_327 = arith.muli %scan3A_298, %mul3A_326 : i32
        %add3A_328 = arith.constant 1 : i32
        %add3A_329 = arith.addi %mul3A_327, %add3A_328 : i32
        %get3A_330 = arith.index_cast %add3A_329 : i32 to index
        %get3A_331 = arith.constant 0 : index
        %get3A_332 = tpu.vector_load %arg12[%get3A_330, %get3A_331] {strides = array<i32>} : memref<100x64xf32, #tpu.memory_space<vmem>>, vector<1x16xf32>,
        %get3A_333 = vector.shape_cast %get3A_332 : vector<1x16xf32> to vector<16xf32>
        %add3A_334 = arith.addf %add3A_310, %get3A_333 : vector<16xf32>
        %get3A_335 = arith.index_cast %add3A_329 : i32 to index
        %get3A_336 = arith.constant 16 : index
        %get3A_337 = tpu.vector_load %arg12[%get3A_335, %get3A_336] {strides = array<i32>} : memref<100x64xf32, #tpu.memory_space<vmem>>, vector<1x16xf32>,
        %get3A_338 = vector.shape_cast %get3A_337 : vector<1x16xf32> to vector<16xf32>
        %add3A_339 = arith.addf %add3A_315, %get3A_338 : vector<16xf32>
        %get3A_340 = arith.index_cast %add3A_329 : i32 to index
        %get3A_341 = arith.constant 32 : index
        %get3A_342 = tpu.vector_load %arg12[%get3A_340, %get3A_341] {strides = array<i32>} : memref<100x64xf32, #tpu.memory_space<vmem>>, vector<1x16xf32>,
        %get3A_343 = vector.shape_cast %get3A_342 : vector<1x16xf32> to vector<16xf32>
        %add3A_344 = arith.addf %add3A_320, %get3A_343 : vector<16xf32>
        %get3A_345 = arith.index_cast %add3A_329 : i32 to index
        %get3A_346 = arith.constant 48 : index
        %get3A_347 = tpu.vector_load %arg12[%get3A_345, %get3A_346] {strides = array<i32>} : memref<100x64xf32, #tpu.memory_space<vmem>>, vector<1x16xf32>,
        %get3A_348 = vector.shape_cast %get3A_347 : vector<1x16xf32> to vector<16xf32>
        %add3A_349 = arith.addf %add3A_325, %get3A_348 : vector<16xf32>
        %mul3A_350 = arith.constant 10 : i32
        %mul3A_351 = arith.muli %scan3A_298, %mul3A_350 : i32
        %add3A_352 = arith.constant 2 : i32
        %add3A_353 = arith.addi %mul3A_351, %add3A_352 : i32
        %get3A_354 = arith.index_cast %add3A_353 : i32 to index
        %get3A_355 = arith.constant 0 : index
        %get3A_356 = tpu.vector_load %arg12[%get3A_354, %get3A_355] {strides = array<i32>} : memref<100x64xf32, #tpu.memory_space<vmem>>, vector<1x16xf32>,
        %get3A_357 = vector.shape_cast %get3A_356 : vector<1x16xf32> to vector<16xf32>
        %add3A_358 = arith.addf %add3A_334, %get3A_357 : vector<16xf32>
        %get3A_359 = arith.index_cast %add3A_353 : i32 to index
        %get3A_360 = arith.constant 16 : index
        %get3A_361 = tpu.vector_load %arg12[%get3A_359, %get3A_360] {strides = array<i32>} : memref<100x64xf32, #tpu.memory_space<vmem>>, vector<1x16xf32>,
        %get3A_362 = vector.shape_cast %get3A_361 : vector<1x16xf32> to vector<16xf32>
        %add3A_363 = arith.addf %add3A_339, %get3A_362 : vector<16xf32>
        %get3A_364 = arith.index_cast %add3A_353 : i32 to index
        %get3A_365 = arith.constant 32 : index
        %get3A_366 = tpu.vector_load %arg12[%get3A_364, %get3A_365] {strides = array<i32>} : memref<100x64xf32, #tpu.memory_space<vmem>>, vector<1x16xf32>,
        %get3A_367 = vector.shape_cast %get3A_366 : vector<1x16xf32> to vector<16xf32>
        %add3A_368 = arith.addf %add3A_344, %get3A_367 : vector<16xf32>
        %get3A_369 = arith.index_cast %add3A_353 : i32 to index
        %get3A_370 = arith.constant 48 : index
        %get3A_371 = tpu.vector_load %arg12[%get3A_369, %get3A_370] {strides = array<i32>} : memref<100x64xf32, #tpu.memory_space<vmem>>, vector<1x16xf32>,
        %get3A_372 = vector.shape_cast %get3A_371 : vector<1x16xf32> to vector<16xf32>
        %add3A_373 = arith.addf %add3A_349, %get3A_372 : vector<16xf32>
        %mul3A_374 = arith.constant 10 : i32
        %mul3A_375 = arith.muli %scan3A_298, %mul3A_374 : i32
        %add3A_376 = arith.constant 3 : i32
        %add3A_377 = arith.addi %mul3A_375, %add3A_376 : i32
        %get3A_378 = arith.index_cast %add3A_377 : i32 to index
        %get3A_379 = arith.constant 0 : index
        %get3A_380 = tpu.vector_load %arg12[%get3A_378, %get3A_379] {strides = array<i32>} : memref<100x64xf32, #tpu.memory_space<vmem>>, vector<1x16xf32>,
        %get3A_381 = vector.shape_cast %get3A_380 : vector<1x16xf32> to vector<16xf32>
        %add3A_382 = arith.addf %add3A_358, %get3A_381 : vector<16xf32>
        %get3A_383 = arith.index_cast %add3A_377 : i32 to index
        %get3A_384 = arith.constant 16 : index
        %get3A_385 = tpu.vector_load %arg12[%get3A_383, %get3A_384] {strides = array<i32>} : memref<100x64xf32, #tpu.memory_space<vmem>>, vector<1x16xf32>,
        %get3A_386 = vector.shape_cast %get3A_385 : vector<1x16xf32> to vector<16xf32>
        %add3A_387 = arith.addf %add3A_363, %get3A_386 : vector<16xf32>
        %get3A_388 = arith.index_cast %add3A_377 : i32 to index
        %get3A_389 = arith.constant 32 : index
        %get3A_390 = tpu.vector_load %arg12[%get3A_388, %get3A_389] {strides = array<i32>} : memref<100x64xf32, #tpu.memory_space<vmem>>, vector<1x16xf32>,
        %get3A_391 = vector.shape_cast %get3A_390 : vector<1x16xf32> to vector<16xf32>
        %add3A_392 = arith.addf %add3A_368, %get3A_391 : vector<16xf32>
        %get3A_393 = arith.index_cast %add3A_377 : i32 to index
        %get3A_394 = arith.constant 48 : index
        %get3A_395 = tpu.vector_load %arg12[%get3A_393, %get3A_394] {strides = array<i32>} : memref<100x64xf32, #tpu.memory_space<vmem>>, vector<1x16xf32>,
        %get3A_396 = vector.shape_cast %get3A_395 : vector<1x16xf32> to vector<16xf32>
        %add3A_397 = arith.addf %add3A_373, %get3A_396 : vector<16xf32>
        %mul3A_398 = arith.constant 10 : i32
        %mul3A_399 = arith.muli %scan3A_298, %mul3A_398 : i32
        %add3A_400 = arith.constant 4 : i32
        %add3A_401 = arith.addi %mul3A_399, %add3A_400 : i32
        %get3A_402 = arith.index_cast %add3A_401 : i32 to index
        %get3A_403 = arith.constant 0 : index
        %get3A_404 = tpu.vector_load %arg12[%get3A_402, %get3A_403] {strides = array<i32>} : memref<100x64xf32, #tpu.memory_space<vmem>>, vector<1x16xf32>,
        %get3A_405 = vector.shape_cast %get3A_404 : vector<1x16xf32> to vector<16xf32>
        %add3A_406 = arith.addf %add3A_382, %get3A_405 : vector<16xf32>
        %get3A_407 = arith.index_cast %add3A_401 : i32 to index
        %get3A_408 = arith.constant 16 : index
        %get3A_409 = tpu.vector_load %arg12[%get3A_407, %get3A_408] {strides = array<i32>} : memref<100x64xf32, #tpu.memory_space<vmem>>, vector<1x16xf32>,
        %get3A_410 = vector.shape_cast %get3A_409 : vector<1x16xf32> to vector<16xf32>
        %add3A_411 = arith.addf %add3A_387, %get3A_410 : vector<16xf32>
        %get3A_412 = arith.index_cast %add3A_401 : i32 to index
        %get3A_413 = arith.constant 32 : index
        %get3A_414 = tpu.vector_load %arg12[%get3A_412, %get3A_413] {strides = array<i32>} : memref<100x64xf32, #tpu.memory_space<vmem>>, vector<1x16xf32>,
        %get3A_415 = vector.shape_cast %get3A_414 : vector<1x16xf32> to vector<16xf32>
        %add3A_416 = arith.addf %add3A_392, %get3A_415 : vector<16xf32>
        %get3A_417 = arith.index_cast %add3A_401 : i32 to index
        %get3A_418 = arith.constant 48 : index
        %get3A_419 = tpu.vector_load %arg12[%get3A_417, %get3A_418] {strides = array<i32>} : memref<100x64xf32, #tpu.memory_space<vmem>>, vector<1x16xf32>,
        %get3A_420 = vector.shape_cast %get3A_419 : vector<1x16xf32> to vector<16xf32>
        %add3A_421 = arith.addf %add3A_397, %get3A_420 : vector<16xf32>
        %mul3A_422 = arith.constant 10 : i32
        %mul3A_423 = arith.muli %scan3A_298, %mul3A_422 : i32
        %add3A_424 = arith.constant 5 : i32
        %add3A_425 = arith.addi %mul3A_423, %add3A_424 : i32
        %get3A_426 = arith.index_cast %add3A_425 : i32 to index
        %get3A_427 = arith.constant 0 : index
        %get3A_428 = tpu.vector_load %arg12[%get3A_426, %get3A_427] {strides = array<i32>} : memref<100x64xf32, #tpu.memory_space<vmem>>, vector<1x16xf32>,
        %get3A_429 = vector.shape_cast %get3A_428 : vector<1x16xf32> to vector<16xf32>
        %add3A_430 = arith.addf %add3A_406, %get3A_429 : vector<16xf32>
        %get3A_431 = arith.index_cast %add3A_425 : i32 to index
        %get3A_432 = arith.constant 16 : index
        %get3A_433 = tpu.vector_load %arg12[%get3A_431, %get3A_432] {strides = array<i32>} : memref<100x64xf32, #tpu.memory_space<vmem>>, vector<1x16xf32>,
        %get3A_434 = vector.shape_cast %get3A_433 : vector<1x16xf32> to vector<16xf32>
        %add3A_435 = arith.addf %add3A_411, %get3A_434 : vector<16xf32>
        %get3A_436 = arith.index_cast %add3A_425 : i32 to index
        %get3A_437 = arith.constant 32 : index
        %get3A_438 = tpu.vector_load %arg12[%get3A_436, %get3A_437] {strides = array<i32>} : memref<100x64xf32, #tpu.memory_space<vmem>>, vector<1x16xf32>,
        %get3A_439 = vector.shape_cast %get3A_438 : vector<1x16xf32> to vector<16xf32>
        %add3A_440 = arith.addf %add3A_416, %get3A_439 : vector<16xf32>
        %get3A_441 = arith.index_cast %add3A_425 : i32 to index
        %get3A_442 = arith.constant 48 : index
        %get3A_443 = tpu.vector_load %arg12[%get3A_441, %get3A_442] {strides = array<i32>} : memref<100x64xf32, #tpu.memory_space<vmem>>, vector<1x16xf32>,
        %get3A_444 = vector.shape_cast %get3A_443 : vector<1x16xf32> to vector<16xf32>
        %add3A_445 = arith.addf %add3A_421, %get3A_444 : vector<16xf32>
        %mul3A_446 = arith.constant 10 : i32
        %mul3A_447 = arith.muli %scan3A_298, %mul3A_446 : i32
        %add3A_448 = arith.constant 6 : i32
        %add3A_449 = arith.addi %mul3A_447, %add3A_448 : i32
        %get3A_450 = arith.index_cast %add3A_449 : i32 to index
        %get3A_451 = arith.constant 0 : index
        %get3A_452 = tpu.vector_load %arg12[%get3A_450, %get3A_451] {strides = array<i32>} : memref<100x64xf32, #tpu.memory_space<vmem>>, vector<1x16xf32>,
        %get3A_453 = vector.shape_cast %get3A_452 : vector<1x16xf32> to vector<16xf32>
        %add3A_454 = arith.addf %add3A_430, %get3A_453 : vector<16xf32>
        %get3A_455 = arith.index_cast %add3A_449 : i32 to index
        %get3A_456 = arith.constant 16 : index
        %get3A_457 = tpu.vector_load %arg12[%get3A_455, %get3A_456] {strides = array<i32>} : memref<100x64xf32, #tpu.memory_space<vmem>>, vector<1x16xf32>,
        %get3A_458 = vector.shape_cast %get3A_457 : vector<1x16xf32> to vector<16xf32>
        %add3A_459 = arith.addf %add3A_435, %get3A_458 : vector<16xf32>
        %get3A_460 = arith.index_cast %add3A_449 : i32 to index
        %get3A_461 = arith.constant 32 : index
        %get3A_462 = tpu.vector_load %arg12[%get3A_460, %get3A_461] {strides = array<i32>} : memref<100x64xf32, #tpu.memory_space<vmem>>, vector<1x16xf32>,
        %get3A_463 = vector.shape_cast %get3A_462 : vector<1x16xf32> to vector<16xf32>
        %add3A_464 = arith.addf %add3A_440, %get3A_463 : vector<16xf32>
        %get3A_465 = arith.index_cast %add3A_449 : i32 to index
        %get3A_466 = arith.constant 48 : index
        %get3A_467 = tpu.vector_load %arg12[%get3A_465, %get3A_466] {strides = array<i32>} : memref<100x64xf32, #tpu.memory_space<vmem>>, vector<1x16xf32>,
        %get3A_468 = vector.shape_cast %get3A_467 : vector<1x16xf32> to vector<16xf32>
        %add3A_469 = arith.addf %add3A_445, %get3A_468 : vector<16xf32>
        %mul3A_470 = arith.constant 10 : i32
        %mul3A_471 = arith.muli %scan3A_298, %mul3A_470 : i32
        %add3A_472 = arith.constant 7 : i32
        %add3A_473 = arith.addi %mul3A_471, %add3A_472 : i32
        %get3A_474 = arith.index_cast %add3A_473 : i32 to index
        %get3A_475 = arith.constant 0 : index
        %get3A_476 = tpu.vector_load %arg12[%get3A_474, %get3A_475] {strides = array<i32>} : memref<100x64xf32, #tpu.memory_space<vmem>>, vector<1x16xf32>,
        %get3A_477 = vector.shape_cast %get3A_476 : vector<1x16xf32> to vector<16xf32>
        %add3A_478 = arith.addf %add3A_454, %get3A_477 : vector<16xf32>
        %get3A_479 = arith.index_cast %add3A_473 : i32 to index
        %get3A_480 = arith.constant 16 : index
        %get3A_481 = tpu.vector_load %arg12[%get3A_479, %get3A_480] {strides = array<i32>} : memref<100x64xf32, #tpu.memory_space<vmem>>, vector<1x16xf32>,
        %get3A_482 = vector.shape_cast %get3A_481 : vector<1x16xf32> to vector<16xf32>
        %add3A_483 = arith.addf %add3A_459, %get3A_482 : vector<16xf32>
        %get3A_484 = arith.index_cast %add3A_473 : i32 to index
        %get3A_485 = arith.constant 32 : index
        %get3A_486 = tpu.vector_load %arg12[%get3A_484, %get3A_485] {strides = array<i32>} : memref<100x64xf32, #tpu.memory_space<vmem>>, vector<1x16xf32>,
        %get3A_487 = vector.shape_cast %get3A_486 : vector<1x16xf32> to vector<16xf32>
        %add3A_488 = arith.addf %add3A_464, %get3A_487 : vector<16xf32>
        %get3A_489 = arith.index_cast %add3A_473 : i32 to index
        %get3A_490 = arith.constant 48 : index
        %get3A_491 = tpu.vector_load %arg12[%get3A_489, %get3A_490] {strides = array<i32>} : memref<100x64xf32, #tpu.memory_space<vmem>>, vector<1x16xf32>,
        %get3A_492 = vector.shape_cast %get3A_491 : vector<1x16xf32> to vector<16xf32>
        %add3A_493 = arith.addf %add3A_469, %get3A_492 : vector<16xf32>
        %mul3A_494 = arith.constant 10 : i32
        %mul3A_495 = arith.muli %scan3A_298, %mul3A_494 : i32
        %add3A_496 = arith.constant 8 : i32
        %add3A_497 = arith.addi %mul3A_495, %add3A_496 : i32
        %get3A_498 = arith.index_cast %add3A_497 : i32 to index
        %get3A_499 = arith.constant 0 : index
        %get3A_500 = tpu.vector_load %arg12[%get3A_498, %get3A_499] {strides = array<i32>} : memref<100x64xf32, #tpu.memory_space<vmem>>, vector<1x16xf32>,
        %get3A_501 = vector.shape_cast %get3A_500 : vector<1x16xf32> to vector<16xf32>
        %add3A_502 = arith.addf %add3A_478, %get3A_501 : vector<16xf32>
        %get3A_503 = arith.index_cast %add3A_497 : i32 to index
        %get3A_504 = arith.constant 16 : index
        %get3A_505 = tpu.vector_load %arg12[%get3A_503, %get3A_504] {strides = array<i32>} : memref<100x64xf32, #tpu.memory_space<vmem>>, vector<1x16xf32>,
        %get3A_506 = vector.shape_cast %get3A_505 : vector<1x16xf32> to vector<16xf32>
        %add3A_507 = arith.addf %add3A_483, %get3A_506 : vector<16xf32>
        %get3A_508 = arith.index_cast %add3A_497 : i32 to index
        %get3A_509 = arith.constant 32 : index
        %get3A_510 = tpu.vector_load %arg12[%get3A_508, %get3A_509] {strides = array<i32>} : memref<100x64xf32, #tpu.memory_space<vmem>>, vector<1x16xf32>,
        %get3A_511 = vector.shape_cast %get3A_510 : vector<1x16xf32> to vector<16xf32>
        %add3A_512 = arith.addf %add3A_488, %get3A_511 : vector<16xf32>
        %get3A_513 = arith.index_cast %add3A_497 : i32 to index
        %get3A_514 = arith.constant 48 : index
        %get3A_515 = tpu.vector_load %arg12[%get3A_513, %get3A_514] {strides = array<i32>} : memref<100x64xf32, #tpu.memory_space<vmem>>, vector<1x16xf32>,
        %get3A_516 = vector.shape_cast %get3A_515 : vector<1x16xf32> to vector<16xf32>
        %add3A_517 = arith.addf %add3A_493, %get3A_516 : vector<16xf32>
        %mul3A_518 = arith.constant 10 : i32
        %mul3A_519 = arith.muli %scan3A_298, %mul3A_518 : i32
        %add3A_520 = arith.constant 9 : i32
        %add3A_521 = arith.addi %mul3A_519, %add3A_520 : i32
        %get3A_522 = arith.index_cast %add3A_521 : i32 to index
        %get3A_523 = arith.constant 0 : index
        %get3A_524 = tpu.vector_load %arg12[%get3A_522, %get3A_523] {strides = array<i32>} : memref<100x64xf32, #tpu.memory_space<vmem>>, vector<1x16xf32>,
        %get3A_525 = vector.shape_cast %get3A_524 : vector<1x16xf32> to vector<16xf32>
        %add3A_526 = arith.addf %add3A_502, %get3A_525 : vector<16xf32>
        %get3A_527 = arith.index_cast %add3A_521 : i32 to index
        %get3A_528 = arith.constant 16 : index
        %get3A_529 = tpu.vector_load %arg12[%get3A_527, %get3A_528] {strides = array<i32>} : memref<100x64xf32, #tpu.memory_space<vmem>>, vector<1x16xf32>,
        %get3A_530 = vector.shape_cast %get3A_529 : vector<1x16xf32> to vector<16xf32>
        %add3A_531 = arith.addf %add3A_507, %get3A_530 : vector<16xf32>
        %get3A_532 = arith.index_cast %add3A_521 : i32 to index
        %get3A_533 = arith.constant 32 : index
        %get3A_534 = tpu.vector_load %arg12[%get3A_532, %get3A_533] {strides = array<i32>} : memref<100x64xf32, #tpu.memory_space<vmem>>, vector<1x16xf32>,
        %get3A_535 = vector.shape_cast %get3A_534 : vector<1x16xf32> to vector<16xf32>
        %add3A_536 = arith.addf %add3A_512, %get3A_535 : vector<16xf32>
        %get3A_537 = arith.index_cast %add3A_521 : i32 to index
        %get3A_538 = arith.constant 48 : index
        %get3A_539 = tpu.vector_load %arg12[%get3A_537, %get3A_538] {strides = array<i32>} : memref<100x64xf32, #tpu.memory_space<vmem>>, vector<1x16xf32>,
        %get3A_540 = vector.shape_cast %get3A_539 : vector<1x16xf32> to vector<16xf32>
        %add3A_541 = arith.addf %add3A_517, %get3A_540 : vector<16xf32>
        scf.yield %add3A_526, %add3A_531, %add3A_536, %add3A_541 : vector<16xf32>, vector<16xf32>, vector<16xf32>, vector<16xf32>
      }
      %scan3A_255 = arith.constant 10 : i32
      %dma_wait3A_256 = arith.constant 255 : i32
      %dma_wait3A_257 = arith.constant 0 : i32
      %dma_wait3A_258 = tpu.memref_slice %arg5[%dma_wait3A_256, %dma_wait3A_257] : memref<256x100xi32, #tpu.memory_space<vmem>> -> memref<1x100xi32, #tpu.memory_space<vmem>>
      %dma_wait3A_259 = tpu.memref_squeeze %dma_wait3A_258 : memref<1x100xi32, #tpu.memory_space<vmem>> -> memref<100xi32, #tpu.memory_space<vmem>>
      %dma_wait3A_260 = arith.constant 0 : i32
      %dma_wait3A_261 = arith.constant 0 : i32
      %dma_wait3A_262 = tpu.memref_slice %arg3[%dma_wait3A_260, %dma_wait3A_261] : memref<1000000x64xf32, #tpu.memory_space<hbm>> -> memref<1000000x64xf32, #tpu.memory_space<hbm>>
      tpu.wait_indirect_dma semaphore(%arg22 : memref<!tpu.dma_semaphore, #tpu.memory_space<semaphore_mem>>) src(%dma_wait3A_262 : memref<1000000x64xf32, #tpu.memory_space<hbm>>) dst(%arg13 : memref<100x64xf32, #tpu.memory_space<vmem>>)
      %scan3A_263 = arith.constant 0 : i32
      %scan3A_264 = arith.constant 10 : i32
      %scan3A_265 = arith.addi %scan3A_263, %scan3A_264 : i32
      %scan3A_266 = arith.constant 1 : i32
      %scan3A_267:4 = scf.for %scan3A_298 = %scan3A_263 to %scan3A_265 step %scan3A_266 iter_args(%scan3A_299 = %scan3A_254#0, %scan3A_300 = %scan3A_254#1, %scan3A_301 = %scan3A_254#2, %scan3A_302 = %scan3A_254#3) -> (vector<16xf32>, vector<16xf32>, vector<16xf32>, vector<16xf32>)  : i32 {
        %mul3A_303 = arith.constant 10 : i32
        %mul3A_304 = arith.muli %scan3A_298, %mul3A_303 : i32
        %add3A_305 = arith.constant 0 : i32
        %add3A_306 = arith.addi %mul3A_304, %add3A_305 : i32
        %get3A = arith.index_cast %add3A_306 : i32 to index
        %get3A_307 = arith.constant 0 : index
        %get3A_308 = tpu.vector_load %arg13[%get3A, %get3A_307] {strides = array<i32>} : memref<100x64xf32, #tpu.memory_space<vmem>>, vector<1x16xf32>,
        %get3A_309 = vector.shape_cast %get3A_308 : vector<1x16xf32> to vector<16xf32>
        %add3A_310 = arith.addf %scan3A_299, %get3A_309 : vector<16xf32>
        %get3A_311 = arith.index_cast %add3A_306 : i32 to index
        %get3A_312 = arith.constant 16 : index
        %get3A_313 = tpu.vector_load %arg13[%get3A_311, %get3A_312] {strides = array<i32>} : memref<100x64xf32, #tpu.memory_space<vmem>>, vector<1x16xf32>,
        %get3A_314 = vector.shape_cast %get3A_313 : vector<1x16xf32> to vector<16xf32>
        %add3A_315 = arith.addf %scan3A_300, %get3A_314 : vector<16xf32>
        %get3A_316 = arith.index_cast %add3A_306 : i32 to index
        %get3A_317 = arith.constant 32 : index
        %get3A_318 = tpu.vector_load %arg13[%get3A_316, %get3A_317] {strides = array<i32>} : memref<100x64xf32, #tpu.memory_space<vmem>>, vector<1x16xf32>,
        %get3A_319 = vector.shape_cast %get3A_318 : vector<1x16xf32> to vector<16xf32>
        %add3A_320 = arith.addf %scan3A_301, %get3A_319 : vector<16xf32>
        %get3A_321 = arith.index_cast %add3A_306 : i32 to index
        %get3A_322 = arith.constant 48 : index
        %get3A_323 = tpu.vector_load %arg13[%get3A_321, %get3A_322] {strides = array<i32>} : memref<100x64xf32, #tpu.memory_space<vmem>>, vector<1x16xf32>,
        %get3A_324 = vector.shape_cast %get3A_323 : vector<1x16xf32> to vector<16xf32>
        %add3A_325 = arith.addf %scan3A_302, %get3A_324 : vector<16xf32>
        %mul3A_326 = arith.constant 10 : i32
        %mul3A_327 = arith.muli %scan3A_298, %mul3A_326 : i32
        %add3A_328 = arith.constant 1 : i32
        %add3A_329 = arith.addi %mul3A_327, %add3A_328 : i32
        %get3A_330 = arith.index_cast %add3A_329 : i32 to index
        %get3A_331 = arith.constant 0 : index
        %get3A_332 = tpu.vector_load %arg13[%get3A_330, %get3A_331] {strides = array<i32>} : memref<100x64xf32, #tpu.memory_space<vmem>>, vector<1x16xf32>,
        %get3A_333 = vector.shape_cast %get3A_332 : vector<1x16xf32> to vector<16xf32>
        %add3A_334 = arith.addf %add3A_310, %get3A_333 : vector<16xf32>
        %get3A_335 = arith.index_cast %add3A_329 : i32 to index
        %get3A_336 = arith.constant 16 : index
        %get3A_337 = tpu.vector_load %arg13[%get3A_335, %get3A_336] {strides = array<i32>} : memref<100x64xf32, #tpu.memory_space<vmem>>, vector<1x16xf32>,
        %get3A_338 = vector.shape_cast %get3A_337 : vector<1x16xf32> to vector<16xf32>
        %add3A_339 = arith.addf %add3A_315, %get3A_338 : vector<16xf32>
        %get3A_340 = arith.index_cast %add3A_329 : i32 to index
        %get3A_341 = arith.constant 32 : index
        %get3A_342 = tpu.vector_load %arg13[%get3A_340, %get3A_341] {strides = array<i32>} : memref<100x64xf32, #tpu.memory_space<vmem>>, vector<1x16xf32>,
        %get3A_343 = vector.shape_cast %get3A_342 : vector<1x16xf32> to vector<16xf32>
        %add3A_344 = arith.addf %add3A_320, %get3A_343 : vector<16xf32>
        %get3A_345 = arith.index_cast %add3A_329 : i32 to index
        %get3A_346 = arith.constant 48 : index
        %get3A_347 = tpu.vector_load %arg13[%get3A_345, %get3A_346] {strides = array<i32>} : memref<100x64xf32, #tpu.memory_space<vmem>>, vector<1x16xf32>,
        %get3A_348 = vector.shape_cast %get3A_347 : vector<1x16xf32> to vector<16xf32>
        %add3A_349 = arith.addf %add3A_325, %get3A_348 : vector<16xf32>
        %mul3A_350 = arith.constant 10 : i32
        %mul3A_351 = arith.muli %scan3A_298, %mul3A_350 : i32
        %add3A_352 = arith.constant 2 : i32
        %add3A_353 = arith.addi %mul3A_351, %add3A_352 : i32
        %get3A_354 = arith.index_cast %add3A_353 : i32 to index
        %get3A_355 = arith.constant 0 : index
        %get3A_356 = tpu.vector_load %arg13[%get3A_354, %get3A_355] {strides = array<i32>} : memref<100x64xf32, #tpu.memory_space<vmem>>, vector<1x16xf32>,
        %get3A_357 = vector.shape_cast %get3A_356 : vector<1x16xf32> to vector<16xf32>
        %add3A_358 = arith.addf %add3A_334, %get3A_357 : vector<16xf32>
        %get3A_359 = arith.index_cast %add3A_353 : i32 to index
        %get3A_360 = arith.constant 16 : index
        %get3A_361 = tpu.vector_load %arg13[%get3A_359, %get3A_360] {strides = array<i32>} : memref<100x64xf32, #tpu.memory_space<vmem>>, vector<1x16xf32>,
        %get3A_362 = vector.shape_cast %get3A_361 : vector<1x16xf32> to vector<16xf32>
        %add3A_363 = arith.addf %add3A_339, %get3A_362 : vector<16xf32>
        %get3A_364 = arith.index_cast %add3A_353 : i32 to index
        %get3A_365 = arith.constant 32 : index
        %get3A_366 = tpu.vector_load %arg13[%get3A_364, %get3A_365] {strides = array<i32>} : memref<100x64xf32, #tpu.memory_space<vmem>>, vector<1x16xf32>,
        %get3A_367 = vector.shape_cast %get3A_366 : vector<1x16xf32> to vector<16xf32>
        %add3A_368 = arith.addf %add3A_344, %get3A_367 : vector<16xf32>
        %get3A_369 = arith.index_cast %add3A_353 : i32 to index
        %get3A_370 = arith.constant 48 : index
        %get3A_371 = tpu.vector_load %arg13[%get3A_369, %get3A_370] {strides = array<i32>} : memref<100x64xf32, #tpu.memory_space<vmem>>, vector<1x16xf32>,
        %get3A_372 = vector.shape_cast %get3A_371 : vector<1x16xf32> to vector<16xf32>
        %add3A_373 = arith.addf %add3A_349, %get3A_372 : vector<16xf32>
        %mul3A_374 = arith.constant 10 : i32
        %mul3A_375 = arith.muli %scan3A_298, %mul3A_374 : i32
        %add3A_376 = arith.constant 3 : i32
        %add3A_377 = arith.addi %mul3A_375, %add3A_376 : i32
        %get3A_378 = arith.index_cast %add3A_377 : i32 to index
        %get3A_379 = arith.constant 0 : index
        %get3A_380 = tpu.vector_load %arg13[%get3A_378, %get3A_379] {strides = array<i32>} : memref<100x64xf32, #tpu.memory_space<vmem>>, vector<1x16xf32>,
        %get3A_381 = vector.shape_cast %get3A_380 : vector<1x16xf32> to vector<16xf32>
        %add3A_382 = arith.addf %add3A_358, %get3A_381 : vector<16xf32>
        %get3A_383 = arith.index_cast %add3A_377 : i32 to index
        %get3A_384 = arith.constant 16 : index
        %get3A_385 = tpu.vector_load %arg13[%get3A_383, %get3A_384] {strides = array<i32>} : memref<100x64xf32, #tpu.memory_space<vmem>>, vector<1x16xf32>,
        %get3A_386 = vector.shape_cast %get3A_385 : vector<1x16xf32> to vector<16xf32>
        %add3A_387 = arith.addf %add3A_363, %get3A_386 : vector<16xf32>
        %get3A_388 = arith.index_cast %add3A_377 : i32 to index
        %get3A_389 = arith.constant 32 : index
        %get3A_390 = tpu.vector_load %arg13[%get3A_388, %get3A_389] {strides = array<i32>} : memref<100x64xf32, #tpu.memory_space<vmem>>, vector<1x16xf32>,
        %get3A_391 = vector.shape_cast %get3A_390 : vector<1x16xf32> to vector<16xf32>
        %add3A_392 = arith.addf %add3A_368, %get3A_391 : vector<16xf32>
        %get3A_393 = arith.index_cast %add3A_377 : i32 to index
        %get3A_394 = arith.constant 48 : index
        %get3A_395 = tpu.vector_load %arg13[%get3A_393, %get3A_394] {strides = array<i32>} : memref<100x64xf32, #tpu.memory_space<vmem>>, vector<1x16xf32>,
        %get3A_396 = vector.shape_cast %get3A_395 : vector<1x16xf32> to vector<16xf32>
        %add3A_397 = arith.addf %add3A_373, %get3A_396 : vector<16xf32>
        %mul3A_398 = arith.constant 10 : i32
        %mul3A_399 = arith.muli %scan3A_298, %mul3A_398 : i32
        %add3A_400 = arith.constant 4 : i32
        %add3A_401 = arith.addi %mul3A_399, %add3A_400 : i32
        %get3A_402 = arith.index_cast %add3A_401 : i32 to index
        %get3A_403 = arith.constant 0 : index
        %get3A_404 = tpu.vector_load %arg13[%get3A_402, %get3A_403] {strides = array<i32>} : memref<100x64xf32, #tpu.memory_space<vmem>>, vector<1x16xf32>,
        %get3A_405 = vector.shape_cast %get3A_404 : vector<1x16xf32> to vector<16xf32>
        %add3A_406 = arith.addf %add3A_382, %get3A_405 : vector<16xf32>
        %get3A_407 = arith.index_cast %add3A_401 : i32 to index
        %get3A_408 = arith.constant 16 : index
        %get3A_409 = tpu.vector_load %arg13[%get3A_407, %get3A_408] {strides = array<i32>} : memref<100x64xf32, #tpu.memory_space<vmem>>, vector<1x16xf32>,
        %get3A_410 = vector.shape_cast %get3A_409 : vector<1x16xf32> to vector<16xf32>
        %add3A_411 = arith.addf %add3A_387, %get3A_410 : vector<16xf32>
        %get3A_412 = arith.index_cast %add3A_401 : i32 to index
        %get3A_413 = arith.constant 32 : index
        %get3A_414 = tpu.vector_load %arg13[%get3A_412, %get3A_413] {strides = array<i32>} : memref<100x64xf32, #tpu.memory_space<vmem>>, vector<1x16xf32>,
        %get3A_415 = vector.shape_cast %get3A_414 : vector<1x16xf32> to vector<16xf32>
        %add3A_416 = arith.addf %add3A_392, %get3A_415 : vector<16xf32>
        %get3A_417 = arith.index_cast %add3A_401 : i32 to index
        %get3A_418 = arith.constant 48 : index
        %get3A_419 = tpu.vector_load %arg13[%get3A_417, %get3A_418] {strides = array<i32>} : memref<100x64xf32, #tpu.memory_space<vmem>>, vector<1x16xf32>,
        %get3A_420 = vector.shape_cast %get3A_419 : vector<1x16xf32> to vector<16xf32>
        %add3A_421 = arith.addf %add3A_397, %get3A_420 : vector<16xf32>
        %mul3A_422 = arith.constant 10 : i32
        %mul3A_423 = arith.muli %scan3A_298, %mul3A_422 : i32
        %add3A_424 = arith.constant 5 : i32
        %add3A_425 = arith.addi %mul3A_423, %add3A_424 : i32
        %get3A_426 = arith.index_cast %add3A_425 : i32 to index
        %get3A_427 = arith.constant 0 : index
        %get3A_428 = tpu.vector_load %arg13[%get3A_426, %get3A_427] {strides = array<i32>} : memref<100x64xf32, #tpu.memory_space<vmem>>, vector<1x16xf32>,
        %get3A_429 = vector.shape_cast %get3A_428 : vector<1x16xf32> to vector<16xf32>
        %add3A_430 = arith.addf %add3A_406, %get3A_429 : vector<16xf32>
        %get3A_431 = arith.index_cast %add3A_425 : i32 to index
        %get3A_432 = arith.constant 16 : index
        %get3A_433 = tpu.vector_load %arg13[%get3A_431, %get3A_432] {strides = array<i32>} : memref<100x64xf32, #tpu.memory_space<vmem>>, vector<1x16xf32>,
        %get3A_434 = vector.shape_cast %get3A_433 : vector<1x16xf32> to vector<16xf32>
        %add3A_435 = arith.addf %add3A_411, %get3A_434 : vector<16xf32>
        %get3A_436 = arith.index_cast %add3A_425 : i32 to index
        %get3A_437 = arith.constant 32 : index
        %get3A_438 = tpu.vector_load %arg13[%get3A_436, %get3A_437] {strides = array<i32>} : memref<100x64xf32, #tpu.memory_space<vmem>>, vector<1x16xf32>,
        %get3A_439 = vector.shape_cast %get3A_438 : vector<1x16xf32> to vector<16xf32>
        %add3A_440 = arith.addf %add3A_416, %get3A_439 : vector<16xf32>
        %get3A_441 = arith.index_cast %add3A_425 : i32 to index
        %get3A_442 = arith.constant 48 : index
        %get3A_443 = tpu.vector_load %arg13[%get3A_441, %get3A_442] {strides = array<i32>} : memref<100x64xf32, #tpu.memory_space<vmem>>, vector<1x16xf32>,
        %get3A_444 = vector.shape_cast %get3A_443 : vector<1x16xf32> to vector<16xf32>
        %add3A_445 = arith.addf %add3A_421, %get3A_444 : vector<16xf32>
        %mul3A_446 = arith.constant 10 : i32
        %mul3A_447 = arith.muli %scan3A_298, %mul3A_446 : i32
        %add3A_448 = arith.constant 6 : i32
        %add3A_449 = arith.addi %mul3A_447, %add3A_448 : i32
        %get3A_450 = arith.index_cast %add3A_449 : i32 to index
        %get3A_451 = arith.constant 0 : index
        %get3A_452 = tpu.vector_load %arg13[%get3A_450, %get3A_451] {strides = array<i32>} : memref<100x64xf32, #tpu.memory_space<vmem>>, vector<1x16xf32>,
        %get3A_453 = vector.shape_cast %get3A_452 : vector<1x16xf32> to vector<16xf32>
        %add3A_454 = arith.addf %add3A_430, %get3A_453 : vector<16xf32>
        %get3A_455 = arith.index_cast %add3A_449 : i32 to index
        %get3A_456 = arith.constant 16 : index
        %get3A_457 = tpu.vector_load %arg13[%get3A_455, %get3A_456] {strides = array<i32>} : memref<100x64xf32, #tpu.memory_space<vmem>>, vector<1x16xf32>,
        %get3A_458 = vector.shape_cast %get3A_457 : vector<1x16xf32> to vector<16xf32>
        %add3A_459 = arith.addf %add3A_435, %get3A_458 : vector<16xf32>
        %get3A_460 = arith.index_cast %add3A_449 : i32 to index
        %get3A_461 = arith.constant 32 : index
        %get3A_462 = tpu.vector_load %arg13[%get3A_460, %get3A_461] {strides = array<i32>} : memref<100x64xf32, #tpu.memory_space<vmem>>, vector<1x16xf32>,
        %get3A_463 = vector.shape_cast %get3A_462 : vector<1x16xf32> to vector<16xf32>
        %add3A_464 = arith.addf %add3A_440, %get3A_463 : vector<16xf32>
        %get3A_465 = arith.index_cast %add3A_449 : i32 to index
        %get3A_466 = arith.constant 48 : index
        %get3A_467 = tpu.vector_load %arg13[%get3A_465, %get3A_466] {strides = array<i32>} : memref<100x64xf32, #tpu.memory_space<vmem>>, vector<1x16xf32>,
        %get3A_468 = vector.shape_cast %get3A_467 : vector<1x16xf32> to vector<16xf32>
        %add3A_469 = arith.addf %add3A_445, %get3A_468 : vector<16xf32>
        %mul3A_470 = arith.constant 10 : i32
        %mul3A_471 = arith.muli %scan3A_298, %mul3A_470 : i32
        %add3A_472 = arith.constant 7 : i32
        %add3A_473 = arith.addi %mul3A_471, %add3A_472 : i32
        %get3A_474 = arith.index_cast %add3A_473 : i32 to index
        %get3A_475 = arith.constant 0 : index
        %get3A_476 = tpu.vector_load %arg13[%get3A_474, %get3A_475] {strides = array<i32>} : memref<100x64xf32, #tpu.memory_space<vmem>>, vector<1x16xf32>,
        %get3A_477 = vector.shape_cast %get3A_476 : vector<1x16xf32> to vector<16xf32>
        %add3A_478 = arith.addf %add3A_454, %get3A_477 : vector<16xf32>
        %get3A_479 = arith.index_cast %add3A_473 : i32 to index
        %get3A_480 = arith.constant 16 : index
        %get3A_481 = tpu.vector_load %arg13[%get3A_479, %get3A_480] {strides = array<i32>} : memref<100x64xf32, #tpu.memory_space<vmem>>, vector<1x16xf32>,
        %get3A_482 = vector.shape_cast %get3A_481 : vector<1x16xf32> to vector<16xf32>
        %add3A_483 = arith.addf %add3A_459, %get3A_482 : vector<16xf32>
        %get3A_484 = arith.index_cast %add3A_473 : i32 to index
        %get3A_485 = arith.constant 32 : index
        %get3A_486 = tpu.vector_load %arg13[%get3A_484, %get3A_485] {strides = array<i32>} : memref<100x64xf32, #tpu.memory_space<vmem>>, vector<1x16xf32>,
        %get3A_487 = vector.shape_cast %get3A_486 : vector<1x16xf32> to vector<16xf32>
        %add3A_488 = arith.addf %add3A_464, %get3A_487 : vector<16xf32>
        %get3A_489 = arith.index_cast %add3A_473 : i32 to index
        %get3A_490 = arith.constant 48 : index
        %get3A_491 = tpu.vector_load %arg13[%get3A_489, %get3A_490] {strides = array<i32>} : memref<100x64xf32, #tpu.memory_space<vmem>>, vector<1x16xf32>,
        %get3A_492 = vector.shape_cast %get3A_491 : vector<1x16xf32> to vector<16xf32>
        %add3A_493 = arith.addf %add3A_469, %get3A_492 : vector<16xf32>
        %mul3A_494 = arith.constant 10 : i32
        %mul3A_495 = arith.muli %scan3A_298, %mul3A_494 : i32
        %add3A_496 = arith.constant 8 : i32
        %add3A_497 = arith.addi %mul3A_495, %add3A_496 : i32
        %get3A_498 = arith.index_cast %add3A_497 : i32 to index
        %get3A_499 = arith.constant 0 : index
        %get3A_500 = tpu.vector_load %arg13[%get3A_498, %get3A_499] {strides = array<i32>} : memref<100x64xf32, #tpu.memory_space<vmem>>, vector<1x16xf32>,
        %get3A_501 = vector.shape_cast %get3A_500 : vector<1x16xf32> to vector<16xf32>
        %add3A_502 = arith.addf %add3A_478, %get3A_501 : vector<16xf32>
        %get3A_503 = arith.index_cast %add3A_497 : i32 to index
        %get3A_504 = arith.constant 16 : index
        %get3A_505 = tpu.vector_load %arg13[%get3A_503, %get3A_504] {strides = array<i32>} : memref<100x64xf32, #tpu.memory_space<vmem>>, vector<1x16xf32>,
        %get3A_506 = vector.shape_cast %get3A_505 : vector<1x16xf32> to vector<16xf32>
        %add3A_507 = arith.addf %add3A_483, %get3A_506 : vector<16xf32>
        %get3A_508 = arith.index_cast %add3A_497 : i32 to index
        %get3A_509 = arith.constant 32 : index
        %get3A_510 = tpu.vector_load %arg13[%get3A_508, %get3A_509] {strides = array<i32>} : memref<100x64xf32, #tpu.memory_space<vmem>>, vector<1x16xf32>,
        %get3A_511 = vector.shape_cast %get3A_510 : vector<1x16xf32> to vector<16xf32>
        %add3A_512 = arith.addf %add3A_488, %get3A_511 : vector<16xf32>
        %get3A_513 = arith.index_cast %add3A_497 : i32 to index
        %get3A_514 = arith.constant 48 : index
        %get3A_515 = tpu.vector_load %arg13[%get3A_513, %get3A_514] {strides = array<i32>} : memref<100x64xf32, #tpu.memory_space<vmem>>, vector<1x16xf32>,
        %get3A_516 = vector.shape_cast %get3A_515 : vector<1x16xf32> to vector<16xf32>
        %add3A_517 = arith.addf %add3A_493, %get3A_516 : vector<16xf32>
        %mul3A_518 = arith.constant 10 : i32
        %mul3A_519 = arith.muli %scan3A_298, %mul3A_518 : i32
        %add3A_520 = arith.constant 9 : i32
        %add3A_521 = arith.addi %mul3A_519, %add3A_520 : i32
        %get3A_522 = arith.index_cast %add3A_521 : i32 to index
        %get3A_523 = arith.constant 0 : index
        %get3A_524 = tpu.vector_load %arg13[%get3A_522, %get3A_523] {strides = array<i32>} : memref<100x64xf32, #tpu.memory_space<vmem>>, vector<1x16xf32>,
        %get3A_525 = vector.shape_cast %get3A_524 : vector<1x16xf32> to vector<16xf32>
        %add3A_526 = arith.addf %add3A_502, %get3A_525 : vector<16xf32>
        %get3A_527 = arith.index_cast %add3A_521 : i32 to index
        %get3A_528 = arith.constant 16 : index
        %get3A_529 = tpu.vector_load %arg13[%get3A_527, %get3A_528] {strides = array<i32>} : memref<100x64xf32, #tpu.memory_space<vmem>>, vector<1x16xf32>,
        %get3A_530 = vector.shape_cast %get3A_529 : vector<1x16xf32> to vector<16xf32>
        %add3A_531 = arith.addf %add3A_507, %get3A_530 : vector<16xf32>
        %get3A_532 = arith.index_cast %add3A_521 : i32 to index
        %get3A_533 = arith.constant 32 : index
        %get3A_534 = tpu.vector_load %arg13[%get3A_532, %get3A_533] {strides = array<i32>} : memref<100x64xf32, #tpu.memory_space<vmem>>, vector<1x16xf32>,
        %get3A_535 = vector.shape_cast %get3A_534 : vector<1x16xf32> to vector<16xf32>
        %add3A_536 = arith.addf %add3A_512, %get3A_535 : vector<16xf32>
        %get3A_537 = arith.index_cast %add3A_521 : i32 to index
        %get3A_538 = arith.constant 48 : index
        %get3A_539 = tpu.vector_load %arg13[%get3A_537, %get3A_538] {strides = array<i32>} : memref<100x64xf32, #tpu.memory_space<vmem>>, vector<1x16xf32>,
        %get3A_540 = vector.shape_cast %get3A_539 : vector<1x16xf32> to vector<16xf32>
        %add3A_541 = arith.addf %add3A_517, %get3A_540 : vector<16xf32>
        scf.yield %add3A_526, %add3A_531, %add3A_536, %add3A_541 : vector<16xf32>, vector<16xf32>, vector<16xf32>, vector<16xf32>
      }
      %scan3A_268 = arith.constant 10 : i32
      %add3A_269 = arith.constant 124 : i32
      %add3A_270 = arith.addi %mul3A_75, %add3A_269 : i32
      %add3A_271 = arith.constant 3 : i32
      %add3A_272 = arith.addi %add3A_270, %add3A_271 : i32
      %mul3A_273 = arith.mulf %scan3A_267#0, %broadcast_in_dim3A_5 : vector<16xf32>
      %swap3A_274 = arith.index_cast %add3A_272 : i32 to index
      %swap3A_275 = arith.constant 0 : index
      %swap3A_276 = tpu.vector_load %arg14[%swap3A_274, %swap3A_275] {strides = array<i32>} : memref<512x64xf32, #tpu.memory_space<vmem>>, vector<1x16xf32>,
      %swap3A_277 = vector.shape_cast %swap3A_276 : vector<1x16xf32> to vector<16xf32>
      %swap3A_278 = vector.shape_cast %mul3A_273 : vector<16xf32> to vector<1x16xf32>
      tpu.vector_store %arg14[%swap3A_274, %swap3A_275], %swap3A_278 {strides = array<i32>} : memref<512x64xf32, #tpu.memory_space<vmem>>, vector<1x16xf32>,
      %mul3A_279 = arith.mulf %scan3A_267#1, %broadcast_in_dim3A_5 : vector<16xf32>
      %swap3A_280 = arith.index_cast %add3A_272 : i32 to index
      %swap3A_281 = arith.constant 16 : index
      %swap3A_282 = tpu.vector_load %arg14[%swap3A_280, %swap3A_281] {strides = array<i32>} : memref<512x64xf32, #tpu.memory_space<vmem>>, vector<1x16xf32>,
      %swap3A_283 = vector.shape_cast %swap3A_282 : vector<1x16xf32> to vector<16xf32>
      %swap3A_284 = vector.shape_cast %mul3A_279 : vector<16xf32> to vector<1x16xf32>
      tpu.vector_store %arg14[%swap3A_280, %swap3A_281], %swap3A_284 {strides = array<i32>} : memref<512x64xf32, #tpu.memory_space<vmem>>, vector<1x16xf32>,
      %mul3A_285 = arith.mulf %scan3A_267#2, %broadcast_in_dim3A_5 : vector<16xf32>
      %swap3A_286 = arith.index_cast %add3A_272 : i32 to index
      %swap3A_287 = arith.constant 32 : index
      %swap3A_288 = tpu.vector_load %arg14[%swap3A_286, %swap3A_287] {strides = array<i32>} : memref<512x64xf32, #tpu.memory_space<vmem>>, vector<1x16xf32>,
      %swap3A_289 = vector.shape_cast %swap3A_288 : vector<1x16xf32> to vector<16xf32>
      %swap3A_290 = vector.shape_cast %mul3A_285 : vector<16xf32> to vector<1x16xf32>
      tpu.vector_store %arg14[%swap3A_286, %swap3A_287], %swap3A_290 {strides = array<i32>} : memref<512x64xf32, #tpu.memory_space<vmem>>, vector<1x16xf32>,
      %mul3A_291 = arith.mulf %scan3A_267#3, %broadcast_in_dim3A_5 : vector<16xf32>
      %swap3A_292 = arith.index_cast %add3A_272 : i32 to index
      %swap3A_293 = arith.constant 48 : index
      %swap3A_294 = tpu.vector_load %arg14[%swap3A_292, %swap3A_293] {strides = array<i32>} : memref<512x64xf32, #tpu.memory_space<vmem>>, vector<1x16xf32>,
      %swap3A_295 = vector.shape_cast %swap3A_294 : vector<1x16xf32> to vector<16xf32>
      %swap3A_296 = vector.shape_cast %mul3A_291 : vector<16xf32> to vector<1x16xf32>
      tpu.vector_store %arg14[%swap3A_292, %swap3A_293], %swap3A_296 {strides = array<i32>} : memref<512x64xf32, #tpu.memory_space<vmem>>, vector<1x16xf32>,
      %scan3A_297 = arith.constant 0 : i32
      scf.yield %scan3A_297 : i32
    }
    %scan3A_13 = arith.constant 4 : i32
    "tpu.region"() ({
      %run_scoped3A = tpu.sem_alloc : memref<!tpu.dma_semaphore, #tpu.memory_space<semaphore_mem>>
      %dma_start3A = arith.constant 0 : i32
      %dma_start3A_14 = tpu.memref_slice %arg4[%mul3A_4, %dma_start3A] : memref<16384x64xf32, #tpu.memory_space<hbm>> -> memref<512x64xf32, #tpu.memory_space<hbm>>
      %dma_start3A_15 = arith.constant 0 : i32
      %dma_start3A_16 = tpu.memref_slice %arg4[%mul3A_4, %dma_start3A_15] : memref<16384x64xf32, #tpu.memory_space<hbm>> -> memref<512x64xf32, #tpu.memory_space<hbm>>
      tpu.enqueue_dma source(%arg14 : memref<512x64xf32, #tpu.memory_space<vmem>>) target(%dma_start3A_16 : memref<512x64xf32, #tpu.memory_space<hbm>>) target_semaphore(%run_scoped3A : memref<!tpu.dma_semaphore, #tpu.memory_space<semaphore_mem>>)
      %dma_wait3A = arith.constant 0 : i32
      %dma_wait3A_17 = tpu.memref_slice %arg4[%mul3A_4, %dma_wait3A] : memref<16384x64xf32, #tpu.memory_space<hbm>> -> memref<512x64xf32, #tpu.memory_space<hbm>>
      %dma_wait3A_18 = arith.constant 0 : i32
      %dma_wait3A_19 = tpu.memref_slice %arg4[%mul3A_4, %dma_wait3A_18] : memref<16384x64xf32, #tpu.memory_space<hbm>> -> memref<512x64xf32, #tpu.memory_space<hbm>>
      tpu.wait_dma2 semaphore(%run_scoped3A : memref<!tpu.dma_semaphore, #tpu.memory_space<semaphore_mem>>) src(%arg14 : memref<512x64xf32, #tpu.memory_space<vmem>>) dst(%dma_wait3A_19 : memref<512x64xf32, #tpu.memory_space<hbm>>)
      tpu.yield
    }) : () -> ()
    return
  }
}

module attributes {stable_mosaic.version = 14 : i64} {
  func.func @mm(%arg0: i32, %arg1: memref<1000x64xf32, #tpu.memory_space<vmem>>, %arg2: memref<1024x64xf32, #tpu.memory_space<vmem>>, %arg3: memref<1000x1xf32, #tpu.memory_space<vmem>>, %arg4: memref<1000x1024xf32, #tpu.memory_space<vmem>>) attributes {dimension_semantics = [#tpu.dimension_semantics<arbitrary>], iteration_bounds = array<i64: 16>, scalar_prefetch = 0 : i64, scratch_operands = 0 : i64, tpu.core_type = #tpu.core_type<tc>, window_params = [{pipeline_mode = #tpu.pipeline_mode<synchronous>, transform_indices = @transform_0, window_bounds = array<i64: 1000, 64>}, {transform_indices = @transform_1, window_bounds = array<i64: 1024, 64>}, {pipeline_mode = #tpu.pipeline_mode<synchronous>, transform_indices = @transform_2, window_bounds = array<i64: 1000, 1>}, {transform_indices = @transform_3, window_bounds = array<i64: 1000, 1024>}]} {
    %get3A = arith.constant 0 : index
    %get3A_0 = arith.constant 0 : index
    %get3A_1 = vector.load %arg1[%get3A, %get3A_0] : memref<1000x64xf32, #tpu.memory_space<vmem>>, vector<1000x64xf32>
    %get3A_2 = arith.constant 0 : index
    %get3A_3 = arith.constant 0 : index
    %get3A_4 = vector.load %arg2[%get3A_2, %get3A_3] : memref<1024x64xf32, #tpu.memory_space<vmem>>, vector<1024x64xf32>
    %dot_general3A = arith.constant dense<0.000000e+00> : vector<1000x1024xf32>
    %dot_general3A_5 = tpu.matmul %get3A_1, %get3A_4, %dot_general3A {dimension_numbers = #tpu.dot_dimension_numbers<[1], [1], [0], [0], [0, 0, 1, 0], [], []>, transpose_lhs_hint = false} : vector<1000x64xf32>, vector<1024x64xf32>, vector<1000x1024xf32> -> vector<1000x1024xf32>
    %get3A_6 = arith.constant 0 : index
    %get3A_7 = arith.constant 0 : index
    %get3A_8 = vector.load %arg3[%get3A_6, %get3A_7] : memref<1000x1xf32, #tpu.memory_space<vmem>>, vector<1000x1xf32>
    %add3A = vector.broadcast %get3A_8 : vector<1000x1xf32> to vector<1000x1024xf32>
    %add3A_9 = arith.addf %dot_general3A_5, %add3A : vector<1000x1024xf32>
    %swap3A = arith.constant 0 : index
    %swap3A_10 = arith.constant 0 : index
    %swap3A_11 = vector.load %arg4[%swap3A, %swap3A_10] : memref<1000x1024xf32, #tpu.memory_space<vmem>>, vector<1000x1024xf32>
    tpu.vector_store %arg4[%swap3A, %swap3A_10], %add3A_9 {strides = array<i32>} : memref<1000x1024xf32, #tpu.memory_space<vmem>>, vector<1000x1024xf32>,
    return
  }
  func.func @transform_0(%arg0: i32) -> (i32, i32) {
    %c0_i32 = arith.constant 0 : i32
    %c0_i32_0 = arith.constant 0 : i32
    %c0_i32_1 = arith.constant 0 : i32
    return %c0_i32, %c0_i32_0 : i32, i32
  }
  func.func @transform_1(%arg0: i32) -> (i32, i32) {
    %c0_i32 = arith.constant 0 : i32
    %c0_i32_0 = arith.constant 0 : i32
    return %arg0, %c0_i32 : i32, i32
  }
  func.func @transform_2(%arg0: i32) -> (i32, i32) {
    %c0_i32 = arith.constant 0 : i32
    %c0_i32_0 = arith.constant 0 : i32
    %c0_i32_1 = arith.constant 0 : i32
    return %c0_i32, %c0_i32_0 : i32, i32
  }
  func.func @transform_3(%arg0: i32) -> (i32, i32) {
    %c0_i32 = arith.constant 0 : i32
    %c0_i32_0 = arith.constant 0 : i32
    return %c0_i32, %arg0 : i32, i32
  }
}

</mosaic_0001>

<sc_bundles>
// kernel: kernel.4.cloned.1.call-start
scs
__scs_entry_jumppad:
0x0: {  	(pc) =	sbr.rel $0x88, $3  }
0x1: {  	(tag) =	ssettag $0x0;
	lr =	simm.s32 $0x1  }
0x2: {  	[smem:$0x3F9D] =	sst lr;
	_ =	strace $0xD0000000  }
0x3: {  	_ = 	snop  }
0x4: {  	_ = 	snop  }
0x5: {  	_ = 	snop  }
0x6: {  	_ = 	snop  }
0x7: {  	_ = 	snop  }
__scs_overlays_trampoline_lowered:
0x8: {  	[smem:$0x3FAC] =	sst s0  }
0x9: {  	[smem:$0x3FAD] =	sst s1  }
0xa: {  	[smem:$0x3FAE] =	sst s2  }
0xb: {  	[smem:$0x3FAF] =	sst s3  }
0xc: {  	[smem:$0x3FB0] =	sst s4  }
0xd: {  	[smem:$0x3FB1] =	sst s5  }
0xe: {  	[smem:$0x3FB2] =	sst s6  }
0xf: {  	[smem:$0x3FB3] =	sst s7  }
0x10: {  	[smem:$0x3FB4] =	sst s8  }
0x11: {  	[smem:$0x3FB5] =	sst s9;
	s0 =	simm.s32 @!p0 $0x0  }
0x12: {  	s1 =	sld [smem:$0x3F9B];
	s0 =	simm.s32 @p0 $0x1  }
0x13: {  	[smem:$0x3FB6] =	sst s0;
	s0 =	simm.s32 @!p1 $0x0  }
0x14: {  	s2 =	sld [smem:$0x3F9A];
	s0 =	simm.s32 @p1 $0x1  }
0x15: {  	[smem:$0x3FB7] =	sst s0;
	s0 =	simm.s32 @!p2 $0x0  }
0x16: {  	s3 =	sld [smem:$0x3FDB];
	s0 =	simm.s32 @p2 $0x1  }
0x17: {  	s4 =	simm.s32 $0x1BF5;
	[smem:$0x3FB9] =	sst s0  }
0x18: {  	s0 =	sld [smem:$0x3F9C];
	_ =	swait.ge [sflag:s4], $0x0  }
0x19: {  	s7 =	sld [smem:$0x3F9D]  }
0x1a: {  	s8 =	sadd.s32 $0xFFFFE003, lr  }
0x1b: {  	s9 =	sadd.s32 $0xFFFFFEF7, lr;
	s5 =	simm.s32 $0xFFFFFFFF;
	p2 =	slt.u32 s8, $0xFFFFF086  }
0x1c: {  	p1 =	slt.u32 s9, $0xF7A;
	s5 =	simm.s32 @!p2 $0x0  }
0x1d: {  	s5 =	simm.s32 @p1 $0x1;
	p0 =	seq.s32 s7, s2  }
0x1e: {  	s7 =	smul.u32 @!p0 $0xF7A, s2;
	p2 =	seq.s32 @!p0 s5, $0x0  }
0x1f: {  	s9 =	smul.u32 $0xF7A, s1;
	s8 =	simm.s32 @!p0 $0x1BF5;
	p2 =	por !p2, p0  }
0x20: {  	[sflag:s8] =	ssyncset.s32 @!p0 $0xFFFFF086;
	s6 =	sadd.s32 @!p0 s3, s7;
	s7 =	simm.s32 @!p0 $0x108  }
0x21: {  	s3 =	sadd.s32 s3, s9;
	s6 =	sadd.s32 @!p0 $0x88, s6;
	s7 =	simm.s32 @p2 $0x1082  }
0x22: {  	[simem:s7], [sflag:s8] =	dma.local @!p0 [hbm:s6], $0xF7A  }
0x23: {  	s9 =	sor.u32 $0xD0000000, s2;
	s6 =	simm.s32 $0x108;
	_ =	swait.ge @!p0 [sflag:s8], $0x0  }
0x24: {  	s3 =	sadd.s32 $0x88, s3;
	s6 =	simm.s32 @!p1 $0x1082;
	[sflag:s4] =	ssyncset.s32 $0xFFFFF086  }
0x25: {  	[simem:s6], [sflag:s4] =	dma.local [hbm:s3], $0xF7A  }
0x26: {  	[smem:$0x3F9D] =	sst s1;
	(tag) =	ssettag s2;
	_ =	strace s9  }
0x27: {  	s1 =	sld [smem:$0x3FAD]  }
0x28: {  	s2 =	sld [smem:$0x3FAE]  }
0x29: {  	s4 =	sld [smem:$0x3FB0]  }
0x2a: {  	p0 =	seq.s32 s5, $0x0;
	s5 =	sld [smem:$0x3FB1]  }
0x2b: {  	s6 =	sld [smem:$0x3FB2]  }
0x2c: {  	s7 =	sld [smem:$0x3FB3]  }
0x2d: {  	s3 =	simm.s32 $0x108;
	s8 =	sld [smem:$0x3FB4]  }
0x2e: {  	s3 =	simm.s32 @!p0 $0x1082;
	s9 =	sld [smem:$0x3FB5]  }
0x2f: {  	lr =	sadd.s32 s0, s3;
	s0 =	sld [smem:$0x3FAC]  }
0x30: {  	s3 =	sld [smem:$0x3FAF]  }
0x31: {  	[smem:$0x3FB8] =	sst s10  }
0x32: {  	s10 =	sld [smem:$0x3FB6];
	_ =	sdelay $0x3  }
0x33: {  	p0 =	seq.s32 s10, $0x1;
	s10 =	sld [smem:$0x3FB8];
	_ =	sdelay $0x3  }
0x34: {  	[smem:$0x3FB8] =	sst s10  }
0x35: {  	s10 =	sld [smem:$0x3FB7];
	_ =	sdelay $0x3  }
0x36: {  	p1 =	seq.s32 s10, $0x1;
	s10 =	sld [smem:$0x3FB8];
	_ =	sdelay $0x3  }
0x37: {  	[smem:$0x3FB8] =	sst s10  }
0x38: {  	s10 =	sld [smem:$0x3FB9]  }
0x39: {  	_ = 	snop;
	(pc) =	sbr.ind lr, $3  }
0x3a: {  	_ = 	snop  }
0x3b: {  	_ = 	snop  }
0x3c: {  	p2 =	seq.s32 s10, $0x1;
	s10 =	sld [smem:$0x3FB8]  }
0x3d: {  	_ =	shalt  }
0x3e: {  	_ =	shalt  }
0x3f: {  	_ =	shalt  }
0x40: {  	_ =	shalt  }
0x41: {  	_ =	shalt  }
0x42: {  	_ =	shalt  }
0x43: {  	_ =	shalt  }
0x44: {  	_ =	shalt  }
0x45: {  	_ =	shalt  }
0x46: {  	_ =	shalt  }
0x47: {  	_ =	shalt  }
0x48: {  	_ =	shalt  }
0x49: {  	_ =	shalt  }
0x4a: {  	_ =	shalt  }
0x4b: {  	_ =	shalt  }
0x4c: {  	_ =	shalt  }
0x4d: {  	_ =	shalt  }
0x4e: {  	_ =	shalt  }
0x4f: {  	_ =	shalt  }
0x50: {  	_ =	shalt  }
0x51: {  	_ =	shalt  }
0x52: {  	_ =	shalt  }
0x53: {  	_ =	shalt  }
0x54: {  	_ =	shalt  }
0x55: {  	_ =	shalt  }
0x56: {  	_ =	shalt  }
0x57: {  	_ =	shalt  }
0x58: {  	_ =	shalt  }
0x59: {  	_ =	shalt  }
0x5a: {  	_ =	shalt  }
0x5b: {  	_ =	shalt  }
0x5c: {  	_ =	shalt  }
0x5d: {  	_ =	shalt  }
0x5e: {  	_ =	shalt  }
0x5f: {  	_ =	shalt  }
0x60: {  	_ =	shalt  }
0x61: {  	_ =	shalt  }
0x62: {  	_ =	shalt  }
0x63: {  	_ =	shalt  }
0x64: {  	_ =	shalt  }
0x65: {  	_ =	shalt  }
0x66: {  	_ =	shalt  }
0x67: {  	_ =	shalt  }
0x68: {  	_ =	shalt  }
0x69: {  	_ =	shalt  }
0x6a: {  	_ =	shalt  }
0x6b: {  	_ =	shalt  }
0x6c: {  	_ =	shalt  }
0x6d: {  	_ =	shalt  }
0x6e: {  	_ =	shalt  }
0x6f: {  	_ =	shalt  }
0x70: {  	_ =	shalt  }
0x71: {  	_ =	shalt  }
0x72: {  	_ =	shalt  }
0x73: {  	_ =	shalt  }
0x74: {  	_ =	shalt  }
0x75: {  	_ =	shalt  }
0x76: {  	_ =	shalt  }
0x77: {  	_ =	shalt  }
0x78: {  	_ =	shalt  }
0x79: {  	_ =	shalt  }
0x7a: {  	_ =	shalt  }
0x7b: {  	_ =	shalt  }
0x7c: {  	_ =	shalt  }
0x7d: {  	_ =	shalt  }
0x7e: {  	_ =	shalt  }
0x7f: {  	_ =	shalt  }
0x80: {  	_ =	shalt  }
0x81: {  	_ =	shalt  }
0x82: {  	_ =	shalt  }
0x83: {  	_ =	shalt  }
0x84: {  	_ =	shalt  }
0x85: {  	_ =	shalt  }
0x86: {  	_ =	shalt  }
0x87: {  	_ =	shalt  }
.Lfunc_end0:
.L_simem_size_0:
called_computation_lowered:
.L_overlay_start_0:
0x88: {  	s2 =	sld [smem:$0x3FD9]  }
0x89: {  	s3 =	sld [smem:$0x3FFE];
	_ =	sdelay $0x1  }
0x8a: {  	s1 =	srdreg.scid  }
0x8b: {  	s0 =	sand.u32 $0x1, s1  }
0x8c: {  	s17 =	sshll.u32 s0, $0xA;
	s2 =	sadd.s32 s3, s2  }
0x8d: {  	s2 =	sadd.s32 s2, s17  }
0x8e: {  	[smem:$0x3FC4] =	sst s2  }
0x8f: {  	_ = 	snop  }
0x90: {  	s2 =	sld [smem:$0x3FD0];
	(tm) =	ssettm $0x1  }
0x91: {  	s18 =	sld [smem:$0x3FFB];
	_ =	sdelay $0x3  }
0x92: {  	_ =	strace s18  }
0x93: {  	s3 =	sld [smem:$0x3FFC];
	_ =	sdelay $0x3  }
0x94: {  	_ =	strace s3  }
0x95: {  	s3 =	sld [smem:$0x3FFD];
	_ =	sdelay $0x3  }
0x96: {  	_ =	strace s3  }
0x97: {  	_ =	strace $0x8FFFFFFF  }
0x98: {  	s19 =	sld [smem:$0x3FDB];
	_ =	sdelay $0x1  }
0x99: {  	s4 =	simm.s32 $_scs_section_size  }
0x9a: {  	s5 =	simm.s32 $_size__tile_overlayer_lowered;
	s6 =	simm.s32 $_tile_overlayer_lowered  }
0x9b: {  	s22 =	simm.s32 $0x1BFF;
	s21 =	sshll.u32 s6, $0x1;
	s3 =	sadd.s32 s4, s19  }
0x9c: {  	s7 =	simm.s32 $0x0;
	s20 =	sshll.u32 s5, $0x1;
	s5 =	sadd.s32 s21, s3  }
0x9d: {  	[timem:s7], [sflag:s22] =	dma.local [hbm:s5], s20  }
0x9e: {  	_ =	swait.ge [sflag:s22], s20  }
0x9f: {  	s4 =	ssub.s32 $0x0, s20;
	[sflag:s22] =	ssyncset.done $0x0  }
0xa0: {  	[sflag:s22] =	ssyncadd.s32 s4;
	_ =	sdelay $0x1  }
0xa1: {  	s23 =	simm.s32 $0x1B8B  }
0xa2: {  	_ =	swait.ge [sflag:s23], $0x1  }
0xa3: {  	[sflag:s23] =	ssyncset.done $0x0  }
0xa4: {  	s25 =	simm.s32 $0x1B8E;
	s24 =	sld [smem:$0x3FFE];
	[sflag:s23] =	ssyncadd.s32 $0xFFFFFFFF  }
0xa5: {  	s26 =	simm.s32 $execute0_lowered;
	[smem:$0x3FD2] =	sst s25  }
0xa6: {  	s5 =	sshll.u32 s26, $0x1;
	_ =	strace $0x80000046;
	[dreg:$0x1] =	wrdreg $0xFFFFFFFF  }
0xa7: {  	s28 =	simm.s32 $_size_execute0_lowered;
	s3 =	sadd.s32 s3, s5;
	[dreg:$0x0] =	wrdreg $0x0  }
0xa8: {  	s5 =	sshll.u32 s28, $0x1;
	[dreg:$0x2] =	wrdreg s3  }
0xa9: {  	[dreg:$0x3] =	wrdreg s5  }
0xaa: {  	[dreg:$0x4] =	wrdreg $0xC0  }
0xab: {  	_ =	task [dreg:s7], $0x5FFFF  }
0xac: {  	[dreg:$0x1] =	wrdreg $0xFFFFFFFF  }
0xad: {  	[dreg:$0x0] =	wrdreg $0x60  }
0xae: {  	[dreg:$0x2] =	wrdreg s2  }
0xaf: {  	[dreg:$0x3] =	wrdreg s24  }
0xb0: {  	[dreg:$0x4] =	wrdreg $0x9  }
0xb1: {  	_ =	task.clear_ibuf [dreg:s7], $0x5FFFF;
	_ =	strace $0x90000046  }
0xb2: {  	s29 =	simm.s32 $0x9;
	_ =	strace $0x80000048  }
0xb3: {  	_ =	swait.ge [sflag:s29], $0x1  }
0xb4: {  	[sflag:s29] =	ssyncadd.s32 $0xFFFFFFFF  }
0xb5: {  	_ =	strace $0x90000048  }
0xb6: {  	_ =	sfence  }
0xb7: {  	s30 =	sld [smem:$0x0];
	_ =	sdelay $0x2  }
0xb8: {  	s31 =	sshll.u32 s1, $0xD;
	s1 =	sshrl.u32 s1, $0x2  }
0xb9: {  	s3 =	sand.u32 $0x4000, s31;
	s1 =	sadd.s32 s1, s30  }
0xba: {  	s0 =	sor.u32 s3, s0;
	s1 =	sshll.u32 s1, $0x11  }
0xbb: {  	s0 =	sor.u32 s1, s0  }
0xbc: {  	s0 =	sadd.s32 $0x8F2B, s0  }
0xbd: {  	[sflag:s0] =	ssyncadd.remote.s32 $0x1  }
0xbe: {  	_ =	sfence.sel $0xFFFF  }
0xbf: {  	[dreg:$0x0] =	wrdreg $0xFFFFFFFF;
	(pc) =	sbr.abs _section_cstart, $3  }
0xc0: {  	[dreg:$0x1] =	wrdreg $0xFFFFFFFF  }
0xc1: {  	_ =	task.clear_ibuf [dreg:s7], $0x2FFFF;
	_ =	strace $0x9FFFFFFF  }
0xc2: {  	(tm) =	ssettm $0x7FFFFFFF  }
0xc3: {  	_ =	shalt  }
tec
execute0_lowered:
.L_overlay_start_1:
0x0: {  	(tag) =	ssettag $0x1  }
0x1: {  	s0 =	rddreg [dreg:$0x1]  }
0x2: {  	s1 =	srdreg.scid;
	s2 =	stileid.u32  }
0x3: {  	s3 =	simm.s32 $0x0;
	s8 =	simm.s32 $0x9;
	s9 =	simm.s32 $0x64  }
0x4: {  	s10 =	simm.s32 $0x6800;
	s12 =	simm.s32 $0x8100;
	s14 =	simm.s32 $0x9A00  }
0x5: {  	s16 =	simm.s32 $0xB300;
	s18 =	simm.s32 $0xCC00;
	s19 =	simm.s32 $0x208  }
0x6: {  	s20 =	simm.s32 $0xE500;
	s21 =	simm.s32 $0x270;
	s22 =	simm.s32 $0xFE00  }
0x7: {  	s23 =	simm.s32 $0x2D8;
	s24 =	simm.s32 $0x11700;
	s28 =	simm.s32 $0x3  }
0x8: {  	s29 =	simm.s32 $0x4;
	s30 =	simm.s32 $0x5;
	s31 =	simm.s32 $0x6  }
0x9: {  	s1 =	sand.u32 $0x1, s1;
	s2 =	sshll.u32 s2, $0x1;
	[smem:$0x7FF] =	sst s3  }
0xa: {  	s4 =	sadd.s32 $0xF42E00, s0;
	s2 =	sor.u32 s1, s2;
	s1 =	ssub.s32 $0x2, s1  }
0xb: {  	s3 =	simm.s32 $0x0;
	s25 =	sshll.u32 s2, $0xC;
	s5 =	sshrl.u32 s1, $0x1  }
0xc: {  	_ =	strace $0x80000047;
	s0 =	sadd.s32 s25, s0;
	s1 =	ssub.s32 s1, s5  }
0xd: {  	s5 =	sshll.u32 s2, $0xA;
	s25 =	simm.s32 $0x1;
	s0 =	sadd.s32 $0xA00, s0  }
0xe: {  	s26 =	smax.u32 s1, $0x1;
	s1 =	simm.s32 $0x8;
	[dreg:$0x3] =	wrdreg s0  }
0xf: {  	[dreg:$0x4] =	wrdreg s26;
	s26 =	simm.s32 $0x2;
	s0 =	simm.s32 $0x7  }
.LBB2_1:
0x10: {  	[dreg:$0x5] =	wrdreg s3;
	s6 =	simm.s32 $0x0  }
.LBB2_2:
0x11: {  	s2 =	sshll.u32 s6, $0x8  }
0x12: {  	s2 =	sadd.s32 s5, s2  }
0x13: {  	s2 =	smul.u32 $0xD, s2  }
0x14: {  	s3 =	rddreg [dreg:$0x0]  }
0x15: {  	s2 =	sadd.s32 s3, s2;
	s3 =	simm.s32 $0x0  }
0x16: {  	[tilespmem:s3], [sflag:$0x9] =	stream.linear.gather [hbm4b:s2+s3], $0x6800, $0x38;
	[tilespmem:$0x1B000] =	vst v63  }
0x17: {  	_ =	swait.ge [sflag:s8], $0x6800  }
0x18: {  	[sflag:s8] =	ssyncset.done $0x0  }
0x19: {  	[sflag:s8] =	ssyncadd.s32 $0xFFFF9800  }
0x1a: {  	[tilespmem:s10], [sflag:$0x1] =	stream.indirect.gather [hbm4b:s4+s9], $0x40, s3, s9, $0xb8;
	[tilespmem:$0x1B000] =	vst v63  }
0x1b: {  	s7 =	simm.s32 $0x68  }
0x1c: {  	[tilespmem:s12], [sflag:$0x2] =	stream.indirect.gather [hbm4b:s4+s9], $0x40, s7, s9, $0xb8;
	[tilespmem:$0x1B000] =	vst v63  }
0x1d: {  	s11 =	simm.s32 $0xD0  }
0x1e: {  	[tilespmem:s14], [sflag:$0x3] =	stream.indirect.gather [hbm4b:s4+s9], $0x40, s11, s9, $0xb8;
	[tilespmem:$0x1B000] =	vst v63  }
0x1f: {  	s13 =	simm.s32 $0x138  }
0x20: {  	[tilespmem:s16], [sflag:$0x4] =	stream.indirect.gather [hbm4b:s4+s9], $0x40, s13, s9, $0xb8;
	[tilespmem:$0x1B000] =	vst v63  }
0x21: {  	s15 =	simm.s32 $0x1A0  }
0x22: {  	[tilespmem:s18], [sflag:$0x5] =	stream.indirect.gather [hbm4b:s4+s9], $0x40, s15, s9, $0xb8;
	[tilespmem:$0x1B000] =	vst v63  }
0x23: {  	s17 =	sshll.u32 s6, $0xD  }
0x24: {  	[tilespmem:s20], [sflag:$0x6] =	stream.indirect.gather [hbm4b:s4+s9], $0x40, s19, s9, $0xb8;
	[tilespmem:$0x1B000] =	vst v63  }
0x25: {  	s7 =	sand.u32 $0x3FFFE000, s17  }
0x26: {  	[tilespmem:s22], [sflag:$0x7] =	stream.indirect.gather [hbm4b:s4+s9], $0x40, s21, s9, $0xb8;
	[tilespmem:$0x1B000] =	vst v63  }
0x27: {  	s2 =	sadd.s32 $0x13000, s7  }
0x28: {  	v0 =	vmov s2;
	[tilespmem:s24], [sflag:$0x8] =	stream.indirect.gather [hbm4b:s4+s9], $0x40, s23, s9, $0xb8;
	[tilespmem:$0x1B000] =	vst v63  }
.LBB2_3:
0x29: {  	_ =	swait.ge [sflag:s25], $0x1900  }
0x2a: {  	[sflag:s25] =	ssyncset.done $0x0  }
0x2b: {  	s13 =	simm.s32 $0x0;
	[sflag:s25] =	ssyncadd.s32 $0xFFFFE700  }
0x2c: {  	v4 =	vld [tilespmem:s13+$0x6A40]  }
0x2d: {  	v6 =	vld [tilespmem:s13+$0x6A50]  }
0x2e: {  	v7 =	vld [tilespmem:s13+$0x6A00]  }
0x2f: {  	v8 =	vld [tilespmem:s13+$0x6A10]  }
0x30: {  	v10 =	vld [tilespmem:s13+$0x69C0]  }
0x31: {  	v12 =	vld [tilespmem:s13+$0x69D0]  }
0x32: {  	v13 =	vld [tilespmem:s13+$0x6980]  }
0x33: {  	v14 =	vld [tilespmem:s13+$0x6990]  }
0x34: {  	v17 =	vld [tilespmem:s13+$0x6940]  }
0x35: {  	v18 =	vld [tilespmem:s13+$0x6950]  }
0x36: {  	v20 =	vld [tilespmem:s13+$0x6900]  }
0x37: {  	v21 =	vld [tilespmem:s13+$0x6910]  }
0x38: {  	v16 =	vld [tilespmem:s13+$0x68C0]  }
0x39: {  	v19 =	vld [tilespmem:s13+$0x68D0]  }
0x3a: {  	v11 =	vld [tilespmem:s13+$0x6880]  }
0x3b: {  	v15 =	vld [tilespmem:s13+$0x6890]  }
0x3c: {  	v22 =	vld [tilespmem:s13+$0x6840]  }
0x3d: {  	v23 =	vld [tilespmem:s13+$0x6850]  }
0x3e: {  	v24 =	vld [tilespmem:s13+$0x6800]  }
0x3f: {  	v2 =	vimm.f32 $0.0e+00;
	v26 =	vld [tilespmem:s13+$0x6810]  }
0x40: {  	s11 =	simm.s32 $0xA00;
	v9 =	vimm.f32 $0.0e+00;
	v3 =	vimm.f32 $0.0e+00;
	v5 =	vimm.f32 $0.0e+00;
	v25 =	vld [tilespmem:s13+$0x6820]  }
.LBB2_4:
0x41: {  	p0 =	sne.s32 s11, $0x5A00;
	v1 =	vld [tilespmem:s13+$0x6830]  }
0x42: {  	v27 =	vld [tilespmem:s13+$0x6860]  }
0x43: {  	v28 =	vld [tilespmem:s13+$0x6870]  }
0x44: {  	v29 =	vld [tilespmem:s13+$0x68A0]  }
0x45: {  	v2 =	vadd.f32 v24, v2;
	v9 =	vadd.f32 v26, v9;
	v24 =	vld [tilespmem:s13+$0x68B0]  }
0x46: {  	v3 =	vadd.f32 v25, v3;
	v1 =	vadd.f32 v1, v5;
	v5 =	vld [tilespmem:s13+$0x68E0]  }
0x47: {  	v2 =	vadd.f32 v22, v2;
	v9 =	vadd.f32 v23, v9;
	v22 =	vld [tilespmem:s13+$0x68F0]  }
0x48: {  	v3 =	vadd.f32 v27, v3;
	v1 =	vadd.f32 v28, v1;
	v23 =	vld [tilespmem:s13+$0x6920]  }
0x49: {  	v2 =	vadd.f32 v11, v2;
	v9 =	vadd.f32 v15, v9;
	v11 =	vld [tilespmem:s13+$0x6930]  }
0x4a: {  	v3 =	vadd.f32 v29, v3;
	v1 =	vadd.f32 v24, v1;
	v15 =	vld [tilespmem:s13+$0x6960]  }
0x4b: {  	v2 =	vadd.f32 v16, v2;
	v9 =	vadd.f32 v19, v9;
	v16 =	vld [tilespmem:s13+$0x6970]  }
0x4c: {  	v3 =	vadd.f32 v5, v3;
	v1 =	vadd.f32 v22, v1;
	v5 =	vld [tilespmem:s13+$0x69A0]  }
0x4d: {  	v2 =	vadd.f32 v20, v2;
	v9 =	vadd.f32 v21, v9;
	v19 =	vld [tilespmem:s13+$0x69B0]  }
0x4e: {  	v3 =	vadd.f32 v23, v3;
	v1 =	vadd.f32 v11, v1;
	v11 =	vld [tilespmem:s13+$0x69E0]  }
0x4f: {  	v2 =	vadd.f32 v17, v2;
	v9 =	vadd.f32 v18, v9;
	v17 =	vld [tilespmem:s13+$0x69F0]  }
0x50: {  	v3 =	vadd.f32 v15, v3;
	v1 =	vadd.f32 v16, v1;
	v15 =	vld [tilespmem:s13+$0x6A20]  }
0x51: {  	v2 =	vadd.f32 v13, v2;
	v9 =	vadd.f32 v14, v9;
	v13 =	vld [tilespmem:s13+$0x6A30]  }
0x52: {  	v3 =	vadd.f32 v5, v3;
	v1 =	vadd.f32 v19, v1;
	v5 =	vld [tilespmem:s13+$0x6A60]  }
0x53: {  	v2 =	vadd.f32 v10, v2;
	v9 =	vadd.f32 v12, v9;
	v12 =	vld [tilespmem:s13+$0x6A70];
	s13 =	sshra.s32 s11, $0x2  }
0x54: {  	v3 =	vadd.f32 v11, v3;
	v14 =	vld [tilespmem:s13+$0x6A40];
	v1 =	vadd.f32 v17, v1  }
0x55: {  	v2 =	vadd.f32 v7, v2;
	v9 =	vadd.f32 v8, v9;
	v11 =	vld [tilespmem:s13+$0x6A50]  }
0x56: {  	v3 =	vadd.f32 v15, v3;
	v7 =	vld [tilespmem:s13+$0x6A00];
	v1 =	vadd.f32 v13, v1  }
0x57: {  	v2 =	vadd.f32 v4, v2;
	v9 =	vadd.f32 v6, v9;
	v8 =	vld [tilespmem:s13+$0x6A10]  }
0x58: {  	v3 =	vadd.f32 v5, v3;
	v10 =	vld [tilespmem:s13+$0x69C0];
	v5 =	vadd.f32 v12, v1  }
0x59: {  	v12 =	vld [tilespmem:s13+$0x69D0];
	v4 =	vmov v14  }
0x5a: {  	v13 =	vld [tilespmem:s13+$0x6980];
	v6 =	vmov v11  }
0x5b: {  	v14 =	vld [tilespmem:s13+$0x6990]  }
0x5c: {  	v17 =	vld [tilespmem:s13+$0x6940]  }
0x5d: {  	v18 =	vld [tilespmem:s13+$0x6950]  }
0x5e: {  	v20 =	vld [tilespmem:s13+$0x6900]  }
0x5f: {  	v21 =	vld [tilespmem:s13+$0x6910]  }
0x60: {  	v16 =	vld [tilespmem:s13+$0x68C0]  }
0x61: {  	v19 =	vld [tilespmem:s13+$0x68D0]  }
0x62: {  	v11 =	vld [tilespmem:s13+$0x6880]  }
0x63: {  	v15 =	vld [tilespmem:s13+$0x6890]  }
.Ltmp0:
0x64: {  	v22 =	vld [tilespmem:s13+$0x6840];
	(pc) =	sbr.rel @p0 .LBB2_4-.Ltmp0, $4  }
0x65: {  	v23 =	vld [tilespmem:s13+$0x6850]  }
0x66: {  	v24 =	vld [tilespmem:s13+$0x6800]  }
0x67: {  	v26 =	vld [tilespmem:s13+$0x6810]  }
0x68: {  	s11 =	sadd.s32 $0xA00, s11;
	v25 =	vld [tilespmem:s13+$0x6820]  }
0x69: {  	v27 =	vld [tilespmem:s13+$0x6830]  }
0x6a: {  	v28 =	vld [tilespmem:s13+$0x6860]  }
0x6b: {  	v29 =	vld [tilespmem:s13+$0x6870]  }
0x6c: {  	v30 =	vld [tilespmem:s13+$0x68A0]  }
0x6d: {  	v31 =	vld [tilespmem:s13+$0x68B0]  }
0x6e: {  	v32 =	vld [tilespmem:s13+$0x68E0]  }
0x6f: {  	v33 =	vld [tilespmem:s13+$0x68F0]  }
0x70: {  	v34 =	vld [tilespmem:s13+$0x6920]  }
0x71: {  	v35 =	vld [tilespmem:s13+$0x6930]  }
0x72: {  	v36 =	vld [tilespmem:s13+$0x6960]  }
0x73: {  	v37 =	vld [tilespmem:s13+$0x6970]  }
0x74: {  	v38 =	vld [tilespmem:s13+$0x69A0]  }
0x75: {  	v39 =	vld [tilespmem:s13+$0x69B0]  }
0x76: {  	v40 =	vld [tilespmem:s13+$0x69E0]  }
0x77: {  	v41 =	vld [tilespmem:s13+$0x69F0];
	s11 =	smul.u32 $0xD00, s3  }
0x78: {  	v42 =	vld [tilespmem:s13+$0x6A20]  }
0x79: {  	v43 =	vld [tilespmem:s13+$0x6A30];
	s11 =	sshra.s32 s11, $0x2  }
0x7a: {  	v44 =	vld [tilespmem:s13+$0x6A60];
	s17 =	sadd.s32 $0x340, s11  }
0x7b: {  	v45 =	vld [tilespmem:s13+$0x6A70];
	[tilespmem:s10], [sflag:$0x1] =	stream.indirect.gather [hbm4b:s4+s9], $0x40, s17, s9, $0xb8  }
0x7c: {  	_ =	swait.ge [sflag:s26], $0x1900  }
0x7d: {  	[sflag:s26] =	ssyncset.done $0x0  }
0x7e: {  	s13 =	simm.s32 $0x0;
	[sflag:s26] =	ssyncadd.s32 $0xFFFFE700  }
0x7f: {  	v1 =	vld [tilespmem:s13+$0x8340]  }
0x80: {  	v24 =	vadd.f32 v24, v2;
	v9 =	vadd.f32 v26, v9;
	v2 =	vld [tilespmem:s13+$0x8350]  }
0x81: {  	v25 =	vadd.f32 v25, v3;
	v26 =	vadd.f32 v27, v5;
	v3 =	vld [tilespmem:s13+$0x8300]  }
0x82: {  	v22 =	vadd.f32 v22, v24;
	v23 =	vadd.f32 v23, v9;
	v5 =	vld [tilespmem:s13+$0x8310]  }
0x83: {  	v24 =	vadd.f32 v28, v25;
	v25 =	vadd.f32 v29, v26;
	v9 =	vld [tilespmem:s13+$0x82C0]  }
0x84: {  	v22 =	vadd.f32 v11, v22;
	v23 =	vadd.f32 v15, v23;
	v11 =	vld [tilespmem:s13+$0x82D0]  }
0x85: {  	v24 =	vadd.f32 v30, v24;
	v15 =	vld [tilespmem:s13+$0x8280];
	v25 =	vadd.f32 v31, v25  }
0x86: {  	v22 =	vadd.f32 v16, v22;
	v16 =	vld [tilespmem:s13+$0x8290];
	v23 =	vadd.f32 v19, v23  }
0x87: {  	v19 =	vld [tilespmem:s13+$0x8240];
	v24 =	vadd.f32 v32, v24;
	v25 =	vadd.f32 v33, v25  }
0x88: {  	v22 =	vadd.f32 v20, v22;
	v20 =	vld [tilespmem:s13+$0x8250];
	v23 =	vadd.f32 v21, v23  }
0x89: {  	v21 =	vld [tilespmem:s13+$0x8200];
	v24 =	vadd.f32 v34, v24;
	v25 =	vadd.f32 v35, v25  }
0x8a: {  	v22 =	vadd.f32 v17, v22;
	v17 =	vld [tilespmem:s13+$0x8210];
	v23 =	vadd.f32 v18, v23  }
0x8b: {  	v18 =	vld [tilespmem:s13+$0x81C0];
	v24 =	vadd.f32 v36, v24;
	v25 =	vadd.f32 v37, v25  }
0x8c: {  	v22 =	vadd.f32 v13, v22;
	v13 =	vld [tilespmem:s13+$0x81D0];
	v23 =	vadd.f32 v14, v23  }
0x8d: {  	v14 =	vld [tilespmem:s13+$0x8180];
	v24 =	vadd.f32 v38, v24;
	v25 =	vadd.f32 v39, v25  }
0x8e: {  	v22 =	vadd.f32 v10, v22;
	v10 =	vld [tilespmem:s13+$0x8190];
	v23 =	vadd.f32 v12, v23  }
0x8f: {  	v12 =	vld [tilespmem:s13+$0x8140];
	v24 =	vadd.f32 v40, v24;
	v25 =	vadd.f32 v41, v25  }
0x90: {  	v7 =	vadd.f32 v7, v22;
	v22 =	vld [tilespmem:s13+$0x8150];
	v26 =	vadd.f32 v8, v23  }
0x91: {  	v23 =	vld [tilespmem:s13+$0x8100];
	v27 =	vadd.f32 v42, v24;
	v25 =	vadd.f32 v43, v25  }
0x92: {  	v8 =	vadd.f32 v4, v7;
	v24 =	vld [tilespmem:s13+$0x8110];
	v6 =	vadd.f32 v6, v26  }
0x93: {  	s15 =	simm.s32 $0xA00;
	v7 =	vadd.f32 v44, v27;
	v4 =	vadd.f32 v45, v25;
	v25 =	vld [tilespmem:s13+$0x8120]  }
.LBB2_6:
0x94: {  	p0 =	sne.s32 s15, $0x5A00;
	v26 =	vld [tilespmem:s13+$0x8130]  }
0x95: {  	v27 =	vld [tilespmem:s13+$0x8160]  }
0x96: {  	v28 =	vld [tilespmem:s13+$0x8170]  }
0x97: {  	v29 =	vld [tilespmem:s13+$0x81A0]  }
0x98: {  	v8 =	vadd.f32 v23, v8;
	v6 =	vadd.f32 v24, v6;
	v23 =	vld [tilespmem:s13+$0x81B0]  }
0x99: {  	v7 =	vadd.f32 v25, v7;
	v4 =	vadd.f32 v26, v4;
	v24 =	vld [tilespmem:s13+$0x81E0]  }
0x9a: {  	v8 =	vadd.f32 v12, v8;
	v6 =	vadd.f32 v22, v6;
	v12 =	vld [tilespmem:s13+$0x81F0]  }
0x9b: {  	v7 =	vadd.f32 v27, v7;
	v4 =	vadd.f32 v28, v4;
	v22 =	vld [tilespmem:s13+$0x8220]  }
0x9c: {  	v8 =	vadd.f32 v14, v8;
	v6 =	vadd.f32 v10, v6;
	v10 =	vld [tilespmem:s13+$0x8230]  }
0x9d: {  	v7 =	vadd.f32 v29, v7;
	v4 =	vadd.f32 v23, v4;
	v14 =	vld [tilespmem:s13+$0x8260]  }
0x9e: {  	v8 =	vadd.f32 v18, v8;
	v6 =	vadd.f32 v13, v6;
	v13 =	vld [tilespmem:s13+$0x8270]  }
0x9f: {  	v7 =	vadd.f32 v24, v7;
	v4 =	vadd.f32 v12, v4;
	v12 =	vld [tilespmem:s13+$0x82A0]  }
0xa0: {  	v8 =	vadd.f32 v21, v8;
	v6 =	vadd.f32 v17, v6;
	v17 =	vld [tilespmem:s13+$0x82B0]  }
0xa1: {  	v7 =	vadd.f32 v22, v7;
	v4 =	vadd.f32 v10, v4;
	v10 =	vld [tilespmem:s13+$0x82E0]  }
0xa2: {  	v8 =	vadd.f32 v19, v8;
	v6 =	vadd.f32 v20, v6;
	v18 =	vld [tilespmem:s13+$0x82F0]  }
0xa3: {  	v7 =	vadd.f32 v14, v7;
	v4 =	vadd.f32 v13, v4;
	v13 =	vld [tilespmem:s13+$0x8320]  }
0xa4: {  	v8 =	vadd.f32 v15, v8;
	v6 =	vadd.f32 v16, v6;
	v14 =	vld [tilespmem:s13+$0x8330]  }
0xa5: {  	v7 =	vadd.f32 v12, v7;
	v4 =	vadd.f32 v17, v4;
	v12 =	vld [tilespmem:s13+$0x8360]  }
0xa6: {  	v8 =	vadd.f32 v9, v8;
	v6 =	vadd.f32 v11, v6;
	v11 =	vld [tilespmem:s13+$0x8370];
	s13 =	sshra.s32 s15, $0x2  }
0xa7: {  	v7 =	vadd.f32 v10, v7;
	v15 =	vld [tilespmem:s13+$0x8340];
	v4 =	vadd.f32 v18, v4  }
0xa8: {  	v8 =	vadd.f32 v3, v8;
	v6 =	vadd.f32 v5, v6;
	v10 =	vld [tilespmem:s13+$0x8350]  }
0xa9: {  	v7 =	vadd.f32 v13, v7;
	v3 =	vld [tilespmem:s13+$0x8300];
	v4 =	vadd.f32 v14, v4  }
0xaa: {  	v8 =	vadd.f32 v1, v8;
	v6 =	vadd.f32 v2, v6;
	v5 =	vld [tilespmem:s13+$0x8310]  }
0xab: {  	v7 =	vadd.f32 v12, v7;
	v9 =	vld [tilespmem:s13+$0x82C0];
	v4 =	vadd.f32 v11, v4  }
0xac: {  	v11 =	vld [tilespmem:s13+$0x82D0];
	v1 =	vmov v15  }
0xad: {  	v15 =	vld [tilespmem:s13+$0x8280];
	v2 =	vmov v10  }
0xae: {  	v16 =	vld [tilespmem:s13+$0x8290]  }
0xaf: {  	v19 =	vld [tilespmem:s13+$0x8240]  }
0xb0: {  	v20 =	vld [tilespmem:s13+$0x8250]  }
0xb1: {  	v21 =	vld [tilespmem:s13+$0x8200]  }
0xb2: {  	v17 =	vld [tilespmem:s13+$0x8210]  }
0xb3: {  	v18 =	vld [tilespmem:s13+$0x81C0]  }
0xb4: {  	v13 =	vld [tilespmem:s13+$0x81D0]  }
0xb5: {  	v14 =	vld [tilespmem:s13+$0x8180]  }
0xb6: {  	v10 =	vld [tilespmem:s13+$0x8190]  }
.Ltmp1:
0xb7: {  	v12 =	vld [tilespmem:s13+$0x8140];
	(pc) =	sbr.rel @p0 .LBB2_6-.Ltmp1, $4  }
0xb8: {  	v22 =	vld [tilespmem:s13+$0x8150]  }
0xb9: {  	v23 =	vld [tilespmem:s13+$0x8100]  }
0xba: {  	v24 =	vld [tilespmem:s13+$0x8110]  }
0xbb: {  	s15 =	sadd.s32 $0xA00, s15;
	v25 =	vld [tilespmem:s13+$0x8120]  }
0xbc: {  	v26 =	vld [tilespmem:s13+$0x8130]  }
0xbd: {  	v27 =	vld [tilespmem:s13+$0x8160]  }
0xbe: {  	v28 =	vld [tilespmem:s13+$0x8170];
	v8 =	vadd.f32 v23, v8  }
0xbf: {  	v23 =	vld [tilespmem:s13+$0x81A0];
	v6 =	vadd.f32 v24, v6  }
0xc0: {  	v24 =	vld [tilespmem:s13+$0x81B0];
	v7 =	vadd.f32 v25, v7;
	v8 =	vadd.f32 v12, v8  }
0xc1: {  	v12 =	vld [tilespmem:s13+$0x81E0];
	v4 =	vadd.f32 v26, v4;
	v6 =	vadd.f32 v22, v6  }
0xc2: {  	v22 =	vld [tilespmem:s13+$0x81F0];
	v7 =	vadd.f32 v27, v7;
	v8 =	vadd.f32 v14, v8  }
0xc3: {  	v14 =	vld [tilespmem:s13+$0x8220];
	v4 =	vadd.f32 v28, v4;
	v6 =	vadd.f32 v10, v6  }
0xc4: {  	v10 =	vld [tilespmem:s13+$0x8230];
	v7 =	vadd.f32 v23, v7;
	v8 =	vadd.f32 v18, v8  }
0xc5: {  	v18 =	vld [tilespmem:s13+$0x8260];
	v4 =	vadd.f32 v24, v4;
	v6 =	vadd.f32 v13, v6  }
0xc6: {  	v13 =	vld [tilespmem:s13+$0x8270];
	v7 =	vadd.f32 v12, v7;
	v8 =	vadd.f32 v21, v8  }
0xc7: {  	v12 =	vld [tilespmem:s13+$0x82A0];
	v4 =	vadd.f32 v22, v4;
	v6 =	vadd.f32 v17, v6  }
0xc8: {  	v17 =	vld [tilespmem:s13+$0x82B0];
	v7 =	vadd.f32 v14, v7;
	v8 =	vadd.f32 v19, v8  }
0xc9: {  	v4 =	vadd.f32 v10, v4;
	v10 =	vld [tilespmem:s13+$0x82E0];
	v6 =	vadd.f32 v20, v6  }
0xca: {  	v14 =	vld [tilespmem:s13+$0x82F0];
	v7 =	vadd.f32 v18, v7;
	v8 =	vadd.f32 v15, v8  }
0xcb: {  	v4 =	vadd.f32 v13, v4;
	v13 =	vld [tilespmem:s13+$0x8320];
	v6 =	vadd.f32 v16, v6  }
0xcc: {  	v15 =	vld [tilespmem:s13+$0x8330];
	v7 =	vadd.f32 v12, v7;
	v8 =	vadd.f32 v9, v8  }
0xcd: {  	v9 =	vld [tilespmem:s13+$0x8360];
	v4 =	vadd.f32 v17, v4;
	v6 =	vadd.f32 v11, v6  }
0xce: {  	v11 =	vld [tilespmem:s13+$0x8370];
	v7 =	vadd.f32 v10, v7;
	v3 =	vadd.f32 v3, v8  }
0xcf: {  	v4 =	vadd.f32 v14, v4;
	v5 =	vadd.f32 v5, v6  }
0xd0: {  	v6 =	vadd.f32 v13, v7;
	v1 =	vadd.f32 v1, v3  }
0xd1: {  	v3 =	vadd.f32 v15, v4;
	v2 =	vadd.f32 v2, v5  }
0xd2: {  	s17 =	sshll.u32 s3, $0x8;
	v4 =	vadd.f32 v9, v6;
	v1 =	vmul.f32 $4.999999890e-03, v1  }
0xd3: {  	s13 =	sand.u32 $0x3FFFFF00, s17;
	v3 =	vadd.f32 v11, v3;
	v2 =	vmul.f32 $4.999999890e-03, v2  }
0xd4: {  	[tilespmem:v0+s13+$0x0 ss:$0x1] =	vst.idx.msk $0xffff, v1;
	v1 =	vmul.f32 $4.999999890e-03, v4  }
0xd5: {  	[tilespmem:v0+s13+$0x10 ss:$0x1] =	vst.idx.msk $0xffff, v2;
	v2 =	vmul.f32 $4.999999890e-03, v3  }
0xd6: {  	[tilespmem:v0+s13+$0x20 ss:$0x1] =	vst.idx.msk $0xffff, v1  }
0xd7: {  	s15 =	sadd.s32 $0x3A8, s11;
	[tilespmem:v0+s13+$0x30 ss:$0x1] =	vst.idx.msk $0xffff, v2  }
0xd8: {  	[tilespmem:s12], [sflag:$0x2] =	stream.indirect.gather [hbm4b:s4+s9], $0x40, s15, s9, $0xb8;
	[tilespmem:$0x1B000] =	vst v63  }
0xd9: {  	_ =	swait.ge [sflag:s28], $0x1900  }
0xda: {  	[sflag:s28] =	ssyncset.done $0x0  }
0xdb: {  	s15 =	simm.s32 $0x0;
	[sflag:s28] =	ssyncadd.s32 $0xFFFFE700  }
0xdc: {  	v4 =	vld [tilespmem:s15+$0x9C40]  }
0xdd: {  	v6 =	vld [tilespmem:s15+$0x9C50]  }
0xde: {  	v7 =	vld [tilespmem:s15+$0x9C00]  }
0xdf: {  	v8 =	vld [tilespmem:s15+$0x9C10]  }
0xe0: {  	v10 =	vld [tilespmem:s15+$0x9BC0]  }
0xe1: {  	v12 =	vld [tilespmem:s15+$0x9BD0]  }
0xe2: {  	v13 =	vld [tilespmem:s15+$0x9B80]  }
0xe3: {  	v15 =	vld [tilespmem:s15+$0x9B90]  }
0xe4: {  	v17 =	vld [tilespmem:s15+$0x9B40]  }
0xe5: {  	v18 =	vld [tilespmem:s15+$0x9B50]  }
0xe6: {  	v20 =	vld [tilespmem:s15+$0x9B00]  }
0xe7: {  	v21 =	vld [tilespmem:s15+$0x9B10]  }
0xe8: {  	v16 =	vld [tilespmem:s15+$0x9AC0]  }
0xe9: {  	v19 =	vld [tilespmem:s15+$0x9AD0]  }
0xea: {  	v11 =	vld [tilespmem:s15+$0x9A80]  }
0xeb: {  	v14 =	vld [tilespmem:s15+$0x9A90]  }
0xec: {  	v22 =	vld [tilespmem:s15+$0x9A40]  }
0xed: {  	v23 =	vld [tilespmem:s15+$0x9A50]  }
0xee: {  	v24 =	vld [tilespmem:s15+$0x9A00]  }
0xef: {  	v5 =	vimm.f32 $0.0e+00;
	v26 =	vld [tilespmem:s15+$0x9A10]  }
0xf0: {  	s17 =	simm.s32 $0xA00;
	v9 =	vimm.f32 $0.0e+00;
	v3 =	vimm.f32 $0.0e+00;
	v2 =	vimm.f32 $0.0e+00;
	s13 =	sadd.s32 s13, s2;
	v25 =	vld [tilespmem:s15+$0x9A20]  }
.LBB2_8:
0xf1: {  	p0 =	sne.s32 s17, $0x5A00;
	v1 =	vld [tilespmem:s15+$0x9A30]  }
0xf2: {  	v27 =	vld [tilespmem:s15+$0x9A60]  }
0xf3: {  	v28 =	vld [tilespmem:s15+$0x9A70]  }
0xf4: {  	v29 =	vld [tilespmem:s15+$0x9AA0]  }
0xf5: {  	v2 =	vadd.f32 v24, v2;
	v9 =	vadd.f32 v26, v9;
	v24 =	vld [tilespmem:s15+$0x9AB0]  }
0xf6: {  	v3 =	vadd.f32 v25, v3;
	v1 =	vadd.f32 v1, v5;
	v5 =	vld [tilespmem:s15+$0x9AE0]  }
0xf7: {  	v2 =	vadd.f32 v22, v2;
	v9 =	vadd.f32 v23, v9;
	v22 =	vld [tilespmem:s15+$0x9AF0]  }
0xf8: {  	v3 =	vadd.f32 v27, v3;
	v1 =	vadd.f32 v28, v1;
	v23 =	vld [tilespmem:s15+$0x9B20]  }
0xf9: {  	v2 =	vadd.f32 v11, v2;
	v9 =	vadd.f32 v14, v9;
	v11 =	vld [tilespmem:s15+$0x9B30]  }
0xfa: {  	v3 =	vadd.f32 v29, v3;
	v1 =	vadd.f32 v24, v1;
	v14 =	vld [tilespmem:s15+$0x9B60]  }
0xfb: {  	v2 =	vadd.f32 v16, v2;
	v9 =	vadd.f32 v19, v9;
	v16 =	vld [tilespmem:s15+$0x9B70]  }
0xfc: {  	v3 =	vadd.f32 v5, v3;
	v1 =	vadd.f32 v22, v1;
	v5 =	vld [tilespmem:s15+$0x9BA0]  }
0xfd: {  	v2 =	vadd.f32 v20, v2;
	v9 =	vadd.f32 v21, v9;
	v19 =	vld [tilespmem:s15+$0x9BB0]  }
0xfe: {  	v3 =	vadd.f32 v23, v3;
	v1 =	vadd.f32 v11, v1;
	v11 =	vld [tilespmem:s15+$0x9BE0]  }
0xff: {  	v2 =	vadd.f32 v17, v2;
	v9 =	vadd.f32 v18, v9;
	v17 =	vld [tilespmem:s15+$0x9BF0]  }
0x100: {  	v3 =	vadd.f32 v14, v3;
	v1 =	vadd.f32 v16, v1;
	v14 =	vld [tilespmem:s15+$0x9C20]  }
0x101: {  	v2 =	vadd.f32 v13, v2;
	v9 =	vadd.f32 v15, v9;
	v13 =	vld [tilespmem:s15+$0x9C30]  }
0x102: {  	v3 =	vadd.f32 v5, v3;
	v1 =	vadd.f32 v19, v1;
	v5 =	vld [tilespmem:s15+$0x9C60]  }
0x103: {  	v2 =	vadd.f32 v10, v2;
	v9 =	vadd.f32 v12, v9;
	v12 =	vld [tilespmem:s15+$0x9C70];
	s15 =	sshra.s32 s17, $0x2  }
0x104: {  	v3 =	vadd.f32 v11, v3;
	v15 =	vld [tilespmem:s15+$0x9C40];
	v1 =	vadd.f32 v17, v1  }
0x105: {  	v2 =	vadd.f32 v7, v2;
	v9 =	vadd.f32 v8, v9;
	v11 =	vld [tilespmem:s15+$0x9C50]  }
0x106: {  	v3 =	vadd.f32 v14, v3;
	v7 =	vld [tilespmem:s15+$0x9C00];
	v1 =	vadd.f32 v13, v1  }
0x107: {  	v2 =	vadd.f32 v4, v2;
	v9 =	vadd.f32 v6, v9;
	v8 =	vld [tilespmem:s15+$0x9C10]  }
0x108: {  	v3 =	vadd.f32 v5, v3;
	v10 =	vld [tilespmem:s15+$0x9BC0];
	v5 =	vadd.f32 v12, v1  }
0x109: {  	v12 =	vld [tilespmem:s15+$0x9BD0];
	v4 =	vmov v15  }
0x10a: {  	v13 =	vld [tilespmem:s15+$0x9B80];
	v6 =	vmov v11  }
0x10b: {  	v15 =	vld [tilespmem:s15+$0x9B90]  }
0x10c: {  	v17 =	vld [tilespmem:s15+$0x9B40]  }
0x10d: {  	v18 =	vld [tilespmem:s15+$0x9B50]  }
0x10e: {  	v20 =	vld [tilespmem:s15+$0x9B00]  }
0x10f: {  	v21 =	vld [tilespmem:s15+$0x9B10]  }
0x110: {  	v16 =	vld [tilespmem:s15+$0x9AC0]  }
0x111: {  	v19 =	vld [tilespmem:s15+$0x9AD0]  }
0x112: {  	v11 =	vld [tilespmem:s15+$0x9A80]  }
0x113: {  	v14 =	vld [tilespmem:s15+$0x9A90]  }
.Ltmp2:
0x114: {  	v22 =	vld [tilespmem:s15+$0x9A40];
	(pc) =	sbr.rel @p0 .LBB2_8-.Ltmp2, $4  }
0x115: {  	v23 =	vld [tilespmem:s15+$0x9A50]  }
0x116: {  	v24 =	vld [tilespmem:s15+$0x9A00]  }
0x117: {  	v26 =	vld [tilespmem:s15+$0x9A10]  }
0x118: {  	s17 =	sadd.s32 $0xA00, s17;
	v25 =	vld [tilespmem:s15+$0x9A20]  }
0x119: {  	v27 =	vld [tilespmem:s15+$0x9A30]  }
0x11a: {  	v28 =	vld [tilespmem:s15+$0x9A60]  }
0x11b: {  	v29 =	vld [tilespmem:s15+$0x9A70]  }
0x11c: {  	v30 =	vld [tilespmem:s15+$0x9AA0]  }
0x11d: {  	v31 =	vld [tilespmem:s15+$0x9AB0]  }
0x11e: {  	v32 =	vld [tilespmem:s15+$0x9AE0]  }
0x11f: {  	v33 =	vld [tilespmem:s15+$0x9AF0]  }
0x120: {  	v34 =	vld [tilespmem:s15+$0x9B20]  }
0x121: {  	v35 =	vld [tilespmem:s15+$0x9B30]  }
0x122: {  	v36 =	vld [tilespmem:s15+$0x9B60]  }
0x123: {  	v37 =	vld [tilespmem:s15+$0x9B70]  }
0x124: {  	v38 =	vld [tilespmem:s15+$0x9BA0]  }
0x125: {  	v39 =	vld [tilespmem:s15+$0x9BB0]  }
0x126: {  	v40 =	vld [tilespmem:s15+$0x9BE0]  }
0x127: {  	v41 =	vld [tilespmem:s15+$0x9BF0]  }
0x128: {  	v42 =	vld [tilespmem:s15+$0x9C20]  }
0x129: {  	v43 =	vld [tilespmem:s15+$0x9C30]  }
0x12a: {  	v44 =	vld [tilespmem:s15+$0x9C60];
	s17 =	sadd.s32 $0x410, s11  }
0x12b: {  	v45 =	vld [tilespmem:s15+$0x9C70];
	[tilespmem:s14], [sflag:$0x3] =	stream.indirect.gather [hbm4b:s4+s9], $0x40, s17, s9, $0xb8  }
0x12c: {  	_ =	swait.ge [sflag:s29], $0x1900  }
0x12d: {  	[sflag:s29] =	ssyncset.done $0x0  }
0x12e: {  	s15 =	simm.s32 $0x0;
	[sflag:s29] =	ssyncadd.s32 $0xFFFFE700  }
0x12f: {  	v1 =	vld [tilespmem:s15+$0xB540]  }
0x130: {  	v24 =	vadd.f32 v24, v2;
	v9 =	vadd.f32 v26, v9;
	v2 =	vld [tilespmem:s15+$0xB550]  }
0x131: {  	v25 =	vadd.f32 v25, v3;
	v26 =	vadd.f32 v27, v5;
	v3 =	vld [tilespmem:s15+$0xB500]  }
0x132: {  	v22 =	vadd.f32 v22, v24;
	v23 =	vadd.f32 v23, v9;
	v5 =	vld [tilespmem:s15+$0xB510]  }
0x133: {  	v9 =	vld [tilespmem:s15+$0xB4C0];
	v24 =	vadd.f32 v28, v25;
	v25 =	vadd.f32 v29, v26  }
0x134: {  	v22 =	vadd.f32 v11, v22;
	v11 =	vld [tilespmem:s15+$0xB4D0];
	v23 =	vadd.f32 v14, v23  }
0x135: {  	v14 =	vld [tilespmem:s15+$0xB480];
	v24 =	vadd.f32 v30, v24;
	v25 =	vadd.f32 v31, v25  }
0x136: {  	v22 =	vadd.f32 v16, v22;
	v16 =	vld [tilespmem:s15+$0xB490];
	v23 =	vadd.f32 v19, v23  }
0x137: {  	v19 =	vld [tilespmem:s15+$0xB440];
	v24 =	vadd.f32 v32, v24;
	v25 =	vadd.f32 v33, v25  }
0x138: {  	v22 =	vadd.f32 v20, v22;
	v20 =	vld [tilespmem:s15+$0xB450];
	v23 =	vadd.f32 v21, v23  }
0x139: {  	v21 =	vld [tilespmem:s15+$0xB400];
	v24 =	vadd.f32 v34, v24;
	v25 =	vadd.f32 v35, v25  }
0x13a: {  	v22 =	vadd.f32 v17, v22;
	v17 =	vld [tilespmem:s15+$0xB410];
	v23 =	vadd.f32 v18, v23  }
0x13b: {  	v18 =	vld [tilespmem:s15+$0xB3C0];
	v24 =	vadd.f32 v36, v24;
	v25 =	vadd.f32 v37, v25  }
0x13c: {  	v22 =	vadd.f32 v13, v22;
	v13 =	vld [tilespmem:s15+$0xB3D0];
	v23 =	vadd.f32 v15, v23  }
0x13d: {  	v15 =	vld [tilespmem:s15+$0xB380];
	v24 =	vadd.f32 v38, v24;
	v25 =	vadd.f32 v39, v25  }
0x13e: {  	v22 =	vadd.f32 v10, v22;
	v10 =	vld [tilespmem:s15+$0xB390];
	v23 =	vadd.f32 v12, v23  }
0x13f: {  	v12 =	vld [tilespmem:s15+$0xB340];
	v24 =	vadd.f32 v40, v24;
	v25 =	vadd.f32 v41, v25  }
0x140: {  	v7 =	vadd.f32 v7, v22;
	v22 =	vld [tilespmem:s15+$0xB350];
	v26 =	vadd.f32 v8, v23  }
0x141: {  	v23 =	vld [tilespmem:s15+$0xB300];
	v27 =	vadd.f32 v42, v24;
	v25 =	vadd.f32 v43, v25  }
0x142: {  	v8 =	vadd.f32 v4, v7;
	v24 =	vld [tilespmem:s15+$0xB310];
	v6 =	vadd.f32 v6, v26  }
0x143: {  	s17 =	simm.s32 $0xA00;
	v7 =	vadd.f32 v44, v27;
	v4 =	vadd.f32 v45, v25;
	v25 =	vld [tilespmem:s15+$0xB320]  }
.LBB2_10:
0x144: {  	p0 =	sne.s32 s17, $0x5A00;
	v26 =	vld [tilespmem:s15+$0xB330]  }
0x145: {  	v27 =	vld [tilespmem:s15+$0xB360]  }
0x146: {  	v28 =	vld [tilespmem:s15+$0xB370]  }
0x147: {  	v29 =	vld [tilespmem:s15+$0xB3A0]  }
0x148: {  	v8 =	vadd.f32 v23, v8;
	v6 =	vadd.f32 v24, v6;
	v23 =	vld [tilespmem:s15+$0xB3B0]  }
0x149: {  	v7 =	vadd.f32 v25, v7;
	v4 =	vadd.f32 v26, v4;
	v24 =	vld [tilespmem:s15+$0xB3E0]  }
0x14a: {  	v8 =	vadd.f32 v12, v8;
	v6 =	vadd.f32 v22, v6;
	v12 =	vld [tilespmem:s15+$0xB3F0]  }
0x14b: {  	v7 =	vadd.f32 v27, v7;
	v4 =	vadd.f32 v28, v4;
	v22 =	vld [tilespmem:s15+$0xB420]  }
0x14c: {  	v8 =	vadd.f32 v15, v8;
	v6 =	vadd.f32 v10, v6;
	v10 =	vld [tilespmem:s15+$0xB430]  }
0x14d: {  	v7 =	vadd.f32 v29, v7;
	v4 =	vadd.f32 v23, v4;
	v15 =	vld [tilespmem:s15+$0xB460]  }
0x14e: {  	v8 =	vadd.f32 v18, v8;
	v6 =	vadd.f32 v13, v6;
	v13 =	vld [tilespmem:s15+$0xB470]  }
0x14f: {  	v7 =	vadd.f32 v24, v7;
	v4 =	vadd.f32 v12, v4;
	v12 =	vld [tilespmem:s15+$0xB4A0]  }
0x150: {  	v8 =	vadd.f32 v21, v8;
	v6 =	vadd.f32 v17, v6;
	v17 =	vld [tilespmem:s15+$0xB4B0]  }
0x151: {  	v7 =	vadd.f32 v22, v7;
	v4 =	vadd.f32 v10, v4;
	v10 =	vld [tilespmem:s15+$0xB4E0]  }
0x152: {  	v8 =	vadd.f32 v19, v8;
	v6 =	vadd.f32 v20, v6;
	v18 =	vld [tilespmem:s15+$0xB4F0]  }
0x153: {  	v7 =	vadd.f32 v15, v7;
	v4 =	vadd.f32 v13, v4;
	v13 =	vld [tilespmem:s15+$0xB520]  }
0x154: {  	v8 =	vadd.f32 v14, v8;
	v6 =	vadd.f32 v16, v6;
	v14 =	vld [tilespmem:s15+$0xB530]  }
0x155: {  	v7 =	vadd.f32 v12, v7;
	v4 =	vadd.f32 v17, v4;
	v12 =	vld [tilespmem:s15+$0xB560]  }
0x156: {  	v8 =	vadd.f32 v9, v8;
	v6 =	vadd.f32 v11, v6;
	v11 =	vld [tilespmem:s15+$0xB570];
	s15 =	sshra.s32 s17, $0x2  }
0x157: {  	v7 =	vadd.f32 v10, v7;
	v15 =	vld [tilespmem:s15+$0xB540];
	v4 =	vadd.f32 v18, v4  }
0x158: {  	v8 =	vadd.f32 v3, v8;
	v6 =	vadd.f32 v5, v6;
	v10 =	vld [tilespmem:s15+$0xB550]  }
0x159: {  	v7 =	vadd.f32 v13, v7;
	v3 =	vld [tilespmem:s15+$0xB500];
	v4 =	vadd.f32 v14, v4  }
0x15a: {  	v8 =	vadd.f32 v1, v8;
	v6 =	vadd.f32 v2, v6;
	v5 =	vld [tilespmem:s15+$0xB510]  }
0x15b: {  	v7 =	vadd.f32 v12, v7;
	v9 =	vld [tilespmem:s15+$0xB4C0];
	v4 =	vadd.f32 v11, v4  }
0x15c: {  	v11 =	vld [tilespmem:s15+$0xB4D0];
	v1 =	vmov v15  }
0x15d: {  	v14 =	vld [tilespmem:s15+$0xB480];
	v2 =	vmov v10  }
0x15e: {  	v16 =	vld [tilespmem:s15+$0xB490]  }
0x15f: {  	v19 =	vld [tilespmem:s15+$0xB440]  }
0x160: {  	v20 =	vld [tilespmem:s15+$0xB450]  }
0x161: {  	v21 =	vld [tilespmem:s15+$0xB400]  }
0x162: {  	v17 =	vld [tilespmem:s15+$0xB410]  }
0x163: {  	v18 =	vld [tilespmem:s15+$0xB3C0]  }
0x164: {  	v13 =	vld [tilespmem:s15+$0xB3D0]  }
0x165: {  	v15 =	vld [tilespmem:s15+$0xB380]  }
0x166: {  	v10 =	vld [tilespmem:s15+$0xB390]  }
.Ltmp3:
0x167: {  	v12 =	vld [tilespmem:s15+$0xB340];
	(pc) =	sbr.rel @p0 .LBB2_10-.Ltmp3, $4  }
0x168: {  	v22 =	vld [tilespmem:s15+$0xB350]  }
0x169: {  	v23 =	vld [tilespmem:s15+$0xB300]  }
0x16a: {  	v24 =	vld [tilespmem:s15+$0xB310]  }
0x16b: {  	s17 =	sadd.s32 $0xA00, s17;
	v25 =	vld [tilespmem:s15+$0xB320]  }
0x16c: {  	v26 =	vld [tilespmem:s15+$0xB330]  }
0x16d: {  	v27 =	vld [tilespmem:s15+$0xB360]  }
0x16e: {  	v28 =	vld [tilespmem:s15+$0xB370];
	v8 =	vadd.f32 v23, v8  }
0x16f: {  	v23 =	vld [tilespmem:s15+$0xB3A0];
	v6 =	vadd.f32 v24, v6  }
0x170: {  	v24 =	vld [tilespmem:s15+$0xB3B0];
	v7 =	vadd.f32 v25, v7;
	v8 =	vadd.f32 v12, v8  }
0x171: {  	v12 =	vld [tilespmem:s15+$0xB3E0];
	v4 =	vadd.f32 v26, v4;
	v6 =	vadd.f32 v22, v6  }
0x172: {  	v22 =	vld [tilespmem:s15+$0xB3F0];
	v7 =	vadd.f32 v27, v7;
	v8 =	vadd.f32 v15, v8  }
0x173: {  	v15 =	vld [tilespmem:s15+$0xB420];
	v4 =	vadd.f32 v28, v4;
	v6 =	vadd.f32 v10, v6  }
0x174: {  	v10 =	vld [tilespmem:s15+$0xB430];
	v7 =	vadd.f32 v23, v7;
	v8 =	vadd.f32 v18, v8  }
0x175: {  	v18 =	vld [tilespmem:s15+$0xB460];
	v4 =	vadd.f32 v24, v4;
	v6 =	vadd.f32 v13, v6  }
0x176: {  	v13 =	vld [tilespmem:s15+$0xB470];
	v7 =	vadd.f32 v12, v7;
	v8 =	vadd.f32 v21, v8  }
0x177: {  	v12 =	vld [tilespmem:s15+$0xB4A0];
	v4 =	vadd.f32 v22, v4;
	v6 =	vadd.f32 v17, v6  }
0x178: {  	v17 =	vld [tilespmem:s15+$0xB4B0];
	v7 =	vadd.f32 v15, v7;
	v8 =	vadd.f32 v19, v8  }
0x179: {  	v4 =	vadd.f32 v10, v4;
	v10 =	vld [tilespmem:s15+$0xB4E0];
	v6 =	vadd.f32 v20, v6  }
0x17a: {  	v15 =	vld [tilespmem:s15+$0xB4F0];
	v7 =	vadd.f32 v18, v7;
	v8 =	vadd.f32 v14, v8  }
0x17b: {  	v4 =	vadd.f32 v13, v4;
	v13 =	vld [tilespmem:s15+$0xB520];
	v6 =	vadd.f32 v16, v6  }
0x17c: {  	v14 =	vld [tilespmem:s15+$0xB530];
	v7 =	vadd.f32 v12, v7;
	v8 =	vadd.f32 v9, v8  }
0x17d: {  	v9 =	vld [tilespmem:s15+$0xB560];
	v4 =	vadd.f32 v17, v4;
	v6 =	vadd.f32 v11, v6  }
0x17e: {  	v11 =	vld [tilespmem:s15+$0xB570];
	v7 =	vadd.f32 v10, v7;
	v3 =	vadd.f32 v3, v8  }
0x17f: {  	v4 =	vadd.f32 v15, v4;
	v5 =	vadd.f32 v5, v6  }
0x180: {  	v6 =	vadd.f32 v13, v7;
	v1 =	vadd.f32 v1, v3  }
0x181: {  	v3 =	vadd.f32 v14, v4;
	v2 =	vadd.f32 v2, v5  }
0x182: {  	v4 =	vadd.f32 v9, v6;
	v1 =	vmul.f32 $4.999999890e-03, v1  }
0x183: {  	v3 =	vadd.f32 v11, v3;
	v2 =	vmul.f32 $4.999999890e-03, v2  }
0x184: {  	[tilespmem:s13+$0x40] =	vst v1;
	v1 =	vmul.f32 $4.999999890e-03, v4  }
0x185: {  	[tilespmem:s13+$0x50] =	vst v2;
	v2 =	vmul.f32 $4.999999890e-03, v3  }
0x186: {  	[tilespmem:s13+$0x60] =	vst v1  }
0x187: {  	s17 =	sadd.s32 $0x478, s11;
	[tilespmem:s13+$0x70] =	vst v2  }
0x188: {  	[tilespmem:s16], [sflag:$0x4] =	stream.indirect.gather [hbm4b:s4+s9], $0x40, s17, s9, $0xb8;
	[tilespmem:$0x1B000] =	vst v63  }
0x189: {  	_ =	swait.ge [sflag:s30], $0x1900  }
0x18a: {  	[sflag:s30] =	ssyncset.done $0x0  }
0x18b: {  	s15 =	simm.s32 $0x0;
	[sflag:s30] =	ssyncadd.s32 $0xFFFFE700  }
0x18c: {  	v5 =	vld [tilespmem:s15+$0xCE40]  }
0x18d: {  	v6 =	vld [tilespmem:s15+$0xCE50]  }
0x18e: {  	v7 =	vld [tilespmem:s15+$0xCE00]  }
0x18f: {  	v8 =	vld [tilespmem:s15+$0xCE10]  }
0x190: {  	v11 =	vld [tilespmem:s15+$0xCDC0]  }
0x191: {  	v12 =	vld [tilespmem:s15+$0xCDD0]  }
0x192: {  	v13 =	vld [tilespmem:s15+$0xCD80]  }
0x193: {  	v15 =	vld [tilespmem:s15+$0xCD90]  }
0x194: {  	v17 =	vld [tilespmem:s15+$0xCD40]  }
0x195: {  	v18 =	vld [tilespmem:s15+$0xCD50]  }
0x196: {  	v20 =	vld [tilespmem:s15+$0xCD00]  }
0x197: {  	v21 =	vld [tilespmem:s15+$0xCD10]  }
0x198: {  	v16 =	vld [tilespmem:s15+$0xCCC0]  }
0x199: {  	v19 =	vld [tilespmem:s15+$0xCCD0]  }
0x19a: {  	v10 =	vld [tilespmem:s15+$0xCC80]  }
0x19b: {  	v14 =	vld [tilespmem:s15+$0xCC90]  }
0x19c: {  	v22 =	vld [tilespmem:s15+$0xCC40]  }
0x19d: {  	v23 =	vld [tilespmem:s15+$0xCC50]  }
0x19e: {  	v24 =	vld [tilespmem:s15+$0xCC00]  }
0x19f: {  	v9 =	vimm.f32 $0.0e+00;
	v26 =	vld [tilespmem:s15+$0xCC10]  }
0x1a0: {  	v4 =	vimm.f32 $0.0e+00;
	v3 =	vimm.f32 $0.0e+00;
	v2 =	vimm.f32 $0.0e+00;
	s17 =	simm.s32 $0xA00;
	v25 =	vld [tilespmem:s15+$0xCC20]  }
.LBB2_12:
0x1a1: {  	p0 =	sne.s32 s17, $0x5A00;
	v1 =	vld [tilespmem:s15+$0xCC30]  }
0x1a2: {  	v27 =	vld [tilespmem:s15+$0xCC60]  }
0x1a3: {  	v28 =	vld [tilespmem:s15+$0xCC70]  }
0x1a4: {  	v29 =	vld [tilespmem:s15+$0xCCA0]  }
0x1a5: {  	v2 =	vadd.f32 v24, v2;
	v9 =	vadd.f32 v26, v9;
	v24 =	vld [tilespmem:s15+$0xCCB0]  }
0x1a6: {  	v3 =	vadd.f32 v25, v3;
	v1 =	vadd.f32 v1, v4;
	v4 =	vld [tilespmem:s15+$0xCCE0]  }
0x1a7: {  	v2 =	vadd.f32 v22, v2;
	v9 =	vadd.f32 v23, v9;
	v22 =	vld [tilespmem:s15+$0xCCF0]  }
0x1a8: {  	v3 =	vadd.f32 v27, v3;
	v1 =	vadd.f32 v28, v1;
	v23 =	vld [tilespmem:s15+$0xCD20]  }
0x1a9: {  	v2 =	vadd.f32 v10, v2;
	v9 =	vadd.f32 v14, v9;
	v10 =	vld [tilespmem:s15+$0xCD30]  }
0x1aa: {  	v3 =	vadd.f32 v29, v3;
	v1 =	vadd.f32 v24, v1;
	v14 =	vld [tilespmem:s15+$0xCD60]  }
0x1ab: {  	v2 =	vadd.f32 v16, v2;
	v9 =	vadd.f32 v19, v9;
	v16 =	vld [tilespmem:s15+$0xCD70]  }
0x1ac: {  	v3 =	vadd.f32 v4, v3;
	v1 =	vadd.f32 v22, v1;
	v4 =	vld [tilespmem:s15+$0xCDA0]  }
0x1ad: {  	v2 =	vadd.f32 v20, v2;
	v9 =	vadd.f32 v21, v9;
	v19 =	vld [tilespmem:s15+$0xCDB0]  }
0x1ae: {  	v3 =	vadd.f32 v23, v3;
	v1 =	vadd.f32 v10, v1;
	v10 =	vld [tilespmem:s15+$0xCDE0]  }
0x1af: {  	v2 =	vadd.f32 v17, v2;
	v9 =	vadd.f32 v18, v9;
	v17 =	vld [tilespmem:s15+$0xCDF0]  }
0x1b0: {  	v3 =	vadd.f32 v14, v3;
	v1 =	vadd.f32 v16, v1;
	v14 =	vld [tilespmem:s15+$0xCE20]  }
0x1b1: {  	v2 =	vadd.f32 v13, v2;
	v9 =	vadd.f32 v15, v9;
	v13 =	vld [tilespmem:s15+$0xCE30]  }
0x1b2: {  	v3 =	vadd.f32 v4, v3;
	v1 =	vadd.f32 v19, v1;
	v4 =	vld [tilespmem:s15+$0xCE60]  }
0x1b3: {  	v2 =	vadd.f32 v11, v2;
	v9 =	vadd.f32 v12, v9;
	v12 =	vld [tilespmem:s15+$0xCE70];
	s15 =	sshra.s32 s17, $0x2  }
0x1b4: {  	v3 =	vadd.f32 v10, v3;
	v15 =	vld [tilespmem:s15+$0xCE40];
	v1 =	vadd.f32 v17, v1  }
0x1b5: {  	v2 =	vadd.f32 v7, v2;
	v9 =	vadd.f32 v8, v9;
	v10 =	vld [tilespmem:s15+$0xCE50]  }
0x1b6: {  	v3 =	vadd.f32 v14, v3;
	v7 =	vld [tilespmem:s15+$0xCE00];
	v1 =	vadd.f32 v13, v1  }
0x1b7: {  	v2 =	vadd.f32 v5, v2;
	v9 =	vadd.f32 v6, v9;
	v8 =	vld [tilespmem:s15+$0xCE10]  }
0x1b8: {  	v3 =	vadd.f32 v4, v3;
	v11 =	vld [tilespmem:s15+$0xCDC0];
	v4 =	vadd.f32 v12, v1  }
0x1b9: {  	v12 =	vld [tilespmem:s15+$0xCDD0];
	v5 =	vmov v15  }
0x1ba: {  	v13 =	vld [tilespmem:s15+$0xCD80];
	v6 =	vmov v10  }
0x1bb: {  	v15 =	vld [tilespmem:s15+$0xCD90]  }
0x1bc: {  	v17 =	vld [tilespmem:s15+$0xCD40]  }
0x1bd: {  	v18 =	vld [tilespmem:s15+$0xCD50]  }
0x1be: {  	v20 =	vld [tilespmem:s15+$0xCD00]  }
0x1bf: {  	v21 =	vld [tilespmem:s15+$0xCD10]  }
0x1c0: {  	v16 =	vld [tilespmem:s15+$0xCCC0]  }
0x1c1: {  	v19 =	vld [tilespmem:s15+$0xCCD0]  }
0x1c2: {  	v10 =	vld [tilespmem:s15+$0xCC80]  }
0x1c3: {  	v14 =	vld [tilespmem:s15+$0xCC90]  }
.Ltmp4:
0x1c4: {  	v22 =	vld [tilespmem:s15+$0xCC40];
	(pc) =	sbr.rel @p0 .LBB2_12-.Ltmp4, $4  }
0x1c5: {  	v23 =	vld [tilespmem:s15+$0xCC50]  }
0x1c6: {  	v24 =	vld [tilespmem:s15+$0xCC00]  }
0x1c7: {  	v26 =	vld [tilespmem:s15+$0xCC10]  }
0x1c8: {  	s17 =	sadd.s32 $0xA00, s17;
	v25 =	vld [tilespmem:s15+$0xCC20]  }
0x1c9: {  	v27 =	vld [tilespmem:s15+$0xCC30]  }
0x1ca: {  	v28 =	vld [tilespmem:s15+$0xCC60]  }
0x1cb: {  	v29 =	vld [tilespmem:s15+$0xCC70]  }
0x1cc: {  	v30 =	vld [tilespmem:s15+$0xCCA0]  }
0x1cd: {  	v31 =	vld [tilespmem:s15+$0xCCB0]  }
0x1ce: {  	v32 =	vld [tilespmem:s15+$0xCCE0]  }
0x1cf: {  	v33 =	vld [tilespmem:s15+$0xCCF0]  }
0x1d0: {  	v34 =	vld [tilespmem:s15+$0xCD20]  }
0x1d1: {  	v35 =	vld [tilespmem:s15+$0xCD30]  }
0x1d2: {  	v36 =	vld [tilespmem:s15+$0xCD60]  }
0x1d3: {  	v37 =	vld [tilespmem:s15+$0xCD70]  }
0x1d4: {  	v38 =	vld [tilespmem:s15+$0xCDA0]  }
0x1d5: {  	v39 =	vld [tilespmem:s15+$0xCDB0]  }
0x1d6: {  	v40 =	vld [tilespmem:s15+$0xCDE0]  }
0x1d7: {  	v41 =	vld [tilespmem:s15+$0xCDF0]  }
0x1d8: {  	v42 =	vld [tilespmem:s15+$0xCE20]  }
0x1d9: {  	v43 =	vld [tilespmem:s15+$0xCE30]  }
0x1da: {  	v44 =	vld [tilespmem:s15+$0xCE60];
	s17 =	sadd.s32 $0x4E0, s11  }
0x1db: {  	v45 =	vld [tilespmem:s15+$0xCE70];
	[tilespmem:s18], [sflag:$0x5] =	stream.indirect.gather [hbm4b:s4+s9], $0x40, s17, s9, $0xb8  }
0x1dc: {  	_ =	swait.ge [sflag:s31], $0x1900  }
0x1dd: {  	[sflag:s31] =	ssyncset.done $0x0  }
0x1de: {  	s15 =	simm.s32 $0x0;
	[sflag:s31] =	ssyncadd.s32 $0xFFFFE700  }
0x1df: {  	v1 =	vld [tilespmem:s15+$0xE740]  }
0x1e0: {  	v24 =	vadd.f32 v24, v2;
	v9 =	vadd.f32 v26, v9;
	v2 =	vld [tilespmem:s15+$0xE750]  }
0x1e1: {  	v25 =	vadd.f32 v25, v3;
	v26 =	vadd.f32 v27, v4;
	v3 =	vld [tilespmem:s15+$0xE700]  }
0x1e2: {  	v22 =	vadd.f32 v22, v24;
	v23 =	vadd.f32 v23, v9;
	v4 =	vld [tilespmem:s15+$0xE710]  }
0x1e3: {  	v9 =	vld [tilespmem:s15+$0xE6C0];
	v24 =	vadd.f32 v28, v25;
	v25 =	vadd.f32 v29, v26  }
0x1e4: {  	v22 =	vadd.f32 v10, v22;
	v10 =	vld [tilespmem:s15+$0xE6D0];
	v23 =	vadd.f32 v14, v23  }
0x1e5: {  	v14 =	vld [tilespmem:s15+$0xE680];
	v24 =	vadd.f32 v30, v24;
	v25 =	vadd.f32 v31, v25  }
0x1e6: {  	v22 =	vadd.f32 v16, v22;
	v16 =	vld [tilespmem:s15+$0xE690];
	v23 =	vadd.f32 v19, v23  }
0x1e7: {  	v19 =	vld [tilespmem:s15+$0xE640];
	v24 =	vadd.f32 v32, v24;
	v25 =	vadd.f32 v33, v25  }
0x1e8: {  	v22 =	vadd.f32 v20, v22;
	v20 =	vld [tilespmem:s15+$0xE650];
	v23 =	vadd.f32 v21, v23  }
0x1e9: {  	v21 =	vld [tilespmem:s15+$0xE600];
	v24 =	vadd.f32 v34, v24;
	v25 =	vadd.f32 v35, v25  }
0x1ea: {  	v22 =	vadd.f32 v17, v22;
	v17 =	vld [tilespmem:s15+$0xE610];
	v23 =	vadd.f32 v18, v23  }
0x1eb: {  	v18 =	vld [tilespmem:s15+$0xE5C0];
	v24 =	vadd.f32 v36, v24;
	v25 =	vadd.f32 v37, v25  }
0x1ec: {  	v22 =	vadd.f32 v13, v22;
	v13 =	vld [tilespmem:s15+$0xE5D0];
	v23 =	vadd.f32 v15, v23  }
0x1ed: {  	v15 =	vld [tilespmem:s15+$0xE580];
	v24 =	vadd.f32 v38, v24;
	v25 =	vadd.f32 v39, v25  }
0x1ee: {  	v22 =	vadd.f32 v11, v22;
	v11 =	vld [tilespmem:s15+$0xE590];
	v23 =	vadd.f32 v12, v23  }
0x1ef: {  	v12 =	vld [tilespmem:s15+$0xE540];
	v24 =	vadd.f32 v40, v24;
	v25 =	vadd.f32 v41, v25  }
0x1f0: {  	v7 =	vadd.f32 v7, v22;
	v22 =	vld [tilespmem:s15+$0xE550];
	v26 =	vadd.f32 v8, v23  }
0x1f1: {  	v23 =	vld [tilespmem:s15+$0xE500];
	v27 =	vadd.f32 v42, v24;
	v25 =	vadd.f32 v43, v25  }
0x1f2: {  	v8 =	vadd.f32 v5, v7;
	v24 =	vld [tilespmem:s15+$0xE510];
	v6 =	vadd.f32 v6, v26  }
0x1f3: {  	s17 =	simm.s32 $0xA00;
	v7 =	vadd.f32 v44, v27;
	v5 =	vadd.f32 v45, v25;
	v25 =	vld [tilespmem:s15+$0xE520]  }
.LBB2_14:
0x1f4: {  	p0 =	sne.s32 s17, $0x5A00;
	v26 =	vld [tilespmem:s15+$0xE530]  }
0x1f5: {  	v27 =	vld [tilespmem:s15+$0xE560]  }
0x1f6: {  	v28 =	vld [tilespmem:s15+$0xE570]  }
0x1f7: {  	v29 =	vld [tilespmem:s15+$0xE5A0]  }
0x1f8: {  	v8 =	vadd.f32 v23, v8;
	v6 =	vadd.f32 v24, v6;
	v23 =	vld [tilespmem:s15+$0xE5B0]  }
0x1f9: {  	v7 =	vadd.f32 v25, v7;
	v5 =	vadd.f32 v26, v5;
	v24 =	vld [tilespmem:s15+$0xE5E0]  }
0x1fa: {  	v8 =	vadd.f32 v12, v8;
	v6 =	vadd.f32 v22, v6;
	v12 =	vld [tilespmem:s15+$0xE5F0]  }
0x1fb: {  	v7 =	vadd.f32 v27, v7;
	v5 =	vadd.f32 v28, v5;
	v22 =	vld [tilespmem:s15+$0xE620]  }
0x1fc: {  	v8 =	vadd.f32 v15, v8;
	v6 =	vadd.f32 v11, v6;
	v11 =	vld [tilespmem:s15+$0xE630]  }
0x1fd: {  	v7 =	vadd.f32 v29, v7;
	v5 =	vadd.f32 v23, v5;
	v15 =	vld [tilespmem:s15+$0xE660]  }
0x1fe: {  	v8 =	vadd.f32 v18, v8;
	v6 =	vadd.f32 v13, v6;
	v13 =	vld [tilespmem:s15+$0xE670]  }
0x1ff: {  	v7 =	vadd.f32 v24, v7;
	v5 =	vadd.f32 v12, v5;
	v12 =	vld [tilespmem:s15+$0xE6A0]  }
0x200: {  	v8 =	vadd.f32 v21, v8;
	v6 =	vadd.f32 v17, v6;
	v17 =	vld [tilespmem:s15+$0xE6B0]  }
0x201: {  	v7 =	vadd.f32 v22, v7;
	v5 =	vadd.f32 v11, v5;
	v11 =	vld [tilespmem:s15+$0xE6E0]  }
0x202: {  	v8 =	vadd.f32 v19, v8;
	v6 =	vadd.f32 v20, v6;
	v18 =	vld [tilespmem:s15+$0xE6F0]  }
0x203: {  	v7 =	vadd.f32 v15, v7;
	v5 =	vadd.f32 v13, v5;
	v13 =	vld [tilespmem:s15+$0xE720]  }
0x204: {  	v8 =	vadd.f32 v14, v8;
	v6 =	vadd.f32 v16, v6;
	v14 =	vld [tilespmem:s15+$0xE730]  }
0x205: {  	v7 =	vadd.f32 v12, v7;
	v5 =	vadd.f32 v17, v5;
	v12 =	vld [tilespmem:s15+$0xE760]  }
0x206: {  	v8 =	vadd.f32 v9, v8;
	v6 =	vadd.f32 v10, v6;
	v10 =	vld [tilespmem:s15+$0xE770];
	s15 =	sshra.s32 s17, $0x2  }
0x207: {  	v7 =	vadd.f32 v11, v7;
	v15 =	vld [tilespmem:s15+$0xE740];
	v5 =	vadd.f32 v18, v5  }
0x208: {  	v8 =	vadd.f32 v3, v8;
	v6 =	vadd.f32 v4, v6;
	v11 =	vld [tilespmem:s15+$0xE750]  }
0x209: {  	v7 =	vadd.f32 v13, v7;
	v3 =	vld [tilespmem:s15+$0xE700];
	v5 =	vadd.f32 v14, v5  }
0x20a: {  	v8 =	vadd.f32 v1, v8;
	v6 =	vadd.f32 v2, v6;
	v4 =	vld [tilespmem:s15+$0xE710]  }
0x20b: {  	v7 =	vadd.f32 v12, v7;
	v9 =	vld [tilespmem:s15+$0xE6C0];
	v5 =	vadd.f32 v10, v5  }
0x20c: {  	v10 =	vld [tilespmem:s15+$0xE6D0];
	v1 =	vmov v15  }
0x20d: {  	v14 =	vld [tilespmem:s15+$0xE680];
	v2 =	vmov v11  }
0x20e: {  	v16 =	vld [tilespmem:s15+$0xE690]  }
0x20f: {  	v19 =	vld [tilespmem:s15+$0xE640]  }
0x210: {  	v20 =	vld [tilespmem:s15+$0xE650]  }
0x211: {  	v21 =	vld [tilespmem:s15+$0xE600]  }
0x212: {  	v17 =	vld [tilespmem:s15+$0xE610]  }
0x213: {  	v18 =	vld [tilespmem:s15+$0xE5C0]  }
0x214: {  	v13 =	vld [tilespmem:s15+$0xE5D0]  }
0x215: {  	v15 =	vld [tilespmem:s15+$0xE580]  }
0x216: {  	v11 =	vld [tilespmem:s15+$0xE590]  }
.Ltmp5:
0x217: {  	v12 =	vld [tilespmem:s15+$0xE540];
	(pc) =	sbr.rel @p0 .LBB2_14-.Ltmp5, $4  }
0x218: {  	v22 =	vld [tilespmem:s15+$0xE550]  }
0x219: {  	v23 =	vld [tilespmem:s15+$0xE500]  }
0x21a: {  	v24 =	vld [tilespmem:s15+$0xE510]  }
0x21b: {  	s17 =	sadd.s32 $0xA00, s17;
	v25 =	vld [tilespmem:s15+$0xE520]  }
0x21c: {  	v26 =	vld [tilespmem:s15+$0xE530]  }
0x21d: {  	v27 =	vld [tilespmem:s15+$0xE560]  }
0x21e: {  	v28 =	vld [tilespmem:s15+$0xE570];
	v8 =	vadd.f32 v23, v8  }
0x21f: {  	v23 =	vld [tilespmem:s15+$0xE5A0];
	v6 =	vadd.f32 v24, v6  }
0x220: {  	v24 =	vld [tilespmem:s15+$0xE5B0];
	v7 =	vadd.f32 v25, v7;
	v8 =	vadd.f32 v12, v8  }
0x221: {  	v12 =	vld [tilespmem:s15+$0xE5E0];
	v5 =	vadd.f32 v26, v5;
	v6 =	vadd.f32 v22, v6  }
0x222: {  	v22 =	vld [tilespmem:s15+$0xE5F0];
	v7 =	vadd.f32 v27, v7;
	v8 =	vadd.f32 v15, v8  }
0x223: {  	v15 =	vld [tilespmem:s15+$0xE620];
	v5 =	vadd.f32 v28, v5;
	v6 =	vadd.f32 v11, v6  }
0x224: {  	v11 =	vld [tilespmem:s15+$0xE630];
	v7 =	vadd.f32 v23, v7;
	v8 =	vadd.f32 v18, v8  }
0x225: {  	v18 =	vld [tilespmem:s15+$0xE660];
	v5 =	vadd.f32 v24, v5;
	v6 =	vadd.f32 v13, v6  }
0x226: {  	v13 =	vld [tilespmem:s15+$0xE670];
	v7 =	vadd.f32 v12, v7;
	v8 =	vadd.f32 v21, v8  }
0x227: {  	v12 =	vld [tilespmem:s15+$0xE6A0];
	v5 =	vadd.f32 v22, v5;
	v6 =	vadd.f32 v17, v6  }
0x228: {  	v17 =	vld [tilespmem:s15+$0xE6B0];
	v7 =	vadd.f32 v15, v7;
	v8 =	vadd.f32 v19, v8  }
0x229: {  	v5 =	vadd.f32 v11, v5;
	v11 =	vld [tilespmem:s15+$0xE6E0];
	v6 =	vadd.f32 v20, v6  }
0x22a: {  	v15 =	vld [tilespmem:s15+$0xE6F0];
	v7 =	vadd.f32 v18, v7;
	v8 =	vadd.f32 v14, v8  }
0x22b: {  	v5 =	vadd.f32 v13, v5;
	v13 =	vld [tilespmem:s15+$0xE720];
	v6 =	vadd.f32 v16, v6  }
0x22c: {  	v14 =	vld [tilespmem:s15+$0xE730];
	v7 =	vadd.f32 v12, v7;
	v8 =	vadd.f32 v9, v8  }
0x22d: {  	v9 =	vld [tilespmem:s15+$0xE760];
	v5 =	vadd.f32 v17, v5;
	v6 =	vadd.f32 v10, v6  }
0x22e: {  	v10 =	vld [tilespmem:s15+$0xE770];
	v7 =	vadd.f32 v11, v7;
	v3 =	vadd.f32 v3, v8  }
0x22f: {  	v5 =	vadd.f32 v15, v5;
	v4 =	vadd.f32 v4, v6  }
0x230: {  	v6 =	vadd.f32 v13, v7;
	v1 =	vadd.f32 v1, v3  }
0x231: {  	v3 =	vadd.f32 v14, v5;
	v2 =	vadd.f32 v2, v4  }
0x232: {  	v4 =	vadd.f32 v9, v6;
	v1 =	vmul.f32 $4.999999890e-03, v1  }
0x233: {  	v3 =	vadd.f32 v10, v3;
	v2 =	vmul.f32 $4.999999890e-03, v2  }
0x234: {  	[tilespmem:s13+$0x80] =	vst v1;
	v1 =	vmul.f32 $4.999999890e-03, v4  }
0x235: {  	[tilespmem:s13+$0x90] =	vst v2;
	v2 =	vmul.f32 $4.999999890e-03, v3  }
0x236: {  	[tilespmem:s13+$0xA0] =	vst v1  }
0x237: {  	s17 =	sadd.s32 $0x548, s11;
	[tilespmem:s13+$0xB0] =	vst v2  }
0x238: {  	[tilespmem:s20], [sflag:$0x6] =	stream.indirect.gather [hbm4b:s4+s9], $0x40, s17, s9, $0xb8;
	[tilespmem:$0x1B000] =	vst v63  }
0x239: {  	_ =	swait.ge [sflag:s0], $0x1900  }
0x23a: {  	[sflag:s0] =	ssyncset.done $0x0  }
0x23b: {  	s15 =	simm.s32 $0x0;
	[sflag:s0] =	ssyncadd.s32 $0xFFFFE700  }
0x23c: {  	v5 =	vld [tilespmem:s15+$0x10040]  }
0x23d: {  	v6 =	vld [tilespmem:s15+$0x10050]  }
0x23e: {  	v7 =	vld [tilespmem:s15+$0x10000]  }
0x23f: {  	v8 =	vld [tilespmem:s15+$0x10010]  }
0x240: {  	v11 =	vld [tilespmem:s15+$0xFFC0]  }
0x241: {  	v12 =	vld [tilespmem:s15+$0xFFD0]  }
0x242: {  	v13 =	vld [tilespmem:s15+$0xFF80]  }
0x243: {  	v15 =	vld [tilespmem:s15+$0xFF90]  }
0x244: {  	v17 =	vld [tilespmem:s15+$0xFF40]  }
0x245: {  	v18 =	vld [tilespmem:s15+$0xFF50]  }
0x246: {  	v20 =	vld [tilespmem:s15+$0xFF00]  }
0x247: {  	v21 =	vld [tilespmem:s15+$0xFF10]  }
0x248: {  	v16 =	vld [tilespmem:s15+$0xFEC0]  }
0x249: {  	v19 =	vld [tilespmem:s15+$0xFED0]  }
0x24a: {  	v10 =	vld [tilespmem:s15+$0xFE80]  }
0x24b: {  	v14 =	vld [tilespmem:s15+$0xFE90]  }
0x24c: {  	v22 =	vld [tilespmem:s15+$0xFE40]  }
0x24d: {  	v23 =	vld [tilespmem:s15+$0xFE50]  }
0x24e: {  	v24 =	vld [tilespmem:s15+$0xFE00]  }
0x24f: {  	v9 =	vimm.f32 $0.0e+00;
	v26 =	vld [tilespmem:s15+$0xFE10]  }
0x250: {  	v4 =	vimm.f32 $0.0e+00;
	v3 =	vimm.f32 $0.0e+00;
	v2 =	vimm.f32 $0.0e+00;
	s17 =	simm.s32 $0xA00;
	v25 =	vld [tilespmem:s15+$0xFE20]  }
.LBB2_16:
0x251: {  	p0 =	sne.s32 s17, $0x5A00;
	v1 =	vld [tilespmem:s15+$0xFE30]  }
0x252: {  	v27 =	vld [tilespmem:s15+$0xFE60]  }
0x253: {  	v28 =	vld [tilespmem:s15+$0xFE70]  }
0x254: {  	v29 =	vld [tilespmem:s15+$0xFEA0]  }
0x255: {  	v2 =	vadd.f32 v24, v2;
	v9 =	vadd.f32 v26, v9;
	v24 =	vld [tilespmem:s15+$0xFEB0]  }
0x256: {  	v3 =	vadd.f32 v25, v3;
	v1 =	vadd.f32 v1, v4;
	v4 =	vld [tilespmem:s15+$0xFEE0]  }
0x257: {  	v2 =	vadd.f32 v22, v2;
	v9 =	vadd.f32 v23, v9;
	v22 =	vld [tilespmem:s15+$0xFEF0]  }
0x258: {  	v3 =	vadd.f32 v27, v3;
	v1 =	vadd.f32 v28, v1;
	v23 =	vld [tilespmem:s15+$0xFF20]  }
0x259: {  	v2 =	vadd.f32 v10, v2;
	v9 =	vadd.f32 v14, v9;
	v10 =	vld [tilespmem:s15+$0xFF30]  }
0x25a: {  	v3 =	vadd.f32 v29, v3;
	v1 =	vadd.f32 v24, v1;
	v14 =	vld [tilespmem:s15+$0xFF60]  }
0x25b: {  	v2 =	vadd.f32 v16, v2;
	v9 =	vadd.f32 v19, v9;
	v16 =	vld [tilespmem:s15+$0xFF70]  }
0x25c: {  	v3 =	vadd.f32 v4, v3;
	v1 =	vadd.f32 v22, v1;
	v4 =	vld [tilespmem:s15+$0xFFA0]  }
0x25d: {  	v2 =	vadd.f32 v20, v2;
	v9 =	vadd.f32 v21, v9;
	v19 =	vld [tilespmem:s15+$0xFFB0]  }
0x25e: {  	v3 =	vadd.f32 v23, v3;
	v1 =	vadd.f32 v10, v1;
	v10 =	vld [tilespmem:s15+$0xFFE0]  }
0x25f: {  	v2 =	vadd.f32 v17, v2;
	v9 =	vadd.f32 v18, v9;
	v17 =	vld [tilespmem:s15+$0xFFF0]  }
0x260: {  	v3 =	vadd.f32 v14, v3;
	v1 =	vadd.f32 v16, v1;
	v14 =	vld [tilespmem:s15+$0x10020]  }
0x261: {  	v2 =	vadd.f32 v13, v2;
	v9 =	vadd.f32 v15, v9;
	v13 =	vld [tilespmem:s15+$0x10030]  }
0x262: {  	v3 =	vadd.f32 v4, v3;
	v1 =	vadd.f32 v19, v1;
	v4 =	vld [tilespmem:s15+$0x10060]  }
0x263: {  	v2 =	vadd.f32 v11, v2;
	v9 =	vadd.f32 v12, v9;
	v12 =	vld [tilespmem:s15+$0x10070];
	s15 =	sshra.s32 s17, $0x2  }
0x264: {  	v3 =	vadd.f32 v10, v3;
	v15 =	vld [tilespmem:s15+$0x10040];
	v1 =	vadd.f32 v17, v1  }
0x265: {  	v2 =	vadd.f32 v7, v2;
	v9 =	vadd.f32 v8, v9;
	v10 =	vld [tilespmem:s15+$0x10050]  }
0x266: {  	v3 =	vadd.f32 v14, v3;
	v7 =	vld [tilespmem:s15+$0x10000];
	v1 =	vadd.f32 v13, v1  }
0x267: {  	v2 =	vadd.f32 v5, v2;
	v9 =	vadd.f32 v6, v9;
	v8 =	vld [tilespmem:s15+$0x10010]  }
0x268: {  	v3 =	vadd.f32 v4, v3;
	v11 =	vld [tilespmem:s15+$0xFFC0];
	v4 =	vadd.f32 v12, v1  }
0x269: {  	v12 =	vld [tilespmem:s15+$0xFFD0];
	v5 =	vmov v15  }
0x26a: {  	v13 =	vld [tilespmem:s15+$0xFF80];
	v6 =	vmov v10  }
0x26b: {  	v15 =	vld [tilespmem:s15+$0xFF90]  }
0x26c: {  	v17 =	vld [tilespmem:s15+$0xFF40]  }
0x26d: {  	v18 =	vld [tilespmem:s15+$0xFF50]  }
0x26e: {  	v20 =	vld [tilespmem:s15+$0xFF00]  }
0x26f: {  	v21 =	vld [tilespmem:s15+$0xFF10]  }
0x270: {  	v16 =	vld [tilespmem:s15+$0xFEC0]  }
0x271: {  	v19 =	vld [tilespmem:s15+$0xFED0]  }
0x272: {  	v10 =	vld [tilespmem:s15+$0xFE80]  }
0x273: {  	v14 =	vld [tilespmem:s15+$0xFE90]  }
.Ltmp6:
0x274: {  	v22 =	vld [tilespmem:s15+$0xFE40];
	(pc) =	sbr.rel @p0 .LBB2_16-.Ltmp6, $4  }
0x275: {  	v23 =	vld [tilespmem:s15+$0xFE50]  }
0x276: {  	v24 =	vld [tilespmem:s15+$0xFE00]  }
0x277: {  	v26 =	vld [tilespmem:s15+$0xFE10]  }
0x278: {  	s17 =	sadd.s32 $0xA00, s17;
	v25 =	vld [tilespmem:s15+$0xFE20]  }
0x279: {  	v27 =	vld [tilespmem:s15+$0xFE30]  }
0x27a: {  	v28 =	vld [tilespmem:s15+$0xFE60]  }
0x27b: {  	v29 =	vld [tilespmem:s15+$0xFE70]  }
0x27c: {  	v30 =	vld [tilespmem:s15+$0xFEA0]  }
0x27d: {  	v31 =	vld [tilespmem:s15+$0xFEB0]  }
0x27e: {  	v32 =	vld [tilespmem:s15+$0xFEE0]  }
0x27f: {  	v33 =	vld [tilespmem:s15+$0xFEF0]  }
0x280: {  	v34 =	vld [tilespmem:s15+$0xFF20]  }
0x281: {  	v35 =	vld [tilespmem:s15+$0xFF30]  }
0x282: {  	v36 =	vld [tilespmem:s15+$0xFF60]  }
0x283: {  	v37 =	vld [tilespmem:s15+$0xFF70]  }
0x284: {  	v38 =	vld [tilespmem:s15+$0xFFA0]  }
0x285: {  	v39 =	vld [tilespmem:s15+$0xFFB0]  }
0x286: {  	v40 =	vld [tilespmem:s15+$0xFFE0]  }
0x287: {  	v41 =	vld [tilespmem:s15+$0xFFF0]  }
0x288: {  	v42 =	vld [tilespmem:s15+$0x10020]  }
0x289: {  	v43 =	vld [tilespmem:s15+$0x10030]  }
0x28a: {  	v44 =	vld [tilespmem:s15+$0x10060];
	s17 =	sadd.s32 $0x5B0, s11  }
0x28b: {  	v45 =	vld [tilespmem:s15+$0x10070];
	[tilespmem:s22], [sflag:$0x7] =	stream.indirect.gather [hbm4b:s4+s9], $0x40, s17, s9, $0xb8  }
0x28c: {  	_ =	swait.ge [sflag:s1], $0x1900  }
0x28d: {  	[sflag:s1] =	ssyncset.done $0x0  }
0x28e: {  	s15 =	simm.s32 $0x0;
	[sflag:s1] =	ssyncadd.s32 $0xFFFFE700  }
0x28f: {  	v1 =	vld [tilespmem:s15+$0x11940]  }
0x290: {  	v24 =	vadd.f32 v24, v2;
	v9 =	vadd.f32 v26, v9;
	v2 =	vld [tilespmem:s15+$0x11950]  }
0x291: {  	v25 =	vadd.f32 v25, v3;
	v26 =	vadd.f32 v27, v4;
	v3 =	vld [tilespmem:s15+$0x11900]  }
0x292: {  	v22 =	vadd.f32 v22, v24;
	v23 =	vadd.f32 v23, v9;
	v4 =	vld [tilespmem:s15+$0x11910]  }
0x293: {  	v9 =	vld [tilespmem:s15+$0x118C0];
	v24 =	vadd.f32 v28, v25;
	v25 =	vadd.f32 v29, v26  }
0x294: {  	v22 =	vadd.f32 v10, v22;
	v10 =	vld [tilespmem:s15+$0x118D0];
	v23 =	vadd.f32 v14, v23  }
0x295: {  	v14 =	vld [tilespmem:s15+$0x11880];
	v24 =	vadd.f32 v30, v24;
	v25 =	vadd.f32 v31, v25  }
0x296: {  	v22 =	vadd.f32 v16, v22;
	v16 =	vld [tilespmem:s15+$0x11890];
	v23 =	vadd.f32 v19, v23  }
0x297: {  	v19 =	vld [tilespmem:s15+$0x11840];
	v24 =	vadd.f32 v32, v24;
	v25 =	vadd.f32 v33, v25  }
0x298: {  	v22 =	vadd.f32 v20, v22;
	v20 =	vld [tilespmem:s15+$0x11850];
	v23 =	vadd.f32 v21, v23  }
0x299: {  	v21 =	vld [tilespmem:s15+$0x11800];
	v24 =	vadd.f32 v34, v24;
	v25 =	vadd.f32 v35, v25  }
0x29a: {  	v22 =	vadd.f32 v17, v22;
	v17 =	vld [tilespmem:s15+$0x11810];
	v23 =	vadd.f32 v18, v23  }
0x29b: {  	v18 =	vld [tilespmem:s15+$0x117C0];
	v24 =	vadd.f32 v36, v24;
	v25 =	vadd.f32 v37, v25  }
0x29c: {  	v22 =	vadd.f32 v13, v22;
	v13 =	vld [tilespmem:s15+$0x117D0];
	v23 =	vadd.f32 v15, v23  }
0x29d: {  	v15 =	vld [tilespmem:s15+$0x11780];
	v24 =	vadd.f32 v38, v24;
	v25 =	vadd.f32 v39, v25  }
0x29e: {  	v22 =	vadd.f32 v11, v22;
	v11 =	vld [tilespmem:s15+$0x11790];
	v23 =	vadd.f32 v12, v23  }
0x29f: {  	v12 =	vld [tilespmem:s15+$0x11740];
	v24 =	vadd.f32 v40, v24;
	v25 =	vadd.f32 v41, v25  }
0x2a0: {  	v7 =	vadd.f32 v7, v22;
	v22 =	vld [tilespmem:s15+$0x11750];
	v26 =	vadd.f32 v8, v23  }
0x2a1: {  	v23 =	vld [tilespmem:s15+$0x11700];
	v27 =	vadd.f32 v42, v24;
	v25 =	vadd.f32 v43, v25  }
0x2a2: {  	v8 =	vadd.f32 v5, v7;
	v24 =	vld [tilespmem:s15+$0x11710];
	v6 =	vadd.f32 v6, v26  }
0x2a3: {  	s17 =	simm.s32 $0xA00;
	v7 =	vadd.f32 v44, v27;
	v5 =	vadd.f32 v45, v25;
	v25 =	vld [tilespmem:s15+$0x11720]  }
.LBB2_18:
0x2a4: {  	p0 =	sne.s32 s17, $0x5A00;
	v26 =	vld [tilespmem:s15+$0x11730]  }
0x2a5: {  	v27 =	vld [tilespmem:s15+$0x11760]  }
0x2a6: {  	v28 =	vld [tilespmem:s15+$0x11770]  }
0x2a7: {  	v29 =	vld [tilespmem:s15+$0x117A0]  }
0x2a8: {  	v8 =	vadd.f32 v23, v8;
	v6 =	vadd.f32 v24, v6;
	v23 =	vld [tilespmem:s15+$0x117B0]  }
0x2a9: {  	v7 =	vadd.f32 v25, v7;
	v5 =	vadd.f32 v26, v5;
	v24 =	vld [tilespmem:s15+$0x117E0]  }
0x2aa: {  	v8 =	vadd.f32 v12, v8;
	v6 =	vadd.f32 v22, v6;
	v12 =	vld [tilespmem:s15+$0x117F0]  }
0x2ab: {  	v7 =	vadd.f32 v27, v7;
	v5 =	vadd.f32 v28, v5;
	v22 =	vld [tilespmem:s15+$0x11820]  }
0x2ac: {  	v8 =	vadd.f32 v15, v8;
	v6 =	vadd.f32 v11, v6;
	v11 =	vld [tilespmem:s15+$0x11830]  }
0x2ad: {  	v7 =	vadd.f32 v29, v7;
	v5 =	vadd.f32 v23, v5;
	v15 =	vld [tilespmem:s15+$0x11860]  }
0x2ae: {  	v8 =	vadd.f32 v18, v8;
	v6 =	vadd.f32 v13, v6;
	v13 =	vld [tilespmem:s15+$0x11870]  }
0x2af: {  	v7 =	vadd.f32 v24, v7;
	v5 =	vadd.f32 v12, v5;
	v12 =	vld [tilespmem:s15+$0x118A0]  }
0x2b0: {  	v8 =	vadd.f32 v21, v8;
	v6 =	vadd.f32 v17, v6;
	v17 =	vld [tilespmem:s15+$0x118B0]  }
0x2b1: {  	v7 =	vadd.f32 v22, v7;
	v5 =	vadd.f32 v11, v5;
	v11 =	vld [tilespmem:s15+$0x118E0]  }
0x2b2: {  	v8 =	vadd.f32 v19, v8;
	v6 =	vadd.f32 v20, v6;
	v18 =	vld [tilespmem:s15+$0x118F0]  }
0x2b3: {  	v7 =	vadd.f32 v15, v7;
	v5 =	vadd.f32 v13, v5;
	v13 =	vld [tilespmem:s15+$0x11920]  }
0x2b4: {  	v8 =	vadd.f32 v14, v8;
	v6 =	vadd.f32 v16, v6;
	v14 =	vld [tilespmem:s15+$0x11930]  }
0x2b5: {  	v7 =	vadd.f32 v12, v7;
	v5 =	vadd.f32 v17, v5;
	v12 =	vld [tilespmem:s15+$0x11960]  }
0x2b6: {  	v8 =	vadd.f32 v9, v8;
	v6 =	vadd.f32 v10, v6;
	v10 =	vld [tilespmem:s15+$0x11970];
	s15 =	sshra.s32 s17, $0x2  }
0x2b7: {  	v7 =	vadd.f32 v11, v7;
	v15 =	vld [tilespmem:s15+$0x11940];
	v5 =	vadd.f32 v18, v5  }
0x2b8: {  	v8 =	vadd.f32 v3, v8;
	v6 =	vadd.f32 v4, v6;
	v11 =	vld [tilespmem:s15+$0x11950]  }
0x2b9: {  	v7 =	vadd.f32 v13, v7;
	v3 =	vld [tilespmem:s15+$0x11900];
	v5 =	vadd.f32 v14, v5  }
0x2ba: {  	v8 =	vadd.f32 v1, v8;
	v6 =	vadd.f32 v2, v6;
	v4 =	vld [tilespmem:s15+$0x11910]  }
0x2bb: {  	v7 =	vadd.f32 v12, v7;
	v9 =	vld [tilespmem:s15+$0x118C0];
	v5 =	vadd.f32 v10, v5  }
0x2bc: {  	v10 =	vld [tilespmem:s15+$0x118D0];
	v1 =	vmov v15  }
0x2bd: {  	v14 =	vld [tilespmem:s15+$0x11880];
	v2 =	vmov v11  }
0x2be: {  	v16 =	vld [tilespmem:s15+$0x11890]  }
0x2bf: {  	v19 =	vld [tilespmem:s15+$0x11840]  }
0x2c0: {  	v20 =	vld [tilespmem:s15+$0x11850]  }
0x2c1: {  	v21 =	vld [tilespmem:s15+$0x11800]  }
0x2c2: {  	v17 =	vld [tilespmem:s15+$0x11810]  }
0x2c3: {  	v18 =	vld [tilespmem:s15+$0x117C0]  }
0x2c4: {  	v13 =	vld [tilespmem:s15+$0x117D0]  }
0x2c5: {  	v15 =	vld [tilespmem:s15+$0x11780]  }
0x2c6: {  	v11 =	vld [tilespmem:s15+$0x11790]  }
.Ltmp7:
0x2c7: {  	v12 =	vld [tilespmem:s15+$0x11740];
	(pc) =	sbr.rel @p0 .LBB2_18-.Ltmp7, $4  }
0x2c8: {  	v22 =	vld [tilespmem:s15+$0x11750]  }
0x2c9: {  	v23 =	vld [tilespmem:s15+$0x11700]  }
0x2ca: {  	v24 =	vld [tilespmem:s15+$0x11710]  }
0x2cb: {  	s17 =	sadd.s32 $0xA00, s17;
	v25 =	vld [tilespmem:s15+$0x11720]  }
0x2cc: {  	v26 =	vld [tilespmem:s15+$0x11730]  }
0x2cd: {  	v27 =	vld [tilespmem:s15+$0x11760]  }
0x2ce: {  	v28 =	vld [tilespmem:s15+$0x11770];
	v8 =	vadd.f32 v23, v8  }
0x2cf: {  	v46 =	vld [tilespmem:s15+$0x117A0];
	v6 =	vadd.f32 v24, v6  }
0x2d0: {  	v47 =	vld [tilespmem:s15+$0x117B0];
	v7 =	vadd.f32 v25, v7;
	v8 =	vadd.f32 v12, v8  }
0x2d1: {  	v48 =	vld [tilespmem:s15+$0x117E0];
	v5 =	vadd.f32 v26, v5;
	v6 =	vadd.f32 v22, v6  }
0x2d2: {  	v49 =	vld [tilespmem:s15+$0x117F0];
	v7 =	vadd.f32 v27, v7;
	v8 =	vadd.f32 v15, v8  }
0x2d3: {  	v50 =	vld [tilespmem:s15+$0x11820];
	v5 =	vadd.f32 v28, v5;
	v6 =	vadd.f32 v11, v6  }
0x2d4: {  	v51 =	vld [tilespmem:s15+$0x11830];
	v7 =	vadd.f32 v46, v7;
	v8 =	vadd.f32 v18, v8  }
0x2d5: {  	v52 =	vld [tilespmem:s15+$0x11860];
	v5 =	vadd.f32 v47, v5;
	v6 =	vadd.f32 v13, v6  }
0x2d6: {  	v53 =	vld [tilespmem:s15+$0x11870];
	v7 =	vadd.f32 v48, v7;
	v8 =	vadd.f32 v21, v8  }
0x2d7: {  	v54 =	vld [tilespmem:s15+$0x118A0];
	v5 =	vadd.f32 v49, v5;
	v6 =	vadd.f32 v17, v6  }
0x2d8: {  	v55 =	vld [tilespmem:s15+$0x118B0];
	v7 =	vadd.f32 v50, v7;
	v8 =	vadd.f32 v19, v8  }
0x2d9: {  	v56 =	vld [tilespmem:s15+$0x118E0];
	v5 =	vadd.f32 v51, v5;
	v6 =	vadd.f32 v20, v6  }
0x2da: {  	v57 =	vld [tilespmem:s15+$0x118F0];
	v7 =	vadd.f32 v52, v7;
	v8 =	vadd.f32 v14, v8  }
0x2db: {  	v58 =	vld [tilespmem:s15+$0x11920];
	v5 =	vadd.f32 v53, v5;
	v6 =	vadd.f32 v16, v6  }
0x2dc: {  	v59 =	vld [tilespmem:s15+$0x11930];
	v7 =	vadd.f32 v54, v7;
	v8 =	vadd.f32 v9, v8  }
0x2dd: {  	v60 =	vld [tilespmem:s15+$0x11960];
	v5 =	vadd.f32 v55, v5;
	v6 =	vadd.f32 v10, v6  }
0x2de: {  	v61 =	vld [tilespmem:s15+$0x11970];
	v7 =	vadd.f32 v56, v7;
	v3 =	vadd.f32 v3, v8  }
0x2df: {  	v5 =	vadd.f32 v57, v5;
	v4 =	vadd.f32 v4, v6  }
0x2e0: {  	v62 =	vadd.f32 v58, v7;
	v1 =	vadd.f32 v1, v3  }
0x2e1: {  	v3 =	vadd.f32 v59, v5;
	v2 =	vadd.f32 v2, v4  }
0x2e2: {  	s3 =	sadd.s32 $0x1, s3;
	v63 =	vadd.f32 v60, v62;
	v1 =	vmul.f32 $4.999999890e-03, v1  }
0x2e3: {  	p0 =	sne.s32 s3, $0x1F;
	v3 =	vadd.f32 v61, v3;
	v2 =	vmul.f32 $4.999999890e-03, v2  }
.Ltmp8:
0x2e4: {  	[tilespmem:s13+$0xC0] =	vst v1;
	v1 =	vmul.f32 $4.999999890e-03, v63;
	(pc) =	sbr.rel @p0 .LBB2_3-.Ltmp8, $4  }
0x2e5: {  	[tilespmem:s13+$0xD0] =	vst v2;
	v2 =	vmul.f32 $4.999999890e-03, v3  }
0x2e6: {  	[tilespmem:s13+$0xE0] =	vst v1  }
0x2e7: {  	s11 =	sadd.s32 $0x618, s11;
	[tilespmem:s13+$0xF0] =	vst v2  }
0x2e8: {  	[tilespmem:s24], [sflag:$0x8] =	stream.indirect.gather [hbm4b:s4+s9], $0x40, s11, s9, $0xb8;
	[tilespmem:$0x1B000] =	vst v63  }
0x2e9: {  	_ =	swait.ge [sflag:s25], $0x1900  }
0x2ea: {  	[sflag:s25] =	ssyncset.done $0x0  }
0x2eb: {  	s2 =	simm.s32 $0x0;
	[sflag:s25] =	ssyncadd.s32 $0xFFFFE700  }
0x2ec: {  	v4 =	vld [tilespmem:s2+$0x6A40]  }
0x2ed: {  	v5 =	vld [tilespmem:s2+$0x6A50]  }
0x2ee: {  	v6 =	vld [tilespmem:s2+$0x6A00]  }
0x2ef: {  	v7 =	vld [tilespmem:s2+$0x6A10]  }
0x2f0: {  	v10 =	vld [tilespmem:s2+$0x69C0]  }
0x2f1: {  	v11 =	vld [tilespmem:s2+$0x69D0]  }
0x2f2: {  	v13 =	vld [tilespmem:s2+$0x6980]  }
0x2f3: {  	v15 =	vld [tilespmem:s2+$0x6990]  }
0x2f4: {  	v16 =	vld [tilespmem:s2+$0x6940]  }
0x2f5: {  	v17 =	vld [tilespmem:s2+$0x6950]  }
0x2f6: {  	v19 =	vld [tilespmem:s2+$0x6900]  }
0x2f7: {  	v20 =	vld [tilespmem:s2+$0x6910]  }
0x2f8: {  	v14 =	vld [tilespmem:s2+$0x68C0]  }
0x2f9: {  	v18 =	vld [tilespmem:s2+$0x68D0]  }
0x2fa: {  	v9 =	vld [tilespmem:s2+$0x6880]  }
0x2fb: {  	v12 =	vld [tilespmem:s2+$0x6890]  }
0x2fc: {  	v21 =	vld [tilespmem:s2+$0x6840]  }
0x2fd: {  	v22 =	vld [tilespmem:s2+$0x6850]  }
0x2fe: {  	v23 =	vld [tilespmem:s2+$0x6800]  }
0x2ff: {  	v1 =	vimm.f32 $0.0e+00;
	v25 =	vld [tilespmem:s2+$0x6810]  }
0x300: {  	s3 =	simm.s32 $0xA00;
	v8 =	vimm.f32 $0.0e+00;
	v2 =	vimm.f32 $0.0e+00;
	v3 =	vimm.f32 $0.0e+00;
	v24 =	vld [tilespmem:s2+$0x6820]  }
.LBB2_21:
0x301: {  	p0 =	sne.s32 s3, $0x5A00;
	v0 =	vld [tilespmem:s2+$0x6830]  }
0x302: {  	v26 =	vld [tilespmem:s2+$0x6860]  }
0x303: {  	v27 =	vld [tilespmem:s2+$0x6870]  }
0x304: {  	v28 =	vld [tilespmem:s2+$0x68A0]  }
0x305: {  	v1 =	vadd.f32 v23, v1;
	v8 =	vadd.f32 v25, v8;
	v23 =	vld [tilespmem:s2+$0x68B0]  }
0x306: {  	v2 =	vadd.f32 v24, v2;
	v0 =	vadd.f32 v0, v3;
	v3 =	vld [tilespmem:s2+$0x68E0]  }
0x307: {  	v1 =	vadd.f32 v21, v1;
	v8 =	vadd.f32 v22, v8;
	v21 =	vld [tilespmem:s2+$0x68F0]  }
0x308: {  	v2 =	vadd.f32 v26, v2;
	v0 =	vadd.f32 v27, v0;
	v22 =	vld [tilespmem:s2+$0x6920]  }
0x309: {  	v1 =	vadd.f32 v9, v1;
	v8 =	vadd.f32 v12, v8;
	v9 =	vld [tilespmem:s2+$0x6930]  }
0x30a: {  	v2 =	vadd.f32 v28, v2;
	v0 =	vadd.f32 v23, v0;
	v12 =	vld [tilespmem:s2+$0x6960]  }
0x30b: {  	v1 =	vadd.f32 v14, v1;
	v8 =	vadd.f32 v18, v8;
	v14 =	vld [tilespmem:s2+$0x6970]  }
0x30c: {  	v2 =	vadd.f32 v3, v2;
	v0 =	vadd.f32 v21, v0;
	v3 =	vld [tilespmem:s2+$0x69A0]  }
0x30d: {  	v1 =	vadd.f32 v19, v1;
	v8 =	vadd.f32 v20, v8;
	v18 =	vld [tilespmem:s2+$0x69B0]  }
0x30e: {  	v2 =	vadd.f32 v22, v2;
	v0 =	vadd.f32 v9, v0;
	v9 =	vld [tilespmem:s2+$0x69E0]  }
0x30f: {  	v1 =	vadd.f32 v16, v1;
	v8 =	vadd.f32 v17, v8;
	v16 =	vld [tilespmem:s2+$0x69F0]  }
0x310: {  	v2 =	vadd.f32 v12, v2;
	v0 =	vadd.f32 v14, v0;
	v12 =	vld [tilespmem:s2+$0x6A20]  }
0x311: {  	v1 =	vadd.f32 v13, v1;
	v8 =	vadd.f32 v15, v8;
	v13 =	vld [tilespmem:s2+$0x6A30]  }
0x312: {  	v2 =	vadd.f32 v3, v2;
	v0 =	vadd.f32 v18, v0;
	v3 =	vld [tilespmem:s2+$0x6A60]  }
0x313: {  	v1 =	vadd.f32 v10, v1;
	v8 =	vadd.f32 v11, v8;
	v11 =	vld [tilespmem:s2+$0x6A70];
	s2 =	sshra.s32 s3, $0x2  }
0x314: {  	v2 =	vadd.f32 v9, v2;
	v14 =	vld [tilespmem:s2+$0x6A40];
	v0 =	vadd.f32 v16, v0  }
0x315: {  	v1 =	vadd.f32 v6, v1;
	v8 =	vadd.f32 v7, v8;
	v9 =	vld [tilespmem:s2+$0x6A50]  }
0x316: {  	v2 =	vadd.f32 v12, v2;
	v6 =	vld [tilespmem:s2+$0x6A00];
	v0 =	vadd.f32 v13, v0  }
0x317: {  	v1 =	vadd.f32 v4, v1;
	v8 =	vadd.f32 v5, v8;
	v7 =	vld [tilespmem:s2+$0x6A10]  }
0x318: {  	v2 =	vadd.f32 v3, v2;
	v10 =	vld [tilespmem:s2+$0x69C0];
	v3 =	vadd.f32 v11, v0  }
0x319: {  	v11 =	vld [tilespmem:s2+$0x69D0];
	v4 =	vmov v14  }
0x31a: {  	v13 =	vld [tilespmem:s2+$0x6980];
	v5 =	vmov v9  }
0x31b: {  	v15 =	vld [tilespmem:s2+$0x6990]  }
0x31c: {  	v16 =	vld [tilespmem:s2+$0x6940]  }
0x31d: {  	v17 =	vld [tilespmem:s2+$0x6950]  }
0x31e: {  	v19 =	vld [tilespmem:s2+$0x6900]  }
0x31f: {  	v20 =	vld [tilespmem:s2+$0x6910]  }
0x320: {  	v14 =	vld [tilespmem:s2+$0x68C0]  }
0x321: {  	v18 =	vld [tilespmem:s2+$0x68D0]  }
0x322: {  	v9 =	vld [tilespmem:s2+$0x6880]  }
0x323: {  	v12 =	vld [tilespmem:s2+$0x6890]  }
.Ltmp9:
0x324: {  	v21 =	vld [tilespmem:s2+$0x6840];
	(pc) =	sbr.rel @p0 .LBB2_21-.Ltmp9, $4  }
0x325: {  	v22 =	vld [tilespmem:s2+$0x6850]  }
0x326: {  	v23 =	vld [tilespmem:s2+$0x6800]  }
0x327: {  	v25 =	vld [tilespmem:s2+$0x6810]  }
0x328: {  	s3 =	sadd.s32 $0xA00, s3;
	v24 =	vld [tilespmem:s2+$0x6820]  }
0x329: {  	v26 =	vld [tilespmem:s2+$0x6830]  }
0x32a: {  	v27 =	vld [tilespmem:s2+$0x6860]  }
0x32b: {  	v28 =	vld [tilespmem:s2+$0x6870]  }
0x32c: {  	v29 =	vld [tilespmem:s2+$0x68A0]  }
0x32d: {  	v30 =	vld [tilespmem:s2+$0x68B0]  }
0x32e: {  	v31 =	vld [tilespmem:s2+$0x68E0]  }
0x32f: {  	v32 =	vld [tilespmem:s2+$0x68F0]  }
0x330: {  	v33 =	vld [tilespmem:s2+$0x6920]  }
0x331: {  	v34 =	vld [tilespmem:s2+$0x6930]  }
0x332: {  	v35 =	vld [tilespmem:s2+$0x6960]  }
0x333: {  	v36 =	vld [tilespmem:s2+$0x6970]  }
0x334: {  	v37 =	vld [tilespmem:s2+$0x69A0]  }
0x335: {  	v38 =	vld [tilespmem:s2+$0x69B0]  }
0x336: {  	v39 =	vld [tilespmem:s2+$0x69E0]  }
0x337: {  	v40 =	vld [tilespmem:s2+$0x69F0]  }
0x338: {  	v41 =	vld [tilespmem:s2+$0x6A20]  }
0x339: {  	v42 =	vld [tilespmem:s2+$0x6A30]  }
0x33a: {  	v43 =	vld [tilespmem:s2+$0x6A60]  }
0x33b: {  	v44 =	vld [tilespmem:s2+$0x6A70];
	_ =	swait.ge [sflag:s26], $0x1900  }
0x33c: {  	[sflag:s26] =	ssyncset.done $0x0  }
0x33d: {  	s2 =	simm.s32 $0x0;
	[sflag:s26] =	ssyncadd.s32 $0xFFFFE700  }
0x33e: {  	v0 =	vld [tilespmem:s2+$0x8340]  }
0x33f: {  	v23 =	vadd.f32 v23, v1;
	v8 =	vadd.f32 v25, v8;
	v1 =	vld [tilespmem:s2+$0x8350]  }
0x340: {  	v24 =	vadd.f32 v24, v2;
	v2 =	vld [tilespmem:s2+$0x8300];
	v25 =	vadd.f32 v26, v3  }
0x341: {  	v21 =	vadd.f32 v21, v23;
	v22 =	vadd.f32 v22, v8;
	v3 =	vld [tilespmem:s2+$0x8310]  }
0x342: {  	v8 =	vld [tilespmem:s2+$0x82C0];
	v23 =	vadd.f32 v27, v24;
	v24 =	vadd.f32 v28, v25  }
0x343: {  	v21 =	vadd.f32 v9, v21;
	v9 =	vld [tilespmem:s2+$0x82D0];
	v22 =	vadd.f32 v12, v22  }
0x344: {  	v12 =	vld [tilespmem:s2+$0x8280];
	v23 =	vadd.f32 v29, v23;
	v24 =	vadd.f32 v30, v24  }
0x345: {  	v21 =	vadd.f32 v14, v21;
	v14 =	vld [tilespmem:s2+$0x8290];
	v22 =	vadd.f32 v18, v22  }
0x346: {  	v18 =	vld [tilespmem:s2+$0x8240];
	v23 =	vadd.f32 v31, v23;
	v24 =	vadd.f32 v32, v24  }
0x347: {  	v21 =	vadd.f32 v19, v21;
	v19 =	vld [tilespmem:s2+$0x8250];
	v22 =	vadd.f32 v20, v22  }
0x348: {  	v20 =	vld [tilespmem:s2+$0x8200];
	v23 =	vadd.f32 v33, v23;
	v24 =	vadd.f32 v34, v24  }
0x349: {  	v21 =	vadd.f32 v16, v21;
	v16 =	vld [tilespmem:s2+$0x8210];
	v22 =	vadd.f32 v17, v22  }
0x34a: {  	v17 =	vld [tilespmem:s2+$0x81C0];
	v23 =	vadd.f32 v35, v23;
	v24 =	vadd.f32 v36, v24  }
0x34b: {  	v21 =	vadd.f32 v13, v21;
	v13 =	vld [tilespmem:s2+$0x81D0];
	v22 =	vadd.f32 v15, v22  }
0x34c: {  	v15 =	vld [tilespmem:s2+$0x8180];
	v23 =	vadd.f32 v37, v23;
	v24 =	vadd.f32 v38, v24  }
0x34d: {  	v21 =	vadd.f32 v10, v21;
	v10 =	vld [tilespmem:s2+$0x8190];
	v22 =	vadd.f32 v11, v22  }
0x34e: {  	v11 =	vld [tilespmem:s2+$0x8140];
	v23 =	vadd.f32 v39, v23;
	v24 =	vadd.f32 v40, v24  }
0x34f: {  	v6 =	vadd.f32 v6, v21;
	v21 =	vld [tilespmem:s2+$0x8150];
	v25 =	vadd.f32 v7, v22  }
0x350: {  	v22 =	vld [tilespmem:s2+$0x8100];
	v26 =	vadd.f32 v41, v23;
	v24 =	vadd.f32 v42, v24  }
0x351: {  	v7 =	vadd.f32 v4, v6;
	v23 =	vld [tilespmem:s2+$0x8110];
	v5 =	vadd.f32 v5, v25  }
0x352: {  	s3 =	simm.s32 $0xA00;
	v6 =	vadd.f32 v43, v26;
	v4 =	vadd.f32 v44, v24;
	v24 =	vld [tilespmem:s2+$0x8120]  }
.LBB2_23:
0x353: {  	p0 =	sne.s32 s3, $0x5A00;
	v25 =	vld [tilespmem:s2+$0x8130]  }
0x354: {  	v26 =	vld [tilespmem:s2+$0x8160]  }
0x355: {  	v27 =	vld [tilespmem:s2+$0x8170]  }
0x356: {  	v28 =	vld [tilespmem:s2+$0x81A0]  }
0x357: {  	v7 =	vadd.f32 v22, v7;
	v5 =	vadd.f32 v23, v5;
	v22 =	vld [tilespmem:s2+$0x81B0]  }
0x358: {  	v6 =	vadd.f32 v24, v6;
	v4 =	vadd.f32 v25, v4;
	v23 =	vld [tilespmem:s2+$0x81E0]  }
0x359: {  	v7 =	vadd.f32 v11, v7;
	v5 =	vadd.f32 v21, v5;
	v11 =	vld [tilespmem:s2+$0x81F0]  }
0x35a: {  	v6 =	vadd.f32 v26, v6;
	v4 =	vadd.f32 v27, v4;
	v21 =	vld [tilespmem:s2+$0x8220]  }
0x35b: {  	v7 =	vadd.f32 v15, v7;
	v5 =	vadd.f32 v10, v5;
	v10 =	vld [tilespmem:s2+$0x8230]  }
0x35c: {  	v6 =	vadd.f32 v28, v6;
	v4 =	vadd.f32 v22, v4;
	v15 =	vld [tilespmem:s2+$0x8260]  }
0x35d: {  	v7 =	vadd.f32 v17, v7;
	v5 =	vadd.f32 v13, v5;
	v13 =	vld [tilespmem:s2+$0x8270]  }
0x35e: {  	v6 =	vadd.f32 v23, v6;
	v4 =	vadd.f32 v11, v4;
	v11 =	vld [tilespmem:s2+$0x82A0]  }
0x35f: {  	v7 =	vadd.f32 v20, v7;
	v5 =	vadd.f32 v16, v5;
	v16 =	vld [tilespmem:s2+$0x82B0]  }
0x360: {  	v6 =	vadd.f32 v21, v6;
	v4 =	vadd.f32 v10, v4;
	v10 =	vld [tilespmem:s2+$0x82E0]  }
0x361: {  	v7 =	vadd.f32 v18, v7;
	v5 =	vadd.f32 v19, v5;
	v17 =	vld [tilespmem:s2+$0x82F0]  }
0x362: {  	v6 =	vadd.f32 v15, v6;
	v4 =	vadd.f32 v13, v4;
	v13 =	vld [tilespmem:s2+$0x8320]  }
0x363: {  	v7 =	vadd.f32 v12, v7;
	v5 =	vadd.f32 v14, v5;
	v12 =	vld [tilespmem:s2+$0x8330]  }
0x364: {  	v6 =	vadd.f32 v11, v6;
	v4 =	vadd.f32 v16, v4;
	v11 =	vld [tilespmem:s2+$0x8360]  }
0x365: {  	v7 =	vadd.f32 v8, v7;
	v5 =	vadd.f32 v9, v5;
	v9 =	vld [tilespmem:s2+$0x8370];
	s2 =	sshra.s32 s3, $0x2  }
0x366: {  	v6 =	vadd.f32 v10, v6;
	v14 =	vld [tilespmem:s2+$0x8340];
	v4 =	vadd.f32 v17, v4  }
0x367: {  	v7 =	vadd.f32 v2, v7;
	v5 =	vadd.f32 v3, v5;
	v10 =	vld [tilespmem:s2+$0x8350]  }
0x368: {  	v6 =	vadd.f32 v13, v6;
	v2 =	vld [tilespmem:s2+$0x8300];
	v4 =	vadd.f32 v12, v4  }
0x369: {  	v7 =	vadd.f32 v0, v7;
	v5 =	vadd.f32 v1, v5;
	v3 =	vld [tilespmem:s2+$0x8310]  }
0x36a: {  	v6 =	vadd.f32 v11, v6;
	v8 =	vld [tilespmem:s2+$0x82C0];
	v4 =	vadd.f32 v9, v4  }
0x36b: {  	v9 =	vld [tilespmem:s2+$0x82D0];
	v0 =	vmov v14  }
0x36c: {  	v12 =	vld [tilespmem:s2+$0x8280];
	v1 =	vmov v10  }
0x36d: {  	v14 =	vld [tilespmem:s2+$0x8290]  }
0x36e: {  	v18 =	vld [tilespmem:s2+$0x8240]  }
0x36f: {  	v19 =	vld [tilespmem:s2+$0x8250]  }
0x370: {  	v20 =	vld [tilespmem:s2+$0x8200]  }
0x371: {  	v16 =	vld [tilespmem:s2+$0x8210]  }
0x372: {  	v17 =	vld [tilespmem:s2+$0x81C0]  }
0x373: {  	v13 =	vld [tilespmem:s2+$0x81D0]  }
0x374: {  	v15 =	vld [tilespmem:s2+$0x8180]  }
0x375: {  	v10 =	vld [tilespmem:s2+$0x8190]  }
.Ltmp10:
0x376: {  	v11 =	vld [tilespmem:s2+$0x8140];
	(pc) =	sbr.rel @p0 .LBB2_23-.Ltmp10, $4  }
0x377: {  	v21 =	vld [tilespmem:s2+$0x8150]  }
0x378: {  	v22 =	vld [tilespmem:s2+$0x8100]  }
0x379: {  	v23 =	vld [tilespmem:s2+$0x8110]  }
0x37a: {  	s3 =	sadd.s32 $0xA00, s3;
	v24 =	vld [tilespmem:s2+$0x8120]  }
0x37b: {  	v25 =	vld [tilespmem:s2+$0x8130]  }
0x37c: {  	v26 =	vld [tilespmem:s2+$0x8160]  }
0x37d: {  	v27 =	vld [tilespmem:s2+$0x8170];
	v7 =	vadd.f32 v22, v7  }
0x37e: {  	v22 =	vld [tilespmem:s2+$0x81A0];
	v5 =	vadd.f32 v23, v5  }
0x37f: {  	v23 =	vld [tilespmem:s2+$0x81B0];
	v6 =	vadd.f32 v24, v6;
	v7 =	vadd.f32 v11, v7  }
0x380: {  	v11 =	vld [tilespmem:s2+$0x81E0];
	v4 =	vadd.f32 v25, v4;
	v5 =	vadd.f32 v21, v5  }
0x381: {  	v21 =	vld [tilespmem:s2+$0x81F0];
	v6 =	vadd.f32 v26, v6;
	v7 =	vadd.f32 v15, v7  }
0x382: {  	v15 =	vld [tilespmem:s2+$0x8220];
	v4 =	vadd.f32 v27, v4;
	v5 =	vadd.f32 v10, v5  }
0x383: {  	v10 =	vld [tilespmem:s2+$0x8230];
	v6 =	vadd.f32 v22, v6;
	v7 =	vadd.f32 v17, v7  }
0x384: {  	v17 =	vld [tilespmem:s2+$0x8260];
	v4 =	vadd.f32 v23, v4;
	v5 =	vadd.f32 v13, v5  }
0x385: {  	v13 =	vld [tilespmem:s2+$0x8270];
	v6 =	vadd.f32 v11, v6;
	v7 =	vadd.f32 v20, v7  }
0x386: {  	v11 =	vld [tilespmem:s2+$0x82A0];
	v4 =	vadd.f32 v21, v4;
	v5 =	vadd.f32 v16, v5  }
0x387: {  	v16 =	vld [tilespmem:s2+$0x82B0];
	v6 =	vadd.f32 v15, v6;
	v7 =	vadd.f32 v18, v7  }
0x388: {  	v4 =	vadd.f32 v10, v4;
	v10 =	vld [tilespmem:s2+$0x82E0];
	v5 =	vadd.f32 v19, v5  }
0x389: {  	v15 =	vld [tilespmem:s2+$0x82F0];
	v6 =	vadd.f32 v17, v6;
	v7 =	vadd.f32 v12, v7  }
0x38a: {  	v12 =	vld [tilespmem:s2+$0x8320];
	v4 =	vadd.f32 v13, v4;
	v5 =	vadd.f32 v14, v5  }
0x38b: {  	v13 =	vld [tilespmem:s2+$0x8330];
	v6 =	vadd.f32 v11, v6;
	v7 =	vadd.f32 v8, v7  }
0x38c: {  	v8 =	vld [tilespmem:s2+$0x8360];
	v4 =	vadd.f32 v16, v4;
	v5 =	vadd.f32 v9, v5  }
0x38d: {  	v9 =	vld [tilespmem:s2+$0x8370];
	v6 =	vadd.f32 v10, v6;
	v2 =	vadd.f32 v2, v7  }
0x38e: {  	v4 =	vadd.f32 v15, v4;
	v3 =	vadd.f32 v3, v5  }
0x38f: {  	v5 =	vadd.f32 v12, v6;
	v0 =	vadd.f32 v0, v2  }
0x390: {  	v2 =	vadd.f32 v13, v4;
	v1 =	vadd.f32 v1, v3  }
0x391: {  	v3 =	vadd.f32 v8, v5;
	v0 =	vmul.f32 $4.999999890e-03, v0  }
0x392: {  	v2 =	vadd.f32 v9, v2;
	v1 =	vmul.f32 $4.999999890e-03, v1  }
0x393: {  	[tilespmem:s7+$0x14F00] =	vst v0;
	v0 =	vmul.f32 $4.999999890e-03, v3  }
0x394: {  	[tilespmem:s7+$0x14F10] =	vst v1;
	v1 =	vmul.f32 $4.999999890e-03, v2  }
0x395: {  	[tilespmem:s7+$0x14F20] =	vst v0  }
0x396: {  	[tilespmem:s7+$0x14F30] =	vst v1  }
0x397: {  	_ =	swait.ge [sflag:s28], $0x1900  }
0x398: {  	[sflag:s28] =	ssyncset.done $0x0  }
0x399: {  	s2 =	simm.s32 $0x0;
	[sflag:s28] =	ssyncadd.s32 $0xFFFFE700  }
0x39a: {  	v4 =	vld [tilespmem:s2+$0x9C40]  }
0x39b: {  	v5 =	vld [tilespmem:s2+$0x9C50]  }
0x39c: {  	v6 =	vld [tilespmem:s2+$0x9C00]  }
0x39d: {  	v7 =	vld [tilespmem:s2+$0x9C10]  }
0x39e: {  	v10 =	vld [tilespmem:s2+$0x9BC0]  }
0x39f: {  	v11 =	vld [tilespmem:s2+$0x9BD0]  }
0x3a0: {  	v13 =	vld [tilespmem:s2+$0x9B80]  }
0x3a1: {  	v15 =	vld [tilespmem:s2+$0x9B90]  }
0x3a2: {  	v16 =	vld [tilespmem:s2+$0x9B40]  }
0x3a3: {  	v17 =	vld [tilespmem:s2+$0x9B50]  }
0x3a4: {  	v19 =	vld [tilespmem:s2+$0x9B00]  }
0x3a5: {  	v20 =	vld [tilespmem:s2+$0x9B10]  }
0x3a6: {  	v14 =	vld [tilespmem:s2+$0x9AC0]  }
0x3a7: {  	v18 =	vld [tilespmem:s2+$0x9AD0]  }
0x3a8: {  	v9 =	vld [tilespmem:s2+$0x9A80]  }
0x3a9: {  	v12 =	vld [tilespmem:s2+$0x9A90]  }
0x3aa: {  	v21 =	vld [tilespmem:s2+$0x9A40]  }
0x3ab: {  	v22 =	vld [tilespmem:s2+$0x9A50]  }
0x3ac: {  	v23 =	vld [tilespmem:s2+$0x9A00]  }
0x3ad: {  	v8 =	vimm.f32 $0.0e+00;
	v25 =	vld [tilespmem:s2+$0x9A10]  }
0x3ae: {  	s3 =	simm.s32 $0xA00;
	v3 =	vimm.f32 $0.0e+00;
	v2 =	vimm.f32 $0.0e+00;
	v1 =	vimm.f32 $0.0e+00;
	v24 =	vld [tilespmem:s2+$0x9A20]  }
.LBB2_25:
0x3af: {  	p0 =	sne.s32 s3, $0x5A00;
	v0 =	vld [tilespmem:s2+$0x9A30]  }
0x3b0: {  	v26 =	vld [tilespmem:s2+$0x9A60]  }
0x3b1: {  	v27 =	vld [tilespmem:s2+$0x9A70]  }
0x3b2: {  	v28 =	vld [tilespmem:s2+$0x9AA0]  }
0x3b3: {  	v1 =	vadd.f32 v23, v1;
	v8 =	vadd.f32 v25, v8;
	v23 =	vld [tilespmem:s2+$0x9AB0]  }
0x3b4: {  	v2 =	vadd.f32 v24, v2;
	v0 =	vadd.f32 v0, v3;
	v3 =	vld [tilespmem:s2+$0x9AE0]  }
0x3b5: {  	v1 =	vadd.f32 v21, v1;
	v8 =	vadd.f32 v22, v8;
	v21 =	vld [tilespmem:s2+$0x9AF0]  }
0x3b6: {  	v2 =	vadd.f32 v26, v2;
	v0 =	vadd.f32 v27, v0;
	v22 =	vld [tilespmem:s2+$0x9B20]  }
0x3b7: {  	v1 =	vadd.f32 v9, v1;
	v8 =	vadd.f32 v12, v8;
	v9 =	vld [tilespmem:s2+$0x9B30]  }
0x3b8: {  	v2 =	vadd.f32 v28, v2;
	v0 =	vadd.f32 v23, v0;
	v12 =	vld [tilespmem:s2+$0x9B60]  }
0x3b9: {  	v1 =	vadd.f32 v14, v1;
	v8 =	vadd.f32 v18, v8;
	v14 =	vld [tilespmem:s2+$0x9B70]  }
0x3ba: {  	v2 =	vadd.f32 v3, v2;
	v0 =	vadd.f32 v21, v0;
	v3 =	vld [tilespmem:s2+$0x9BA0]  }
0x3bb: {  	v1 =	vadd.f32 v19, v1;
	v8 =	vadd.f32 v20, v8;
	v18 =	vld [tilespmem:s2+$0x9BB0]  }
0x3bc: {  	v2 =	vadd.f32 v22, v2;
	v0 =	vadd.f32 v9, v0;
	v9 =	vld [tilespmem:s2+$0x9BE0]  }
0x3bd: {  	v1 =	vadd.f32 v16, v1;
	v8 =	vadd.f32 v17, v8;
	v16 =	vld [tilespmem:s2+$0x9BF0]  }
0x3be: {  	v2 =	vadd.f32 v12, v2;
	v0 =	vadd.f32 v14, v0;
	v12 =	vld [tilespmem:s2+$0x9C20]  }
0x3bf: {  	v1 =	vadd.f32 v13, v1;
	v8 =	vadd.f32 v15, v8;
	v13 =	vld [tilespmem:s2+$0x9C30]  }
0x3c0: {  	v2 =	vadd.f32 v3, v2;
	v0 =	vadd.f32 v18, v0;
	v3 =	vld [tilespmem:s2+$0x9C60]  }
0x3c1: {  	v1 =	vadd.f32 v10, v1;
	v8 =	vadd.f32 v11, v8;
	v11 =	vld [tilespmem:s2+$0x9C70];
	s2 =	sshra.s32 s3, $0x2  }
0x3c2: {  	v2 =	vadd.f32 v9, v2;
	v14 =	vld [tilespmem:s2+$0x9C40];
	v0 =	vadd.f32 v16, v0  }
0x3c3: {  	v1 =	vadd.f32 v6, v1;
	v8 =	vadd.f32 v7, v8;
	v9 =	vld [tilespmem:s2+$0x9C50]  }
0x3c4: {  	v2 =	vadd.f32 v12, v2;
	v6 =	vld [tilespmem:s2+$0x9C00];
	v0 =	vadd.f32 v13, v0  }
0x3c5: {  	v1 =	vadd.f32 v4, v1;
	v8 =	vadd.f32 v5, v8;
	v7 =	vld [tilespmem:s2+$0x9C10]  }
0x3c6: {  	v2 =	vadd.f32 v3, v2;
	v10 =	vld [tilespmem:s2+$0x9BC0];
	v3 =	vadd.f32 v11, v0  }
0x3c7: {  	v11 =	vld [tilespmem:s2+$0x9BD0];
	v4 =	vmov v14  }
0x3c8: {  	v13 =	vld [tilespmem:s2+$0x9B80];
	v5 =	vmov v9  }
0x3c9: {  	v15 =	vld [tilespmem:s2+$0x9B90]  }
0x3ca: {  	v16 =	vld [tilespmem:s2+$0x9B40]  }
0x3cb: {  	v17 =	vld [tilespmem:s2+$0x9B50]  }
0x3cc: {  	v19 =	vld [tilespmem:s2+$0x9B00]  }
0x3cd: {  	v20 =	vld [tilespmem:s2+$0x9B10]  }
0x3ce: {  	v14 =	vld [tilespmem:s2+$0x9AC0]  }
0x3cf: {  	v18 =	vld [tilespmem:s2+$0x9AD0]  }
0x3d0: {  	v9 =	vld [tilespmem:s2+$0x9A80]  }
0x3d1: {  	v12 =	vld [tilespmem:s2+$0x9A90]  }
.Ltmp11:
0x3d2: {  	v21 =	vld [tilespmem:s2+$0x9A40];
	(pc) =	sbr.rel @p0 .LBB2_25-.Ltmp11, $4  }
0x3d3: {  	v22 =	vld [tilespmem:s2+$0x9A50]  }
0x3d4: {  	v23 =	vld [tilespmem:s2+$0x9A00]  }
0x3d5: {  	v25 =	vld [tilespmem:s2+$0x9A10]  }
0x3d6: {  	s3 =	sadd.s32 $0xA00, s3;
	v24 =	vld [tilespmem:s2+$0x9A20]  }
0x3d7: {  	v26 =	vld [tilespmem:s2+$0x9A30]  }
0x3d8: {  	v27 =	vld [tilespmem:s2+$0x9A60]  }
0x3d9: {  	v28 =	vld [tilespmem:s2+$0x9A70]  }
0x3da: {  	v29 =	vld [tilespmem:s2+$0x9AA0]  }
0x3db: {  	v30 =	vld [tilespmem:s2+$0x9AB0]  }
0x3dc: {  	v31 =	vld [tilespmem:s2+$0x9AE0]  }
0x3dd: {  	v32 =	vld [tilespmem:s2+$0x9AF0]  }
0x3de: {  	v33 =	vld [tilespmem:s2+$0x9B20]  }
0x3df: {  	v34 =	vld [tilespmem:s2+$0x9B30]  }
0x3e0: {  	v35 =	vld [tilespmem:s2+$0x9B60]  }
0x3e1: {  	v36 =	vld [tilespmem:s2+$0x9B70]  }
0x3e2: {  	v37 =	vld [tilespmem:s2+$0x9BA0]  }
0x3e3: {  	v38 =	vld [tilespmem:s2+$0x9BB0]  }
0x3e4: {  	v39 =	vld [tilespmem:s2+$0x9BE0]  }
0x3e5: {  	v40 =	vld [tilespmem:s2+$0x9BF0]  }
0x3e6: {  	v41 =	vld [tilespmem:s2+$0x9C20]  }
0x3e7: {  	v42 =	vld [tilespmem:s2+$0x9C30]  }
0x3e8: {  	v43 =	vld [tilespmem:s2+$0x9C60]  }
0x3e9: {  	v44 =	vld [tilespmem:s2+$0x9C70];
	_ =	swait.ge [sflag:s29], $0x1900  }
0x3ea: {  	[sflag:s29] =	ssyncset.done $0x0  }
0x3eb: {  	s2 =	simm.s32 $0x0;
	[sflag:s29] =	ssyncadd.s32 $0xFFFFE700  }
0x3ec: {  	v0 =	vld [tilespmem:s2+$0xB540]  }
0x3ed: {  	v23 =	vadd.f32 v23, v1;
	v8 =	vadd.f32 v25, v8;
	v1 =	vld [tilespmem:s2+$0xB550]  }
0x3ee: {  	v24 =	vadd.f32 v24, v2;
	v2 =	vld [tilespmem:s2+$0xB500];
	v25 =	vadd.f32 v26, v3  }
0x3ef: {  	v21 =	vadd.f32 v21, v23;
	v22 =	vadd.f32 v22, v8;
	v3 =	vld [tilespmem:s2+$0xB510]  }
0x3f0: {  	v8 =	vld [tilespmem:s2+$0xB4C0];
	v23 =	vadd.f32 v27, v24;
	v24 =	vadd.f32 v28, v25  }
0x3f1: {  	v21 =	vadd.f32 v9, v21;
	v9 =	vld [tilespmem:s2+$0xB4D0];
	v22 =	vadd.f32 v12, v22  }
0x3f2: {  	v12 =	vld [tilespmem:s2+$0xB480];
	v23 =	vadd.f32 v29, v23;
	v24 =	vadd.f32 v30, v24  }
0x3f3: {  	v21 =	vadd.f32 v14, v21;
	v14 =	vld [tilespmem:s2+$0xB490];
	v22 =	vadd.f32 v18, v22  }
0x3f4: {  	v18 =	vld [tilespmem:s2+$0xB440];
	v23 =	vadd.f32 v31, v23;
	v24 =	vadd.f32 v32, v24  }
0x3f5: {  	v21 =	vadd.f32 v19, v21;
	v19 =	vld [tilespmem:s2+$0xB450];
	v22 =	vadd.f32 v20, v22  }
0x3f6: {  	v20 =	vld [tilespmem:s2+$0xB400];
	v23 =	vadd.f32 v33, v23;
	v24 =	vadd.f32 v34, v24  }
0x3f7: {  	v21 =	vadd.f32 v16, v21;
	v16 =	vld [tilespmem:s2+$0xB410];
	v22 =	vadd.f32 v17, v22  }
0x3f8: {  	v17 =	vld [tilespmem:s2+$0xB3C0];
	v23 =	vadd.f32 v35, v23;
	v24 =	vadd.f32 v36, v24  }
0x3f9: {  	v21 =	vadd.f32 v13, v21;
	v13 =	vld [tilespmem:s2+$0xB3D0];
	v22 =	vadd.f32 v15, v22  }
0x3fa: {  	v15 =	vld [tilespmem:s2+$0xB380];
	v23 =	vadd.f32 v37, v23;
	v24 =	vadd.f32 v38, v24  }
0x3fb: {  	v21 =	vadd.f32 v10, v21;
	v10 =	vld [tilespmem:s2+$0xB390];
	v22 =	vadd.f32 v11, v22  }
0x3fc: {  	v11 =	vld [tilespmem:s2+$0xB340];
	v23 =	vadd.f32 v39, v23;
	v24 =	vadd.f32 v40, v24  }
0x3fd: {  	v6 =	vadd.f32 v6, v21;
	v21 =	vld [tilespmem:s2+$0xB350];
	v25 =	vadd.f32 v7, v22  }
0x3fe: {  	v22 =	vld [tilespmem:s2+$0xB300];
	v26 =	vadd.f32 v41, v23;
	v24 =	vadd.f32 v42, v24  }
0x3ff: {  	v7 =	vadd.f32 v4, v6;
	v23 =	vld [tilespmem:s2+$0xB310];
	v5 =	vadd.f32 v5, v25  }
0x400: {  	s3 =	simm.s32 $0xA00;
	v6 =	vadd.f32 v43, v26;
	v4 =	vadd.f32 v44, v24;
	v24 =	vld [tilespmem:s2+$0xB320]  }
.LBB2_27:
0x401: {  	p0 =	sne.s32 s3, $0x5A00;
	v25 =	vld [tilespmem:s2+$0xB330]  }
0x402: {  	v26 =	vld [tilespmem:s2+$0xB360]  }
0x403: {  	v27 =	vld [tilespmem:s2+$0xB370]  }
0x404: {  	v28 =	vld [tilespmem:s2+$0xB3A0]  }
0x405: {  	v7 =	vadd.f32 v22, v7;
	v5 =	vadd.f32 v23, v5;
	v22 =	vld [tilespmem:s2+$0xB3B0]  }
0x406: {  	v6 =	vadd.f32 v24, v6;
	v4 =	vadd.f32 v25, v4;
	v23 =	vld [tilespmem:s2+$0xB3E0]  }
0x407: {  	v7 =	vadd.f32 v11, v7;
	v5 =	vadd.f32 v21, v5;
	v11 =	vld [tilespmem:s2+$0xB3F0]  }
0x408: {  	v6 =	vadd.f32 v26, v6;
	v4 =	vadd.f32 v27, v4;
	v21 =	vld [tilespmem:s2+$0xB420]  }
0x409: {  	v7 =	vadd.f32 v15, v7;
	v5 =	vadd.f32 v10, v5;
	v10 =	vld [tilespmem:s2+$0xB430]  }
0x40a: {  	v6 =	vadd.f32 v28, v6;
	v4 =	vadd.f32 v22, v4;
	v15 =	vld [tilespmem:s2+$0xB460]  }
0x40b: {  	v7 =	vadd.f32 v17, v7;
	v5 =	vadd.f32 v13, v5;
	v13 =	vld [tilespmem:s2+$0xB470]  }
0x40c: {  	v6 =	vadd.f32 v23, v6;
	v4 =	vadd.f32 v11, v4;
	v11 =	vld [tilespmem:s2+$0xB4A0]  }
0x40d: {  	v7 =	vadd.f32 v20, v7;
	v5 =	vadd.f32 v16, v5;
	v16 =	vld [tilespmem:s2+$0xB4B0]  }
0x40e: {  	v6 =	vadd.f32 v21, v6;
	v4 =	vadd.f32 v10, v4;
	v10 =	vld [tilespmem:s2+$0xB4E0]  }
0x40f: {  	v7 =	vadd.f32 v18, v7;
	v5 =	vadd.f32 v19, v5;
	v17 =	vld [tilespmem:s2+$0xB4F0]  }
0x410: {  	v6 =	vadd.f32 v15, v6;
	v4 =	vadd.f32 v13, v4;
	v13 =	vld [tilespmem:s2+$0xB520]  }
0x411: {  	v7 =	vadd.f32 v12, v7;
	v5 =	vadd.f32 v14, v5;
	v12 =	vld [tilespmem:s2+$0xB530]  }
0x412: {  	v6 =	vadd.f32 v11, v6;
	v4 =	vadd.f32 v16, v4;
	v11 =	vld [tilespmem:s2+$0xB560]  }
0x413: {  	v7 =	vadd.f32 v8, v7;
	v5 =	vadd.f32 v9, v5;
	v9 =	vld [tilespmem:s2+$0xB570];
	s2 =	sshra.s32 s3, $0x2  }
0x414: {  	v6 =	vadd.f32 v10, v6;
	v14 =	vld [tilespmem:s2+$0xB540];
	v4 =	vadd.f32 v17, v4  }
0x415: {  	v7 =	vadd.f32 v2, v7;
	v5 =	vadd.f32 v3, v5;
	v10 =	vld [tilespmem:s2+$0xB550]  }
0x416: {  	v6 =	vadd.f32 v13, v6;
	v2 =	vld [tilespmem:s2+$0xB500];
	v4 =	vadd.f32 v12, v4  }
0x417: {  	v7 =	vadd.f32 v0, v7;
	v5 =	vadd.f32 v1, v5;
	v3 =	vld [tilespmem:s2+$0xB510]  }
0x418: {  	v6 =	vadd.f32 v11, v6;
	v8 =	vld [tilespmem:s2+$0xB4C0];
	v4 =	vadd.f32 v9, v4  }
0x419: {  	v9 =	vld [tilespmem:s2+$0xB4D0];
	v0 =	vmov v14  }
0x41a: {  	v12 =	vld [tilespmem:s2+$0xB480];
	v1 =	vmov v10  }
0x41b: {  	v14 =	vld [tilespmem:s2+$0xB490]  }
0x41c: {  	v18 =	vld [tilespmem:s2+$0xB440]  }
0x41d: {  	v19 =	vld [tilespmem:s2+$0xB450]  }
0x41e: {  	v20 =	vld [tilespmem:s2+$0xB400]  }
0x41f: {  	v16 =	vld [tilespmem:s2+$0xB410]  }
0x420: {  	v17 =	vld [tilespmem:s2+$0xB3C0]  }
0x421: {  	v13 =	vld [tilespmem:s2+$0xB3D0]  }
0x422: {  	v15 =	vld [tilespmem:s2+$0xB380]  }
0x423: {  	v10 =	vld [tilespmem:s2+$0xB390]  }
.Ltmp12:
0x424: {  	v11 =	vld [tilespmem:s2+$0xB340];
	(pc) =	sbr.rel @p0 .LBB2_27-.Ltmp12, $4  }
0x425: {  	v21 =	vld [tilespmem:s2+$0xB350]  }
0x426: {  	v22 =	vld [tilespmem:s2+$0xB300]  }
0x427: {  	v23 =	vld [tilespmem:s2+$0xB310]  }
0x428: {  	s3 =	sadd.s32 $0xA00, s3;
	v24 =	vld [tilespmem:s2+$0xB320]  }
0x429: {  	v25 =	vld [tilespmem:s2+$0xB330]  }
0x42a: {  	v26 =	vld [tilespmem:s2+$0xB360]  }
0x42b: {  	v27 =	vld [tilespmem:s2+$0xB370];
	v7 =	vadd.f32 v22, v7  }
0x42c: {  	v22 =	vld [tilespmem:s2+$0xB3A0];
	v5 =	vadd.f32 v23, v5  }
0x42d: {  	v23 =	vld [tilespmem:s2+$0xB3B0];
	v6 =	vadd.f32 v24, v6;
	v7 =	vadd.f32 v11, v7  }
0x42e: {  	v11 =	vld [tilespmem:s2+$0xB3E0];
	v4 =	vadd.f32 v25, v4;
	v5 =	vadd.f32 v21, v5  }
0x42f: {  	v21 =	vld [tilespmem:s2+$0xB3F0];
	v6 =	vadd.f32 v26, v6;
	v7 =	vadd.f32 v15, v7  }
0x430: {  	v15 =	vld [tilespmem:s2+$0xB420];
	v4 =	vadd.f32 v27, v4;
	v5 =	vadd.f32 v10, v5  }
0x431: {  	v10 =	vld [tilespmem:s2+$0xB430];
	v6 =	vadd.f32 v22, v6;
	v7 =	vadd.f32 v17, v7  }
0x432: {  	v17 =	vld [tilespmem:s2+$0xB460];
	v4 =	vadd.f32 v23, v4;
	v5 =	vadd.f32 v13, v5  }
0x433: {  	v13 =	vld [tilespmem:s2+$0xB470];
	v6 =	vadd.f32 v11, v6;
	v7 =	vadd.f32 v20, v7  }
0x434: {  	v11 =	vld [tilespmem:s2+$0xB4A0];
	v4 =	vadd.f32 v21, v4;
	v5 =	vadd.f32 v16, v5  }
0x435: {  	v16 =	vld [tilespmem:s2+$0xB4B0];
	v6 =	vadd.f32 v15, v6;
	v7 =	vadd.f32 v18, v7  }
0x436: {  	v4 =	vadd.f32 v10, v4;
	v10 =	vld [tilespmem:s2+$0xB4E0];
	v5 =	vadd.f32 v19, v5  }
0x437: {  	v15 =	vld [tilespmem:s2+$0xB4F0];
	v6 =	vadd.f32 v17, v6;
	v7 =	vadd.f32 v12, v7  }
0x438: {  	v12 =	vld [tilespmem:s2+$0xB520];
	v4 =	vadd.f32 v13, v4;
	v5 =	vadd.f32 v14, v5  }
0x439: {  	v13 =	vld [tilespmem:s2+$0xB530];
	v6 =	vadd.f32 v11, v6;
	v7 =	vadd.f32 v8, v7  }
0x43a: {  	v8 =	vld [tilespmem:s2+$0xB560];
	v4 =	vadd.f32 v16, v4;
	v5 =	vadd.f32 v9, v5  }
0x43b: {  	v9 =	vld [tilespmem:s2+$0xB570];
	v6 =	vadd.f32 v10, v6;
	v2 =	vadd.f32 v2, v7  }
0x43c: {  	v4 =	vadd.f32 v15, v4;
	v3 =	vadd.f32 v3, v5  }
0x43d: {  	v5 =	vadd.f32 v12, v6;
	v0 =	vadd.f32 v0, v2  }
0x43e: {  	v2 =	vadd.f32 v13, v4;
	v1 =	vadd.f32 v1, v3  }
0x43f: {  	v3 =	vadd.f32 v8, v5;
	v0 =	vmul.f32 $4.999999890e-03, v0  }
0x440: {  	v2 =	vadd.f32 v9, v2;
	v1 =	vmul.f32 $4.999999890e-03, v1  }
0x441: {  	[tilespmem:s7+$0x14F40] =	vst v0;
	v0 =	vmul.f32 $4.999999890e-03, v3  }
0x442: {  	[tilespmem:s7+$0x14F50] =	vst v1;
	v1 =	vmul.f32 $4.999999890e-03, v2  }
0x443: {  	[tilespmem:s7+$0x14F60] =	vst v0  }
0x444: {  	[tilespmem:s7+$0x14F70] =	vst v1  }
0x445: {  	_ =	swait.ge [sflag:s30], $0x1900  }
0x446: {  	[sflag:s30] =	ssyncset.done $0x0  }
0x447: {  	s2 =	simm.s32 $0x0;
	[sflag:s30] =	ssyncadd.s32 $0xFFFFE700  }
0x448: {  	v4 =	vld [tilespmem:s2+$0xCE40]  }
0x449: {  	v5 =	vld [tilespmem:s2+$0xCE50]  }
0x44a: {  	v6 =	vld [tilespmem:s2+$0xCE00]  }
0x44b: {  	v7 =	vld [tilespmem:s2+$0xCE10]  }
0x44c: {  	v10 =	vld [tilespmem:s2+$0xCDC0]  }
0x44d: {  	v11 =	vld [tilespmem:s2+$0xCDD0]  }
0x44e: {  	v13 =	vld [tilespmem:s2+$0xCD80]  }
0x44f: {  	v15 =	vld [tilespmem:s2+$0xCD90]  }
0x450: {  	v16 =	vld [tilespmem:s2+$0xCD40]  }
0x451: {  	v17 =	vld [tilespmem:s2+$0xCD50]  }
0x452: {  	v19 =	vld [tilespmem:s2+$0xCD00]  }
0x453: {  	v20 =	vld [tilespmem:s2+$0xCD10]  }
0x454: {  	v14 =	vld [tilespmem:s2+$0xCCC0]  }
0x455: {  	v18 =	vld [tilespmem:s2+$0xCCD0]  }
0x456: {  	v9 =	vld [tilespmem:s2+$0xCC80]  }
0x457: {  	v12 =	vld [tilespmem:s2+$0xCC90]  }
0x458: {  	v21 =	vld [tilespmem:s2+$0xCC40]  }
0x459: {  	v22 =	vld [tilespmem:s2+$0xCC50]  }
0x45a: {  	v23 =	vld [tilespmem:s2+$0xCC00]  }
0x45b: {  	v8 =	vimm.f32 $0.0e+00;
	v25 =	vld [tilespmem:s2+$0xCC10]  }
0x45c: {  	s3 =	simm.s32 $0xA00;
	v3 =	vimm.f32 $0.0e+00;
	v2 =	vimm.f32 $0.0e+00;
	v1 =	vimm.f32 $0.0e+00;
	v24 =	vld [tilespmem:s2+$0xCC20]  }
.LBB2_29:
0x45d: {  	p0 =	sne.s32 s3, $0x5A00;
	v0 =	vld [tilespmem:s2+$0xCC30]  }
0x45e: {  	v26 =	vld [tilespmem:s2+$0xCC60]  }
0x45f: {  	v27 =	vld [tilespmem:s2+$0xCC70]  }
0x460: {  	v28 =	vld [tilespmem:s2+$0xCCA0]  }
0x461: {  	v1 =	vadd.f32 v23, v1;
	v8 =	vadd.f32 v25, v8;
	v23 =	vld [tilespmem:s2+$0xCCB0]  }
0x462: {  	v2 =	vadd.f32 v24, v2;
	v0 =	vadd.f32 v0, v3;
	v3 =	vld [tilespmem:s2+$0xCCE0]  }
0x463: {  	v1 =	vadd.f32 v21, v1;
	v8 =	vadd.f32 v22, v8;
	v21 =	vld [tilespmem:s2+$0xCCF0]  }
0x464: {  	v2 =	vadd.f32 v26, v2;
	v0 =	vadd.f32 v27, v0;
	v22 =	vld [tilespmem:s2+$0xCD20]  }
0x465: {  	v1 =	vadd.f32 v9, v1;
	v8 =	vadd.f32 v12, v8;
	v9 =	vld [tilespmem:s2+$0xCD30]  }
0x466: {  	v2 =	vadd.f32 v28, v2;
	v0 =	vadd.f32 v23, v0;
	v12 =	vld [tilespmem:s2+$0xCD60]  }
0x467: {  	v1 =	vadd.f32 v14, v1;
	v8 =	vadd.f32 v18, v8;
	v14 =	vld [tilespmem:s2+$0xCD70]  }
0x468: {  	v2 =	vadd.f32 v3, v2;
	v0 =	vadd.f32 v21, v0;
	v3 =	vld [tilespmem:s2+$0xCDA0]  }
0x469: {  	v1 =	vadd.f32 v19, v1;
	v8 =	vadd.f32 v20, v8;
	v18 =	vld [tilespmem:s2+$0xCDB0]  }
0x46a: {  	v2 =	vadd.f32 v22, v2;
	v0 =	vadd.f32 v9, v0;
	v9 =	vld [tilespmem:s2+$0xCDE0]  }
0x46b: {  	v1 =	vadd.f32 v16, v1;
	v8 =	vadd.f32 v17, v8;
	v16 =	vld [tilespmem:s2+$0xCDF0]  }
0x46c: {  	v2 =	vadd.f32 v12, v2;
	v0 =	vadd.f32 v14, v0;
	v12 =	vld [tilespmem:s2+$0xCE20]  }
0x46d: {  	v1 =	vadd.f32 v13, v1;
	v8 =	vadd.f32 v15, v8;
	v13 =	vld [tilespmem:s2+$0xCE30]  }
0x46e: {  	v2 =	vadd.f32 v3, v2;
	v0 =	vadd.f32 v18, v0;
	v3 =	vld [tilespmem:s2+$0xCE60]  }
0x46f: {  	v1 =	vadd.f32 v10, v1;
	v8 =	vadd.f32 v11, v8;
	v11 =	vld [tilespmem:s2+$0xCE70];
	s2 =	sshra.s32 s3, $0x2  }
0x470: {  	v2 =	vadd.f32 v9, v2;
	v14 =	vld [tilespmem:s2+$0xCE40];
	v0 =	vadd.f32 v16, v0  }
0x471: {  	v1 =	vadd.f32 v6, v1;
	v8 =	vadd.f32 v7, v8;
	v9 =	vld [tilespmem:s2+$0xCE50]  }
0x472: {  	v2 =	vadd.f32 v12, v2;
	v6 =	vld [tilespmem:s2+$0xCE00];
	v0 =	vadd.f32 v13, v0  }
0x473: {  	v1 =	vadd.f32 v4, v1;
	v8 =	vadd.f32 v5, v8;
	v7 =	vld [tilespmem:s2+$0xCE10]  }
0x474: {  	v2 =	vadd.f32 v3, v2;
	v10 =	vld [tilespmem:s2+$0xCDC0];
	v3 =	vadd.f32 v11, v0  }
0x475: {  	v11 =	vld [tilespmem:s2+$0xCDD0];
	v4 =	vmov v14  }
0x476: {  	v13 =	vld [tilespmem:s2+$0xCD80];
	v5 =	vmov v9  }
0x477: {  	v15 =	vld [tilespmem:s2+$0xCD90]  }
0x478: {  	v16 =	vld [tilespmem:s2+$0xCD40]  }
0x479: {  	v17 =	vld [tilespmem:s2+$0xCD50]  }
0x47a: {  	v19 =	vld [tilespmem:s2+$0xCD00]  }
0x47b: {  	v20 =	vld [tilespmem:s2+$0xCD10]  }
0x47c: {  	v14 =	vld [tilespmem:s2+$0xCCC0]  }
0x47d: {  	v18 =	vld [tilespmem:s2+$0xCCD0]  }
0x47e: {  	v9 =	vld [tilespmem:s2+$0xCC80]  }
0x47f: {  	v12 =	vld [tilespmem:s2+$0xCC90]  }
.Ltmp13:
0x480: {  	v21 =	vld [tilespmem:s2+$0xCC40];
	(pc) =	sbr.rel @p0 .LBB2_29-.Ltmp13, $4  }
0x481: {  	v22 =	vld [tilespmem:s2+$0xCC50]  }
0x482: {  	v23 =	vld [tilespmem:s2+$0xCC00]  }
0x483: {  	v25 =	vld [tilespmem:s2+$0xCC10]  }
0x484: {  	s3 =	sadd.s32 $0xA00, s3;
	v24 =	vld [tilespmem:s2+$0xCC20]  }
0x485: {  	v26 =	vld [tilespmem:s2+$0xCC30]  }
0x486: {  	v27 =	vld [tilespmem:s2+$0xCC60]  }
0x487: {  	v28 =	vld [tilespmem:s2+$0xCC70]  }
0x488: {  	v29 =	vld [tilespmem:s2+$0xCCA0]  }
0x489: {  	v30 =	vld [tilespmem:s2+$0xCCB0]  }
0x48a: {  	v31 =	vld [tilespmem:s2+$0xCCE0]  }
0x48b: {  	v32 =	vld [tilespmem:s2+$0xCCF0]  }
0x48c: {  	v33 =	vld [tilespmem:s2+$0xCD20]  }
0x48d: {  	v34 =	vld [tilespmem:s2+$0xCD30]  }
0x48e: {  	v35 =	vld [tilespmem:s2+$0xCD60]  }
0x48f: {  	v36 =	vld [tilespmem:s2+$0xCD70]  }
0x490: {  	v37 =	vld [tilespmem:s2+$0xCDA0]  }
0x491: {  	v38 =	vld [tilespmem:s2+$0xCDB0]  }
0x492: {  	v39 =	vld [tilespmem:s2+$0xCDE0]  }
0x493: {  	v40 =	vld [tilespmem:s2+$0xCDF0]  }
0x494: {  	v41 =	vld [tilespmem:s2+$0xCE20]  }
0x495: {  	v42 =	vld [tilespmem:s2+$0xCE30]  }
0x496: {  	v43 =	vld [tilespmem:s2+$0xCE60]  }
0x497: {  	v44 =	vld [tilespmem:s2+$0xCE70];
	_ =	swait.ge [sflag:s31], $0x1900  }
0x498: {  	[sflag:s31] =	ssyncset.done $0x0  }
0x499: {  	s2 =	simm.s32 $0x0;
	[sflag:s31] =	ssyncadd.s32 $0xFFFFE700  }
0x49a: {  	v0 =	vld [tilespmem:s2+$0xE740]  }
0x49b: {  	v23 =	vadd.f32 v23, v1;
	v8 =	vadd.f32 v25, v8;
	v1 =	vld [tilespmem:s2+$0xE750]  }
0x49c: {  	v24 =	vadd.f32 v24, v2;
	v2 =	vld [tilespmem:s2+$0xE700];
	v25 =	vadd.f32 v26, v3  }
0x49d: {  	v21 =	vadd.f32 v21, v23;
	v22 =	vadd.f32 v22, v8;
	v3 =	vld [tilespmem:s2+$0xE710]  }
0x49e: {  	v8 =	vld [tilespmem:s2+$0xE6C0];
	v23 =	vadd.f32 v27, v24;
	v24 =	vadd.f32 v28, v25  }
0x49f: {  	v21 =	vadd.f32 v9, v21;
	v9 =	vld [tilespmem:s2+$0xE6D0];
	v22 =	vadd.f32 v12, v22  }
0x4a0: {  	v12 =	vld [tilespmem:s2+$0xE680];
	v23 =	vadd.f32 v29, v23;
	v24 =	vadd.f32 v30, v24  }
0x4a1: {  	v21 =	vadd.f32 v14, v21;
	v14 =	vld [tilespmem:s2+$0xE690];
	v22 =	vadd.f32 v18, v22  }
0x4a2: {  	v18 =	vld [tilespmem:s2+$0xE640];
	v23 =	vadd.f32 v31, v23;
	v24 =	vadd.f32 v32, v24  }
0x4a3: {  	v21 =	vadd.f32 v19, v21;
	v19 =	vld [tilespmem:s2+$0xE650];
	v22 =	vadd.f32 v20, v22  }
0x4a4: {  	v20 =	vld [tilespmem:s2+$0xE600];
	v23 =	vadd.f32 v33, v23;
	v24 =	vadd.f32 v34, v24  }
0x4a5: {  	v21 =	vadd.f32 v16, v21;
	v16 =	vld [tilespmem:s2+$0xE610];
	v22 =	vadd.f32 v17, v22  }
0x4a6: {  	v17 =	vld [tilespmem:s2+$0xE5C0];
	v23 =	vadd.f32 v35, v23;
	v24 =	vadd.f32 v36, v24  }
0x4a7: {  	v21 =	vadd.f32 v13, v21;
	v13 =	vld [tilespmem:s2+$0xE5D0];
	v22 =	vadd.f32 v15, v22  }
0x4a8: {  	v15 =	vld [tilespmem:s2+$0xE580];
	v23 =	vadd.f32 v37, v23;
	v24 =	vadd.f32 v38, v24  }
0x4a9: {  	v21 =	vadd.f32 v10, v21;
	v10 =	vld [tilespmem:s2+$0xE590];
	v22 =	vadd.f32 v11, v22  }
0x4aa: {  	v11 =	vld [tilespmem:s2+$0xE540];
	v23 =	vadd.f32 v39, v23;
	v24 =	vadd.f32 v40, v24  }
0x4ab: {  	v6 =	vadd.f32 v6, v21;
	v21 =	vld [tilespmem:s2+$0xE550];
	v25 =	vadd.f32 v7, v22  }
0x4ac: {  	v22 =	vld [tilespmem:s2+$0xE500];
	v26 =	vadd.f32 v41, v23;
	v24 =	vadd.f32 v42, v24  }
0x4ad: {  	v7 =	vadd.f32 v4, v6;
	v23 =	vld [tilespmem:s2+$0xE510];
	v5 =	vadd.f32 v5, v25  }
0x4ae: {  	s3 =	simm.s32 $0xA00;
	v6 =	vadd.f32 v43, v26;
	v4 =	vadd.f32 v44, v24;
	v24 =	vld [tilespmem:s2+$0xE520]  }
.LBB2_31:
0x4af: {  	p0 =	sne.s32 s3, $0x5A00;
	v25 =	vld [tilespmem:s2+$0xE530]  }
0x4b0: {  	v26 =	vld [tilespmem:s2+$0xE560]  }
0x4b1: {  	v27 =	vld [tilespmem:s2+$0xE570]  }
0x4b2: {  	v28 =	vld [tilespmem:s2+$0xE5A0]  }
0x4b3: {  	v7 =	vadd.f32 v22, v7;
	v5 =	vadd.f32 v23, v5;
	v22 =	vld [tilespmem:s2+$0xE5B0]  }
0x4b4: {  	v6 =	vadd.f32 v24, v6;
	v4 =	vadd.f32 v25, v4;
	v23 =	vld [tilespmem:s2+$0xE5E0]  }
0x4b5: {  	v7 =	vadd.f32 v11, v7;
	v5 =	vadd.f32 v21, v5;
	v11 =	vld [tilespmem:s2+$0xE5F0]  }
0x4b6: {  	v6 =	vadd.f32 v26, v6;
	v4 =	vadd.f32 v27, v4;
	v21 =	vld [tilespmem:s2+$0xE620]  }
0x4b7: {  	v7 =	vadd.f32 v15, v7;
	v5 =	vadd.f32 v10, v5;
	v10 =	vld [tilespmem:s2+$0xE630]  }
0x4b8: {  	v6 =	vadd.f32 v28, v6;
	v4 =	vadd.f32 v22, v4;
	v15 =	vld [tilespmem:s2+$0xE660]  }
0x4b9: {  	v7 =	vadd.f32 v17, v7;
	v5 =	vadd.f32 v13, v5;
	v13 =	vld [tilespmem:s2+$0xE670]  }
0x4ba: {  	v6 =	vadd.f32 v23, v6;
	v4 =	vadd.f32 v11, v4;
	v11 =	vld [tilespmem:s2+$0xE6A0]  }
0x4bb: {  	v7 =	vadd.f32 v20, v7;
	v5 =	vadd.f32 v16, v5;
	v16 =	vld [tilespmem:s2+$0xE6B0]  }
0x4bc: {  	v6 =	vadd.f32 v21, v6;
	v4 =	vadd.f32 v10, v4;
	v10 =	vld [tilespmem:s2+$0xE6E0]  }
0x4bd: {  	v7 =	vadd.f32 v18, v7;
	v5 =	vadd.f32 v19, v5;
	v17 =	vld [tilespmem:s2+$0xE6F0]  }
0x4be: {  	v6 =	vadd.f32 v15, v6;
	v4 =	vadd.f32 v13, v4;
	v13 =	vld [tilespmem:s2+$0xE720]  }
0x4bf: {  	v7 =	vadd.f32 v12, v7;
	v5 =	vadd.f32 v14, v5;
	v12 =	vld [tilespmem:s2+$0xE730]  }
0x4c0: {  	v6 =	vadd.f32 v11, v6;
	v4 =	vadd.f32 v16, v4;
	v11 =	vld [tilespmem:s2+$0xE760]  }
0x4c1: {  	v7 =	vadd.f32 v8, v7;
	v5 =	vadd.f32 v9, v5;
	v9 =	vld [tilespmem:s2+$0xE770];
	s2 =	sshra.s32 s3, $0x2  }
0x4c2: {  	v6 =	vadd.f32 v10, v6;
	v14 =	vld [tilespmem:s2+$0xE740];
	v4 =	vadd.f32 v17, v4  }
0x4c3: {  	v7 =	vadd.f32 v2, v7;
	v5 =	vadd.f32 v3, v5;
	v10 =	vld [tilespmem:s2+$0xE750]  }
0x4c4: {  	v6 =	vadd.f32 v13, v6;
	v2 =	vld [tilespmem:s2+$0xE700];
	v4 =	vadd.f32 v12, v4  }
0x4c5: {  	v7 =	vadd.f32 v0, v7;
	v5 =	vadd.f32 v1, v5;
	v3 =	vld [tilespmem:s2+$0xE710]  }
0x4c6: {  	v6 =	vadd.f32 v11, v6;
	v8 =	vld [tilespmem:s2+$0xE6C0];
	v4 =	vadd.f32 v9, v4  }
0x4c7: {  	v9 =	vld [tilespmem:s2+$0xE6D0];
	v0 =	vmov v14  }
0x4c8: {  	v12 =	vld [tilespmem:s2+$0xE680];
	v1 =	vmov v10  }
0x4c9: {  	v14 =	vld [tilespmem:s2+$0xE690]  }
0x4ca: {  	v18 =	vld [tilespmem:s2+$0xE640]  }
0x4cb: {  	v19 =	vld [tilespmem:s2+$0xE650]  }
0x4cc: {  	v20 =	vld [tilespmem:s2+$0xE600]  }
0x4cd: {  	v16 =	vld [tilespmem:s2+$0xE610]  }
0x4ce: {  	v17 =	vld [tilespmem:s2+$0xE5C0]  }
0x4cf: {  	v13 =	vld [tilespmem:s2+$0xE5D0]  }
0x4d0: {  	v15 =	vld [tilespmem:s2+$0xE580]  }
0x4d1: {  	v10 =	vld [tilespmem:s2+$0xE590]  }
.Ltmp14:
0x4d2: {  	v11 =	vld [tilespmem:s2+$0xE540];
	(pc) =	sbr.rel @p0 .LBB2_31-.Ltmp14, $4  }
0x4d3: {  	v21 =	vld [tilespmem:s2+$0xE550]  }
0x4d4: {  	v22 =	vld [tilespmem:s2+$0xE500]  }
0x4d5: {  	v23 =	vld [tilespmem:s2+$0xE510]  }
0x4d6: {  	s3 =	sadd.s32 $0xA00, s3;
	v24 =	vld [tilespmem:s2+$0xE520]  }
0x4d7: {  	v25 =	vld [tilespmem:s2+$0xE530]  }
0x4d8: {  	v26 =	vld [tilespmem:s2+$0xE560]  }
0x4d9: {  	v27 =	vld [tilespmem:s2+$0xE570];
	v7 =	vadd.f32 v22, v7  }
0x4da: {  	v22 =	vld [tilespmem:s2+$0xE5A0];
	v5 =	vadd.f32 v23, v5  }
0x4db: {  	v23 =	vld [tilespmem:s2+$0xE5B0];
	v6 =	vadd.f32 v24, v6;
	v7 =	vadd.f32 v11, v7  }
0x4dc: {  	v11 =	vld [tilespmem:s2+$0xE5E0];
	v4 =	vadd.f32 v25, v4;
	v5 =	vadd.f32 v21, v5  }
0x4dd: {  	v21 =	vld [tilespmem:s2+$0xE5F0];
	v6 =	vadd.f32 v26, v6;
	v7 =	vadd.f32 v15, v7  }
0x4de: {  	v15 =	vld [tilespmem:s2+$0xE620];
	v4 =	vadd.f32 v27, v4;
	v5 =	vadd.f32 v10, v5  }
0x4df: {  	v10 =	vld [tilespmem:s2+$0xE630];
	v6 =	vadd.f32 v22, v6;
	v7 =	vadd.f32 v17, v7  }
0x4e0: {  	v17 =	vld [tilespmem:s2+$0xE660];
	v4 =	vadd.f32 v23, v4;
	v5 =	vadd.f32 v13, v5  }
0x4e1: {  	v13 =	vld [tilespmem:s2+$0xE670];
	v6 =	vadd.f32 v11, v6;
	v7 =	vadd.f32 v20, v7  }
0x4e2: {  	v11 =	vld [tilespmem:s2+$0xE6A0];
	v4 =	vadd.f32 v21, v4;
	v5 =	vadd.f32 v16, v5  }
0x4e3: {  	v16 =	vld [tilespmem:s2+$0xE6B0];
	v6 =	vadd.f32 v15, v6;
	v7 =	vadd.f32 v18, v7  }
0x4e4: {  	v4 =	vadd.f32 v10, v4;
	v10 =	vld [tilespmem:s2+$0xE6E0];
	v5 =	vadd.f32 v19, v5  }
0x4e5: {  	v15 =	vld [tilespmem:s2+$0xE6F0];
	v6 =	vadd.f32 v17, v6;
	v7 =	vadd.f32 v12, v7  }
0x4e6: {  	v12 =	vld [tilespmem:s2+$0xE720];
	v4 =	vadd.f32 v13, v4;
	v5 =	vadd.f32 v14, v5  }
0x4e7: {  	v13 =	vld [tilespmem:s2+$0xE730];
	v6 =	vadd.f32 v11, v6;
	v7 =	vadd.f32 v8, v7  }
0x4e8: {  	v8 =	vld [tilespmem:s2+$0xE760];
	v4 =	vadd.f32 v16, v4;
	v5 =	vadd.f32 v9, v5  }
0x4e9: {  	v9 =	vld [tilespmem:s2+$0xE770];
	v6 =	vadd.f32 v10, v6;
	v2 =	vadd.f32 v2, v7  }
0x4ea: {  	v4 =	vadd.f32 v15, v4;
	v3 =	vadd.f32 v3, v5  }
0x4eb: {  	v5 =	vadd.f32 v12, v6;
	v0 =	vadd.f32 v0, v2  }
0x4ec: {  	v2 =	vadd.f32 v13, v4;
	v1 =	vadd.f32 v1, v3  }
0x4ed: {  	v3 =	vadd.f32 v8, v5;
	v0 =	vmul.f32 $4.999999890e-03, v0  }
0x4ee: {  	v2 =	vadd.f32 v9, v2;
	v1 =	vmul.f32 $4.999999890e-03, v1  }
0x4ef: {  	[tilespmem:s7+$0x14F80] =	vst v0;
	v0 =	vmul.f32 $4.999999890e-03, v3  }
0x4f0: {  	[tilespmem:s7+$0x14F90] =	vst v1;
	v1 =	vmul.f32 $4.999999890e-03, v2  }
0x4f1: {  	[tilespmem:s7+$0x14FA0] =	vst v0  }
0x4f2: {  	[tilespmem:s7+$0x14FB0] =	vst v1  }
0x4f3: {  	_ =	swait.ge [sflag:s0], $0x1900  }
0x4f4: {  	[sflag:s0] =	ssyncset.done $0x0  }
0x4f5: {  	s2 =	simm.s32 $0x0;
	[sflag:s0] =	ssyncadd.s32 $0xFFFFE700  }
0x4f6: {  	v4 =	vld [tilespmem:s2+$0x10040]  }
0x4f7: {  	v5 =	vld [tilespmem:s2+$0x10050]  }
0x4f8: {  	v6 =	vld [tilespmem:s2+$0x10000]  }
0x4f9: {  	v7 =	vld [tilespmem:s2+$0x10010]  }
0x4fa: {  	v10 =	vld [tilespmem:s2+$0xFFC0]  }
0x4fb: {  	v11 =	vld [tilespmem:s2+$0xFFD0]  }
0x4fc: {  	v13 =	vld [tilespmem:s2+$0xFF80]  }
0x4fd: {  	v15 =	vld [tilespmem:s2+$0xFF90]  }
0x4fe: {  	v16 =	vld [tilespmem:s2+$0xFF40]  }
0x4ff: {  	v17 =	vld [tilespmem:s2+$0xFF50]  }
0x500: {  	v19 =	vld [tilespmem:s2+$0xFF00]  }
0x501: {  	v20 =	vld [tilespmem:s2+$0xFF10]  }
0x502: {  	v14 =	vld [tilespmem:s2+$0xFEC0]  }
0x503: {  	v18 =	vld [tilespmem:s2+$0xFED0]  }
0x504: {  	v9 =	vld [tilespmem:s2+$0xFE80]  }
0x505: {  	v12 =	vld [tilespmem:s2+$0xFE90]  }
0x506: {  	v21 =	vld [tilespmem:s2+$0xFE40]  }
0x507: {  	v22 =	vld [tilespmem:s2+$0xFE50]  }
0x508: {  	v23 =	vld [tilespmem:s2+$0xFE00]  }
0x509: {  	v8 =	vimm.f32 $0.0e+00;
	v25 =	vld [tilespmem:s2+$0xFE10]  }
0x50a: {  	s3 =	simm.s32 $0xA00;
	v3 =	vimm.f32 $0.0e+00;
	v2 =	vimm.f32 $0.0e+00;
	v1 =	vimm.f32 $0.0e+00;
	v24 =	vld [tilespmem:s2+$0xFE20]  }
.LBB2_33:
0x50b: {  	p0 =	sne.s32 s3, $0x5A00;
	v0 =	vld [tilespmem:s2+$0xFE30]  }
0x50c: {  	v26 =	vld [tilespmem:s2+$0xFE60]  }
0x50d: {  	v27 =	vld [tilespmem:s2+$0xFE70]  }
0x50e: {  	v28 =	vld [tilespmem:s2+$0xFEA0]  }
0x50f: {  	v1 =	vadd.f32 v23, v1;
	v8 =	vadd.f32 v25, v8;
	v23 =	vld [tilespmem:s2+$0xFEB0]  }
0x510: {  	v2 =	vadd.f32 v24, v2;
	v0 =	vadd.f32 v0, v3;
	v3 =	vld [tilespmem:s2+$0xFEE0]  }
0x511: {  	v1 =	vadd.f32 v21, v1;
	v8 =	vadd.f32 v22, v8;
	v21 =	vld [tilespmem:s2+$0xFEF0]  }
0x512: {  	v2 =	vadd.f32 v26, v2;
	v0 =	vadd.f32 v27, v0;
	v22 =	vld [tilespmem:s2+$0xFF20]  }
0x513: {  	v1 =	vadd.f32 v9, v1;
	v8 =	vadd.f32 v12, v8;
	v9 =	vld [tilespmem:s2+$0xFF30]  }
0x514: {  	v2 =	vadd.f32 v28, v2;
	v0 =	vadd.f32 v23, v0;
	v12 =	vld [tilespmem:s2+$0xFF60]  }
0x515: {  	v1 =	vadd.f32 v14, v1;
	v8 =	vadd.f32 v18, v8;
	v14 =	vld [tilespmem:s2+$0xFF70]  }
0x516: {  	v2 =	vadd.f32 v3, v2;
	v0 =	vadd.f32 v21, v0;
	v3 =	vld [tilespmem:s2+$0xFFA0]  }
0x517: {  	v1 =	vadd.f32 v19, v1;
	v8 =	vadd.f32 v20, v8;
	v18 =	vld [tilespmem:s2+$0xFFB0]  }
0x518: {  	v2 =	vadd.f32 v22, v2;
	v0 =	vadd.f32 v9, v0;
	v9 =	vld [tilespmem:s2+$0xFFE0]  }
0x519: {  	v1 =	vadd.f32 v16, v1;
	v8 =	vadd.f32 v17, v8;
	v16 =	vld [tilespmem:s2+$0xFFF0]  }
0x51a: {  	v2 =	vadd.f32 v12, v2;
	v0 =	vadd.f32 v14, v0;
	v12 =	vld [tilespmem:s2+$0x10020]  }
0x51b: {  	v1 =	vadd.f32 v13, v1;
	v8 =	vadd.f32 v15, v8;
	v13 =	vld [tilespmem:s2+$0x10030]  }
0x51c: {  	v2 =	vadd.f32 v3, v2;
	v0 =	vadd.f32 v18, v0;
	v3 =	vld [tilespmem:s2+$0x10060]  }
0x51d: {  	v1 =	vadd.f32 v10, v1;
	v8 =	vadd.f32 v11, v8;
	v11 =	vld [tilespmem:s2+$0x10070];
	s2 =	sshra.s32 s3, $0x2  }
0x51e: {  	v2 =	vadd.f32 v9, v2;
	v14 =	vld [tilespmem:s2+$0x10040];
	v0 =	vadd.f32 v16, v0  }
0x51f: {  	v1 =	vadd.f32 v6, v1;
	v8 =	vadd.f32 v7, v8;
	v9 =	vld [tilespmem:s2+$0x10050]  }
0x520: {  	v2 =	vadd.f32 v12, v2;
	v6 =	vld [tilespmem:s2+$0x10000];
	v0 =	vadd.f32 v13, v0  }
0x521: {  	v1 =	vadd.f32 v4, v1;
	v8 =	vadd.f32 v5, v8;
	v7 =	vld [tilespmem:s2+$0x10010]  }
0x522: {  	v2 =	vadd.f32 v3, v2;
	v10 =	vld [tilespmem:s2+$0xFFC0];
	v3 =	vadd.f32 v11, v0  }
0x523: {  	v11 =	vld [tilespmem:s2+$0xFFD0];
	v4 =	vmov v14  }
0x524: {  	v13 =	vld [tilespmem:s2+$0xFF80];
	v5 =	vmov v9  }
0x525: {  	v15 =	vld [tilespmem:s2+$0xFF90]  }
0x526: {  	v16 =	vld [tilespmem:s2+$0xFF40]  }
0x527: {  	v17 =	vld [tilespmem:s2+$0xFF50]  }
0x528: {  	v19 =	vld [tilespmem:s2+$0xFF00]  }
0x529: {  	v20 =	vld [tilespmem:s2+$0xFF10]  }
0x52a: {  	v14 =	vld [tilespmem:s2+$0xFEC0]  }
0x52b: {  	v18 =	vld [tilespmem:s2+$0xFED0]  }
0x52c: {  	v9 =	vld [tilespmem:s2+$0xFE80]  }
0x52d: {  	v12 =	vld [tilespmem:s2+$0xFE90]  }
.Ltmp15:
0x52e: {  	v21 =	vld [tilespmem:s2+$0xFE40];
	(pc) =	sbr.rel @p0 .LBB2_33-.Ltmp15, $4  }
0x52f: {  	v22 =	vld [tilespmem:s2+$0xFE50]  }
0x530: {  	v23 =	vld [tilespmem:s2+$0xFE00]  }
0x531: {  	v25 =	vld [tilespmem:s2+$0xFE10]  }
0x532: {  	s3 =	sadd.s32 $0xA00, s3;
	v24 =	vld [tilespmem:s2+$0xFE20]  }
0x533: {  	v26 =	vld [tilespmem:s2+$0xFE30]  }
0x534: {  	v27 =	vld [tilespmem:s2+$0xFE60]  }
0x535: {  	v28 =	vld [tilespmem:s2+$0xFE70]  }
0x536: {  	v29 =	vld [tilespmem:s2+$0xFEA0]  }
0x537: {  	v30 =	vld [tilespmem:s2+$0xFEB0]  }
0x538: {  	v31 =	vld [tilespmem:s2+$0xFEE0]  }
0x539: {  	v32 =	vld [tilespmem:s2+$0xFEF0]  }
0x53a: {  	v33 =	vld [tilespmem:s2+$0xFF20]  }
0x53b: {  	v34 =	vld [tilespmem:s2+$0xFF30]  }
0x53c: {  	v35 =	vld [tilespmem:s2+$0xFF60]  }
0x53d: {  	v36 =	vld [tilespmem:s2+$0xFF70]  }
0x53e: {  	v37 =	vld [tilespmem:s2+$0xFFA0]  }
0x53f: {  	v38 =	vld [tilespmem:s2+$0xFFB0]  }
0x540: {  	v39 =	vld [tilespmem:s2+$0xFFE0]  }
0x541: {  	v40 =	vld [tilespmem:s2+$0xFFF0]  }
0x542: {  	v41 =	vld [tilespmem:s2+$0x10020]  }
0x543: {  	v42 =	vld [tilespmem:s2+$0x10030]  }
0x544: {  	v43 =	vld [tilespmem:s2+$0x10060]  }
0x545: {  	v44 =	vld [tilespmem:s2+$0x10070];
	_ =	swait.ge [sflag:s1], $0x1900  }
0x546: {  	[sflag:s1] =	ssyncset.done $0x0  }
0x547: {  	s2 =	simm.s32 $0x0;
	[sflag:s1] =	ssyncadd.s32 $0xFFFFE700  }
0x548: {  	v0 =	vld [tilespmem:s2+$0x11940]  }
0x549: {  	v23 =	vadd.f32 v23, v1;
	v8 =	vadd.f32 v25, v8;
	v1 =	vld [tilespmem:s2+$0x11950]  }
0x54a: {  	v24 =	vadd.f32 v24, v2;
	v2 =	vld [tilespmem:s2+$0x11900];
	v25 =	vadd.f32 v26, v3  }
0x54b: {  	v21 =	vadd.f32 v21, v23;
	v22 =	vadd.f32 v22, v8;
	v3 =	vld [tilespmem:s2+$0x11910]  }
0x54c: {  	v8 =	vld [tilespmem:s2+$0x118C0];
	v23 =	vadd.f32 v27, v24;
	v24 =	vadd.f32 v28, v25  }
0x54d: {  	v21 =	vadd.f32 v9, v21;
	v9 =	vld [tilespmem:s2+$0x118D0];
	v22 =	vadd.f32 v12, v22  }
0x54e: {  	v12 =	vld [tilespmem:s2+$0x11880];
	v23 =	vadd.f32 v29, v23;
	v24 =	vadd.f32 v30, v24  }
0x54f: {  	v21 =	vadd.f32 v14, v21;
	v14 =	vld [tilespmem:s2+$0x11890];
	v22 =	vadd.f32 v18, v22  }
0x550: {  	v18 =	vld [tilespmem:s2+$0x11840];
	v23 =	vadd.f32 v31, v23;
	v24 =	vadd.f32 v32, v24  }
0x551: {  	v21 =	vadd.f32 v19, v21;
	v19 =	vld [tilespmem:s2+$0x11850];
	v22 =	vadd.f32 v20, v22  }
0x552: {  	v20 =	vld [tilespmem:s2+$0x11800];
	v23 =	vadd.f32 v33, v23;
	v24 =	vadd.f32 v34, v24  }
0x553: {  	v21 =	vadd.f32 v16, v21;
	v16 =	vld [tilespmem:s2+$0x11810];
	v22 =	vadd.f32 v17, v22  }
0x554: {  	v17 =	vld [tilespmem:s2+$0x117C0];
	v23 =	vadd.f32 v35, v23;
	v24 =	vadd.f32 v36, v24  }
0x555: {  	v21 =	vadd.f32 v13, v21;
	v13 =	vld [tilespmem:s2+$0x117D0];
	v22 =	vadd.f32 v15, v22  }
0x556: {  	v15 =	vld [tilespmem:s2+$0x11780];
	v23 =	vadd.f32 v37, v23;
	v24 =	vadd.f32 v38, v24  }
0x557: {  	v21 =	vadd.f32 v10, v21;
	v10 =	vld [tilespmem:s2+$0x11790];
	v22 =	vadd.f32 v11, v22  }
0x558: {  	v11 =	vld [tilespmem:s2+$0x11740];
	v23 =	vadd.f32 v39, v23;
	v24 =	vadd.f32 v40, v24  }
0x559: {  	v6 =	vadd.f32 v6, v21;
	v21 =	vld [tilespmem:s2+$0x11750];
	v25 =	vadd.f32 v7, v22  }
0x55a: {  	v22 =	vld [tilespmem:s2+$0x11700];
	v26 =	vadd.f32 v41, v23;
	v24 =	vadd.f32 v42, v24  }
0x55b: {  	v7 =	vadd.f32 v4, v6;
	v23 =	vld [tilespmem:s2+$0x11710];
	v5 =	vadd.f32 v5, v25  }
0x55c: {  	s3 =	simm.s32 $0xA00;
	v6 =	vadd.f32 v43, v26;
	v4 =	vadd.f32 v44, v24;
	v24 =	vld [tilespmem:s2+$0x11720]  }
.LBB2_35:
0x55d: {  	p0 =	sne.s32 s3, $0x5A00;
	v25 =	vld [tilespmem:s2+$0x11730]  }
0x55e: {  	v26 =	vld [tilespmem:s2+$0x11760]  }
0x55f: {  	v27 =	vld [tilespmem:s2+$0x11770]  }
0x560: {  	v28 =	vld [tilespmem:s2+$0x117A0]  }
0x561: {  	v7 =	vadd.f32 v22, v7;
	v5 =	vadd.f32 v23, v5;
	v22 =	vld [tilespmem:s2+$0x117B0]  }
0x562: {  	v6 =	vadd.f32 v24, v6;
	v4 =	vadd.f32 v25, v4;
	v23 =	vld [tilespmem:s2+$0x117E0]  }
0x563: {  	v7 =	vadd.f32 v11, v7;
	v5 =	vadd.f32 v21, v5;
	v11 =	vld [tilespmem:s2+$0x117F0]  }
0x564: {  	v6 =	vadd.f32 v26, v6;
	v4 =	vadd.f32 v27, v4;
	v21 =	vld [tilespmem:s2+$0x11820]  }
0x565: {  	v7 =	vadd.f32 v15, v7;
	v5 =	vadd.f32 v10, v5;
	v10 =	vld [tilespmem:s2+$0x11830]  }
0x566: {  	v6 =	vadd.f32 v28, v6;
	v4 =	vadd.f32 v22, v4;
	v15 =	vld [tilespmem:s2+$0x11860]  }
0x567: {  	v7 =	vadd.f32 v17, v7;
	v5 =	vadd.f32 v13, v5;
	v13 =	vld [tilespmem:s2+$0x11870]  }
0x568: {  	v6 =	vadd.f32 v23, v6;
	v4 =	vadd.f32 v11, v4;
	v11 =	vld [tilespmem:s2+$0x118A0]  }
0x569: {  	v7 =	vadd.f32 v20, v7;
	v5 =	vadd.f32 v16, v5;
	v16 =	vld [tilespmem:s2+$0x118B0]  }
0x56a: {  	v6 =	vadd.f32 v21, v6;
	v4 =	vadd.f32 v10, v4;
	v10 =	vld [tilespmem:s2+$0x118E0]  }
0x56b: {  	v7 =	vadd.f32 v18, v7;
	v5 =	vadd.f32 v19, v5;
	v17 =	vld [tilespmem:s2+$0x118F0]  }
0x56c: {  	v6 =	vadd.f32 v15, v6;
	v4 =	vadd.f32 v13, v4;
	v13 =	vld [tilespmem:s2+$0x11920]  }
0x56d: {  	v7 =	vadd.f32 v12, v7;
	v5 =	vadd.f32 v14, v5;
	v12 =	vld [tilespmem:s2+$0x11930]  }
0x56e: {  	v6 =	vadd.f32 v11, v6;
	v4 =	vadd.f32 v16, v4;
	v11 =	vld [tilespmem:s2+$0x11960]  }
0x56f: {  	v7 =	vadd.f32 v8, v7;
	v5 =	vadd.f32 v9, v5;
	v9 =	vld [tilespmem:s2+$0x11970];
	s2 =	sshra.s32 s3, $0x2  }
0x570: {  	v6 =	vadd.f32 v10, v6;
	v14 =	vld [tilespmem:s2+$0x11940];
	v4 =	vadd.f32 v17, v4  }
0x571: {  	v7 =	vadd.f32 v2, v7;
	v5 =	vadd.f32 v3, v5;
	v10 =	vld [tilespmem:s2+$0x11950]  }
0x572: {  	v6 =	vadd.f32 v13, v6;
	v2 =	vld [tilespmem:s2+$0x11900];
	v4 =	vadd.f32 v12, v4  }
0x573: {  	v7 =	vadd.f32 v0, v7;
	v5 =	vadd.f32 v1, v5;
	v3 =	vld [tilespmem:s2+$0x11910]  }
0x574: {  	v6 =	vadd.f32 v11, v6;
	v8 =	vld [tilespmem:s2+$0x118C0];
	v4 =	vadd.f32 v9, v4  }
0x575: {  	v9 =	vld [tilespmem:s2+$0x118D0];
	v0 =	vmov v14  }
0x576: {  	v12 =	vld [tilespmem:s2+$0x11880];
	v1 =	vmov v10  }
0x577: {  	v14 =	vld [tilespmem:s2+$0x11890]  }
0x578: {  	v18 =	vld [tilespmem:s2+$0x11840]  }
0x579: {  	v19 =	vld [tilespmem:s2+$0x11850]  }
0x57a: {  	v20 =	vld [tilespmem:s2+$0x11800]  }
0x57b: {  	v16 =	vld [tilespmem:s2+$0x11810]  }
0x57c: {  	v17 =	vld [tilespmem:s2+$0x117C0]  }
0x57d: {  	v13 =	vld [tilespmem:s2+$0x117D0]  }
0x57e: {  	v15 =	vld [tilespmem:s2+$0x11780]  }
0x57f: {  	v10 =	vld [tilespmem:s2+$0x11790]  }
.Ltmp16:
0x580: {  	v11 =	vld [tilespmem:s2+$0x11740];
	(pc) =	sbr.rel @p0 .LBB2_35-.Ltmp16, $4  }
0x581: {  	v21 =	vld [tilespmem:s2+$0x11750]  }
0x582: {  	v22 =	vld [tilespmem:s2+$0x11700]  }
0x583: {  	v23 =	vld [tilespmem:s2+$0x11710]  }
0x584: {  	s3 =	sadd.s32 $0xA00, s3;
	v24 =	vld [tilespmem:s2+$0x11720]  }
0x585: {  	v25 =	vld [tilespmem:s2+$0x11730]  }
0x586: {  	v26 =	vld [tilespmem:s2+$0x11760]  }
0x587: {  	v27 =	vld [tilespmem:s2+$0x11770];
	v7 =	vadd.f32 v22, v7  }
0x588: {  	v43 =	vld [tilespmem:s2+$0x117A0];
	v5 =	vadd.f32 v23, v5  }
0x589: {  	v44 =	vld [tilespmem:s2+$0x117B0];
	v6 =	vadd.f32 v24, v6;
	v7 =	vadd.f32 v11, v7  }
0x58a: {  	v45 =	vld [tilespmem:s2+$0x117E0];
	v4 =	vadd.f32 v25, v4;
	v5 =	vadd.f32 v21, v5  }
0x58b: {  	v46 =	vld [tilespmem:s2+$0x117F0];
	v6 =	vadd.f32 v26, v6;
	v7 =	vadd.f32 v15, v7  }
0x58c: {  	v47 =	vld [tilespmem:s2+$0x11820];
	v4 =	vadd.f32 v27, v4;
	v5 =	vadd.f32 v10, v5  }
0x58d: {  	v48 =	vld [tilespmem:s2+$0x11830];
	v6 =	vadd.f32 v43, v6;
	v7 =	vadd.f32 v17, v7  }
0x58e: {  	v49 =	vld [tilespmem:s2+$0x11860];
	v4 =	vadd.f32 v44, v4;
	v5 =	vadd.f32 v13, v5  }
0x58f: {  	v50 =	vld [tilespmem:s2+$0x11870];
	v6 =	vadd.f32 v45, v6;
	v7 =	vadd.f32 v20, v7  }
0x590: {  	v51 =	vld [tilespmem:s2+$0x118A0];
	v4 =	vadd.f32 v46, v4;
	v5 =	vadd.f32 v16, v5  }
0x591: {  	v52 =	vld [tilespmem:s2+$0x118B0];
	v6 =	vadd.f32 v47, v6;
	v7 =	vadd.f32 v18, v7  }
0x592: {  	v53 =	vld [tilespmem:s2+$0x118E0];
	v4 =	vadd.f32 v48, v4;
	v5 =	vadd.f32 v19, v5  }
0x593: {  	v54 =	vld [tilespmem:s2+$0x118F0];
	v6 =	vadd.f32 v49, v6;
	v7 =	vadd.f32 v12, v7  }
0x594: {  	v55 =	vld [tilespmem:s2+$0x11920];
	v4 =	vadd.f32 v50, v4;
	v5 =	vadd.f32 v14, v5  }
0x595: {  	v56 =	vld [tilespmem:s2+$0x11930];
	v6 =	vadd.f32 v51, v6;
	v7 =	vadd.f32 v8, v7  }
0x596: {  	v57 =	vld [tilespmem:s2+$0x11960];
	v4 =	vadd.f32 v52, v4;
	v5 =	vadd.f32 v9, v5  }
0x597: {  	v58 =	vld [tilespmem:s2+$0x11970];
	v6 =	vadd.f32 v53, v6;
	v2 =	vadd.f32 v2, v7  }
0x598: {  	v4 =	vadd.f32 v54, v4;
	v3 =	vadd.f32 v3, v5  }
0x599: {  	v59 =	vadd.f32 v55, v6;
	v0 =	vadd.f32 v0, v2  }
0x59a: {  	s6 =	sadd.s32 $0x1, s6;
	v60 =	vadd.f32 v56, v4;
	v1 =	vadd.f32 v1, v3  }
0x59b: {  	p0 =	sne.s32 s6, $0x4;
	v61 =	vadd.f32 v57, v59;
	v0 =	vmul.f32 $4.999999890e-03, v0  }
.Ltmp17:
0x59c: {  	v2 =	vadd.f32 v58, v60;
	v1 =	vmul.f32 $4.999999890e-03, v1;
	(pc) =	sbr.rel @p0 .LBB2_2-.Ltmp17, $4  }
0x59d: {  	[tilespmem:s7+$0x14FC0] =	vst v0;
	v62 =	vmul.f32 $4.999999890e-03, v61  }
0x59e: {  	[tilespmem:s7+$0x14FD0] =	vst v1;
	v63 =	vmul.f32 $4.999999890e-03, v2  }
0x59f: {  	[tilespmem:s7+$0x14FE0] =	vst v62  }
0x5a0: {  	[tilespmem:s7+$0x14FF0] =	vst v63  }
0x5a1: {  	s2 =	simm.s32 $0x0;
	s3 =	rddreg [dreg:$0x3];
	s6 =	simm.s32 $0x13000  }
0x5a2: {  	[hbm4b:s3+s2] =	stream.linear.scatter [tilespmem:s6], [sflag:$0x9], $0x8000, $0x38;
	[tilespmem:$0x1B000] =	vst v63  }
0x5a3: {  	_ =	swait.ge [sflag:s8], $0x8000  }
0x5a4: {  	s15 =	rddreg [dreg:$0x5]  }
0x5a5: {  	s17 =	rddreg [dreg:$0x4];
	s3 =	sadd.s32 $0x1, s15  }
0x5a6: {  	p0 =	sne.s32 s3, s17  }
.Ltmp18:
0x5a7: {  	_ = 	snop;
	(pc) =	sbr.rel @p0 .LBB2_1-.Ltmp18, $3  }
0x5a8: {  	_ =	sdelay $0x1  }
0x5a9: {  	[sflag:s8] =	ssyncset.done $0x0  }
0x5aa: {  	[sflag:s8] =	ssyncadd.s32 $0xFFFF8000  }
0x5ab: {  	_ =	sfence.sel $0x180000  }
0x5ac: {  	[bflag:$0x0] =	sbarrier.arrive $0xFFFF  }
0x5ad: {  	_ =	strace $0x90000047  }
0x5ae: {  	s0 =	stileid.u32;
	[bflag:$0x2] =	sbarrier.arrive $0xFFFF  }
0x5af: {  	p0 =	sne.s32 s0, $0x0;
	s0 =	rddreg [dreg:$0x2]  }
0x5b0: {  	s0 =	sadd.s32 @!p0 $0x100000, s0  }
0x5b1: {  	[sflag:s0] =	ssyncadd.tile.s32 @!p0 $0x1;
	_ =	shalt  }
.Lfunc_end2:
_tile_overlayer_lowered:
.L_overlay_start_2:
0x5b2: {  	(tag) =	ssettag $0x2  }
0x5b3: {  	s0 =	rddreg [dreg:$0x0];
	s2 =	stileid.u32  }
0x5b4: {  	s1 =	rddreg [dreg:$0x1];
	p0 =	sne.s32 s2, $0x0  }
0x5b5: {  	s3 =	rddreg [dreg:$0x2];
	[bflag:$0x3] =	sbarrier.arrive $0xFFFF;
	s2 =	simm.s32 @!p0 $0x1C09  }
0x5b6: {  	[timem:s3], [sflag:s2] =	dma.local @!p0 [hbm:s0], s1  }
0x5b7: {  	s0 =	simm.s32 @!p0 $0x9  }
0x5b8: {  	_ =	swait.ge @!p0 [sflag:s0], s1  }
0x5b9: {  	s1 =	ssub.s32 @!p0 $0x0, s1;
	[sflag:s0] =	ssyncset.done @!p0 $0x0  }
0x5ba: {  	[sflag:s0] =	ssyncadd.s32 @!p0 s1  }
0x5bb: {  	[bflag:$0x3] =	sbarrier.arrive $0xFFFF  }
0x5bc: {  	_ =	shalt  }

</sc_bundles>
